<compile_context>
chip_gen: v7x
topology: tpu7x:2x2x1
jax: 0.10.2.dev20260603
libtpu: 0.0.44.dev20260713+nightly
codegen_flags: <defaults>
</compile_context>

<pallas_src>
import functools

import jax
import jax.numpy as jnp
from jax import lax
from jax.experimental import pallas as pl
from jax.experimental.pallas import tpu as pltpu
from jax.experimental.pallas import tpu_sc as plsc

N_ENT = 10000
EMB = 256
BS = 128
TOPK = 100
NEG = 32
MARGIN = 1.0

NW = 32
B_PER_W = BS // NW


def _rowsum_body(x_ref, o_ref):
    o_ref[...] = jnp.sum(x_ref[...], axis=1, keepdims=True)


def _row_sums(simi):
    rb = 200
    return pl.pallas_call(
        _rowsum_body,
        grid=(N_ENT // rb,),
        in_specs=[pl.BlockSpec((rb, N_ENT), lambda i: (i, 0))],
        out_specs=pl.BlockSpec((rb, 1), lambda i: (i, 0)),
        out_shape=jax.ShapeDtypeStruct((N_ENT, 1), jnp.float32),
    )(simi)


def _sc_gather(emb, idx2d, rowsum):
    mesh = plsc.VectorSubcoreMesh(core_axis_name="c", subcore_axis_name="s")
    L = 16
    DC = EMB // L
    DH = DC // 2
    KU = 4
    KPAD = 104

    @functools.partial(
        pl.kernel, mesh=mesh,
        out_type=[jax.ShapeDtypeStruct((BS, EMB), jnp.float32),
                  jax.ShapeDtypeStruct((BS, EMB), jnp.float32),
                  jax.ShapeDtypeStruct((BS, KPAD), jnp.float32)],
        scratch_types=[pltpu.VMEM((KPAD,), jnp.int32),
                       pltpu.VMEM((KPAD,), jnp.int32),
                       pltpu.VMEM((KPAD,), jnp.int32),
                       pltpu.VMEM((KPAD,), jnp.int32),
                       pltpu.VMEM((KPAD,), jnp.float32),
                       pltpu.VMEM((KPAD,), jnp.float32),
                       pltpu.VMEM((KPAD,), jnp.float32),
                       pltpu.VMEM((KPAD,), jnp.float32),
                       pltpu.VMEM((B_PER_W, KPAD, EMB), jnp.float32),
                       pltpu.VMEM((B_PER_W, EMB), jnp.float32),
                       pltpu.VMEM((B_PER_W, EMB), jnp.float32),
                       pltpu.SemaphoreType.DMA,
                       pltpu.SemaphoreType.DMA,
                       pltpu.SemaphoreType.DMA,
                       pltpu.SemaphoreType.DMA,
                       pltpu.SemaphoreType.DMA,
                       pltpu.SemaphoreType.DMA],
    )
    def body(emb_hbm, idx2d_hbm, rowsum_hbm, s1_out, s2_out, simi_out,
             idx0_v, idx1_v, idx2_v, idx3_v,
             sim0_v, sim1_v, sim2_v, sim3_v, rows_v, s1_v, s2_v,
             rsem0, rsem1, rsem2, rsem3, ssem, isem):
        wid = lax.axis_index("s") * 2 + lax.axis_index("c")
        idx_refs = [idx0_v, idx1_v, idx2_v, idx3_v]
        sim_refs = [sim0_v, sim1_v, sim2_v, sim3_v]
        rsems = [rsem0, rsem1, rsem2, rsem3]
        icps = [pltpu.async_copy(idx2d_hbm.at[wid * B_PER_W + b], idx_refs[b],
                                 isem) for b in range(B_PER_W)]
        for cp in icps:
            cp.wait()
        rcps = [pltpu.async_copy(emb_hbm.at[idx_refs[b]], rows_v.at[b],
                                 rsems[b]) for b in range(B_PER_W)]
        scps = [pltpu.async_copy(rowsum_hbm.at[idx_refs[b]], sim_refs[b],
                                 ssem) for b in range(B_PER_W)]
        for b in range(B_PER_W):
            rcps[b].wait()
            for half in range(2):
                base = half * DH * L

                def kbody(kk, carry):
                    out = list(carry)
                    for u in range(KU):
                        k = kk * KU + u
                        for d in range(DH):
                            v = rows_v[b, k, pl.ds(base + d * L, L)]
                            out[d] = out[d] + v
                            out[DH + d] = out[DH + d] + v * v
                    return tuple(out)

                zero = jnp.zeros((L,), jnp.float32)
                acc = lax.fori_loop(0, TOPK // KU, kbody, (zero,) * (2 * DH))
                for d in range(DH):
                    s1_v[b, pl.ds(base + d * L, L)] = acc[d]
                    s2_v[b, pl.ds(base + d * L, L)] = acc[DH + d]
        for cp in scps:
            cp.wait()
        ocps = [pltpu.async_copy(s1_v, s1_out.at[pl.ds(wid * B_PER_W,
                                                       B_PER_W)], isem),
                pltpu.async_copy(s2_v, s2_out.at[pl.ds(wid * B_PER_W,
                                                       B_PER_W)], isem)]
        ocps += [pltpu.async_copy(sim_refs[b],
                                  simi_out.at[wid * B_PER_W + b], isem)
                 for b in range(B_PER_W)]
        for cp in ocps:
            cp.wait()

    return body(emb, idx2d, rowsum)


def _final_body(s1_ref, s2_ref, simi_ref, st_ref, ro_ref, ps_ref, pr_ref,
                ns_ref, nr_ref, w_ref, b_ref, o_ref):
    s1 = s1_ref[...]
    s2 = s2_ref[...]
    var = (s2 - s1 * s1 * (1.0 / TOPK)) * (1.0 / (TOPK - 1))
    std = jnp.sqrt(jnp.maximum(var, 0.0))
    st = st_ref[...]
    ro = ro_ref[...]
    simi = simi_ref[...][:, :TOPK] * (1.0 / N_ENT)
    w = w_ref[...]
    z = (jnp.sum(std * w[:, :EMB], axis=1, keepdims=True)
         + jnp.sum(simi * w[:, EMB:EMB + TOPK], axis=1, keepdims=True)
         + jnp.sum(jnp.abs(ro - st) * w[:, EMB + TOPK:EMB + 2 * TOPK],
                   axis=1, keepdims=True)
         + jnp.sum((st + ro) * w[:, EMB + 2 * TOPK:EMB + 3 * TOPK],
                   axis=1, keepdims=True)
         + jnp.sum(st * w[:, EMB + 3 * TOPK:EMB + 4 * TOPK],
                   axis=1, keepdims=True)
         + jnp.sum(ro * w[:, EMB + 4 * TOPK:EMB + 5 * TOPK],
                   axis=1, keepdims=True)
         + b_ref[...])
    alpha = jax.nn.sigmoid(z)
    ps = ps_ref[...].reshape(BS, 1)
    pr = pr_ref[...].reshape(BS, 1)
    pos = alpha * ps + (1.0 - alpha) * pr
    neg = alpha * ns_ref[...] + (1.0 - alpha) * nr_ref[...]
    hinge = jnp.maximum(MARGIN - pos + neg, 0.0)
    o_ref[...] = (jnp.sum(hinge) * (1.0 / (BS * NEG))).reshape(1, 1)


def _finalize(s1, s2, simi_sums, st, ro, ps, pr, ns, nr, w, b,
              interpret=False):
    return pl.pallas_call(
        _final_body,
        out_shape=jax.ShapeDtypeStruct((1, 1), jnp.float32),
        interpret=interpret,
    )(s1, s2, simi_sums, st, ro, ps, pr, ns, nr, w, b)


def kernel(pos_stelp_score, pos_rotate_score, ent_idx, neg_stelp_scores,
           neg_rotate_scores, stelp_scores, rotate_scores, stelp_ent_emb,
           simi_score_mtx, proj_w, proj_b):
    idx2d = ent_idx.astype(jnp.int32).reshape(BS, TOPK)
    idx2d = jnp.concatenate([idx2d, idx2d[:, TOPK - 4:]], axis=1)
    rowsum = _row_sums(simi_score_mtx)
    s1, s2, simi_sums = _sc_gather(stelp_ent_emb, idx2d, rowsum.reshape(N_ENT))
    loss = _finalize(s1, s2, simi_sums,
                     stelp_scores, rotate_scores,
                     pos_stelp_score, pos_rotate_score,
                     neg_stelp_scores, neg_rotate_scores,
                     proj_w, proj_b.reshape(1, 1))
    return loss.reshape(())

# --- scband reference (transcript-rebuilt; emitter-appended) ---
"""Pipeline reference for scband-ensemble-model-5368709120527 (READ-ONLY COPY).

The authoritative reference and input builder live on the scoring server;
editing this copy changes nothing except your own understanding.
"""

import jax, jax.numpy as jnp
import numpy as np

N_ENT = 10000
EMB_DIM = 256
TOP_K = 100
NEG_TIMES = 32
BS = 128
MARGIN = 1.0
FEAT_DIM = 5 * TOP_K + EMB_DIM


def setup_inputs(seed: int = 0) -> dict:
    key = jax.random.key(seed)
    ks = jax.random.split(key, 12)
    return {
        "pos_stelp_score": jax.random.normal(ks[0], (BS,), dtype=jnp.float32),
        "pos_rotate_score": jax.random.normal(ks[1], (BS,), dtype=jnp.float32),
        "ent_idx": jax.random.randint(ks[2], (BS, TOP_K), 0, N_ENT),
        "neg_stelp_scores": jax.random.normal(ks[3], (BS, NEG_TIMES), dtype=jnp.float32),
        "neg_rotate_scores": jax.random.normal(ks[4], (BS, NEG_TIMES), dtype=jnp.float32),
        "stelp_scores": jax.random.normal(ks[5], (BS, TOP_K), dtype=jnp.float32),
        "rotate_scores": jax.random.normal(ks[6], (BS, TOP_K), dtype=jnp.float32),
        # learned / loaded parameters
        "stelp_ent_emb": jax.random.normal(ks[7], (N_ENT, EMB_DIM), dtype=jnp.float32),
        "simi_score_mtx": jax.random.normal(ks[8], (N_ENT, N_ENT), dtype=jnp.float32),
        "proj_w": jax.random.normal(ks[9], (1, FEAT_DIM), dtype=jnp.float32) * 0.05,
        "proj_b": jnp.zeros((1,), dtype=jnp.float32),
    }


def _get_alpha(ent_idx, top_stelp_score, top_rotate_score, stelp_ent_emb, simi_score_mtx, proj_w, proj_b):
    # batched gather replaces the python per-row loop + stack in the torch code
    emb_mtx = jnp.take(stelp_ent_emb, ent_idx, axis=0)       # [bs, top_k, emb_dim]
    simi_mtx = jnp.take(simi_score_mtx, ent_idx, axis=0)     # [bs, top_k, n_ent]
    simi_feat = jnp.mean(simi_mtx, axis=-1)                  # [bs, top_k]
    emb_feat = jnp.std(emb_mtx, axis=1, ddof=1)              # [bs, emb_dim] (torch.std unbiased)
    score_sub = jnp.abs(top_rotate_score - top_stelp_score)
    score_add = top_stelp_score + top_rotate_score
    feature = jnp.concatenate(
        [emb_feat, simi_feat, score_sub, score_add, top_stelp_score, top_rotate_score], axis=1
    )                                                        # [bs, 5*top_k + emb_dim]
    alpha = jax.nn.sigmoid(feature @ proj_w.T + proj_b)      # [bs, 1]
    return alpha


def reference(pos_stelp_score, pos_rotate_score, ent_idx, neg_stelp_scores, neg_rotate_scores,
              stelp_scores, rotate_scores, stelp_ent_emb, simi_score_mtx, proj_w, proj_b):
    alpha = _get_alpha(ent_idx, stelp_scores, rotate_scores,
                       stelp_ent_emb, simi_score_mtx, proj_w, proj_b)[:, 0]  # squeeze(-1)
    bs = alpha.shape[0]
    pos_ens_score = alpha * pos_stelp_score + (1.0 - alpha) * pos_rotate_score
    neg_ens_score = (alpha[:, None] * neg_stelp_scores
                     + (1.0 - alpha)[:, None] * neg_rotate_scores)
    loss = jax.nn.relu(MARGIN
                       - jnp.broadcast_to(pos_ens_score[:, None], (bs, NEG_TIMES)).reshape(bs * NEG_TIMES)
                       + neg_ens_score.reshape(-1))
    loss = jnp.mean(loss)
    return loss

if __name__ == "__main__":
    import jax
    _d = setup_inputs()
    print(jax.jit(kernel)(*tuple(_d.values())))

</pallas_src>

<mosaic_0001>
#map = affine_map<(d0, d1) -> (0, 0)>
#map1 = affine_map<(d0, d1) -> (0)>
module attributes {stable_mosaic.version = 14 : i64} {
  func.func @body(%arg0: i32, %arg1: i32, %arg2: memref<10000x256xf32, #tpu.memory_space<hbm>>, %arg3: memref<128x104xi32, #tpu.memory_space<hbm>>, %arg4: memref<10000xf32, #tpu.memory_space<hbm>>, %arg5: memref<128x256xf32, #tpu.memory_space<hbm>>, %arg6: memref<128x256xf32, #tpu.memory_space<hbm>>, %arg7: memref<128x104xf32, #tpu.memory_space<hbm>>, %arg8: memref<104xi32, #tpu.memory_space<vmem>>, %arg9: memref<104xi32, #tpu.memory_space<vmem>>, %arg10: memref<104xi32, #tpu.memory_space<vmem>>, %arg11: memref<104xi32, #tpu.memory_space<vmem>>, %arg12: memref<104xf32, #tpu.memory_space<vmem>>, %arg13: memref<104xf32, #tpu.memory_space<vmem>>, %arg14: memref<104xf32, #tpu.memory_space<vmem>>, %arg15: memref<104xf32, #tpu.memory_space<vmem>>, %arg16: memref<4x104x256xf32, #tpu.memory_space<vmem>>, %arg17: memref<4x256xf32, #tpu.memory_space<vmem>>, %arg18: memref<4x256xf32, #tpu.memory_space<vmem>>, %arg19: memref<!tpu.dma_semaphore, #tpu.memory_space<semaphore_mem>>, %arg20: memref<!tpu.dma_semaphore, #tpu.memory_space<semaphore_mem>>, %arg21: memref<!tpu.dma_semaphore, #tpu.memory_space<semaphore_mem>>, %arg22: memref<!tpu.dma_semaphore, #tpu.memory_space<semaphore_mem>>, %arg23: memref<!tpu.dma_semaphore, #tpu.memory_space<semaphore_mem>>, %arg24: memref<!tpu.dma_semaphore, #tpu.memory_space<semaphore_mem>>) attributes {dimension_semantics = [#tpu.dimension_semantics<core_parallel>, #tpu.dimension_semantics<subcore_parallel>], iteration_bounds = array<i64: 2, 16>, scalar_prefetch = 0 : i64, scratch_operands = 17 : i64, tpu.core_type = #tpu.core_type<sc_vector_subcore>, window_params = [{transform_indices = #map}, {transform_indices = #map}, {transform_indices = #map1}, {transform_indices = #map}, {transform_indices = #map}, {transform_indices = #map}]} {
    %mul3A = arith.constant 2 : i32
    %mul3A_0 = arith.muli %arg1, %mul3A : i32
    %add3A = arith.addi %mul3A_0, %arg0 : i32
    %mul3A_1 = arith.constant 4 : i32
    %mul3A_2 = arith.muli %add3A, %mul3A_1 : i32
    %add3A_3 = arith.constant 0 : i32
    %add3A_4 = arith.addi %mul3A_2, %add3A_3 : i32
    %dma_start3A = arith.constant 0 : i32
    %dma_start3A_5 = tpu.memref_slice %arg3[%add3A_4, %dma_start3A] : memref<128x104xi32, #tpu.memory_space<hbm>> -> memref<1x104xi32, #tpu.memory_space<hbm>>
    %dma_start3A_6 = tpu.memref_squeeze %dma_start3A_5 : memref<1x104xi32, #tpu.memory_space<hbm>> -> memref<104xi32, #tpu.memory_space<hbm>>
    %dma_start3A_7 = arith.constant 0 : i32
    %dma_start3A_8 = tpu.memref_slice %arg3[%add3A_4, %dma_start3A_7] : memref<128x104xi32, #tpu.memory_space<hbm>> -> memref<1x104xi32, #tpu.memory_space<hbm>>
    %dma_start3A_9 = tpu.memref_squeeze %dma_start3A_8 : memref<1x104xi32, #tpu.memory_space<hbm>> -> memref<104xi32, #tpu.memory_space<hbm>>
    tpu.enqueue_dma source(%dma_start3A_9 : memref<104xi32, #tpu.memory_space<hbm>>) target(%arg8 : memref<104xi32, #tpu.memory_space<vmem>>) target_semaphore(%arg24 : memref<!tpu.dma_semaphore, #tpu.memory_space<semaphore_mem>>)
    %mul3A_10 = arith.constant 4 : i32
    %mul3A_11 = arith.muli %add3A, %mul3A_10 : i32
    %add3A_12 = arith.constant 1 : i32
    %add3A_13 = arith.addi %mul3A_11, %add3A_12 : i32
    %dma_start3A_14 = arith.constant 0 : i32
    %dma_start3A_15 = tpu.memref_slice %arg3[%add3A_13, %dma_start3A_14] : memref<128x104xi32, #tpu.memory_space<hbm>> -> memref<1x104xi32, #tpu.memory_space<hbm>>
    %dma_start3A_16 = tpu.memref_squeeze %dma_start3A_15 : memref<1x104xi32, #tpu.memory_space<hbm>> -> memref<104xi32, #tpu.memory_space<hbm>>
    %dma_start3A_17 = arith.constant 0 : i32
    %dma_start3A_18 = tpu.memref_slice %arg3[%add3A_13, %dma_start3A_17] : memref<128x104xi32, #tpu.memory_space<hbm>> -> memref<1x104xi32, #tpu.memory_space<hbm>>
    %dma_start3A_19 = tpu.memref_squeeze %dma_start3A_18 : memref<1x104xi32, #tpu.memory_space<hbm>> -> memref<104xi32, #tpu.memory_space<hbm>>
    tpu.enqueue_dma source(%dma_start3A_19 : memref<104xi32, #tpu.memory_space<hbm>>) target(%arg9 : memref<104xi32, #tpu.memory_space<vmem>>) target_semaphore(%arg24 : memref<!tpu.dma_semaphore, #tpu.memory_space<semaphore_mem>>)
    %mul3A_20 = arith.constant 4 : i32
    %mul3A_21 = arith.muli %add3A, %mul3A_20 : i32
    %add3A_22 = arith.constant 2 : i32
    %add3A_23 = arith.addi %mul3A_21, %add3A_22 : i32
    %dma_start3A_24 = arith.constant 0 : i32
    %dma_start3A_25 = tpu.memref_slice %arg3[%add3A_23, %dma_start3A_24] : memref<128x104xi32, #tpu.memory_space<hbm>> -> memref<1x104xi32, #tpu.memory_space<hbm>>
    %dma_start3A_26 = tpu.memref_squeeze %dma_start3A_25 : memref<1x104xi32, #tpu.memory_space<hbm>> -> memref<104xi32, #tpu.memory_space<hbm>>
    %dma_start3A_27 = arith.constant 0 : i32
    %dma_start3A_28 = tpu.memref_slice %arg3[%add3A_23, %dma_start3A_27] : memref<128x104xi32, #tpu.memory_space<hbm>> -> memref<1x104xi32, #tpu.memory_space<hbm>>
    %dma_start3A_29 = tpu.memref_squeeze %dma_start3A_28 : memref<1x104xi32, #tpu.memory_space<hbm>> -> memref<104xi32, #tpu.memory_space<hbm>>
    tpu.enqueue_dma source(%dma_start3A_29 : memref<104xi32, #tpu.memory_space<hbm>>) target(%arg10 : memref<104xi32, #tpu.memory_space<vmem>>) target_semaphore(%arg24 : memref<!tpu.dma_semaphore, #tpu.memory_space<semaphore_mem>>)
    %mul3A_30 = arith.constant 4 : i32
    %mul3A_31 = arith.muli %add3A, %mul3A_30 : i32
    %add3A_32 = arith.constant 3 : i32
    %add3A_33 = arith.addi %mul3A_31, %add3A_32 : i32
    %dma_start3A_34 = arith.constant 0 : i32
    %dma_start3A_35 = tpu.memref_slice %arg3[%add3A_33, %dma_start3A_34] : memref<128x104xi32, #tpu.memory_space<hbm>> -> memref<1x104xi32, #tpu.memory_space<hbm>>
    %dma_start3A_36 = tpu.memref_squeeze %dma_start3A_35 : memref<1x104xi32, #tpu.memory_space<hbm>> -> memref<104xi32, #tpu.memory_space<hbm>>
    %dma_start3A_37 = arith.constant 0 : i32
    %dma_start3A_38 = tpu.memref_slice %arg3[%add3A_33, %dma_start3A_37] : memref<128x104xi32, #tpu.memory_space<hbm>> -> memref<1x104xi32, #tpu.memory_space<hbm>>
    %dma_start3A_39 = tpu.memref_squeeze %dma_start3A_38 : memref<1x104xi32, #tpu.memory_space<hbm>> -> memref<104xi32, #tpu.memory_space<hbm>>
    tpu.enqueue_dma source(%dma_start3A_39 : memref<104xi32, #tpu.memory_space<hbm>>) target(%arg11 : memref<104xi32, #tpu.memory_space<vmem>>) target_semaphore(%arg24 : memref<!tpu.dma_semaphore, #tpu.memory_space<semaphore_mem>>)
    %dma_wait3A = arith.constant 0 : i32
    %dma_wait3A_40 = tpu.memref_slice %arg3[%add3A_4, %dma_wait3A] : memref<128x104xi32, #tpu.memory_space<hbm>> -> memref<1x104xi32, #tpu.memory_space<hbm>>
    %dma_wait3A_41 = tpu.memref_squeeze %dma_wait3A_40 : memref<1x104xi32, #tpu.memory_space<hbm>> -> memref<104xi32, #tpu.memory_space<hbm>>
    %dma_wait3A_42 = arith.constant 0 : i32
    %dma_wait3A_43 = tpu.memref_slice %arg3[%add3A_4, %dma_wait3A_42] : memref<128x104xi32, #tpu.memory_space<hbm>> -> memref<1x104xi32, #tpu.memory_space<hbm>>
    %dma_wait3A_44 = tpu.memref_squeeze %dma_wait3A_43 : memref<1x104xi32, #tpu.memory_space<hbm>> -> memref<104xi32, #tpu.memory_space<hbm>>
    tpu.wait_dma2 semaphore(%arg24 : memref<!tpu.dma_semaphore, #tpu.memory_space<semaphore_mem>>) src(%dma_wait3A_44 : memref<104xi32, #tpu.memory_space<hbm>>) dst(%arg8 : memref<104xi32, #tpu.memory_space<vmem>>)
    %dma_wait3A_45 = arith.constant 0 : i32
    %dma_wait3A_46 = tpu.memref_slice %arg3[%add3A_13, %dma_wait3A_45] : memref<128x104xi32, #tpu.memory_space<hbm>> -> memref<1x104xi32, #tpu.memory_space<hbm>>
    %dma_wait3A_47 = tpu.memref_squeeze %dma_wait3A_46 : memref<1x104xi32, #tpu.memory_space<hbm>> -> memref<104xi32, #tpu.memory_space<hbm>>
    %dma_wait3A_48 = arith.constant 0 : i32
    %dma_wait3A_49 = tpu.memref_slice %arg3[%add3A_13, %dma_wait3A_48] : memref<128x104xi32, #tpu.memory_space<hbm>> -> memref<1x104xi32, #tpu.memory_space<hbm>>
    %dma_wait3A_50 = tpu.memref_squeeze %dma_wait3A_49 : memref<1x104xi32, #tpu.memory_space<hbm>> -> memref<104xi32, #tpu.memory_space<hbm>>
    tpu.wait_dma2 semaphore(%arg24 : memref<!tpu.dma_semaphore, #tpu.memory_space<semaphore_mem>>) src(%dma_wait3A_50 : memref<104xi32, #tpu.memory_space<hbm>>) dst(%arg9 : memref<104xi32, #tpu.memory_space<vmem>>)
    %dma_wait3A_51 = arith.constant 0 : i32
    %dma_wait3A_52 = tpu.memref_slice %arg3[%add3A_23, %dma_wait3A_51] : memref<128x104xi32, #tpu.memory_space<hbm>> -> memref<1x104xi32, #tpu.memory_space<hbm>>
    %dma_wait3A_53 = tpu.memref_squeeze %dma_wait3A_52 : memref<1x104xi32, #tpu.memory_space<hbm>> -> memref<104xi32, #tpu.memory_space<hbm>>
    %dma_wait3A_54 = arith.constant 0 : i32
    %dma_wait3A_55 = tpu.memref_slice %arg3[%add3A_23, %dma_wait3A_54] : memref<128x104xi32, #tpu.memory_space<hbm>> -> memref<1x104xi32, #tpu.memory_space<hbm>>
    %dma_wait3A_56 = tpu.memref_squeeze %dma_wait3A_55 : memref<1x104xi32, #tpu.memory_space<hbm>> -> memref<104xi32, #tpu.memory_space<hbm>>
    tpu.wait_dma2 semaphore(%arg24 : memref<!tpu.dma_semaphore, #tpu.memory_space<semaphore_mem>>) src(%dma_wait3A_56 : memref<104xi32, #tpu.memory_space<hbm>>) dst(%arg10 : memref<104xi32, #tpu.memory_space<vmem>>)
    %dma_wait3A_57 = arith.constant 0 : i32
    %dma_wait3A_58 = tpu.memref_slice %arg3[%add3A_33, %dma_wait3A_57] : memref<128x104xi32, #tpu.memory_space<hbm>> -> memref<1x104xi32, #tpu.memory_space<hbm>>
    %dma_wait3A_59 = tpu.memref_squeeze %dma_wait3A_58 : memref<1x104xi32, #tpu.memory_space<hbm>> -> memref<104xi32, #tpu.memory_space<hbm>>
    %dma_wait3A_60 = arith.constant 0 : i32
    %dma_wait3A_61 = tpu.memref_slice %arg3[%add3A_33, %dma_wait3A_60] : memref<128x104xi32, #tpu.memory_space<hbm>> -> memref<1x104xi32, #tpu.memory_space<hbm>>
    %dma_wait3A_62 = tpu.memref_squeeze %dma_wait3A_61 : memref<1x104xi32, #tpu.memory_space<hbm>> -> memref<104xi32, #tpu.memory_space<hbm>>
    tpu.wait_dma2 semaphore(%arg24 : memref<!tpu.dma_semaphore, #tpu.memory_space<semaphore_mem>>) src(%dma_wait3A_62 : memref<104xi32, #tpu.memory_space<hbm>>) dst(%arg11 : memref<104xi32, #tpu.memory_space<vmem>>)
    %dma_start3A_63 = arith.constant 0 : i32
    %dma_start3A_64 = arith.constant 0 : i32
    %dma_start3A_65 = arith.constant 0 : i32
    %dma_start3A_66 = tpu.memref_slice %arg16[%dma_start3A_63, %dma_start3A_64, %dma_start3A_65] : memref<4x104x256xf32, #tpu.memory_space<vmem>> -> memref<1x104x256xf32, #tpu.memory_space<vmem>>
    %dma_start3A_67 = tpu.memref_squeeze %dma_start3A_66 : memref<1x104x256xf32, #tpu.memory_space<vmem>> -> memref<104x256xf32, #tpu.memory_space<vmem>>
    %dma_start3A_68 = arith.constant 0 : i32
    %dma_start3A_69 = arith.constant 0 : i32
    %dma_start3A_70 = tpu.memref_slice %arg2[%dma_start3A_68, %dma_start3A_69] : memref<10000x256xf32, #tpu.memory_space<hbm>> -> memref<10000x256xf32, #tpu.memory_space<hbm>>
    tpu.enqueue_indirect_dma source(%dma_start3A_70 : memref<10000x256xf32, #tpu.memory_space<hbm>>) target(%dma_start3A_67 : memref<104x256xf32, #tpu.memory_space<vmem>>) offsets(%arg8 : memref<104xi32, #tpu.memory_space<vmem>>) semaphore(%arg19 : memref<!tpu.dma_semaphore, #tpu.memory_space<semaphore_mem>>)
    %dma_start3A_71 = arith.constant 1 : i32
    %dma_start3A_72 = arith.constant 0 : i32
    %dma_start3A_73 = arith.constant 0 : i32
    %dma_start3A_74 = tpu.memref_slice %arg16[%dma_start3A_71, %dma_start3A_72, %dma_start3A_73] : memref<4x104x256xf32, #tpu.memory_space<vmem>> -> memref<1x104x256xf32, #tpu.memory_space<vmem>>
    %dma_start3A_75 = tpu.memref_squeeze %dma_start3A_74 : memref<1x104x256xf32, #tpu.memory_space<vmem>> -> memref<104x256xf32, #tpu.memory_space<vmem>>
    %dma_start3A_76 = arith.constant 0 : i32
    %dma_start3A_77 = arith.constant 0 : i32
    %dma_start3A_78 = tpu.memref_slice %arg2[%dma_start3A_76, %dma_start3A_77] : memref<10000x256xf32, #tpu.memory_space<hbm>> -> memref<10000x256xf32, #tpu.memory_space<hbm>>
    tpu.enqueue_indirect_dma source(%dma_start3A_78 : memref<10000x256xf32, #tpu.memory_space<hbm>>) target(%dma_start3A_75 : memref<104x256xf32, #tpu.memory_space<vmem>>) offsets(%arg9 : memref<104xi32, #tpu.memory_space<vmem>>) semaphore(%arg20 : memref<!tpu.dma_semaphore, #tpu.memory_space<semaphore_mem>>)
    %dma_start3A_79 = arith.constant 2 : i32
    %dma_start3A_80 = arith.constant 0 : i32
    %dma_start3A_81 = arith.constant 0 : i32
    %dma_start3A_82 = tpu.memref_slice %arg16[%dma_start3A_79, %dma_start3A_80, %dma_start3A_81] : memref<4x104x256xf32, #tpu.memory_space<vmem>> -> memref<1x104x256xf32, #tpu.memory_space<vmem>>
    %dma_start3A_83 = tpu.memref_squeeze %dma_start3A_82 : memref<1x104x256xf32, #tpu.memory_space<vmem>> -> memref<104x256xf32, #tpu.memory_space<vmem>>
    %dma_start3A_84 = arith.constant 0 : i32
    %dma_start3A_85 = arith.constant 0 : i32
    %dma_start3A_86 = tpu.memref_slice %arg2[%dma_start3A_84, %dma_start3A_85] : memref<10000x256xf32, #tpu.memory_space<hbm>> -> memref<10000x256xf32, #tpu.memory_space<hbm>>
    tpu.enqueue_indirect_dma source(%dma_start3A_86 : memref<10000x256xf32, #tpu.memory_space<hbm>>) target(%dma_start3A_83 : memref<104x256xf32, #tpu.memory_space<vmem>>) offsets(%arg10 : memref<104xi32, #tpu.memory_space<vmem>>) semaphore(%arg21 : memref<!tpu.dma_semaphore, #tpu.memory_space<semaphore_mem>>)
    %dma_start3A_87 = arith.constant 3 : i32
    %dma_start3A_88 = arith.constant 0 : i32
    %dma_start3A_89 = arith.constant 0 : i32
    %dma_start3A_90 = tpu.memref_slice %arg16[%dma_start3A_87, %dma_start3A_88, %dma_start3A_89] : memref<4x104x256xf32, #tpu.memory_space<vmem>> -> memref<1x104x256xf32, #tpu.memory_space<vmem>>
    %dma_start3A_91 = tpu.memref_squeeze %dma_start3A_90 : memref<1x104x256xf32, #tpu.memory_space<vmem>> -> memref<104x256xf32, #tpu.memory_space<vmem>>
    %dma_start3A_92 = arith.constant 0 : i32
    %dma_start3A_93 = arith.constant 0 : i32
    %dma_start3A_94 = tpu.memref_slice %arg2[%dma_start3A_92, %dma_start3A_93] : memref<10000x256xf32, #tpu.memory_space<hbm>> -> memref<10000x256xf32, #tpu.memory_space<hbm>>
    tpu.enqueue_indirect_dma source(%dma_start3A_94 : memref<10000x256xf32, #tpu.memory_space<hbm>>) target(%dma_start3A_91 : memref<104x256xf32, #tpu.memory_space<vmem>>) offsets(%arg11 : memref<104xi32, #tpu.memory_space<vmem>>) semaphore(%arg22 : memref<!tpu.dma_semaphore, #tpu.memory_space<semaphore_mem>>)
    %dma_start3A_95 = arith.constant 0 : i32
    %dma_start3A_96 = tpu.memref_slice %arg4[%dma_start3A_95] : memref<10000xf32, #tpu.memory_space<hbm>> -> memref<10000xf32, #tpu.memory_space<hbm>>
    tpu.enqueue_indirect_dma source(%dma_start3A_96 : memref<10000xf32, #tpu.memory_space<hbm>>) target(%arg12 : memref<104xf32, #tpu.memory_space<vmem>>) offsets(%arg8 : memref<104xi32, #tpu.memory_space<vmem>>) semaphore(%arg23 : memref<!tpu.dma_semaphore, #tpu.memory_space<semaphore_mem>>)
    %dma_start3A_97 = arith.constant 0 : i32
    %dma_start3A_98 = tpu.memref_slice %arg4[%dma_start3A_97] : memref<10000xf32, #tpu.memory_space<hbm>> -> memref<10000xf32, #tpu.memory_space<hbm>>
    tpu.enqueue_indirect_dma source(%dma_start3A_98 : memref<10000xf32, #tpu.memory_space<hbm>>) target(%arg13 : memref<104xf32, #tpu.memory_space<vmem>>) offsets(%arg9 : memref<104xi32, #tpu.memory_space<vmem>>) semaphore(%arg23 : memref<!tpu.dma_semaphore, #tpu.memory_space<semaphore_mem>>)
    %dma_start3A_99 = arith.constant 0 : i32
    %dma_start3A_100 = tpu.memref_slice %arg4[%dma_start3A_99] : memref<10000xf32, #tpu.memory_space<hbm>> -> memref<10000xf32, #tpu.memory_space<hbm>>
    tpu.enqueue_indirect_dma source(%dma_start3A_100 : memref<10000xf32, #tpu.memory_space<hbm>>) target(%arg14 : memref<104xf32, #tpu.memory_space<vmem>>) offsets(%arg10 : memref<104xi32, #tpu.memory_space<vmem>>) semaphore(%arg23 : memref<!tpu.dma_semaphore, #tpu.memory_space<semaphore_mem>>)
    %dma_start3A_101 = arith.constant 0 : i32
    %dma_start3A_102 = tpu.memref_slice %arg4[%dma_start3A_101] : memref<10000xf32, #tpu.memory_space<hbm>> -> memref<10000xf32, #tpu.memory_space<hbm>>
    tpu.enqueue_indirect_dma source(%dma_start3A_102 : memref<10000xf32, #tpu.memory_space<hbm>>) target(%arg15 : memref<104xf32, #tpu.memory_space<vmem>>) offsets(%arg11 : memref<104xi32, #tpu.memory_space<vmem>>) semaphore(%arg23 : memref<!tpu.dma_semaphore, #tpu.memory_space<semaphore_mem>>)
    %dma_wait3A_103 = arith.constant 0 : i32
    %dma_wait3A_104 = arith.constant 0 : i32
    %dma_wait3A_105 = arith.constant 0 : i32
    %dma_wait3A_106 = tpu.memref_slice %arg16[%dma_wait3A_103, %dma_wait3A_104, %dma_wait3A_105] : memref<4x104x256xf32, #tpu.memory_space<vmem>> -> memref<1x104x256xf32, #tpu.memory_space<vmem>>
    %dma_wait3A_107 = tpu.memref_squeeze %dma_wait3A_106 : memref<1x104x256xf32, #tpu.memory_space<vmem>> -> memref<104x256xf32, #tpu.memory_space<vmem>>
    %dma_wait3A_108 = arith.constant 0 : i32
    %dma_wait3A_109 = arith.constant 0 : i32
    %dma_wait3A_110 = tpu.memref_slice %arg2[%dma_wait3A_108, %dma_wait3A_109] : memref<10000x256xf32, #tpu.memory_space<hbm>> -> memref<10000x256xf32, #tpu.memory_space<hbm>>
    tpu.wait_indirect_dma semaphore(%arg19 : memref<!tpu.dma_semaphore, #tpu.memory_space<semaphore_mem>>) src(%dma_wait3A_110 : memref<10000x256xf32, #tpu.memory_space<hbm>>) dst(%dma_wait3A_107 : memref<104x256xf32, #tpu.memory_space<vmem>>)
    %broadcast_in_dim3A = arith.constant 0.000000e+00 : f32
    %broadcast_in_dim3A_111 = vector.broadcast %broadcast_in_dim3A : f32 to vector<16xf32>
    %scan3A = arith.constant 0 : i32
    %scan3A_112 = arith.constant 25 : i32
    %scan3A_113 = arith.addi %scan3A, %scan3A_112 : i32
    %scan3A_114 = arith.constant 1 : i32
    %scan3A_115:16 = scf.for %scan3A_1056 = %scan3A to %scan3A_113 step %scan3A_114 iter_args(%scan3A_1057 = %broadcast_in_dim3A_111, %scan3A_1058 = %broadcast_in_dim3A_111, %scan3A_1059 = %broadcast_in_dim3A_111, %scan3A_1060 = %broadcast_in_dim3A_111, %scan3A_1061 = %broadcast_in_dim3A_111, %scan3A_1062 = %broadcast_in_dim3A_111, %scan3A_1063 = %broadcast_in_dim3A_111, %scan3A_1064 = %broadcast_in_dim3A_111, %scan3A_1065 = %broadcast_in_dim3A_111, %scan3A_1066 = %broadcast_in_dim3A_111, %scan3A_1067 = %broadcast_in_dim3A_111, %scan3A_1068 = %broadcast_in_dim3A_111, %scan3A_1069 = %broadcast_in_dim3A_111, %scan3A_1070 = %broadcast_in_dim3A_111, %scan3A_1071 = %broadcast_in_dim3A_111, %scan3A_1072 = %broadcast_in_dim3A_111) -> (vector<16xf32>, vector<16xf32>, vector<16xf32>, vector<16xf32>, vector<16xf32>, vector<16xf32>, vector<16xf32>, vector<16xf32>, vector<16xf32>, vector<16xf32>, vector<16xf32>, vector<16xf32>, vector<16xf32>, vector<16xf32>, vector<16xf32>, vector<16xf32>)  : i32 {
      %mul3A_1073 = arith.constant 4 : i32
      %mul3A_1074 = arith.muli %scan3A_1056, %mul3A_1073 : i32
      %add3A_1075 = arith.constant 0 : i32
      %add3A_1076 = arith.addi %mul3A_1074, %add3A_1075 : i32
      %get3A = arith.constant 0 : i32
      %get3A_1077 = arith.index_cast %get3A : i32 to index
      %get3A_1078 = arith.index_cast %add3A_1076 : i32 to index
      %get3A_1079 = arith.constant 0 : index
      %get3A_1080 = tpu.vector_load %arg16[%get3A_1077, %get3A_1078, %get3A_1079] {strides = array<i32>} : memref<4x104x256xf32, #tpu.memory_space<vmem>>, vector<1x1x16xf32>,
      %get3A_1081 = vector.shape_cast %get3A_1080 : vector<1x1x16xf32> to vector<16xf32>
      %add3A_1082 = arith.addf %scan3A_1057, %get3A_1081 : vector<16xf32>
      %mul3A_1083 = arith.mulf %get3A_1081, %get3A_1081 : vector<16xf32>
      %add3A_1084 = arith.addf %scan3A_1065, %mul3A_1083 : vector<16xf32>
      %get3A_1085 = arith.constant 0 : i32
      %get3A_1086 = arith.index_cast %get3A_1085 : i32 to index
      %get3A_1087 = arith.index_cast %add3A_1076 : i32 to index
      %get3A_1088 = arith.constant 16 : index
      %get3A_1089 = tpu.vector_load %arg16[%get3A_1086, %get3A_1087, %get3A_1088] {strides = array<i32>} : memref<4x104x256xf32, #tpu.memory_space<vmem>>, vector<1x1x16xf32>,
      %get3A_1090 = vector.shape_cast %get3A_1089 : vector<1x1x16xf32> to vector<16xf32>
      %add3A_1091 = arith.addf %scan3A_1058, %get3A_1090 : vector<16xf32>
      %mul3A_1092 = arith.mulf %get3A_1090, %get3A_1090 : vector<16xf32>
      %add3A_1093 = arith.addf %scan3A_1066, %mul3A_1092 : vector<16xf32>
      %get3A_1094 = arith.constant 0 : i32
      %get3A_1095 = arith.index_cast %get3A_1094 : i32 to index
      %get3A_1096 = arith.index_cast %add3A_1076 : i32 to index
      %get3A_1097 = arith.constant 32 : index
      %get3A_1098 = tpu.vector_load %arg16[%get3A_1095, %get3A_1096, %get3A_1097] {strides = array<i32>} : memref<4x104x256xf32, #tpu.memory_space<vmem>>, vector<1x1x16xf32>,
      %get3A_1099 = vector.shape_cast %get3A_1098 : vector<1x1x16xf32> to vector<16xf32>
      %add3A_1100 = arith.addf %scan3A_1059, %get3A_1099 : vector<16xf32>
      %mul3A_1101 = arith.mulf %get3A_1099, %get3A_1099 : vector<16xf32>
      %add3A_1102 = arith.addf %scan3A_1067, %mul3A_1101 : vector<16xf32>
      %get3A_1103 = arith.constant 0 : i32
      %get3A_1104 = arith.index_cast %get3A_1103 : i32 to index
      %get3A_1105 = arith.index_cast %add3A_1076 : i32 to index
      %get3A_1106 = arith.constant 48 : index
      %get3A_1107 = tpu.vector_load %arg16[%get3A_1104, %get3A_1105, %get3A_1106] {strides = array<i32>} : memref<4x104x256xf32, #tpu.memory_space<vmem>>, vector<1x1x16xf32>,
      %get3A_1108 = vector.shape_cast %get3A_1107 : vector<1x1x16xf32> to vector<16xf32>
      %add3A_1109 = arith.addf %scan3A_1060, %get3A_1108 : vector<16xf32>
      %mul3A_1110 = arith.mulf %get3A_1108, %get3A_1108 : vector<16xf32>
      %add3A_1111 = arith.addf %scan3A_1068, %mul3A_1110 : vector<16xf32>
      %get3A_1112 = arith.constant 0 : i32
      %get3A_1113 = arith.index_cast %get3A_1112 : i32 to index
      %get3A_1114 = arith.index_cast %add3A_1076 : i32 to index
      %get3A_1115 = arith.constant 64 : index
      %get3A_1116 = tpu.vector_load %arg16[%get3A_1113, %get3A_1114, %get3A_1115] {strides = array<i32>} : memref<4x104x256xf32, #tpu.memory_space<vmem>>, vector<1x1x16xf32>,
      %get3A_1117 = vector.shape_cast %get3A_1116 : vector<1x1x16xf32> to vector<16xf32>
      %add3A_1118 = arith.addf %scan3A_1061, %get3A_1117 : vector<16xf32>
      %mul3A_1119 = arith.mulf %get3A_1117, %get3A_1117 : vector<16xf32>
      %add3A_1120 = arith.addf %scan3A_1069, %mul3A_1119 : vector<16xf32>
      %get3A_1121 = arith.constant 0 : i32
      %get3A_1122 = arith.index_cast %get3A_1121 : i32 to index
      %get3A_1123 = arith.index_cast %add3A_1076 : i32 to index
      %get3A_1124 = arith.constant 80 : index
      %get3A_1125 = tpu.vector_load %arg16[%get3A_1122, %get3A_1123, %get3A_1124] {strides = array<i32>} : memref<4x104x256xf32, #tpu.memory_space<vmem>>, vector<1x1x16xf32>,
      %get3A_1126 = vector.shape_cast %get3A_1125 : vector<1x1x16xf32> to vector<16xf32>
      %add3A_1127 = arith.addf %scan3A_1062, %get3A_1126 : vector<16xf32>
      %mul3A_1128 = arith.mulf %get3A_1126, %get3A_1126 : vector<16xf32>
      %add3A_1129 = arith.addf %scan3A_1070, %mul3A_1128 : vector<16xf32>
      %get3A_1130 = arith.constant 0 : i32
      %get3A_1131 = arith.index_cast %get3A_1130 : i32 to index
      %get3A_1132 = arith.index_cast %add3A_1076 : i32 to index
      %get3A_1133 = arith.constant 96 : index
      %get3A_1134 = tpu.vector_load %arg16[%get3A_1131, %get3A_1132, %get3A_1133] {strides = array<i32>} : memref<4x104x256xf32, #tpu.memory_space<vmem>>, vector<1x1x16xf32>,
      %get3A_1135 = vector.shape_cast %get3A_1134 : vector<1x1x16xf32> to vector<16xf32>
      %add3A_1136 = arith.addf %scan3A_1063, %get3A_1135 : vector<16xf32>
      %mul3A_1137 = arith.mulf %get3A_1135, %get3A_1135 : vector<16xf32>
      %add3A_1138 = arith.addf %scan3A_1071, %mul3A_1137 : vector<16xf32>
      %get3A_1139 = arith.constant 0 : i32
      %get3A_1140 = arith.index_cast %get3A_1139 : i32 to index
      %get3A_1141 = arith.index_cast %add3A_1076 : i32 to index
      %get3A_1142 = arith.constant 112 : index
      %get3A_1143 = tpu.vector_load %arg16[%get3A_1140, %get3A_1141, %get3A_1142] {strides = array<i32>} : memref<4x104x256xf32, #tpu.memory_space<vmem>>, vector<1x1x16xf32>,
      %get3A_1144 = vector.shape_cast %get3A_1143 : vector<1x1x16xf32> to vector<16xf32>
      %add3A_1145 = arith.addf %scan3A_1064, %get3A_1144 : vector<16xf32>
      %mul3A_1146 = arith.mulf %get3A_1144, %get3A_1144 : vector<16xf32>
      %add3A_1147 = arith.addf %scan3A_1072, %mul3A_1146 : vector<16xf32>
      %mul3A_1148 = arith.constant 4 : i32
      %mul3A_1149 = arith.muli %scan3A_1056, %mul3A_1148 : i32
      %add3A_1150 = arith.constant 1 : i32
      %add3A_1151 = arith.addi %mul3A_1149, %add3A_1150 : i32
      %get3A_1152 = arith.constant 0 : i32
      %get3A_1153 = arith.index_cast %get3A_1152 : i32 to index
      %get3A_1154 = arith.index_cast %add3A_1151 : i32 to index
      %get3A_1155 = arith.constant 0 : index
      %get3A_1156 = tpu.vector_load %arg16[%get3A_1153, %get3A_1154, %get3A_1155] {strides = array<i32>} : memref<4x104x256xf32, #tpu.memory_space<vmem>>, vector<1x1x16xf32>,
      %get3A_1157 = vector.shape_cast %get3A_1156 : vector<1x1x16xf32> to vector<16xf32>
      %add3A_1158 = arith.addf %add3A_1082, %get3A_1157 : vector<16xf32>
      %mul3A_1159 = arith.mulf %get3A_1157, %get3A_1157 : vector<16xf32>
      %add3A_1160 = arith.addf %add3A_1084, %mul3A_1159 : vector<16xf32>
      %get3A_1161 = arith.constant 0 : i32
      %get3A_1162 = arith.index_cast %get3A_1161 : i32 to index
      %get3A_1163 = arith.index_cast %add3A_1151 : i32 to index
      %get3A_1164 = arith.constant 16 : index
      %get3A_1165 = tpu.vector_load %arg16[%get3A_1162, %get3A_1163, %get3A_1164] {strides = array<i32>} : memref<4x104x256xf32, #tpu.memory_space<vmem>>, vector<1x1x16xf32>,
      %get3A_1166 = vector.shape_cast %get3A_1165 : vector<1x1x16xf32> to vector<16xf32>
      %add3A_1167 = arith.addf %add3A_1091, %get3A_1166 : vector<16xf32>
      %mul3A_1168 = arith.mulf %get3A_1166, %get3A_1166 : vector<16xf32>
      %add3A_1169 = arith.addf %add3A_1093, %mul3A_1168 : vector<16xf32>
      %get3A_1170 = arith.constant 0 : i32
      %get3A_1171 = arith.index_cast %get3A_1170 : i32 to index
      %get3A_1172 = arith.index_cast %add3A_1151 : i32 to index
      %get3A_1173 = arith.constant 32 : index
      %get3A_1174 = tpu.vector_load %arg16[%get3A_1171, %get3A_1172, %get3A_1173] {strides = array<i32>} : memref<4x104x256xf32, #tpu.memory_space<vmem>>, vector<1x1x16xf32>,
      %get3A_1175 = vector.shape_cast %get3A_1174 : vector<1x1x16xf32> to vector<16xf32>
      %add3A_1176 = arith.addf %add3A_1100, %get3A_1175 : vector<16xf32>
      %mul3A_1177 = arith.mulf %get3A_1175, %get3A_1175 : vector<16xf32>
      %add3A_1178 = arith.addf %add3A_1102, %mul3A_1177 : vector<16xf32>
      %get3A_1179 = arith.constant 0 : i32
      %get3A_1180 = arith.index_cast %get3A_1179 : i32 to index
      %get3A_1181 = arith.index_cast %add3A_1151 : i32 to index
      %get3A_1182 = arith.constant 48 : index
      %get3A_1183 = tpu.vector_load %arg16[%get3A_1180, %get3A_1181, %get3A_1182] {strides = array<i32>} : memref<4x104x256xf32, #tpu.memory_space<vmem>>, vector<1x1x16xf32>,
      %get3A_1184 = vector.shape_cast %get3A_1183 : vector<1x1x16xf32> to vector<16xf32>
      %add3A_1185 = arith.addf %add3A_1109, %get3A_1184 : vector<16xf32>
      %mul3A_1186 = arith.mulf %get3A_1184, %get3A_1184 : vector<16xf32>
      %add3A_1187 = arith.addf %add3A_1111, %mul3A_1186 : vector<16xf32>
      %get3A_1188 = arith.constant 0 : i32
      %get3A_1189 = arith.index_cast %get3A_1188 : i32 to index
      %get3A_1190 = arith.index_cast %add3A_1151 : i32 to index
      %get3A_1191 = arith.constant 64 : index
      %get3A_1192 = tpu.vector_load %arg16[%get3A_1189, %get3A_1190, %get3A_1191] {strides = array<i32>} : memref<4x104x256xf32, #tpu.memory_space<vmem>>, vector<1x1x16xf32>,
      %get3A_1193 = vector.shape_cast %get3A_1192 : vector<1x1x16xf32> to vector<16xf32>
      %add3A_1194 = arith.addf %add3A_1118, %get3A_1193 : vector<16xf32>
      %mul3A_1195 = arith.mulf %get3A_1193, %get3A_1193 : vector<16xf32>
      %add3A_1196 = arith.addf %add3A_1120, %mul3A_1195 : vector<16xf32>
      %get3A_1197 = arith.constant 0 : i32
      %get3A_1198 = arith.index_cast %get3A_1197 : i32 to index
      %get3A_1199 = arith.index_cast %add3A_1151 : i32 to index
      %get3A_1200 = arith.constant 80 : index
      %get3A_1201 = tpu.vector_load %arg16[%get3A_1198, %get3A_1199, %get3A_1200] {strides = array<i32>} : memref<4x104x256xf32, #tpu.memory_space<vmem>>, vector<1x1x16xf32>,
      %get3A_1202 = vector.shape_cast %get3A_1201 : vector<1x1x16xf32> to vector<16xf32>
      %add3A_1203 = arith.addf %add3A_1127, %get3A_1202 : vector<16xf32>
      %mul3A_1204 = arith.mulf %get3A_1202, %get3A_1202 : vector<16xf32>
      %add3A_1205 = arith.addf %add3A_1129, %mul3A_1204 : vector<16xf32>
      %get3A_1206 = arith.constant 0 : i32
      %get3A_1207 = arith.index_cast %get3A_1206 : i32 to index
      %get3A_1208 = arith.index_cast %add3A_1151 : i32 to index
      %get3A_1209 = arith.constant 96 : index
      %get3A_1210 = tpu.vector_load %arg16[%get3A_1207, %get3A_1208, %get3A_1209] {strides = array<i32>} : memref<4x104x256xf32, #tpu.memory_space<vmem>>, vector<1x1x16xf32>,
      %get3A_1211 = vector.shape_cast %get3A_1210 : vector<1x1x16xf32> to vector<16xf32>
      %add3A_1212 = arith.addf %add3A_1136, %get3A_1211 : vector<16xf32>
      %mul3A_1213 = arith.mulf %get3A_1211, %get3A_1211 : vector<16xf32>
      %add3A_1214 = arith.addf %add3A_1138, %mul3A_1213 : vector<16xf32>
      %get3A_1215 = arith.constant 0 : i32
      %get3A_1216 = arith.index_cast %get3A_1215 : i32 to index
      %get3A_1217 = arith.index_cast %add3A_1151 : i32 to index
      %get3A_1218 = arith.constant 112 : index
      %get3A_1219 = tpu.vector_load %arg16[%get3A_1216, %get3A_1217, %get3A_1218] {strides = array<i32>} : memref<4x104x256xf32, #tpu.memory_space<vmem>>, vector<1x1x16xf32>,
      %get3A_1220 = vector.shape_cast %get3A_1219 : vector<1x1x16xf32> to vector<16xf32>
      %add3A_1221 = arith.addf %add3A_1145, %get3A_1220 : vector<16xf32>
      %mul3A_1222 = arith.mulf %get3A_1220, %get3A_1220 : vector<16xf32>
      %add3A_1223 = arith.addf %add3A_1147, %mul3A_1222 : vector<16xf32>
      %mul3A_1224 = arith.constant 4 : i32
      %mul3A_1225 = arith.muli %scan3A_1056, %mul3A_1224 : i32
      %add3A_1226 = arith.constant 2 : i32
      %add3A_1227 = arith.addi %mul3A_1225, %add3A_1226 : i32
      %get3A_1228 = arith.constant 0 : i32
      %get3A_1229 = arith.index_cast %get3A_1228 : i32 to index
      %get3A_1230 = arith.index_cast %add3A_1227 : i32 to index
      %get3A_1231 = arith.constant 0 : index
      %get3A_1232 = tpu.vector_load %arg16[%get3A_1229, %get3A_1230, %get3A_1231] {strides = array<i32>} : memref<4x104x256xf32, #tpu.memory_space<vmem>>, vector<1x1x16xf32>,
      %get3A_1233 = vector.shape_cast %get3A_1232 : vector<1x1x16xf32> to vector<16xf32>
      %add3A_1234 = arith.addf %add3A_1158, %get3A_1233 : vector<16xf32>
      %mul3A_1235 = arith.mulf %get3A_1233, %get3A_1233 : vector<16xf32>
      %add3A_1236 = arith.addf %add3A_1160, %mul3A_1235 : vector<16xf32>
      %get3A_1237 = arith.constant 0 : i32
      %get3A_1238 = arith.index_cast %get3A_1237 : i32 to index
      %get3A_1239 = arith.index_cast %add3A_1227 : i32 to index
      %get3A_1240 = arith.constant 16 : index
      %get3A_1241 = tpu.vector_load %arg16[%get3A_1238, %get3A_1239, %get3A_1240] {strides = array<i32>} : memref<4x104x256xf32, #tpu.memory_space<vmem>>, vector<1x1x16xf32>,
      %get3A_1242 = vector.shape_cast %get3A_1241 : vector<1x1x16xf32> to vector<16xf32>
      %add3A_1243 = arith.addf %add3A_1167, %get3A_1242 : vector<16xf32>
      %mul3A_1244 = arith.mulf %get3A_1242, %get3A_1242 : vector<16xf32>
      %add3A_1245 = arith.addf %add3A_1169, %mul3A_1244 : vector<16xf32>
      %get3A_1246 = arith.constant 0 : i32
      %get3A_1247 = arith.index_cast %get3A_1246 : i32 to index
      %get3A_1248 = arith.index_cast %add3A_1227 : i32 to index
      %get3A_1249 = arith.constant 32 : index
      %get3A_1250 = tpu.vector_load %arg16[%get3A_1247, %get3A_1248, %get3A_1249] {strides = array<i32>} : memref<4x104x256xf32, #tpu.memory_space<vmem>>, vector<1x1x16xf32>,
      %get3A_1251 = vector.shape_cast %get3A_1250 : vector<1x1x16xf32> to vector<16xf32>
      %add3A_1252 = arith.addf %add3A_1176, %get3A_1251 : vector<16xf32>
      %mul3A_1253 = arith.mulf %get3A_1251, %get3A_1251 : vector<16xf32>
      %add3A_1254 = arith.addf %add3A_1178, %mul3A_1253 : vector<16xf32>
      %get3A_1255 = arith.constant 0 : i32
      %get3A_1256 = arith.index_cast %get3A_1255 : i32 to index
      %get3A_1257 = arith.index_cast %add3A_1227 : i32 to index
      %get3A_1258 = arith.constant 48 : index
      %get3A_1259 = tpu.vector_load %arg16[%get3A_1256, %get3A_1257, %get3A_1258] {strides = array<i32>} : memref<4x104x256xf32, #tpu.memory_space<vmem>>, vector<1x1x16xf32>,
      %get3A_1260 = vector.shape_cast %get3A_1259 : vector<1x1x16xf32> to vector<16xf32>
      %add3A_1261 = arith.addf %add3A_1185, %get3A_1260 : vector<16xf32>
      %mul3A_1262 = arith.mulf %get3A_1260, %get3A_1260 : vector<16xf32>
      %add3A_1263 = arith.addf %add3A_1187, %mul3A_1262 : vector<16xf32>
      %get3A_1264 = arith.constant 0 : i32
      %get3A_1265 = arith.index_cast %get3A_1264 : i32 to index
      %get3A_1266 = arith.index_cast %add3A_1227 : i32 to index
      %get3A_1267 = arith.constant 64 : index
      %get3A_1268 = tpu.vector_load %arg16[%get3A_1265, %get3A_1266, %get3A_1267] {strides = array<i32>} : memref<4x104x256xf32, #tpu.memory_space<vmem>>, vector<1x1x16xf32>,
      %get3A_1269 = vector.shape_cast %get3A_1268 : vector<1x1x16xf32> to vector<16xf32>
      %add3A_1270 = arith.addf %add3A_1194, %get3A_1269 : vector<16xf32>
      %mul3A_1271 = arith.mulf %get3A_1269, %get3A_1269 : vector<16xf32>
      %add3A_1272 = arith.addf %add3A_1196, %mul3A_1271 : vector<16xf32>
      %get3A_1273 = arith.constant 0 : i32
      %get3A_1274 = arith.index_cast %get3A_1273 : i32 to index
      %get3A_1275 = arith.index_cast %add3A_1227 : i32 to index
      %get3A_1276 = arith.constant 80 : index
      %get3A_1277 = tpu.vector_load %arg16[%get3A_1274, %get3A_1275, %get3A_1276] {strides = array<i32>} : memref<4x104x256xf32, #tpu.memory_space<vmem>>, vector<1x1x16xf32>,
      %get3A_1278 = vector.shape_cast %get3A_1277 : vector<1x1x16xf32> to vector<16xf32>
      %add3A_1279 = arith.addf %add3A_1203, %get3A_1278 : vector<16xf32>
      %mul3A_1280 = arith.mulf %get3A_1278, %get3A_1278 : vector<16xf32>
      %add3A_1281 = arith.addf %add3A_1205, %mul3A_1280 : vector<16xf32>
      %get3A_1282 = arith.constant 0 : i32
      %get3A_1283 = arith.index_cast %get3A_1282 : i32 to index
      %get3A_1284 = arith.index_cast %add3A_1227 : i32 to index
      %get3A_1285 = arith.constant 96 : index
      %get3A_1286 = tpu.vector_load %arg16[%get3A_1283, %get3A_1284, %get3A_1285] {strides = array<i32>} : memref<4x104x256xf32, #tpu.memory_space<vmem>>, vector<1x1x16xf32>,
      %get3A_1287 = vector.shape_cast %get3A_1286 : vector<1x1x16xf32> to vector<16xf32>
      %add3A_1288 = arith.addf %add3A_1212, %get3A_1287 : vector<16xf32>
      %mul3A_1289 = arith.mulf %get3A_1287, %get3A_1287 : vector<16xf32>
      %add3A_1290 = arith.addf %add3A_1214, %mul3A_1289 : vector<16xf32>
      %get3A_1291 = arith.constant 0 : i32
      %get3A_1292 = arith.index_cast %get3A_1291 : i32 to index
      %get3A_1293 = arith.index_cast %add3A_1227 : i32 to index
      %get3A_1294 = arith.constant 112 : index
      %get3A_1295 = tpu.vector_load %arg16[%get3A_1292, %get3A_1293, %get3A_1294] {strides = array<i32>} : memref<4x104x256xf32, #tpu.memory_space<vmem>>, vector<1x1x16xf32>,
      %get3A_1296 = vector.shape_cast %get3A_1295 : vector<1x1x16xf32> to vector<16xf32>
      %add3A_1297 = arith.addf %add3A_1221, %get3A_1296 : vector<16xf32>
      %mul3A_1298 = arith.mulf %get3A_1296, %get3A_1296 : vector<16xf32>
      %add3A_1299 = arith.addf %add3A_1223, %mul3A_1298 : vector<16xf32>
      %mul3A_1300 = arith.constant 4 : i32
      %mul3A_1301 = arith.muli %scan3A_1056, %mul3A_1300 : i32
      %add3A_1302 = arith.constant 3 : i32
      %add3A_1303 = arith.addi %mul3A_1301, %add3A_1302 : i32
      %get3A_1304 = arith.constant 0 : i32
      %get3A_1305 = arith.index_cast %get3A_1304 : i32 to index
      %get3A_1306 = arith.index_cast %add3A_1303 : i32 to index
      %get3A_1307 = arith.constant 0 : index
      %get3A_1308 = tpu.vector_load %arg16[%get3A_1305, %get3A_1306, %get3A_1307] {strides = array<i32>} : memref<4x104x256xf32, #tpu.memory_space<vmem>>, vector<1x1x16xf32>,
      %get3A_1309 = vector.shape_cast %get3A_1308 : vector<1x1x16xf32> to vector<16xf32>
      %add3A_1310 = arith.addf %add3A_1234, %get3A_1309 : vector<16xf32>
      %mul3A_1311 = arith.mulf %get3A_1309, %get3A_1309 : vector<16xf32>
      %add3A_1312 = arith.addf %add3A_1236, %mul3A_1311 : vector<16xf32>
      %get3A_1313 = arith.constant 0 : i32
      %get3A_1314 = arith.index_cast %get3A_1313 : i32 to index
      %get3A_1315 = arith.index_cast %add3A_1303 : i32 to index
      %get3A_1316 = arith.constant 16 : index
      %get3A_1317 = tpu.vector_load %arg16[%get3A_1314, %get3A_1315, %get3A_1316] {strides = array<i32>} : memref<4x104x256xf32, #tpu.memory_space<vmem>>, vector<1x1x16xf32>,
      %get3A_1318 = vector.shape_cast %get3A_1317 : vector<1x1x16xf32> to vector<16xf32>
      %add3A_1319 = arith.addf %add3A_1243, %get3A_1318 : vector<16xf32>
      %mul3A_1320 = arith.mulf %get3A_1318, %get3A_1318 : vector<16xf32>
      %add3A_1321 = arith.addf %add3A_1245, %mul3A_1320 : vector<16xf32>
      %get3A_1322 = arith.constant 0 : i32
      %get3A_1323 = arith.index_cast %get3A_1322 : i32 to index
      %get3A_1324 = arith.index_cast %add3A_1303 : i32 to index
      %get3A_1325 = arith.constant 32 : index
      %get3A_1326 = tpu.vector_load %arg16[%get3A_1323, %get3A_1324, %get3A_1325] {strides = array<i32>} : memref<4x104x256xf32, #tpu.memory_space<vmem>>, vector<1x1x16xf32>,
      %get3A_1327 = vector.shape_cast %get3A_1326 : vector<1x1x16xf32> to vector<16xf32>
      %add3A_1328 = arith.addf %add3A_1252, %get3A_1327 : vector<16xf32>
      %mul3A_1329 = arith.mulf %get3A_1327, %get3A_1327 : vector<16xf32>
      %add3A_1330 = arith.addf %add3A_1254, %mul3A_1329 : vector<16xf32>
      %get3A_1331 = arith.constant 0 : i32
      %get3A_1332 = arith.index_cast %get3A_1331 : i32 to index
      %get3A_1333 = arith.index_cast %add3A_1303 : i32 to index
      %get3A_1334 = arith.constant 48 : index
      %get3A_1335 = tpu.vector_load %arg16[%get3A_1332, %get3A_1333, %get3A_1334] {strides = array<i32>} : memref<4x104x256xf32, #tpu.memory_space<vmem>>, vector<1x1x16xf32>,
      %get3A_1336 = vector.shape_cast %get3A_1335 : vector<1x1x16xf32> to vector<16xf32>
      %add3A_1337 = arith.addf %add3A_1261, %get3A_1336 : vector<16xf32>
      %mul3A_1338 = arith.mulf %get3A_1336, %get3A_1336 : vector<16xf32>
      %add3A_1339 = arith.addf %add3A_1263, %mul3A_1338 : vector<16xf32>
      %get3A_1340 = arith.constant 0 : i32
      %get3A_1341 = arith.index_cast %get3A_1340 : i32 to index
      %get3A_1342 = arith.index_cast %add3A_1303 : i32 to index
      %get3A_1343 = arith.constant 64 : index
      %get3A_1344 = tpu.vector_load %arg16[%get3A_1341, %get3A_1342, %get3A_1343] {strides = array<i32>} : memref<4x104x256xf32, #tpu.memory_space<vmem>>, vector<1x1x16xf32>,
      %get3A_1345 = vector.shape_cast %get3A_1344 : vector<1x1x16xf32> to vector<16xf32>
      %add3A_1346 = arith.addf %add3A_1270, %get3A_1345 : vector<16xf32>
      %mul3A_1347 = arith.mulf %get3A_1345, %get3A_1345 : vector<16xf32>
      %add3A_1348 = arith.addf %add3A_1272, %mul3A_1347 : vector<16xf32>
      %get3A_1349 = arith.constant 0 : i32
      %get3A_1350 = arith.index_cast %get3A_1349 : i32 to index
      %get3A_1351 = arith.index_cast %add3A_1303 : i32 to index
      %get3A_1352 = arith.constant 80 : index
      %get3A_1353 = tpu.vector_load %arg16[%get3A_1350, %get3A_1351, %get3A_1352] {strides = array<i32>} : memref<4x104x256xf32, #tpu.memory_space<vmem>>, vector<1x1x16xf32>,
      %get3A_1354 = vector.shape_cast %get3A_1353 : vector<1x1x16xf32> to vector<16xf32>
      %add3A_1355 = arith.addf %add3A_1279, %get3A_1354 : vector<16xf32>
      %mul3A_1356 = arith.mulf %get3A_1354, %get3A_1354 : vector<16xf32>
      %add3A_1357 = arith.addf %add3A_1281, %mul3A_1356 : vector<16xf32>
      %get3A_1358 = arith.constant 0 : i32
      %get3A_1359 = arith.index_cast %get3A_1358 : i32 to index
      %get3A_1360 = arith.index_cast %add3A_1303 : i32 to index
      %get3A_1361 = arith.constant 96 : index
      %get3A_1362 = tpu.vector_load %arg16[%get3A_1359, %get3A_1360, %get3A_1361] {strides = array<i32>} : memref<4x104x256xf32, #tpu.memory_space<vmem>>, vector<1x1x16xf32>,
      %get3A_1363 = vector.shape_cast %get3A_1362 : vector<1x1x16xf32> to vector<16xf32>
      %add3A_1364 = arith.addf %add3A_1288, %get3A_1363 : vector<16xf32>
      %mul3A_1365 = arith.mulf %get3A_1363, %get3A_1363 : vector<16xf32>
      %add3A_1366 = arith.addf %add3A_1290, %mul3A_1365 : vector<16xf32>
      %get3A_1367 = arith.constant 0 : i32
      %get3A_1368 = arith.index_cast %get3A_1367 : i32 to index
      %get3A_1369 = arith.index_cast %add3A_1303 : i32 to index
      %get3A_1370 = arith.constant 112 : index
      %get3A_1371 = tpu.vector_load %arg16[%get3A_1368, %get3A_1369, %get3A_1370] {strides = array<i32>} : memref<4x104x256xf32, #tpu.memory_space<vmem>>, vector<1x1x16xf32>,
      %get3A_1372 = vector.shape_cast %get3A_1371 : vector<1x1x16xf32> to vector<16xf32>
      %add3A_1373 = arith.addf %add3A_1297, %get3A_1372 : vector<16xf32>
      %mul3A_1374 = arith.mulf %get3A_1372, %get3A_1372 : vector<16xf32>
      %add3A_1375 = arith.addf %add3A_1299, %mul3A_1374 : vector<16xf32>
      scf.yield %add3A_1310, %add3A_1319, %add3A_1328, %add3A_1337, %add3A_1346, %add3A_1355, %add3A_1364, %add3A_1373, %add3A_1312, %add3A_1321, %add3A_1330, %add3A_1339, %add3A_1348, %add3A_1357, %add3A_1366, %add3A_1375 : vector<16xf32>, vector<16xf32>, vector<16xf32>, vector<16xf32>, vector<16xf32>, vector<16xf32>, vector<16xf32>, vector<16xf32>, vector<16xf32>, vector<16xf32>, vector<16xf32>, vector<16xf32>, vector<16xf32>, vector<16xf32>, vector<16xf32>, vector<16xf32>
    }
    %scan3A_116 = arith.constant 25 : i32
    %swap3A = arith.constant 0 : i32
    %swap3A_117 = arith.index_cast %swap3A : i32 to index
    %swap3A_118 = arith.constant 0 : index
    %swap3A_119 = tpu.vector_load %arg17[%swap3A_117, %swap3A_118] {strides = array<i32>} : memref<4x256xf32, #tpu.memory_space<vmem>>, vector<1x16xf32>,
    %swap3A_120 = vector.shape_cast %swap3A_119 : vector<1x16xf32> to vector<16xf32>
    %swap3A_121 = vector.shape_cast %scan3A_115#0 : vector<16xf32> to vector<1x16xf32>
    tpu.vector_store %arg17[%swap3A_117, %swap3A_118], %swap3A_121 {strides = array<i32>} : memref<4x256xf32, #tpu.memory_space<vmem>>, vector<1x16xf32>,
    %swap3A_122 = arith.constant 0 : i32
    %swap3A_123 = arith.index_cast %swap3A_122 : i32 to index
    %swap3A_124 = arith.constant 0 : index
    %swap3A_125 = tpu.vector_load %arg18[%swap3A_123, %swap3A_124] {strides = array<i32>} : memref<4x256xf32, #tpu.memory_space<vmem>>, vector<1x16xf32>,
    %swap3A_126 = vector.shape_cast %swap3A_125 : vector<1x16xf32> to vector<16xf32>
    %swap3A_127 = vector.shape_cast %scan3A_115#8 : vector<16xf32> to vector<1x16xf32>
    tpu.vector_store %arg18[%swap3A_123, %swap3A_124], %swap3A_127 {strides = array<i32>} : memref<4x256xf32, #tpu.memory_space<vmem>>, vector<1x16xf32>,
    %swap3A_128 = arith.constant 0 : i32
    %swap3A_129 = arith.index_cast %swap3A_128 : i32 to index
    %swap3A_130 = arith.constant 16 : index
    %swap3A_131 = tpu.vector_load %arg17[%swap3A_129, %swap3A_130] {strides = array<i32>} : memref<4x256xf32, #tpu.memory_space<vmem>>, vector<1x16xf32>,
    %swap3A_132 = vector.shape_cast %swap3A_131 : vector<1x16xf32> to vector<16xf32>
    %swap3A_133 = vector.shape_cast %scan3A_115#1 : vector<16xf32> to vector<1x16xf32>
    tpu.vector_store %arg17[%swap3A_129, %swap3A_130], %swap3A_133 {strides = array<i32>} : memref<4x256xf32, #tpu.memory_space<vmem>>, vector<1x16xf32>,
    %swap3A_134 = arith.constant 0 : i32
    %swap3A_135 = arith.index_cast %swap3A_134 : i32 to index
    %swap3A_136 = arith.constant 16 : index
    %swap3A_137 = tpu.vector_load %arg18[%swap3A_135, %swap3A_136] {strides = array<i32>} : memref<4x256xf32, #tpu.memory_space<vmem>>, vector<1x16xf32>,
    %swap3A_138 = vector.shape_cast %swap3A_137 : vector<1x16xf32> to vector<16xf32>
    %swap3A_139 = vector.shape_cast %scan3A_115#9 : vector<16xf32> to vector<1x16xf32>
    tpu.vector_store %arg18[%swap3A_135, %swap3A_136], %swap3A_139 {strides = array<i32>} : memref<4x256xf32, #tpu.memory_space<vmem>>, vector<1x16xf32>,
    %swap3A_140 = arith.constant 0 : i32
    %swap3A_141 = arith.index_cast %swap3A_140 : i32 to index
    %swap3A_142 = arith.constant 32 : index
    %swap3A_143 = tpu.vector_load %arg17[%swap3A_141, %swap3A_142] {strides = array<i32>} : memref<4x256xf32, #tpu.memory_space<vmem>>, vector<1x16xf32>,
    %swap3A_144 = vector.shape_cast %swap3A_143 : vector<1x16xf32> to vector<16xf32>
    %swap3A_145 = vector.shape_cast %scan3A_115#2 : vector<16xf32> to vector<1x16xf32>
    tpu.vector_store %arg17[%swap3A_141, %swap3A_142], %swap3A_145 {strides = array<i32>} : memref<4x256xf32, #tpu.memory_space<vmem>>, vector<1x16xf32>,
    %swap3A_146 = arith.constant 0 : i32
    %swap3A_147 = arith.index_cast %swap3A_146 : i32 to index
    %swap3A_148 = arith.constant 32 : index
    %swap3A_149 = tpu.vector_load %arg18[%swap3A_147, %swap3A_148] {strides = array<i32>} : memref<4x256xf32, #tpu.memory_space<vmem>>, vector<1x16xf32>,
    %swap3A_150 = vector.shape_cast %swap3A_149 : vector<1x16xf32> to vector<16xf32>
    %swap3A_151 = vector.shape_cast %scan3A_115#10 : vector<16xf32> to vector<1x16xf32>
    tpu.vector_store %arg18[%swap3A_147, %swap3A_148], %swap3A_151 {strides = array<i32>} : memref<4x256xf32, #tpu.memory_space<vmem>>, vector<1x16xf32>,
    %swap3A_152 = arith.constant 0 : i32
    %swap3A_153 = arith.index_cast %swap3A_152 : i32 to index
    %swap3A_154 = arith.constant 48 : index
    %swap3A_155 = tpu.vector_load %arg17[%swap3A_153, %swap3A_154] {strides = array<i32>} : memref<4x256xf32, #tpu.memory_space<vmem>>, vector<1x16xf32>,
    %swap3A_156 = vector.shape_cast %swap3A_155 : vector<1x16xf32> to vector<16xf32>
    %swap3A_157 = vector.shape_cast %scan3A_115#3 : vector<16xf32> to vector<1x16xf32>
    tpu.vector_store %arg17[%swap3A_153, %swap3A_154], %swap3A_157 {strides = array<i32>} : memref<4x256xf32, #tpu.memory_space<vmem>>, vector<1x16xf32>,
    %swap3A_158 = arith.constant 0 : i32
    %swap3A_159 = arith.index_cast %swap3A_158 : i32 to index
    %swap3A_160 = arith.constant 48 : index
    %swap3A_161 = tpu.vector_load %arg18[%swap3A_159, %swap3A_160] {strides = array<i32>} : memref<4x256xf32, #tpu.memory_space<vmem>>, vector<1x16xf32>,
    %swap3A_162 = vector.shape_cast %swap3A_161 : vector<1x16xf32> to vector<16xf32>
    %swap3A_163 = vector.shape_cast %scan3A_115#11 : vector<16xf32> to vector<1x16xf32>
    tpu.vector_store %arg18[%swap3A_159, %swap3A_160], %swap3A_163 {strides = array<i32>} : memref<4x256xf32, #tpu.memory_space<vmem>>, vector<1x16xf32>,
    %swap3A_164 = arith.constant 0 : i32
    %swap3A_165 = arith.index_cast %swap3A_164 : i32 to index
    %swap3A_166 = arith.constant 64 : index
    %swap3A_167 = tpu.vector_load %arg17[%swap3A_165, %swap3A_166] {strides = array<i32>} : memref<4x256xf32, #tpu.memory_space<vmem>>, vector<1x16xf32>,
    %swap3A_168 = vector.shape_cast %swap3A_167 : vector<1x16xf32> to vector<16xf32>
    %swap3A_169 = vector.shape_cast %scan3A_115#4 : vector<16xf32> to vector<1x16xf32>
    tpu.vector_store %arg17[%swap3A_165, %swap3A_166], %swap3A_169 {strides = array<i32>} : memref<4x256xf32, #tpu.memory_space<vmem>>, vector<1x16xf32>,
    %swap3A_170 = arith.constant 0 : i32
    %swap3A_171 = arith.index_cast %swap3A_170 : i32 to index
    %swap3A_172 = arith.constant 64 : index
    %swap3A_173 = tpu.vector_load %arg18[%swap3A_171, %swap3A_172] {strides = array<i32>} : memref<4x256xf32, #tpu.memory_space<vmem>>, vector<1x16xf32>,
    %swap3A_174 = vector.shape_cast %swap3A_173 : vector<1x16xf32> to vector<16xf32>
    %swap3A_175 = vector.shape_cast %scan3A_115#12 : vector<16xf32> to vector<1x16xf32>
    tpu.vector_store %arg18[%swap3A_171, %swap3A_172], %swap3A_175 {strides = array<i32>} : memref<4x256xf32, #tpu.memory_space<vmem>>, vector<1x16xf32>,
    %swap3A_176 = arith.constant 0 : i32
    %swap3A_177 = arith.index_cast %swap3A_176 : i32 to index
    %swap3A_178 = arith.constant 80 : index
    %swap3A_179 = tpu.vector_load %arg17[%swap3A_177, %swap3A_178] {strides = array<i32>} : memref<4x256xf32, #tpu.memory_space<vmem>>, vector<1x16xf32>,
    %swap3A_180 = vector.shape_cast %swap3A_179 : vector<1x16xf32> to vector<16xf32>
    %swap3A_181 = vector.shape_cast %scan3A_115#5 : vector<16xf32> to vector<1x16xf32>
    tpu.vector_store %arg17[%swap3A_177, %swap3A_178], %swap3A_181 {strides = array<i32>} : memref<4x256xf32, #tpu.memory_space<vmem>>, vector<1x16xf32>,
    %swap3A_182 = arith.constant 0 : i32
    %swap3A_183 = arith.index_cast %swap3A_182 : i32 to index
    %swap3A_184 = arith.constant 80 : index
    %swap3A_185 = tpu.vector_load %arg18[%swap3A_183, %swap3A_184] {strides = array<i32>} : memref<4x256xf32, #tpu.memory_space<vmem>>, vector<1x16xf32>,
    %swap3A_186 = vector.shape_cast %swap3A_185 : vector<1x16xf32> to vector<16xf32>
    %swap3A_187 = vector.shape_cast %scan3A_115#13 : vector<16xf32> to vector<1x16xf32>
    tpu.vector_store %arg18[%swap3A_183, %swap3A_184], %swap3A_187 {strides = array<i32>} : memref<4x256xf32, #tpu.memory_space<vmem>>, vector<1x16xf32>,
    %swap3A_188 = arith.constant 0 : i32
    %swap3A_189 = arith.index_cast %swap3A_188 : i32 to index
    %swap3A_190 = arith.constant 96 : index
    %swap3A_191 = tpu.vector_load %arg17[%swap3A_189, %swap3A_190] {strides = array<i32>} : memref<4x256xf32, #tpu.memory_space<vmem>>, vector<1x16xf32>,
    %swap3A_192 = vector.shape_cast %swap3A_191 : vector<1x16xf32> to vector<16xf32>
    %swap3A_193 = vector.shape_cast %scan3A_115#6 : vector<16xf32> to vector<1x16xf32>
    tpu.vector_store %arg17[%swap3A_189, %swap3A_190], %swap3A_193 {strides = array<i32>} : memref<4x256xf32, #tpu.memory_space<vmem>>, vector<1x16xf32>,
    %swap3A_194 = arith.constant 0 : i32
    %swap3A_195 = arith.index_cast %swap3A_194 : i32 to index
    %swap3A_196 = arith.constant 96 : index
    %swap3A_197 = tpu.vector_load %arg18[%swap3A_195, %swap3A_196] {strides = array<i32>} : memref<4x256xf32, #tpu.memory_space<vmem>>, vector<1x16xf32>,
    %swap3A_198 = vector.shape_cast %swap3A_197 : vector<1x16xf32> to vector<16xf32>
    %swap3A_199 = vector.shape_cast %scan3A_115#14 : vector<16xf32> to vector<1x16xf32>
    tpu.vector_store %arg18[%swap3A_195, %swap3A_196], %swap3A_199 {strides = array<i32>} : memref<4x256xf32, #tpu.memory_space<vmem>>, vector<1x16xf32>,
    %swap3A_200 = arith.constant 0 : i32
    %swap3A_201 = arith.index_cast %swap3A_200 : i32 to index
    %swap3A_202 = arith.constant 112 : index
    %swap3A_203 = tpu.vector_load %arg17[%swap3A_201, %swap3A_202] {strides = array<i32>} : memref<4x256xf32, #tpu.memory_space<vmem>>, vector<1x16xf32>,
    %swap3A_204 = vector.shape_cast %swap3A_203 : vector<1x16xf32> to vector<16xf32>
    %swap3A_205 = vector.shape_cast %scan3A_115#7 : vector<16xf32> to vector<1x16xf32>
    tpu.vector_store %arg17[%swap3A_201, %swap3A_202], %swap3A_205 {strides = array<i32>} : memref<4x256xf32, #tpu.memory_space<vmem>>, vector<1x16xf32>,
    %swap3A_206 = arith.constant 0 : i32
    %swap3A_207 = arith.index_cast %swap3A_206 : i32 to index
    %swap3A_208 = arith.constant 112 : index
    %swap3A_209 = tpu.vector_load %arg18[%swap3A_207, %swap3A_208] {strides = array<i32>} : memref<4x256xf32, #tpu.memory_space<vmem>>, vector<1x16xf32>,
    %swap3A_210 = vector.shape_cast %swap3A_209 : vector<1x16xf32> to vector<16xf32>
    %swap3A_211 = vector.shape_cast %scan3A_115#15 : vector<16xf32> to vector<1x16xf32>
    tpu.vector_store %arg18[%swap3A_207, %swap3A_208], %swap3A_211 {strides = array<i32>} : memref<4x256xf32, #tpu.memory_space<vmem>>, vector<1x16xf32>,
    %broadcast_in_dim3A_212 = arith.constant 0.000000e+00 : f32
    %broadcast_in_dim3A_213 = vector.broadcast %broadcast_in_dim3A_212 : f32 to vector<16xf32>
    %scan3A_214 = arith.constant 0 : i32
    %scan3A_215 = arith.constant 25 : i32
    %scan3A_216 = arith.addi %scan3A_214, %scan3A_215 : i32
    %scan3A_217 = arith.constant 1 : i32
    %scan3A_218:16 = scf.for %scan3A_1056 = %scan3A_214 to %scan3A_216 step %scan3A_217 iter_args(%scan3A_1057 = %broadcast_in_dim3A_213, %scan3A_1058 = %broadcast_in_dim3A_213, %scan3A_1059 = %broadcast_in_dim3A_213, %scan3A_1060 = %broadcast_in_dim3A_213, %scan3A_1061 = %broadcast_in_dim3A_213, %scan3A_1062 = %broadcast_in_dim3A_213, %scan3A_1063 = %broadcast_in_dim3A_213, %scan3A_1064 = %broadcast_in_dim3A_213, %scan3A_1065 = %broadcast_in_dim3A_213, %scan3A_1066 = %broadcast_in_dim3A_213, %scan3A_1067 = %broadcast_in_dim3A_213, %scan3A_1068 = %broadcast_in_dim3A_213, %scan3A_1069 = %broadcast_in_dim3A_213, %scan3A_1070 = %broadcast_in_dim3A_213, %scan3A_1071 = %broadcast_in_dim3A_213, %scan3A_1072 = %broadcast_in_dim3A_213) -> (vector<16xf32>, vector<16xf32>, vector<16xf32>, vector<16xf32>, vector<16xf32>, vector<16xf32>, vector<16xf32>, vector<16xf32>, vector<16xf32>, vector<16xf32>, vector<16xf32>, vector<16xf32>, vector<16xf32>, vector<16xf32>, vector<16xf32>, vector<16xf32>)  : i32 {
      %mul3A_1073 = arith.constant 4 : i32
      %mul3A_1074 = arith.muli %scan3A_1056, %mul3A_1073 : i32
      %add3A_1075 = arith.constant 0 : i32
      %add3A_1076 = arith.addi %mul3A_1074, %add3A_1075 : i32
      %get3A = arith.constant 0 : i32
      %get3A_1077 = arith.index_cast %get3A : i32 to index
      %get3A_1078 = arith.index_cast %add3A_1076 : i32 to index
      %get3A_1079 = arith.constant 128 : index
      %get3A_1080 = tpu.vector_load %arg16[%get3A_1077, %get3A_1078, %get3A_1079] {strides = array<i32>} : memref<4x104x256xf32, #tpu.memory_space<vmem>>, vector<1x1x16xf32>,
      %get3A_1081 = vector.shape_cast %get3A_1080 : vector<1x1x16xf32> to vector<16xf32>
      %add3A_1082 = arith.addf %scan3A_1057, %get3A_1081 : vector<16xf32>
      %mul3A_1083 = arith.mulf %get3A_1081, %get3A_1081 : vector<16xf32>
      %add3A_1084 = arith.addf %scan3A_1065, %mul3A_1083 : vector<16xf32>
      %get3A_1085 = arith.constant 0 : i32
      %get3A_1086 = arith.index_cast %get3A_1085 : i32 to index
      %get3A_1087 = arith.index_cast %add3A_1076 : i32 to index
      %get3A_1088 = arith.constant 144 : index
      %get3A_1089 = tpu.vector_load %arg16[%get3A_1086, %get3A_1087, %get3A_1088] {strides = array<i32>} : memref<4x104x256xf32, #tpu.memory_space<vmem>>, vector<1x1x16xf32>,
      %get3A_1090 = vector.shape_cast %get3A_1089 : vector<1x1x16xf32> to vector<16xf32>
      %add3A_1091 = arith.addf %scan3A_1058, %get3A_1090 : vector<16xf32>
      %mul3A_1092 = arith.mulf %get3A_1090, %get3A_1090 : vector<16xf32>
      %add3A_1093 = arith.addf %scan3A_1066, %mul3A_1092 : vector<16xf32>
      %get3A_1094 = arith.constant 0 : i32
      %get3A_1095 = arith.index_cast %get3A_1094 : i32 to index
      %get3A_1096 = arith.index_cast %add3A_1076 : i32 to index
      %get3A_1097 = arith.constant 160 : index
      %get3A_1098 = tpu.vector_load %arg16[%get3A_1095, %get3A_1096, %get3A_1097] {strides = array<i32>} : memref<4x104x256xf32, #tpu.memory_space<vmem>>, vector<1x1x16xf32>,
      %get3A_1099 = vector.shape_cast %get3A_1098 : vector<1x1x16xf32> to vector<16xf32>
      %add3A_1100 = arith.addf %scan3A_1059, %get3A_1099 : vector<16xf32>
      %mul3A_1101 = arith.mulf %get3A_1099, %get3A_1099 : vector<16xf32>
      %add3A_1102 = arith.addf %scan3A_1067, %mul3A_1101 : vector<16xf32>
      %get3A_1103 = arith.constant 0 : i32
      %get3A_1104 = arith.index_cast %get3A_1103 : i32 to index
      %get3A_1105 = arith.index_cast %add3A_1076 : i32 to index
      %get3A_1106 = arith.constant 176 : index
      %get3A_1107 = tpu.vector_load %arg16[%get3A_1104, %get3A_1105, %get3A_1106] {strides = array<i32>} : memref<4x104x256xf32, #tpu.memory_space<vmem>>, vector<1x1x16xf32>,
      %get3A_1108 = vector.shape_cast %get3A_1107 : vector<1x1x16xf32> to vector<16xf32>
      %add3A_1109 = arith.addf %scan3A_1060, %get3A_1108 : vector<16xf32>
      %mul3A_1110 = arith.mulf %get3A_1108, %get3A_1108 : vector<16xf32>
      %add3A_1111 = arith.addf %scan3A_1068, %mul3A_1110 : vector<16xf32>
      %get3A_1112 = arith.constant 0 : i32
      %get3A_1113 = arith.index_cast %get3A_1112 : i32 to index
      %get3A_1114 = arith.index_cast %add3A_1076 : i32 to index
      %get3A_1115 = arith.constant 192 : index
      %get3A_1116 = tpu.vector_load %arg16[%get3A_1113, %get3A_1114, %get3A_1115] {strides = array<i32>} : memref<4x104x256xf32, #tpu.memory_space<vmem>>, vector<1x1x16xf32>,
      %get3A_1117 = vector.shape_cast %get3A_1116 : vector<1x1x16xf32> to vector<16xf32>
      %add3A_1118 = arith.addf %scan3A_1061, %get3A_1117 : vector<16xf32>
      %mul3A_1119 = arith.mulf %get3A_1117, %get3A_1117 : vector<16xf32>
      %add3A_1120 = arith.addf %scan3A_1069, %mul3A_1119 : vector<16xf32>
      %get3A_1121 = arith.constant 0 : i32
      %get3A_1122 = arith.index_cast %get3A_1121 : i32 to index
      %get3A_1123 = arith.index_cast %add3A_1076 : i32 to index
      %get3A_1124 = arith.constant 208 : index
      %get3A_1125 = tpu.vector_load %arg16[%get3A_1122, %get3A_1123, %get3A_1124] {strides = array<i32>} : memref<4x104x256xf32, #tpu.memory_space<vmem>>, vector<1x1x16xf32>,
      %get3A_1126 = vector.shape_cast %get3A_1125 : vector<1x1x16xf32> to vector<16xf32>
      %add3A_1127 = arith.addf %scan3A_1062, %get3A_1126 : vector<16xf32>
      %mul3A_1128 = arith.mulf %get3A_1126, %get3A_1126 : vector<16xf32>
      %add3A_1129 = arith.addf %scan3A_1070, %mul3A_1128 : vector<16xf32>
      %get3A_1130 = arith.constant 0 : i32
      %get3A_1131 = arith.index_cast %get3A_1130 : i32 to index
      %get3A_1132 = arith.index_cast %add3A_1076 : i32 to index
      %get3A_1133 = arith.constant 224 : index
      %get3A_1134 = tpu.vector_load %arg16[%get3A_1131, %get3A_1132, %get3A_1133] {strides = array<i32>} : memref<4x104x256xf32, #tpu.memory_space<vmem>>, vector<1x1x16xf32>,
      %get3A_1135 = vector.shape_cast %get3A_1134 : vector<1x1x16xf32> to vector<16xf32>
      %add3A_1136 = arith.addf %scan3A_1063, %get3A_1135 : vector<16xf32>
      %mul3A_1137 = arith.mulf %get3A_1135, %get3A_1135 : vector<16xf32>
      %add3A_1138 = arith.addf %scan3A_1071, %mul3A_1137 : vector<16xf32>
      %get3A_1139 = arith.constant 0 : i32
      %get3A_1140 = arith.index_cast %get3A_1139 : i32 to index
      %get3A_1141 = arith.index_cast %add3A_1076 : i32 to index
      %get3A_1142 = arith.constant 240 : index
      %get3A_1143 = tpu.vector_load %arg16[%get3A_1140, %get3A_1141, %get3A_1142] {strides = array<i32>} : memref<4x104x256xf32, #tpu.memory_space<vmem>>, vector<1x1x16xf32>,
      %get3A_1144 = vector.shape_cast %get3A_1143 : vector<1x1x16xf32> to vector<16xf32>
      %add3A_1145 = arith.addf %scan3A_1064, %get3A_1144 : vector<16xf32>
      %mul3A_1146 = arith.mulf %get3A_1144, %get3A_1144 : vector<16xf32>
      %add3A_1147 = arith.addf %scan3A_1072, %mul3A_1146 : vector<16xf32>
      %mul3A_1148 = arith.constant 4 : i32
      %mul3A_1149 = arith.muli %scan3A_1056, %mul3A_1148 : i32
      %add3A_1150 = arith.constant 1 : i32
      %add3A_1151 = arith.addi %mul3A_1149, %add3A_1150 : i32
      %get3A_1152 = arith.constant 0 : i32
      %get3A_1153 = arith.index_cast %get3A_1152 : i32 to index
      %get3A_1154 = arith.index_cast %add3A_1151 : i32 to index
      %get3A_1155 = arith.constant 128 : index
      %get3A_1156 = tpu.vector_load %arg16[%get3A_1153, %get3A_1154, %get3A_1155] {strides = array<i32>} : memref<4x104x256xf32, #tpu.memory_space<vmem>>, vector<1x1x16xf32>,
      %get3A_1157 = vector.shape_cast %get3A_1156 : vector<1x1x16xf32> to vector<16xf32>
      %add3A_1158 = arith.addf %add3A_1082, %get3A_1157 : vector<16xf32>
      %mul3A_1159 = arith.mulf %get3A_1157, %get3A_1157 : vector<16xf32>
      %add3A_1160 = arith.addf %add3A_1084, %mul3A_1159 : vector<16xf32>
      %get3A_1161 = arith.constant 0 : i32
      %get3A_1162 = arith.index_cast %get3A_1161 : i32 to index
      %get3A_1163 = arith.index_cast %add3A_1151 : i32 to index
      %get3A_1164 = arith.constant 144 : index
      %get3A_1165 = tpu.vector_load %arg16[%get3A_1162, %get3A_1163, %get3A_1164] {strides = array<i32>} : memref<4x104x256xf32, #tpu.memory_space<vmem>>, vector<1x1x16xf32>,
      %get3A_1166 = vector.shape_cast %get3A_1165 : vector<1x1x16xf32> to vector<16xf32>
      %add3A_1167 = arith.addf %add3A_1091, %get3A_1166 : vector<16xf32>
      %mul3A_1168 = arith.mulf %get3A_1166, %get3A_1166 : vector<16xf32>
      %add3A_1169 = arith.addf %add3A_1093, %mul3A_1168 : vector<16xf32>
      %get3A_1170 = arith.constant 0 : i32
      %get3A_1171 = arith.index_cast %get3A_1170 : i32 to index
      %get3A_1172 = arith.index_cast %add3A_1151 : i32 to index
      %get3A_1173 = arith.constant 160 : index
      %get3A_1174 = tpu.vector_load %arg16[%get3A_1171, %get3A_1172, %get3A_1173] {strides = array<i32>} : memref<4x104x256xf32, #tpu.memory_space<vmem>>, vector<1x1x16xf32>,
      %get3A_1175 = vector.shape_cast %get3A_1174 : vector<1x1x16xf32> to vector<16xf32>
      %add3A_1176 = arith.addf %add3A_1100, %get3A_1175 : vector<16xf32>
      %mul3A_1177 = arith.mulf %get3A_1175, %get3A_1175 : vector<16xf32>
      %add3A_1178 = arith.addf %add3A_1102, %mul3A_1177 : vector<16xf32>
      %get3A_1179 = arith.constant 0 : i32
      %get3A_1180 = arith.index_cast %get3A_1179 : i32 to index
      %get3A_1181 = arith.index_cast %add3A_1151 : i32 to index
      %get3A_1182 = arith.constant 176 : index
      %get3A_1183 = tpu.vector_load %arg16[%get3A_1180, %get3A_1181, %get3A_1182] {strides = array<i32>} : memref<4x104x256xf32, #tpu.memory_space<vmem>>, vector<1x1x16xf32>,
      %get3A_1184 = vector.shape_cast %get3A_1183 : vector<1x1x16xf32> to vector<16xf32>
      %add3A_1185 = arith.addf %add3A_1109, %get3A_1184 : vector<16xf32>
      %mul3A_1186 = arith.mulf %get3A_1184, %get3A_1184 : vector<16xf32>
      %add3A_1187 = arith.addf %add3A_1111, %mul3A_1186 : vector<16xf32>
      %get3A_1188 = arith.constant 0 : i32
      %get3A_1189 = arith.index_cast %get3A_1188 : i32 to index
      %get3A_1190 = arith.index_cast %add3A_1151 : i32 to index
      %get3A_1191 = arith.constant 192 : index
      %get3A_1192 = tpu.vector_load %arg16[%get3A_1189, %get3A_1190, %get3A_1191] {strides = array<i32>} : memref<4x104x256xf32, #tpu.memory_space<vmem>>, vector<1x1x16xf32>,
      %get3A_1193 = vector.shape_cast %get3A_1192 : vector<1x1x16xf32> to vector<16xf32>
      %add3A_1194 = arith.addf %add3A_1118, %get3A_1193 : vector<16xf32>
      %mul3A_1195 = arith.mulf %get3A_1193, %get3A_1193 : vector<16xf32>
      %add3A_1196 = arith.addf %add3A_1120, %mul3A_1195 : vector<16xf32>
      %get3A_1197 = arith.constant 0 : i32
      %get3A_1198 = arith.index_cast %get3A_1197 : i32 to index
      %get3A_1199 = arith.index_cast %add3A_1151 : i32 to index
      %get3A_1200 = arith.constant 208 : index
      %get3A_1201 = tpu.vector_load %arg16[%get3A_1198, %get3A_1199, %get3A_1200] {strides = array<i32>} : memref<4x104x256xf32, #tpu.memory_space<vmem>>, vector<1x1x16xf32>,
      %get3A_1202 = vector.shape_cast %get3A_1201 : vector<1x1x16xf32> to vector<16xf32>
      %add3A_1203 = arith.addf %add3A_1127, %get3A_1202 : vector<16xf32>
      %mul3A_1204 = arith.mulf %get3A_1202, %get3A_1202 : vector<16xf32>
      %add3A_1205 = arith.addf %add3A_1129, %mul3A_1204 : vector<16xf32>
      %get3A_1206 = arith.constant 0 : i32
      %get3A_1207 = arith.index_cast %get3A_1206 : i32 to index
      %get3A_1208 = arith.index_cast %add3A_1151 : i32 to index
      %get3A_1209 = arith.constant 224 : index
      %get3A_1210 = tpu.vector_load %arg16[%get3A_1207, %get3A_1208, %get3A_1209] {strides = array<i32>} : memref<4x104x256xf32, #tpu.memory_space<vmem>>, vector<1x1x16xf32>,
      %get3A_1211 = vector.shape_cast %get3A_1210 : vector<1x1x16xf32> to vector<16xf32>
      %add3A_1212 = arith.addf %add3A_1136, %get3A_1211 : vector<16xf32>
      %mul3A_1213 = arith.mulf %get3A_1211, %get3A_1211 : vector<16xf32>
      %add3A_1214 = arith.addf %add3A_1138, %mul3A_1213 : vector<16xf32>
      %get3A_1215 = arith.constant 0 : i32
      %get3A_1216 = arith.index_cast %get3A_1215 : i32 to index
      %get3A_1217 = arith.index_cast %add3A_1151 : i32 to index
      %get3A_1218 = arith.constant 240 : index
      %get3A_1219 = tpu.vector_load %arg16[%get3A_1216, %get3A_1217, %get3A_1218] {strides = array<i32>} : memref<4x104x256xf32, #tpu.memory_space<vmem>>, vector<1x1x16xf32>,
      %get3A_1220 = vector.shape_cast %get3A_1219 : vector<1x1x16xf32> to vector<16xf32>
      %add3A_1221 = arith.addf %add3A_1145, %get3A_1220 : vector<16xf32>
      %mul3A_1222 = arith.mulf %get3A_1220, %get3A_1220 : vector<16xf32>
      %add3A_1223 = arith.addf %add3A_1147, %mul3A_1222 : vector<16xf32>
      %mul3A_1224 = arith.constant 4 : i32
      %mul3A_1225 = arith.muli %scan3A_1056, %mul3A_1224 : i32
      %add3A_1226 = arith.constant 2 : i32
      %add3A_1227 = arith.addi %mul3A_1225, %add3A_1226 : i32
      %get3A_1228 = arith.constant 0 : i32
      %get3A_1229 = arith.index_cast %get3A_1228 : i32 to index
      %get3A_1230 = arith.index_cast %add3A_1227 : i32 to index
      %get3A_1231 = arith.constant 128 : index
      %get3A_1232 = tpu.vector_load %arg16[%get3A_1229, %get3A_1230, %get3A_1231] {strides = array<i32>} : memref<4x104x256xf32, #tpu.memory_space<vmem>>, vector<1x1x16xf32>,
      %get3A_1233 = vector.shape_cast %get3A_1232 : vector<1x1x16xf32> to vector<16xf32>
      %add3A_1234 = arith.addf %add3A_1158, %get3A_1233 : vector<16xf32>
      %mul3A_1235 = arith.mulf %get3A_1233, %get3A_1233 : vector<16xf32>
      %add3A_1236 = arith.addf %add3A_1160, %mul3A_1235 : vector<16xf32>
      %get3A_1237 = arith.constant 0 : i32
      %get3A_1238 = arith.index_cast %get3A_1237 : i32 to index
      %get3A_1239 = arith.index_cast %add3A_1227 : i32 to index
      %get3A_1240 = arith.constant 144 : index
      %get3A_1241 = tpu.vector_load %arg16[%get3A_1238, %get3A_1239, %get3A_1240] {strides = array<i32>} : memref<4x104x256xf32, #tpu.memory_space<vmem>>, vector<1x1x16xf32>,
      %get3A_1242 = vector.shape_cast %get3A_1241 : vector<1x1x16xf32> to vector<16xf32>
      %add3A_1243 = arith.addf %add3A_1167, %get3A_1242 : vector<16xf32>
      %mul3A_1244 = arith.mulf %get3A_1242, %get3A_1242 : vector<16xf32>
      %add3A_1245 = arith.addf %add3A_1169, %mul3A_1244 : vector<16xf32>
      %get3A_1246 = arith.constant 0 : i32
      %get3A_1247 = arith.index_cast %get3A_1246 : i32 to index
      %get3A_1248 = arith.index_cast %add3A_1227 : i32 to index
      %get3A_1249 = arith.constant 160 : index
      %get3A_1250 = tpu.vector_load %arg16[%get3A_1247, %get3A_1248, %get3A_1249] {strides = array<i32>} : memref<4x104x256xf32, #tpu.memory_space<vmem>>, vector<1x1x16xf32>,
      %get3A_1251 = vector.shape_cast %get3A_1250 : vector<1x1x16xf32> to vector<16xf32>
      %add3A_1252 = arith.addf %add3A_1176, %get3A_1251 : vector<16xf32>
      %mul3A_1253 = arith.mulf %get3A_1251, %get3A_1251 : vector<16xf32>
      %add3A_1254 = arith.addf %add3A_1178, %mul3A_1253 : vector<16xf32>
      %get3A_1255 = arith.constant 0 : i32
      %get3A_1256 = arith.index_cast %get3A_1255 : i32 to index
      %get3A_1257 = arith.index_cast %add3A_1227 : i32 to index
      %get3A_1258 = arith.constant 176 : index
      %get3A_1259 = tpu.vector_load %arg16[%get3A_1256, %get3A_1257, %get3A_1258] {strides = array<i32>} : memref<4x104x256xf32, #tpu.memory_space<vmem>>, vector<1x1x16xf32>,
      %get3A_1260 = vector.shape_cast %get3A_1259 : vector<1x1x16xf32> to vector<16xf32>
      %add3A_1261 = arith.addf %add3A_1185, %get3A_1260 : vector<16xf32>
      %mul3A_1262 = arith.mulf %get3A_1260, %get3A_1260 : vector<16xf32>
      %add3A_1263 = arith.addf %add3A_1187, %mul3A_1262 : vector<16xf32>
      %get3A_1264 = arith.constant 0 : i32
      %get3A_1265 = arith.index_cast %get3A_1264 : i32 to index
      %get3A_1266 = arith.index_cast %add3A_1227 : i32 to index
      %get3A_1267 = arith.constant 192 : index
      %get3A_1268 = tpu.vector_load %arg16[%get3A_1265, %get3A_1266, %get3A_1267] {strides = array<i32>} : memref<4x104x256xf32, #tpu.memory_space<vmem>>, vector<1x1x16xf32>,
      %get3A_1269 = vector.shape_cast %get3A_1268 : vector<1x1x16xf32> to vector<16xf32>
      %add3A_1270 = arith.addf %add3A_1194, %get3A_1269 : vector<16xf32>
      %mul3A_1271 = arith.mulf %get3A_1269, %get3A_1269 : vector<16xf32>
      %add3A_1272 = arith.addf %add3A_1196, %mul3A_1271 : vector<16xf32>
      %get3A_1273 = arith.constant 0 : i32
      %get3A_1274 = arith.index_cast %get3A_1273 : i32 to index
      %get3A_1275 = arith.index_cast %add3A_1227 : i32 to index
      %get3A_1276 = arith.constant 208 : index
      %get3A_1277 = tpu.vector_load %arg16[%get3A_1274, %get3A_1275, %get3A_1276] {strides = array<i32>} : memref<4x104x256xf32, #tpu.memory_space<vmem>>, vector<1x1x16xf32>,
      %get3A_1278 = vector.shape_cast %get3A_1277 : vector<1x1x16xf32> to vector<16xf32>
      %add3A_1279 = arith.addf %add3A_1203, %get3A_1278 : vector<16xf32>
      %mul3A_1280 = arith.mulf %get3A_1278, %get3A_1278 : vector<16xf32>
      %add3A_1281 = arith.addf %add3A_1205, %mul3A_1280 : vector<16xf32>
      %get3A_1282 = arith.constant 0 : i32
      %get3A_1283 = arith.index_cast %get3A_1282 : i32 to index
      %get3A_1284 = arith.index_cast %add3A_1227 : i32 to index
      %get3A_1285 = arith.constant 224 : index
      %get3A_1286 = tpu.vector_load %arg16[%get3A_1283, %get3A_1284, %get3A_1285] {strides = array<i32>} : memref<4x104x256xf32, #tpu.memory_space<vmem>>, vector<1x1x16xf32>,
      %get3A_1287 = vector.shape_cast %get3A_1286 : vector<1x1x16xf32> to vector<16xf32>
      %add3A_1288 = arith.addf %add3A_1212, %get3A_1287 : vector<16xf32>
      %mul3A_1289 = arith.mulf %get3A_1287, %get3A_1287 : vector<16xf32>
      %add3A_1290 = arith.addf %add3A_1214, %mul3A_1289 : vector<16xf32>
      %get3A_1291 = arith.constant 0 : i32
      %get3A_1292 = arith.index_cast %get3A_1291 : i32 to index
      %get3A_1293 = arith.index_cast %add3A_1227 : i32 to index
      %get3A_1294 = arith.constant 240 : index
      %get3A_1295 = tpu.vector_load %arg16[%get3A_1292, %get3A_1293, %get3A_1294] {strides = array<i32>} : memref<4x104x256xf32, #tpu.memory_space<vmem>>, vector<1x1x16xf32>,
      %get3A_1296 = vector.shape_cast %get3A_1295 : vector<1x1x16xf32> to vector<16xf32>
      %add3A_1297 = arith.addf %add3A_1221, %get3A_1296 : vector<16xf32>
      %mul3A_1298 = arith.mulf %get3A_1296, %get3A_1296 : vector<16xf32>
      %add3A_1299 = arith.addf %add3A_1223, %mul3A_1298 : vector<16xf32>
      %mul3A_1300 = arith.constant 4 : i32
      %mul3A_1301 = arith.muli %scan3A_1056, %mul3A_1300 : i32
      %add3A_1302 = arith.constant 3 : i32
      %add3A_1303 = arith.addi %mul3A_1301, %add3A_1302 : i32
      %get3A_1304 = arith.constant 0 : i32
      %get3A_1305 = arith.index_cast %get3A_1304 : i32 to index
      %get3A_1306 = arith.index_cast %add3A_1303 : i32 to index
      %get3A_1307 = arith.constant 128 : index
      %get3A_1308 = tpu.vector_load %arg16[%get3A_1305, %get3A_1306, %get3A_1307] {strides = array<i32>} : memref<4x104x256xf32, #tpu.memory_space<vmem>>, vector<1x1x16xf32>,
      %get3A_1309 = vector.shape_cast %get3A_1308 : vector<1x1x16xf32> to vector<16xf32>
      %add3A_1310 = arith.addf %add3A_1234, %get3A_1309 : vector<16xf32>
      %mul3A_1311 = arith.mulf %get3A_1309, %get3A_1309 : vector<16xf32>
      %add3A_1312 = arith.addf %add3A_1236, %mul3A_1311 : vector<16xf32>
      %get3A_1313 = arith.constant 0 : i32
      %get3A_1314 = arith.index_cast %get3A_1313 : i32 to index
      %get3A_1315 = arith.index_cast %add3A_1303 : i32 to index
      %get3A_1316 = arith.constant 144 : index
      %get3A_1317 = tpu.vector_load %arg16[%get3A_1314, %get3A_1315, %get3A_1316] {strides = array<i32>} : memref<4x104x256xf32, #tpu.memory_space<vmem>>, vector<1x1x16xf32>,
      %get3A_1318 = vector.shape_cast %get3A_1317 : vector<1x1x16xf32> to vector<16xf32>
      %add3A_1319 = arith.addf %add3A_1243, %get3A_1318 : vector<16xf32>
      %mul3A_1320 = arith.mulf %get3A_1318, %get3A_1318 : vector<16xf32>
      %add3A_1321 = arith.addf %add3A_1245, %mul3A_1320 : vector<16xf32>
      %get3A_1322 = arith.constant 0 : i32
      %get3A_1323 = arith.index_cast %get3A_1322 : i32 to index
      %get3A_1324 = arith.index_cast %add3A_1303 : i32 to index
      %get3A_1325 = arith.constant 160 : index
      %get3A_1326 = tpu.vector_load %arg16[%get3A_1323, %get3A_1324, %get3A_1325] {strides = array<i32>} : memref<4x104x256xf32, #tpu.memory_space<vmem>>, vector<1x1x16xf32>,
      %get3A_1327 = vector.shape_cast %get3A_1326 : vector<1x1x16xf32> to vector<16xf32>
      %add3A_1328 = arith.addf %add3A_1252, %get3A_1327 : vector<16xf32>
      %mul3A_1329 = arith.mulf %get3A_1327, %get3A_1327 : vector<16xf32>
      %add3A_1330 = arith.addf %add3A_1254, %mul3A_1329 : vector<16xf32>
      %get3A_1331 = arith.constant 0 : i32
      %get3A_1332 = arith.index_cast %get3A_1331 : i32 to index
      %get3A_1333 = arith.index_cast %add3A_1303 : i32 to index
      %get3A_1334 = arith.constant 176 : index
      %get3A_1335 = tpu.vector_load %arg16[%get3A_1332, %get3A_1333, %get3A_1334] {strides = array<i32>} : memref<4x104x256xf32, #tpu.memory_space<vmem>>, vector<1x1x16xf32>,
      %get3A_1336 = vector.shape_cast %get3A_1335 : vector<1x1x16xf32> to vector<16xf32>
      %add3A_1337 = arith.addf %add3A_1261, %get3A_1336 : vector<16xf32>
      %mul3A_1338 = arith.mulf %get3A_1336, %get3A_1336 : vector<16xf32>
      %add3A_1339 = arith.addf %add3A_1263, %mul3A_1338 : vector<16xf32>
      %get3A_1340 = arith.constant 0 : i32
      %get3A_1341 = arith.index_cast %get3A_1340 : i32 to index
      %get3A_1342 = arith.index_cast %add3A_1303 : i32 to index
      %get3A_1343 = arith.constant 192 : index
      %get3A_1344 = tpu.vector_load %arg16[%get3A_1341, %get3A_1342, %get3A_1343] {strides = array<i32>} : memref<4x104x256xf32, #tpu.memory_space<vmem>>, vector<1x1x16xf32>,
      %get3A_1345 = vector.shape_cast %get3A_1344 : vector<1x1x16xf32> to vector<16xf32>
      %add3A_1346 = arith.addf %add3A_1270, %get3A_1345 : vector<16xf32>
      %mul3A_1347 = arith.mulf %get3A_1345, %get3A_1345 : vector<16xf32>
      %add3A_1348 = arith.addf %add3A_1272, %mul3A_1347 : vector<16xf32>
      %get3A_1349 = arith.constant 0 : i32
      %get3A_1350 = arith.index_cast %get3A_1349 : i32 to index
      %get3A_1351 = arith.index_cast %add3A_1303 : i32 to index
      %get3A_1352 = arith.constant 208 : index
      %get3A_1353 = tpu.vector_load %arg16[%get3A_1350, %get3A_1351, %get3A_1352] {strides = array<i32>} : memref<4x104x256xf32, #tpu.memory_space<vmem>>, vector<1x1x16xf32>,
      %get3A_1354 = vector.shape_cast %get3A_1353 : vector<1x1x16xf32> to vector<16xf32>
      %add3A_1355 = arith.addf %add3A_1279, %get3A_1354 : vector<16xf32>
      %mul3A_1356 = arith.mulf %get3A_1354, %get3A_1354 : vector<16xf32>
      %add3A_1357 = arith.addf %add3A_1281, %mul3A_1356 : vector<16xf32>
      %get3A_1358 = arith.constant 0 : i32
      %get3A_1359 = arith.index_cast %get3A_1358 : i32 to index
      %get3A_1360 = arith.index_cast %add3A_1303 : i32 to index
      %get3A_1361 = arith.constant 224 : index
      %get3A_1362 = tpu.vector_load %arg16[%get3A_1359, %get3A_1360, %get3A_1361] {strides = array<i32>} : memref<4x104x256xf32, #tpu.memory_space<vmem>>, vector<1x1x16xf32>,
      %get3A_1363 = vector.shape_cast %get3A_1362 : vector<1x1x16xf32> to vector<16xf32>
      %add3A_1364 = arith.addf %add3A_1288, %get3A_1363 : vector<16xf32>
      %mul3A_1365 = arith.mulf %get3A_1363, %get3A_1363 : vector<16xf32>
      %add3A_1366 = arith.addf %add3A_1290, %mul3A_1365 : vector<16xf32>
      %get3A_1367 = arith.constant 0 : i32
      %get3A_1368 = arith.index_cast %get3A_1367 : i32 to index
      %get3A_1369 = arith.index_cast %add3A_1303 : i32 to index
      %get3A_1370 = arith.constant 240 : index
      %get3A_1371 = tpu.vector_load %arg16[%get3A_1368, %get3A_1369, %get3A_1370] {strides = array<i32>} : memref<4x104x256xf32, #tpu.memory_space<vmem>>, vector<1x1x16xf32>,
      %get3A_1372 = vector.shape_cast %get3A_1371 : vector<1x1x16xf32> to vector<16xf32>
      %add3A_1373 = arith.addf %add3A_1297, %get3A_1372 : vector<16xf32>
      %mul3A_1374 = arith.mulf %get3A_1372, %get3A_1372 : vector<16xf32>
      %add3A_1375 = arith.addf %add3A_1299, %mul3A_1374 : vector<16xf32>
      scf.yield %add3A_1310, %add3A_1319, %add3A_1328, %add3A_1337, %add3A_1346, %add3A_1355, %add3A_1364, %add3A_1373, %add3A_1312, %add3A_1321, %add3A_1330, %add3A_1339, %add3A_1348, %add3A_1357, %add3A_1366, %add3A_1375 : vector<16xf32>, vector<16xf32>, vector<16xf32>, vector<16xf32>, vector<16xf32>, vector<16xf32>, vector<16xf32>, vector<16xf32>, vector<16xf32>, vector<16xf32>, vector<16xf32>, vector<16xf32>, vector<16xf32>, vector<16xf32>, vector<16xf32>, vector<16xf32>
    }
    %scan3A_219 = arith.constant 25 : i32
    %swap3A_220 = arith.constant 0 : i32
    %swap3A_221 = arith.index_cast %swap3A_220 : i32 to index
    %swap3A_222 = arith.constant 128 : index
    %swap3A_223 = tpu.vector_load %arg17[%swap3A_221, %swap3A_222] {strides = array<i32>} : memref<4x256xf32, #tpu.memory_space<vmem>>, vector<1x16xf32>,
    %swap3A_224 = vector.shape_cast %swap3A_223 : vector<1x16xf32> to vector<16xf32>
    %swap3A_225 = vector.shape_cast %scan3A_218#0 : vector<16xf32> to vector<1x16xf32>
    tpu.vector_store %arg17[%swap3A_221, %swap3A_222], %swap3A_225 {strides = array<i32>} : memref<4x256xf32, #tpu.memory_space<vmem>>, vector<1x16xf32>,
    %swap3A_226 = arith.constant 0 : i32
    %swap3A_227 = arith.index_cast %swap3A_226 : i32 to index
    %swap3A_228 = arith.constant 128 : index
    %swap3A_229 = tpu.vector_load %arg18[%swap3A_227, %swap3A_228] {strides = array<i32>} : memref<4x256xf32, #tpu.memory_space<vmem>>, vector<1x16xf32>,
    %swap3A_230 = vector.shape_cast %swap3A_229 : vector<1x16xf32> to vector<16xf32>
    %swap3A_231 = vector.shape_cast %scan3A_218#8 : vector<16xf32> to vector<1x16xf32>
    tpu.vector_store %arg18[%swap3A_227, %swap3A_228], %swap3A_231 {strides = array<i32>} : memref<4x256xf32, #tpu.memory_space<vmem>>, vector<1x16xf32>,
    %swap3A_232 = arith.constant 0 : i32
    %swap3A_233 = arith.index_cast %swap3A_232 : i32 to index
    %swap3A_234 = arith.constant 144 : index
    %swap3A_235 = tpu.vector_load %arg17[%swap3A_233, %swap3A_234] {strides = array<i32>} : memref<4x256xf32, #tpu.memory_space<vmem>>, vector<1x16xf32>,
    %swap3A_236 = vector.shape_cast %swap3A_235 : vector<1x16xf32> to vector<16xf32>
    %swap3A_237 = vector.shape_cast %scan3A_218#1 : vector<16xf32> to vector<1x16xf32>
    tpu.vector_store %arg17[%swap3A_233, %swap3A_234], %swap3A_237 {strides = array<i32>} : memref<4x256xf32, #tpu.memory_space<vmem>>, vector<1x16xf32>,
    %swap3A_238 = arith.constant 0 : i32
    %swap3A_239 = arith.index_cast %swap3A_238 : i32 to index
    %swap3A_240 = arith.constant 144 : index
    %swap3A_241 = tpu.vector_load %arg18[%swap3A_239, %swap3A_240] {strides = array<i32>} : memref<4x256xf32, #tpu.memory_space<vmem>>, vector<1x16xf32>,
    %swap3A_242 = vector.shape_cast %swap3A_241 : vector<1x16xf32> to vector<16xf32>
    %swap3A_243 = vector.shape_cast %scan3A_218#9 : vector<16xf32> to vector<1x16xf32>
    tpu.vector_store %arg18[%swap3A_239, %swap3A_240], %swap3A_243 {strides = array<i32>} : memref<4x256xf32, #tpu.memory_space<vmem>>, vector<1x16xf32>,
    %swap3A_244 = arith.constant 0 : i32
    %swap3A_245 = arith.index_cast %swap3A_244 : i32 to index
    %swap3A_246 = arith.constant 160 : index
    %swap3A_247 = tpu.vector_load %arg17[%swap3A_245, %swap3A_246] {strides = array<i32>} : memref<4x256xf32, #tpu.memory_space<vmem>>, vector<1x16xf32>,
    %swap3A_248 = vector.shape_cast %swap3A_247 : vector<1x16xf32> to vector<16xf32>
    %swap3A_249 = vector.shape_cast %scan3A_218#2 : vector<16xf32> to vector<1x16xf32>
    tpu.vector_store %arg17[%swap3A_245, %swap3A_246], %swap3A_249 {strides = array<i32>} : memref<4x256xf32, #tpu.memory_space<vmem>>, vector<1x16xf32>,
    %swap3A_250 = arith.constant 0 : i32
    %swap3A_251 = arith.index_cast %swap3A_250 : i32 to index
    %swap3A_252 = arith.constant 160 : index
    %swap3A_253 = tpu.vector_load %arg18[%swap3A_251, %swap3A_252] {strides = array<i32>} : memref<4x256xf32, #tpu.memory_space<vmem>>, vector<1x16xf32>,
    %swap3A_254 = vector.shape_cast %swap3A_253 : vector<1x16xf32> to vector<16xf32>
    %swap3A_255 = vector.shape_cast %scan3A_218#10 : vector<16xf32> to vector<1x16xf32>
    tpu.vector_store %arg18[%swap3A_251, %swap3A_252], %swap3A_255 {strides = array<i32>} : memref<4x256xf32, #tpu.memory_space<vmem>>, vector<1x16xf32>,
    %swap3A_256 = arith.constant 0 : i32
    %swap3A_257 = arith.index_cast %swap3A_256 : i32 to index
    %swap3A_258 = arith.constant 176 : index
    %swap3A_259 = tpu.vector_load %arg17[%swap3A_257, %swap3A_258] {strides = array<i32>} : memref<4x256xf32, #tpu.memory_space<vmem>>, vector<1x16xf32>,
    %swap3A_260 = vector.shape_cast %swap3A_259 : vector<1x16xf32> to vector<16xf32>
    %swap3A_261 = vector.shape_cast %scan3A_218#3 : vector<16xf32> to vector<1x16xf32>
    tpu.vector_store %arg17[%swap3A_257, %swap3A_258], %swap3A_261 {strides = array<i32>} : memref<4x256xf32, #tpu.memory_space<vmem>>, vector<1x16xf32>,
    %swap3A_262 = arith.constant 0 : i32
    %swap3A_263 = arith.index_cast %swap3A_262 : i32 to index
    %swap3A_264 = arith.constant 176 : index
    %swap3A_265 = tpu.vector_load %arg18[%swap3A_263, %swap3A_264] {strides = array<i32>} : memref<4x256xf32, #tpu.memory_space<vmem>>, vector<1x16xf32>,
    %swap3A_266 = vector.shape_cast %swap3A_265 : vector<1x16xf32> to vector<16xf32>
    %swap3A_267 = vector.shape_cast %scan3A_218#11 : vector<16xf32> to vector<1x16xf32>
    tpu.vector_store %arg18[%swap3A_263, %swap3A_264], %swap3A_267 {strides = array<i32>} : memref<4x256xf32, #tpu.memory_space<vmem>>, vector<1x16xf32>,
    %swap3A_268 = arith.constant 0 : i32
    %swap3A_269 = arith.index_cast %swap3A_268 : i32 to index
    %swap3A_270 = arith.constant 192 : index
    %swap3A_271 = tpu.vector_load %arg17[%swap3A_269, %swap3A_270] {strides = array<i32>} : memref<4x256xf32, #tpu.memory_space<vmem>>, vector<1x16xf32>,
    %swap3A_272 = vector.shape_cast %swap3A_271 : vector<1x16xf32> to vector<16xf32>
    %swap3A_273 = vector.shape_cast %scan3A_218#4 : vector<16xf32> to vector<1x16xf32>
    tpu.vector_store %arg17[%swap3A_269, %swap3A_270], %swap3A_273 {strides = array<i32>} : memref<4x256xf32, #tpu.memory_space<vmem>>, vector<1x16xf32>,
    %swap3A_274 = arith.constant 0 : i32
    %swap3A_275 = arith.index_cast %swap3A_274 : i32 to index
    %swap3A_276 = arith.constant 192 : index
    %swap3A_277 = tpu.vector_load %arg18[%swap3A_275, %swap3A_276] {strides = array<i32>} : memref<4x256xf32, #tpu.memory_space<vmem>>, vector<1x16xf32>,
    %swap3A_278 = vector.shape_cast %swap3A_277 : vector<1x16xf32> to vector<16xf32>
    %swap3A_279 = vector.shape_cast %scan3A_218#12 : vector<16xf32> to vector<1x16xf32>
    tpu.vector_store %arg18[%swap3A_275, %swap3A_276], %swap3A_279 {strides = array<i32>} : memref<4x256xf32, #tpu.memory_space<vmem>>, vector<1x16xf32>,
    %swap3A_280 = arith.constant 0 : i32
    %swap3A_281 = arith.index_cast %swap3A_280 : i32 to index
    %swap3A_282 = arith.constant 208 : index
    %swap3A_283 = tpu.vector_load %arg17[%swap3A_281, %swap3A_282] {strides = array<i32>} : memref<4x256xf32, #tpu.memory_space<vmem>>, vector<1x16xf32>,
    %swap3A_284 = vector.shape_cast %swap3A_283 : vector<1x16xf32> to vector<16xf32>
    %swap3A_285 = vector.shape_cast %scan3A_218#5 : vector<16xf32> to vector<1x16xf32>
    tpu.vector_store %arg17[%swap3A_281, %swap3A_282], %swap3A_285 {strides = array<i32>} : memref<4x256xf32, #tpu.memory_space<vmem>>, vector<1x16xf32>,
    %swap3A_286 = arith.constant 0 : i32
    %swap3A_287 = arith.index_cast %swap3A_286 : i32 to index
    %swap3A_288 = arith.constant 208 : index
    %swap3A_289 = tpu.vector_load %arg18[%swap3A_287, %swap3A_288] {strides = array<i32>} : memref<4x256xf32, #tpu.memory_space<vmem>>, vector<1x16xf32>,
    %swap3A_290 = vector.shape_cast %swap3A_289 : vector<1x16xf32> to vector<16xf32>
    %swap3A_291 = vector.shape_cast %scan3A_218#13 : vector<16xf32> to vector<1x16xf32>
    tpu.vector_store %arg18[%swap3A_287, %swap3A_288], %swap3A_291 {strides = array<i32>} : memref<4x256xf32, #tpu.memory_space<vmem>>, vector<1x16xf32>,
    %swap3A_292 = arith.constant 0 : i32
    %swap3A_293 = arith.index_cast %swap3A_292 : i32 to index
    %swap3A_294 = arith.constant 224 : index
    %swap3A_295 = tpu.vector_load %arg17[%swap3A_293, %swap3A_294] {strides = array<i32>} : memref<4x256xf32, #tpu.memory_space<vmem>>, vector<1x16xf32>,
    %swap3A_296 = vector.shape_cast %swap3A_295 : vector<1x16xf32> to vector<16xf32>
    %swap3A_297 = vector.shape_cast %scan3A_218#6 : vector<16xf32> to vector<1x16xf32>
    tpu.vector_store %arg17[%swap3A_293, %swap3A_294], %swap3A_297 {strides = array<i32>} : memref<4x256xf32, #tpu.memory_space<vmem>>, vector<1x16xf32>,
    %swap3A_298 = arith.constant 0 : i32
    %swap3A_299 = arith.index_cast %swap3A_298 : i32 to index
    %swap3A_300 = arith.constant 224 : index
    %swap3A_301 = tpu.vector_load %arg18[%swap3A_299, %swap3A_300] {strides = array<i32>} : memref<4x256xf32, #tpu.memory_space<vmem>>, vector<1x16xf32>,
    %swap3A_302 = vector.shape_cast %swap3A_301 : vector<1x16xf32> to vector<16xf32>
    %swap3A_303 = vector.shape_cast %scan3A_218#14 : vector<16xf32> to vector<1x16xf32>
    tpu.vector_store %arg18[%swap3A_299, %swap3A_300], %swap3A_303 {strides = array<i32>} : memref<4x256xf32, #tpu.memory_space<vmem>>, vector<1x16xf32>,
    %swap3A_304 = arith.constant 0 : i32
    %swap3A_305 = arith.index_cast %swap3A_304 : i32 to index
    %swap3A_306 = arith.constant 240 : index
    %swap3A_307 = tpu.vector_load %arg17[%swap3A_305, %swap3A_306] {strides = array<i32>} : memref<4x256xf32, #tpu.memory_space<vmem>>, vector<1x16xf32>,
    %swap3A_308 = vector.shape_cast %swap3A_307 : vector<1x16xf32> to vector<16xf32>
    %swap3A_309 = vector.shape_cast %scan3A_218#7 : vector<16xf32> to vector<1x16xf32>
    tpu.vector_store %arg17[%swap3A_305, %swap3A_306], %swap3A_309 {strides = array<i32>} : memref<4x256xf32, #tpu.memory_space<vmem>>, vector<1x16xf32>,
    %swap3A_310 = arith.constant 0 : i32
    %swap3A_311 = arith.index_cast %swap3A_310 : i32 to index
    %swap3A_312 = arith.constant 240 : index
    %swap3A_313 = tpu.vector_load %arg18[%swap3A_311, %swap3A_312] {strides = array<i32>} : memref<4x256xf32, #tpu.memory_space<vmem>>, vector<1x16xf32>,
    %swap3A_314 = vector.shape_cast %swap3A_313 : vector<1x16xf32> to vector<16xf32>
    %swap3A_315 = vector.shape_cast %scan3A_218#15 : vector<16xf32> to vector<1x16xf32>
    tpu.vector_store %arg18[%swap3A_311, %swap3A_312], %swap3A_315 {strides = array<i32>} : memref<4x256xf32, #tpu.memory_space<vmem>>, vector<1x16xf32>,
    %dma_wait3A_316 = arith.constant 1 : i32
    %dma_wait3A_317 = arith.constant 0 : i32
    %dma_wait3A_318 = arith.constant 0 : i32
    %dma_wait3A_319 = tpu.memref_slice %arg16[%dma_wait3A_316, %dma_wait3A_317, %dma_wait3A_318] : memref<4x104x256xf32, #tpu.memory_space<vmem>> -> memref<1x104x256xf32, #tpu.memory_space<vmem>>
    %dma_wait3A_320 = tpu.memref_squeeze %dma_wait3A_319 : memref<1x104x256xf32, #tpu.memory_space<vmem>> -> memref<104x256xf32, #tpu.memory_space<vmem>>
    %dma_wait3A_321 = arith.constant 0 : i32
    %dma_wait3A_322 = arith.constant 0 : i32
    %dma_wait3A_323 = tpu.memref_slice %arg2[%dma_wait3A_321, %dma_wait3A_322] : memref<10000x256xf32, #tpu.memory_space<hbm>> -> memref<10000x256xf32, #tpu.memory_space<hbm>>
    tpu.wait_indirect_dma semaphore(%arg20 : memref<!tpu.dma_semaphore, #tpu.memory_space<semaphore_mem>>) src(%dma_wait3A_323 : memref<10000x256xf32, #tpu.memory_space<hbm>>) dst(%dma_wait3A_320 : memref<104x256xf32, #tpu.memory_space<vmem>>)
    %broadcast_in_dim3A_324 = arith.constant 0.000000e+00 : f32
    %broadcast_in_dim3A_325 = vector.broadcast %broadcast_in_dim3A_324 : f32 to vector<16xf32>
    %scan3A_326 = arith.constant 0 : i32
    %scan3A_327 = arith.constant 25 : i32
    %scan3A_328 = arith.addi %scan3A_326, %scan3A_327 : i32
    %scan3A_329 = arith.constant 1 : i32
    %scan3A_330:16 = scf.for %scan3A_1056 = %scan3A_326 to %scan3A_328 step %scan3A_329 iter_args(%scan3A_1057 = %broadcast_in_dim3A_325, %scan3A_1058 = %broadcast_in_dim3A_325, %scan3A_1059 = %broadcast_in_dim3A_325, %scan3A_1060 = %broadcast_in_dim3A_325, %scan3A_1061 = %broadcast_in_dim3A_325, %scan3A_1062 = %broadcast_in_dim3A_325, %scan3A_1063 = %broadcast_in_dim3A_325, %scan3A_1064 = %broadcast_in_dim3A_325, %scan3A_1065 = %broadcast_in_dim3A_325, %scan3A_1066 = %broadcast_in_dim3A_325, %scan3A_1067 = %broadcast_in_dim3A_325, %scan3A_1068 = %broadcast_in_dim3A_325, %scan3A_1069 = %broadcast_in_dim3A_325, %scan3A_1070 = %broadcast_in_dim3A_325, %scan3A_1071 = %broadcast_in_dim3A_325, %scan3A_1072 = %broadcast_in_dim3A_325) -> (vector<16xf32>, vector<16xf32>, vector<16xf32>, vector<16xf32>, vector<16xf32>, vector<16xf32>, vector<16xf32>, vector<16xf32>, vector<16xf32>, vector<16xf32>, vector<16xf32>, vector<16xf32>, vector<16xf32>, vector<16xf32>, vector<16xf32>, vector<16xf32>)  : i32 {
      %mul3A_1073 = arith.constant 4 : i32
      %mul3A_1074 = arith.muli %scan3A_1056, %mul3A_1073 : i32
      %add3A_1075 = arith.constant 0 : i32
      %add3A_1076 = arith.addi %mul3A_1074, %add3A_1075 : i32
      %get3A = arith.constant 1 : i32
      %get3A_1077 = arith.index_cast %get3A : i32 to index
      %get3A_1078 = arith.index_cast %add3A_1076 : i32 to index
      %get3A_1079 = arith.constant 0 : index
      %get3A_1080 = tpu.vector_load %arg16[%get3A_1077, %get3A_1078, %get3A_1079] {strides = array<i32>} : memref<4x104x256xf32, #tpu.memory_space<vmem>>, vector<1x1x16xf32>,
      %get3A_1081 = vector.shape_cast %get3A_1080 : vector<1x1x16xf32> to vector<16xf32>
      %add3A_1082 = arith.addf %scan3A_1057, %get3A_1081 : vector<16xf32>
      %mul3A_1083 = arith.mulf %get3A_1081, %get3A_1081 : vector<16xf32>
      %add3A_1084 = arith.addf %scan3A_1065, %mul3A_1083 : vector<16xf32>
      %get3A_1085 = arith.constant 1 : i32
      %get3A_1086 = arith.index_cast %get3A_1085 : i32 to index
      %get3A_1087 = arith.index_cast %add3A_1076 : i32 to index
      %get3A_1088 = arith.constant 16 : index
      %get3A_1089 = tpu.vector_load %arg16[%get3A_1086, %get3A_1087, %get3A_1088] {strides = array<i32>} : memref<4x104x256xf32, #tpu.memory_space<vmem>>, vector<1x1x16xf32>,
      %get3A_1090 = vector.shape_cast %get3A_1089 : vector<1x1x16xf32> to vector<16xf32>
      %add3A_1091 = arith.addf %scan3A_1058, %get3A_1090 : vector<16xf32>
      %mul3A_1092 = arith.mulf %get3A_1090, %get3A_1090 : vector<16xf32>
      %add3A_1093 = arith.addf %scan3A_1066, %mul3A_1092 : vector<16xf32>
      %get3A_1094 = arith.constant 1 : i32
      %get3A_1095 = arith.index_cast %get3A_1094 : i32 to index
      %get3A_1096 = arith.index_cast %add3A_1076 : i32 to index
      %get3A_1097 = arith.constant 32 : index
      %get3A_1098 = tpu.vector_load %arg16[%get3A_1095, %get3A_1096, %get3A_1097] {strides = array<i32>} : memref<4x104x256xf32, #tpu.memory_space<vmem>>, vector<1x1x16xf32>,
      %get3A_1099 = vector.shape_cast %get3A_1098 : vector<1x1x16xf32> to vector<16xf32>
      %add3A_1100 = arith.addf %scan3A_1059, %get3A_1099 : vector<16xf32>
      %mul3A_1101 = arith.mulf %get3A_1099, %get3A_1099 : vector<16xf32>
      %add3A_1102 = arith.addf %scan3A_1067, %mul3A_1101 : vector<16xf32>
      %get3A_1103 = arith.constant 1 : i32
      %get3A_1104 = arith.index_cast %get3A_1103 : i32 to index
      %get3A_1105 = arith.index_cast %add3A_1076 : i32 to index
      %get3A_1106 = arith.constant 48 : index
      %get3A_1107 = tpu.vector_load %arg16[%get3A_1104, %get3A_1105, %get3A_1106] {strides = array<i32>} : memref<4x104x256xf32, #tpu.memory_space<vmem>>, vector<1x1x16xf32>,
      %get3A_1108 = vector.shape_cast %get3A_1107 : vector<1x1x16xf32> to vector<16xf32>
      %add3A_1109 = arith.addf %scan3A_1060, %get3A_1108 : vector<16xf32>
      %mul3A_1110 = arith.mulf %get3A_1108, %get3A_1108 : vector<16xf32>
      %add3A_1111 = arith.addf %scan3A_1068, %mul3A_1110 : vector<16xf32>
      %get3A_1112 = arith.constant 1 : i32
      %get3A_1113 = arith.index_cast %get3A_1112 : i32 to index
      %get3A_1114 = arith.index_cast %add3A_1076 : i32 to index
      %get3A_1115 = arith.constant 64 : index
      %get3A_1116 = tpu.vector_load %arg16[%get3A_1113, %get3A_1114, %get3A_1115] {strides = array<i32>} : memref<4x104x256xf32, #tpu.memory_space<vmem>>, vector<1x1x16xf32>,
      %get3A_1117 = vector.shape_cast %get3A_1116 : vector<1x1x16xf32> to vector<16xf32>
      %add3A_1118 = arith.addf %scan3A_1061, %get3A_1117 : vector<16xf32>
      %mul3A_1119 = arith.mulf %get3A_1117, %get3A_1117 : vector<16xf32>
      %add3A_1120 = arith.addf %scan3A_1069, %mul3A_1119 : vector<16xf32>
      %get3A_1121 = arith.constant 1 : i32
      %get3A_1122 = arith.index_cast %get3A_1121 : i32 to index
      %get3A_1123 = arith.index_cast %add3A_1076 : i32 to index
      %get3A_1124 = arith.constant 80 : index
      %get3A_1125 = tpu.vector_load %arg16[%get3A_1122, %get3A_1123, %get3A_1124] {strides = array<i32>} : memref<4x104x256xf32, #tpu.memory_space<vmem>>, vector<1x1x16xf32>,
      %get3A_1126 = vector.shape_cast %get3A_1125 : vector<1x1x16xf32> to vector<16xf32>
      %add3A_1127 = arith.addf %scan3A_1062, %get3A_1126 : vector<16xf32>
      %mul3A_1128 = arith.mulf %get3A_1126, %get3A_1126 : vector<16xf32>
      %add3A_1129 = arith.addf %scan3A_1070, %mul3A_1128 : vector<16xf32>
      %get3A_1130 = arith.constant 1 : i32
      %get3A_1131 = arith.index_cast %get3A_1130 : i32 to index
      %get3A_1132 = arith.index_cast %add3A_1076 : i32 to index
      %get3A_1133 = arith.constant 96 : index
      %get3A_1134 = tpu.vector_load %arg16[%get3A_1131, %get3A_1132, %get3A_1133] {strides = array<i32>} : memref<4x104x256xf32, #tpu.memory_space<vmem>>, vector<1x1x16xf32>,
      %get3A_1135 = vector.shape_cast %get3A_1134 : vector<1x1x16xf32> to vector<16xf32>
      %add3A_1136 = arith.addf %scan3A_1063, %get3A_1135 : vector<16xf32>
      %mul3A_1137 = arith.mulf %get3A_1135, %get3A_1135 : vector<16xf32>
      %add3A_1138 = arith.addf %scan3A_1071, %mul3A_1137 : vector<16xf32>
      %get3A_1139 = arith.constant 1 : i32
      %get3A_1140 = arith.index_cast %get3A_1139 : i32 to index
      %get3A_1141 = arith.index_cast %add3A_1076 : i32 to index
      %get3A_1142 = arith.constant 112 : index
      %get3A_1143 = tpu.vector_load %arg16[%get3A_1140, %get3A_1141, %get3A_1142] {strides = array<i32>} : memref<4x104x256xf32, #tpu.memory_space<vmem>>, vector<1x1x16xf32>,
      %get3A_1144 = vector.shape_cast %get3A_1143 : vector<1x1x16xf32> to vector<16xf32>
      %add3A_1145 = arith.addf %scan3A_1064, %get3A_1144 : vector<16xf32>
      %mul3A_1146 = arith.mulf %get3A_1144, %get3A_1144 : vector<16xf32>
      %add3A_1147 = arith.addf %scan3A_1072, %mul3A_1146 : vector<16xf32>
      %mul3A_1148 = arith.constant 4 : i32
      %mul3A_1149 = arith.muli %scan3A_1056, %mul3A_1148 : i32
      %add3A_1150 = arith.constant 1 : i32
      %add3A_1151 = arith.addi %mul3A_1149, %add3A_1150 : i32
      %get3A_1152 = arith.constant 1 : i32
      %get3A_1153 = arith.index_cast %get3A_1152 : i32 to index
      %get3A_1154 = arith.index_cast %add3A_1151 : i32 to index
      %get3A_1155 = arith.constant 0 : index
      %get3A_1156 = tpu.vector_load %arg16[%get3A_1153, %get3A_1154, %get3A_1155] {strides = array<i32>} : memref<4x104x256xf32, #tpu.memory_space<vmem>>, vector<1x1x16xf32>,
      %get3A_1157 = vector.shape_cast %get3A_1156 : vector<1x1x16xf32> to vector<16xf32>
      %add3A_1158 = arith.addf %add3A_1082, %get3A_1157 : vector<16xf32>
      %mul3A_1159 = arith.mulf %get3A_1157, %get3A_1157 : vector<16xf32>
      %add3A_1160 = arith.addf %add3A_1084, %mul3A_1159 : vector<16xf32>
      %get3A_1161 = arith.constant 1 : i32
      %get3A_1162 = arith.index_cast %get3A_1161 : i32 to index
      %get3A_1163 = arith.index_cast %add3A_1151 : i32 to index
      %get3A_1164 = arith.constant 16 : index
      %get3A_1165 = tpu.vector_load %arg16[%get3A_1162, %get3A_1163, %get3A_1164] {strides = array<i32>} : memref<4x104x256xf32, #tpu.memory_space<vmem>>, vector<1x1x16xf32>,
      %get3A_1166 = vector.shape_cast %get3A_1165 : vector<1x1x16xf32> to vector<16xf32>
      %add3A_1167 = arith.addf %add3A_1091, %get3A_1166 : vector<16xf32>
      %mul3A_1168 = arith.mulf %get3A_1166, %get3A_1166 : vector<16xf32>
      %add3A_1169 = arith.addf %add3A_1093, %mul3A_1168 : vector<16xf32>
      %get3A_1170 = arith.constant 1 : i32
      %get3A_1171 = arith.index_cast %get3A_1170 : i32 to index
      %get3A_1172 = arith.index_cast %add3A_1151 : i32 to index
      %get3A_1173 = arith.constant 32 : index
      %get3A_1174 = tpu.vector_load %arg16[%get3A_1171, %get3A_1172, %get3A_1173] {strides = array<i32>} : memref<4x104x256xf32, #tpu.memory_space<vmem>>, vector<1x1x16xf32>,
      %get3A_1175 = vector.shape_cast %get3A_1174 : vector<1x1x16xf32> to vector<16xf32>
      %add3A_1176 = arith.addf %add3A_1100, %get3A_1175 : vector<16xf32>
      %mul3A_1177 = arith.mulf %get3A_1175, %get3A_1175 : vector<16xf32>
      %add3A_1178 = arith.addf %add3A_1102, %mul3A_1177 : vector<16xf32>
      %get3A_1179 = arith.constant 1 : i32
      %get3A_1180 = arith.index_cast %get3A_1179 : i32 to index
      %get3A_1181 = arith.index_cast %add3A_1151 : i32 to index
      %get3A_1182 = arith.constant 48 : index
      %get3A_1183 = tpu.vector_load %arg16[%get3A_1180, %get3A_1181, %get3A_1182] {strides = array<i32>} : memref<4x104x256xf32, #tpu.memory_space<vmem>>, vector<1x1x16xf32>,
      %get3A_1184 = vector.shape_cast %get3A_1183 : vector<1x1x16xf32> to vector<16xf32>
      %add3A_1185 = arith.addf %add3A_1109, %get3A_1184 : vector<16xf32>
      %mul3A_1186 = arith.mulf %get3A_1184, %get3A_1184 : vector<16xf32>
      %add3A_1187 = arith.addf %add3A_1111, %mul3A_1186 : vector<16xf32>
      %get3A_1188 = arith.constant 1 : i32
      %get3A_1189 = arith.index_cast %get3A_1188 : i32 to index
      %get3A_1190 = arith.index_cast %add3A_1151 : i32 to index
      %get3A_1191 = arith.constant 64 : index
      %get3A_1192 = tpu.vector_load %arg16[%get3A_1189, %get3A_1190, %get3A_1191] {strides = array<i32>} : memref<4x104x256xf32, #tpu.memory_space<vmem>>, vector<1x1x16xf32>,
      %get3A_1193 = vector.shape_cast %get3A_1192 : vector<1x1x16xf32> to vector<16xf32>
      %add3A_1194 = arith.addf %add3A_1118, %get3A_1193 : vector<16xf32>
      %mul3A_1195 = arith.mulf %get3A_1193, %get3A_1193 : vector<16xf32>
      %add3A_1196 = arith.addf %add3A_1120, %mul3A_1195 : vector<16xf32>
      %get3A_1197 = arith.constant 1 : i32
      %get3A_1198 = arith.index_cast %get3A_1197 : i32 to index
      %get3A_1199 = arith.index_cast %add3A_1151 : i32 to index
      %get3A_1200 = arith.constant 80 : index
      %get3A_1201 = tpu.vector_load %arg16[%get3A_1198, %get3A_1199, %get3A_1200] {strides = array<i32>} : memref<4x104x256xf32, #tpu.memory_space<vmem>>, vector<1x1x16xf32>,
      %get3A_1202 = vector.shape_cast %get3A_1201 : vector<1x1x16xf32> to vector<16xf32>
      %add3A_1203 = arith.addf %add3A_1127, %get3A_1202 : vector<16xf32>
      %mul3A_1204 = arith.mulf %get3A_1202, %get3A_1202 : vector<16xf32>
      %add3A_1205 = arith.addf %add3A_1129, %mul3A_1204 : vector<16xf32>
      %get3A_1206 = arith.constant 1 : i32
      %get3A_1207 = arith.index_cast %get3A_1206 : i32 to index
      %get3A_1208 = arith.index_cast %add3A_1151 : i32 to index
      %get3A_1209 = arith.constant 96 : index
      %get3A_1210 = tpu.vector_load %arg16[%get3A_1207, %get3A_1208, %get3A_1209] {strides = array<i32>} : memref<4x104x256xf32, #tpu.memory_space<vmem>>, vector<1x1x16xf32>,
      %get3A_1211 = vector.shape_cast %get3A_1210 : vector<1x1x16xf32> to vector<16xf32>
      %add3A_1212 = arith.addf %add3A_1136, %get3A_1211 : vector<16xf32>
      %mul3A_1213 = arith.mulf %get3A_1211, %get3A_1211 : vector<16xf32>
      %add3A_1214 = arith.addf %add3A_1138, %mul3A_1213 : vector<16xf32>
      %get3A_1215 = arith.constant 1 : i32
      %get3A_1216 = arith.index_cast %get3A_1215 : i32 to index
      %get3A_1217 = arith.index_cast %add3A_1151 : i32 to index
      %get3A_1218 = arith.constant 112 : index
      %get3A_1219 = tpu.vector_load %arg16[%get3A_1216, %get3A_1217, %get3A_1218] {strides = array<i32>} : memref<4x104x256xf32, #tpu.memory_space<vmem>>, vector<1x1x16xf32>,
      %get3A_1220 = vector.shape_cast %get3A_1219 : vector<1x1x16xf32> to vector<16xf32>
      %add3A_1221 = arith.addf %add3A_1145, %get3A_1220 : vector<16xf32>
      %mul3A_1222 = arith.mulf %get3A_1220, %get3A_1220 : vector<16xf32>
      %add3A_1223 = arith.addf %add3A_1147, %mul3A_1222 : vector<16xf32>
      %mul3A_1224 = arith.constant 4 : i32
      %mul3A_1225 = arith.muli %scan3A_1056, %mul3A_1224 : i32
      %add3A_1226 = arith.constant 2 : i32
      %add3A_1227 = arith.addi %mul3A_1225, %add3A_1226 : i32
      %get3A_1228 = arith.constant 1 : i32
      %get3A_1229 = arith.index_cast %get3A_1228 : i32 to index
      %get3A_1230 = arith.index_cast %add3A_1227 : i32 to index
      %get3A_1231 = arith.constant 0 : index
      %get3A_1232 = tpu.vector_load %arg16[%get3A_1229, %get3A_1230, %get3A_1231] {strides = array<i32>} : memref<4x104x256xf32, #tpu.memory_space<vmem>>, vector<1x1x16xf32>,
      %get3A_1233 = vector.shape_cast %get3A_1232 : vector<1x1x16xf32> to vector<16xf32>
      %add3A_1234 = arith.addf %add3A_1158, %get3A_1233 : vector<16xf32>
      %mul3A_1235 = arith.mulf %get3A_1233, %get3A_1233 : vector<16xf32>
      %add3A_1236 = arith.addf %add3A_1160, %mul3A_1235 : vector<16xf32>
      %get3A_1237 = arith.constant 1 : i32
      %get3A_1238 = arith.index_cast %get3A_1237 : i32 to index
      %get3A_1239 = arith.index_cast %add3A_1227 : i32 to index
      %get3A_1240 = arith.constant 16 : index
      %get3A_1241 = tpu.vector_load %arg16[%get3A_1238, %get3A_1239, %get3A_1240] {strides = array<i32>} : memref<4x104x256xf32, #tpu.memory_space<vmem>>, vector<1x1x16xf32>,
      %get3A_1242 = vector.shape_cast %get3A_1241 : vector<1x1x16xf32> to vector<16xf32>
      %add3A_1243 = arith.addf %add3A_1167, %get3A_1242 : vector<16xf32>
      %mul3A_1244 = arith.mulf %get3A_1242, %get3A_1242 : vector<16xf32>
      %add3A_1245 = arith.addf %add3A_1169, %mul3A_1244 : vector<16xf32>
      %get3A_1246 = arith.constant 1 : i32
      %get3A_1247 = arith.index_cast %get3A_1246 : i32 to index
      %get3A_1248 = arith.index_cast %add3A_1227 : i32 to index
      %get3A_1249 = arith.constant 32 : index
      %get3A_1250 = tpu.vector_load %arg16[%get3A_1247, %get3A_1248, %get3A_1249] {strides = array<i32>} : memref<4x104x256xf32, #tpu.memory_space<vmem>>, vector<1x1x16xf32>,
      %get3A_1251 = vector.shape_cast %get3A_1250 : vector<1x1x16xf32> to vector<16xf32>
      %add3A_1252 = arith.addf %add3A_1176, %get3A_1251 : vector<16xf32>
      %mul3A_1253 = arith.mulf %get3A_1251, %get3A_1251 : vector<16xf32>
      %add3A_1254 = arith.addf %add3A_1178, %mul3A_1253 : vector<16xf32>
      %get3A_1255 = arith.constant 1 : i32
      %get3A_1256 = arith.index_cast %get3A_1255 : i32 to index
      %get3A_1257 = arith.index_cast %add3A_1227 : i32 to index
      %get3A_1258 = arith.constant 48 : index
      %get3A_1259 = tpu.vector_load %arg16[%get3A_1256, %get3A_1257, %get3A_1258] {strides = array<i32>} : memref<4x104x256xf32, #tpu.memory_space<vmem>>, vector<1x1x16xf32>,
      %get3A_1260 = vector.shape_cast %get3A_1259 : vector<1x1x16xf32> to vector<16xf32>
      %add3A_1261 = arith.addf %add3A_1185, %get3A_1260 : vector<16xf32>
      %mul3A_1262 = arith.mulf %get3A_1260, %get3A_1260 : vector<16xf32>
      %add3A_1263 = arith.addf %add3A_1187, %mul3A_1262 : vector<16xf32>
      %get3A_1264 = arith.constant 1 : i32
      %get3A_1265 = arith.index_cast %get3A_1264 : i32 to index
      %get3A_1266 = arith.index_cast %add3A_1227 : i32 to index
      %get3A_1267 = arith.constant 64 : index
      %get3A_1268 = tpu.vector_load %arg16[%get3A_1265, %get3A_1266, %get3A_1267] {strides = array<i32>} : memref<4x104x256xf32, #tpu.memory_space<vmem>>, vector<1x1x16xf32>,
      %get3A_1269 = vector.shape_cast %get3A_1268 : vector<1x1x16xf32> to vector<16xf32>
      %add3A_1270 = arith.addf %add3A_1194, %get3A_1269 : vector<16xf32>
      %mul3A_1271 = arith.mulf %get3A_1269, %get3A_1269 : vector<16xf32>
      %add3A_1272 = arith.addf %add3A_1196, %mul3A_1271 : vector<16xf32>
      %get3A_1273 = arith.constant 1 : i32
      %get3A_1274 = arith.index_cast %get3A_1273 : i32 to index
      %get3A_1275 = arith.index_cast %add3A_1227 : i32 to index
      %get3A_1276 = arith.constant 80 : index
      %get3A_1277 = tpu.vector_load %arg16[%get3A_1274, %get3A_1275, %get3A_1276] {strides = array<i32>} : memref<4x104x256xf32, #tpu.memory_space<vmem>>, vector<1x1x16xf32>,
      %get3A_1278 = vector.shape_cast %get3A_1277 : vector<1x1x16xf32> to vector<16xf32>
      %add3A_1279 = arith.addf %add3A_1203, %get3A_1278 : vector<16xf32>
      %mul3A_1280 = arith.mulf %get3A_1278, %get3A_1278 : vector<16xf32>
      %add3A_1281 = arith.addf %add3A_1205, %mul3A_1280 : vector<16xf32>
      %get3A_1282 = arith.constant 1 : i32
      %get3A_1283 = arith.index_cast %get3A_1282 : i32 to index
      %get3A_1284 = arith.index_cast %add3A_1227 : i32 to index
      %get3A_1285 = arith.constant 96 : index
      %get3A_1286 = tpu.vector_load %arg16[%get3A_1283, %get3A_1284, %get3A_1285] {strides = array<i32>} : memref<4x104x256xf32, #tpu.memory_space<vmem>>, vector<1x1x16xf32>,
      %get3A_1287 = vector.shape_cast %get3A_1286 : vector<1x1x16xf32> to vector<16xf32>
      %add3A_1288 = arith.addf %add3A_1212, %get3A_1287 : vector<16xf32>
      %mul3A_1289 = arith.mulf %get3A_1287, %get3A_1287 : vector<16xf32>
      %add3A_1290 = arith.addf %add3A_1214, %mul3A_1289 : vector<16xf32>
      %get3A_1291 = arith.constant 1 : i32
      %get3A_1292 = arith.index_cast %get3A_1291 : i32 to index
      %get3A_1293 = arith.index_cast %add3A_1227 : i32 to index
      %get3A_1294 = arith.constant 112 : index
      %get3A_1295 = tpu.vector_load %arg16[%get3A_1292, %get3A_1293, %get3A_1294] {strides = array<i32>} : memref<4x104x256xf32, #tpu.memory_space<vmem>>, vector<1x1x16xf32>,
      %get3A_1296 = vector.shape_cast %get3A_1295 : vector<1x1x16xf32> to vector<16xf32>
      %add3A_1297 = arith.addf %add3A_1221, %get3A_1296 : vector<16xf32>
      %mul3A_1298 = arith.mulf %get3A_1296, %get3A_1296 : vector<16xf32>
      %add3A_1299 = arith.addf %add3A_1223, %mul3A_1298 : vector<16xf32>
      %mul3A_1300 = arith.constant 4 : i32
      %mul3A_1301 = arith.muli %scan3A_1056, %mul3A_1300 : i32
      %add3A_1302 = arith.constant 3 : i32
      %add3A_1303 = arith.addi %mul3A_1301, %add3A_1302 : i32
      %get3A_1304 = arith.constant 1 : i32
      %get3A_1305 = arith.index_cast %get3A_1304 : i32 to index
      %get3A_1306 = arith.index_cast %add3A_1303 : i32 to index
      %get3A_1307 = arith.constant 0 : index
      %get3A_1308 = tpu.vector_load %arg16[%get3A_1305, %get3A_1306, %get3A_1307] {strides = array<i32>} : memref<4x104x256xf32, #tpu.memory_space<vmem>>, vector<1x1x16xf32>,
      %get3A_1309 = vector.shape_cast %get3A_1308 : vector<1x1x16xf32> to vector<16xf32>
      %add3A_1310 = arith.addf %add3A_1234, %get3A_1309 : vector<16xf32>
      %mul3A_1311 = arith.mulf %get3A_1309, %get3A_1309 : vector<16xf32>
      %add3A_1312 = arith.addf %add3A_1236, %mul3A_1311 : vector<16xf32>
      %get3A_1313 = arith.constant 1 : i32
      %get3A_1314 = arith.index_cast %get3A_1313 : i32 to index
      %get3A_1315 = arith.index_cast %add3A_1303 : i32 to index
      %get3A_1316 = arith.constant 16 : index
      %get3A_1317 = tpu.vector_load %arg16[%get3A_1314, %get3A_1315, %get3A_1316] {strides = array<i32>} : memref<4x104x256xf32, #tpu.memory_space<vmem>>, vector<1x1x16xf32>,
      %get3A_1318 = vector.shape_cast %get3A_1317 : vector<1x1x16xf32> to vector<16xf32>
      %add3A_1319 = arith.addf %add3A_1243, %get3A_1318 : vector<16xf32>
      %mul3A_1320 = arith.mulf %get3A_1318, %get3A_1318 : vector<16xf32>
      %add3A_1321 = arith.addf %add3A_1245, %mul3A_1320 : vector<16xf32>
      %get3A_1322 = arith.constant 1 : i32
      %get3A_1323 = arith.index_cast %get3A_1322 : i32 to index
      %get3A_1324 = arith.index_cast %add3A_1303 : i32 to index
      %get3A_1325 = arith.constant 32 : index
      %get3A_1326 = tpu.vector_load %arg16[%get3A_1323, %get3A_1324, %get3A_1325] {strides = array<i32>} : memref<4x104x256xf32, #tpu.memory_space<vmem>>, vector<1x1x16xf32>,
      %get3A_1327 = vector.shape_cast %get3A_1326 : vector<1x1x16xf32> to vector<16xf32>
      %add3A_1328 = arith.addf %add3A_1252, %get3A_1327 : vector<16xf32>
      %mul3A_1329 = arith.mulf %get3A_1327, %get3A_1327 : vector<16xf32>
      %add3A_1330 = arith.addf %add3A_1254, %mul3A_1329 : vector<16xf32>
      %get3A_1331 = arith.constant 1 : i32
      %get3A_1332 = arith.index_cast %get3A_1331 : i32 to index
      %get3A_1333 = arith.index_cast %add3A_1303 : i32 to index
      %get3A_1334 = arith.constant 48 : index
      %get3A_1335 = tpu.vector_load %arg16[%get3A_1332, %get3A_1333, %get3A_1334] {strides = array<i32>} : memref<4x104x256xf32, #tpu.memory_space<vmem>>, vector<1x1x16xf32>,
      %get3A_1336 = vector.shape_cast %get3A_1335 : vector<1x1x16xf32> to vector<16xf32>
      %add3A_1337 = arith.addf %add3A_1261, %get3A_1336 : vector<16xf32>
      %mul3A_1338 = arith.mulf %get3A_1336, %get3A_1336 : vector<16xf32>
      %add3A_1339 = arith.addf %add3A_1263, %mul3A_1338 : vector<16xf32>
      %get3A_1340 = arith.constant 1 : i32
      %get3A_1341 = arith.index_cast %get3A_1340 : i32 to index
      %get3A_1342 = arith.index_cast %add3A_1303 : i32 to index
      %get3A_1343 = arith.constant 64 : index
      %get3A_1344 = tpu.vector_load %arg16[%get3A_1341, %get3A_1342, %get3A_1343] {strides = array<i32>} : memref<4x104x256xf32, #tpu.memory_space<vmem>>, vector<1x1x16xf32>,
      %get3A_1345 = vector.shape_cast %get3A_1344 : vector<1x1x16xf32> to vector<16xf32>
      %add3A_1346 = arith.addf %add3A_1270, %get3A_1345 : vector<16xf32>
      %mul3A_1347 = arith.mulf %get3A_1345, %get3A_1345 : vector<16xf32>
      %add3A_1348 = arith.addf %add3A_1272, %mul3A_1347 : vector<16xf32>
      %get3A_1349 = arith.constant 1 : i32
      %get3A_1350 = arith.index_cast %get3A_1349 : i32 to index
      %get3A_1351 = arith.index_cast %add3A_1303 : i32 to index
      %get3A_1352 = arith.constant 80 : index
      %get3A_1353 = tpu.vector_load %arg16[%get3A_1350, %get3A_1351, %get3A_1352] {strides = array<i32>} : memref<4x104x256xf32, #tpu.memory_space<vmem>>, vector<1x1x16xf32>,
      %get3A_1354 = vector.shape_cast %get3A_1353 : vector<1x1x16xf32> to vector<16xf32>
      %add3A_1355 = arith.addf %add3A_1279, %get3A_1354 : vector<16xf32>
      %mul3A_1356 = arith.mulf %get3A_1354, %get3A_1354 : vector<16xf32>
      %add3A_1357 = arith.addf %add3A_1281, %mul3A_1356 : vector<16xf32>
      %get3A_1358 = arith.constant 1 : i32
      %get3A_1359 = arith.index_cast %get3A_1358 : i32 to index
      %get3A_1360 = arith.index_cast %add3A_1303 : i32 to index
      %get3A_1361 = arith.constant 96 : index
      %get3A_1362 = tpu.vector_load %arg16[%get3A_1359, %get3A_1360, %get3A_1361] {strides = array<i32>} : memref<4x104x256xf32, #tpu.memory_space<vmem>>, vector<1x1x16xf32>,
      %get3A_1363 = vector.shape_cast %get3A_1362 : vector<1x1x16xf32> to vector<16xf32>
      %add3A_1364 = arith.addf %add3A_1288, %get3A_1363 : vector<16xf32>
      %mul3A_1365 = arith.mulf %get3A_1363, %get3A_1363 : vector<16xf32>
      %add3A_1366 = arith.addf %add3A_1290, %mul3A_1365 : vector<16xf32>
      %get3A_1367 = arith.constant 1 : i32
      %get3A_1368 = arith.index_cast %get3A_1367 : i32 to index
      %get3A_1369 = arith.index_cast %add3A_1303 : i32 to index
      %get3A_1370 = arith.constant 112 : index
      %get3A_1371 = tpu.vector_load %arg16[%get3A_1368, %get3A_1369, %get3A_1370] {strides = array<i32>} : memref<4x104x256xf32, #tpu.memory_space<vmem>>, vector<1x1x16xf32>,
      %get3A_1372 = vector.shape_cast %get3A_1371 : vector<1x1x16xf32> to vector<16xf32>
      %add3A_1373 = arith.addf %add3A_1297, %get3A_1372 : vector<16xf32>
      %mul3A_1374 = arith.mulf %get3A_1372, %get3A_1372 : vector<16xf32>
      %add3A_1375 = arith.addf %add3A_1299, %mul3A_1374 : vector<16xf32>
      scf.yield %add3A_1310, %add3A_1319, %add3A_1328, %add3A_1337, %add3A_1346, %add3A_1355, %add3A_1364, %add3A_1373, %add3A_1312, %add3A_1321, %add3A_1330, %add3A_1339, %add3A_1348, %add3A_1357, %add3A_1366, %add3A_1375 : vector<16xf32>, vector<16xf32>, vector<16xf32>, vector<16xf32>, vector<16xf32>, vector<16xf32>, vector<16xf32>, vector<16xf32>, vector<16xf32>, vector<16xf32>, vector<16xf32>, vector<16xf32>, vector<16xf32>, vector<16xf32>, vector<16xf32>, vector<16xf32>
    }
    %scan3A_331 = arith.constant 25 : i32
    %swap3A_332 = arith.constant 1 : i32
    %swap3A_333 = arith.index_cast %swap3A_332 : i32 to index
    %swap3A_334 = arith.constant 0 : index
    %swap3A_335 = tpu.vector_load %arg17[%swap3A_333, %swap3A_334] {strides = array<i32>} : memref<4x256xf32, #tpu.memory_space<vmem>>, vector<1x16xf32>,
    %swap3A_336 = vector.shape_cast %swap3A_335 : vector<1x16xf32> to vector<16xf32>
    %swap3A_337 = vector.shape_cast %scan3A_330#0 : vector<16xf32> to vector<1x16xf32>
    tpu.vector_store %arg17[%swap3A_333, %swap3A_334], %swap3A_337 {strides = array<i32>} : memref<4x256xf32, #tpu.memory_space<vmem>>, vector<1x16xf32>,
    %swap3A_338 = arith.constant 1 : i32
    %swap3A_339 = arith.index_cast %swap3A_338 : i32 to index
    %swap3A_340 = arith.constant 0 : index
    %swap3A_341 = tpu.vector_load %arg18[%swap3A_339, %swap3A_340] {strides = array<i32>} : memref<4x256xf32, #tpu.memory_space<vmem>>, vector<1x16xf32>,
    %swap3A_342 = vector.shape_cast %swap3A_341 : vector<1x16xf32> to vector<16xf32>
    %swap3A_343 = vector.shape_cast %scan3A_330#8 : vector<16xf32> to vector<1x16xf32>
    tpu.vector_store %arg18[%swap3A_339, %swap3A_340], %swap3A_343 {strides = array<i32>} : memref<4x256xf32, #tpu.memory_space<vmem>>, vector<1x16xf32>,
    %swap3A_344 = arith.constant 1 : i32
    %swap3A_345 = arith.index_cast %swap3A_344 : i32 to index
    %swap3A_346 = arith.constant 16 : index
    %swap3A_347 = tpu.vector_load %arg17[%swap3A_345, %swap3A_346] {strides = array<i32>} : memref<4x256xf32, #tpu.memory_space<vmem>>, vector<1x16xf32>,
    %swap3A_348 = vector.shape_cast %swap3A_347 : vector<1x16xf32> to vector<16xf32>
    %swap3A_349 = vector.shape_cast %scan3A_330#1 : vector<16xf32> to vector<1x16xf32>
    tpu.vector_store %arg17[%swap3A_345, %swap3A_346], %swap3A_349 {strides = array<i32>} : memref<4x256xf32, #tpu.memory_space<vmem>>, vector<1x16xf32>,
    %swap3A_350 = arith.constant 1 : i32
    %swap3A_351 = arith.index_cast %swap3A_350 : i32 to index
    %swap3A_352 = arith.constant 16 : index
    %swap3A_353 = tpu.vector_load %arg18[%swap3A_351, %swap3A_352] {strides = array<i32>} : memref<4x256xf32, #tpu.memory_space<vmem>>, vector<1x16xf32>,
    %swap3A_354 = vector.shape_cast %swap3A_353 : vector<1x16xf32> to vector<16xf32>
    %swap3A_355 = vector.shape_cast %scan3A_330#9 : vector<16xf32> to vector<1x16xf32>
    tpu.vector_store %arg18[%swap3A_351, %swap3A_352], %swap3A_355 {strides = array<i32>} : memref<4x256xf32, #tpu.memory_space<vmem>>, vector<1x16xf32>,
    %swap3A_356 = arith.constant 1 : i32
    %swap3A_357 = arith.index_cast %swap3A_356 : i32 to index
    %swap3A_358 = arith.constant 32 : index
    %swap3A_359 = tpu.vector_load %arg17[%swap3A_357, %swap3A_358] {strides = array<i32>} : memref<4x256xf32, #tpu.memory_space<vmem>>, vector<1x16xf32>,
    %swap3A_360 = vector.shape_cast %swap3A_359 : vector<1x16xf32> to vector<16xf32>
    %swap3A_361 = vector.shape_cast %scan3A_330#2 : vector<16xf32> to vector<1x16xf32>
    tpu.vector_store %arg17[%swap3A_357, %swap3A_358], %swap3A_361 {strides = array<i32>} : memref<4x256xf32, #tpu.memory_space<vmem>>, vector<1x16xf32>,
    %swap3A_362 = arith.constant 1 : i32
    %swap3A_363 = arith.index_cast %swap3A_362 : i32 to index
    %swap3A_364 = arith.constant 32 : index
    %swap3A_365 = tpu.vector_load %arg18[%swap3A_363, %swap3A_364] {strides = array<i32>} : memref<4x256xf32, #tpu.memory_space<vmem>>, vector<1x16xf32>,
    %swap3A_366 = vector.shape_cast %swap3A_365 : vector<1x16xf32> to vector<16xf32>
    %swap3A_367 = vector.shape_cast %scan3A_330#10 : vector<16xf32> to vector<1x16xf32>
    tpu.vector_store %arg18[%swap3A_363, %swap3A_364], %swap3A_367 {strides = array<i32>} : memref<4x256xf32, #tpu.memory_space<vmem>>, vector<1x16xf32>,
    %swap3A_368 = arith.constant 1 : i32
    %swap3A_369 = arith.index_cast %swap3A_368 : i32 to index
    %swap3A_370 = arith.constant 48 : index
    %swap3A_371 = tpu.vector_load %arg17[%swap3A_369, %swap3A_370] {strides = array<i32>} : memref<4x256xf32, #tpu.memory_space<vmem>>, vector<1x16xf32>,
    %swap3A_372 = vector.shape_cast %swap3A_371 : vector<1x16xf32> to vector<16xf32>
    %swap3A_373 = vector.shape_cast %scan3A_330#3 : vector<16xf32> to vector<1x16xf32>
    tpu.vector_store %arg17[%swap3A_369, %swap3A_370], %swap3A_373 {strides = array<i32>} : memref<4x256xf32, #tpu.memory_space<vmem>>, vector<1x16xf32>,
    %swap3A_374 = arith.constant 1 : i32
    %swap3A_375 = arith.index_cast %swap3A_374 : i32 to index
    %swap3A_376 = arith.constant 48 : index
    %swap3A_377 = tpu.vector_load %arg18[%swap3A_375, %swap3A_376] {strides = array<i32>} : memref<4x256xf32, #tpu.memory_space<vmem>>, vector<1x16xf32>,
    %swap3A_378 = vector.shape_cast %swap3A_377 : vector<1x16xf32> to vector<16xf32>
    %swap3A_379 = vector.shape_cast %scan3A_330#11 : vector<16xf32> to vector<1x16xf32>
    tpu.vector_store %arg18[%swap3A_375, %swap3A_376], %swap3A_379 {strides = array<i32>} : memref<4x256xf32, #tpu.memory_space<vmem>>, vector<1x16xf32>,
    %swap3A_380 = arith.constant 1 : i32
    %swap3A_381 = arith.index_cast %swap3A_380 : i32 to index
    %swap3A_382 = arith.constant 64 : index
    %swap3A_383 = tpu.vector_load %arg17[%swap3A_381, %swap3A_382] {strides = array<i32>} : memref<4x256xf32, #tpu.memory_space<vmem>>, vector<1x16xf32>,
    %swap3A_384 = vector.shape_cast %swap3A_383 : vector<1x16xf32> to vector<16xf32>
    %swap3A_385 = vector.shape_cast %scan3A_330#4 : vector<16xf32> to vector<1x16xf32>
    tpu.vector_store %arg17[%swap3A_381, %swap3A_382], %swap3A_385 {strides = array<i32>} : memref<4x256xf32, #tpu.memory_space<vmem>>, vector<1x16xf32>,
    %swap3A_386 = arith.constant 1 : i32
    %swap3A_387 = arith.index_cast %swap3A_386 : i32 to index
    %swap3A_388 = arith.constant 64 : index
    %swap3A_389 = tpu.vector_load %arg18[%swap3A_387, %swap3A_388] {strides = array<i32>} : memref<4x256xf32, #tpu.memory_space<vmem>>, vector<1x16xf32>,
    %swap3A_390 = vector.shape_cast %swap3A_389 : vector<1x16xf32> to vector<16xf32>
    %swap3A_391 = vector.shape_cast %scan3A_330#12 : vector<16xf32> to vector<1x16xf32>
    tpu.vector_store %arg18[%swap3A_387, %swap3A_388], %swap3A_391 {strides = array<i32>} : memref<4x256xf32, #tpu.memory_space<vmem>>, vector<1x16xf32>,
    %swap3A_392 = arith.constant 1 : i32
    %swap3A_393 = arith.index_cast %swap3A_392 : i32 to index
    %swap3A_394 = arith.constant 80 : index
    %swap3A_395 = tpu.vector_load %arg17[%swap3A_393, %swap3A_394] {strides = array<i32>} : memref<4x256xf32, #tpu.memory_space<vmem>>, vector<1x16xf32>,
    %swap3A_396 = vector.shape_cast %swap3A_395 : vector<1x16xf32> to vector<16xf32>
    %swap3A_397 = vector.shape_cast %scan3A_330#5 : vector<16xf32> to vector<1x16xf32>
    tpu.vector_store %arg17[%swap3A_393, %swap3A_394], %swap3A_397 {strides = array<i32>} : memref<4x256xf32, #tpu.memory_space<vmem>>, vector<1x16xf32>,
    %swap3A_398 = arith.constant 1 : i32
    %swap3A_399 = arith.index_cast %swap3A_398 : i32 to index
    %swap3A_400 = arith.constant 80 : index
    %swap3A_401 = tpu.vector_load %arg18[%swap3A_399, %swap3A_400] {strides = array<i32>} : memref<4x256xf32, #tpu.memory_space<vmem>>, vector<1x16xf32>,
    %swap3A_402 = vector.shape_cast %swap3A_401 : vector<1x16xf32> to vector<16xf32>
    %swap3A_403 = vector.shape_cast %scan3A_330#13 : vector<16xf32> to vector<1x16xf32>
    tpu.vector_store %arg18[%swap3A_399, %swap3A_400], %swap3A_403 {strides = array<i32>} : memref<4x256xf32, #tpu.memory_space<vmem>>, vector<1x16xf32>,
    %swap3A_404 = arith.constant 1 : i32
    %swap3A_405 = arith.index_cast %swap3A_404 : i32 to index
    %swap3A_406 = arith.constant 96 : index
    %swap3A_407 = tpu.vector_load %arg17[%swap3A_405, %swap3A_406] {strides = array<i32>} : memref<4x256xf32, #tpu.memory_space<vmem>>, vector<1x16xf32>,
    %swap3A_408 = vector.shape_cast %swap3A_407 : vector<1x16xf32> to vector<16xf32>
    %swap3A_409 = vector.shape_cast %scan3A_330#6 : vector<16xf32> to vector<1x16xf32>
    tpu.vector_store %arg17[%swap3A_405, %swap3A_406], %swap3A_409 {strides = array<i32>} : memref<4x256xf32, #tpu.memory_space<vmem>>, vector<1x16xf32>,
    %swap3A_410 = arith.constant 1 : i32
    %swap3A_411 = arith.index_cast %swap3A_410 : i32 to index
    %swap3A_412 = arith.constant 96 : index
    %swap3A_413 = tpu.vector_load %arg18[%swap3A_411, %swap3A_412] {strides = array<i32>} : memref<4x256xf32, #tpu.memory_space<vmem>>, vector<1x16xf32>,
    %swap3A_414 = vector.shape_cast %swap3A_413 : vector<1x16xf32> to vector<16xf32>
    %swap3A_415 = vector.shape_cast %scan3A_330#14 : vector<16xf32> to vector<1x16xf32>
    tpu.vector_store %arg18[%swap3A_411, %swap3A_412], %swap3A_415 {strides = array<i32>} : memref<4x256xf32, #tpu.memory_space<vmem>>, vector<1x16xf32>,
    %swap3A_416 = arith.constant 1 : i32
    %swap3A_417 = arith.index_cast %swap3A_416 : i32 to index
    %swap3A_418 = arith.constant 112 : index
    %swap3A_419 = tpu.vector_load %arg17[%swap3A_417, %swap3A_418] {strides = array<i32>} : memref<4x256xf32, #tpu.memory_space<vmem>>, vector<1x16xf32>,
    %swap3A_420 = vector.shape_cast %swap3A_419 : vector<1x16xf32> to vector<16xf32>
    %swap3A_421 = vector.shape_cast %scan3A_330#7 : vector<16xf32> to vector<1x16xf32>
    tpu.vector_store %arg17[%swap3A_417, %swap3A_418], %swap3A_421 {strides = array<i32>} : memref<4x256xf32, #tpu.memory_space<vmem>>, vector<1x16xf32>,
    %swap3A_422 = arith.constant 1 : i32
    %swap3A_423 = arith.index_cast %swap3A_422 : i32 to index
    %swap3A_424 = arith.constant 112 : index
    %swap3A_425 = tpu.vector_load %arg18[%swap3A_423, %swap3A_424] {strides = array<i32>} : memref<4x256xf32, #tpu.memory_space<vmem>>, vector<1x16xf32>,
    %swap3A_426 = vector.shape_cast %swap3A_425 : vector<1x16xf32> to vector<16xf32>
    %swap3A_427 = vector.shape_cast %scan3A_330#15 : vector<16xf32> to vector<1x16xf32>
    tpu.vector_store %arg18[%swap3A_423, %swap3A_424], %swap3A_427 {strides = array<i32>} : memref<4x256xf32, #tpu.memory_space<vmem>>, vector<1x16xf32>,
    %broadcast_in_dim3A_428 = arith.constant 0.000000e+00 : f32
    %broadcast_in_dim3A_429 = vector.broadcast %broadcast_in_dim3A_428 : f32 to vector<16xf32>
    %scan3A_430 = arith.constant 0 : i32
    %scan3A_431 = arith.constant 25 : i32
    %scan3A_432 = arith.addi %scan3A_430, %scan3A_431 : i32
    %scan3A_433 = arith.constant 1 : i32
    %scan3A_434:16 = scf.for %scan3A_1056 = %scan3A_430 to %scan3A_432 step %scan3A_433 iter_args(%scan3A_1057 = %broadcast_in_dim3A_429, %scan3A_1058 = %broadcast_in_dim3A_429, %scan3A_1059 = %broadcast_in_dim3A_429, %scan3A_1060 = %broadcast_in_dim3A_429, %scan3A_1061 = %broadcast_in_dim3A_429, %scan3A_1062 = %broadcast_in_dim3A_429, %scan3A_1063 = %broadcast_in_dim3A_429, %scan3A_1064 = %broadcast_in_dim3A_429, %scan3A_1065 = %broadcast_in_dim3A_429, %scan3A_1066 = %broadcast_in_dim3A_429, %scan3A_1067 = %broadcast_in_dim3A_429, %scan3A_1068 = %broadcast_in_dim3A_429, %scan3A_1069 = %broadcast_in_dim3A_429, %scan3A_1070 = %broadcast_in_dim3A_429, %scan3A_1071 = %broadcast_in_dim3A_429, %scan3A_1072 = %broadcast_in_dim3A_429) -> (vector<16xf32>, vector<16xf32>, vector<16xf32>, vector<16xf32>, vector<16xf32>, vector<16xf32>, vector<16xf32>, vector<16xf32>, vector<16xf32>, vector<16xf32>, vector<16xf32>, vector<16xf32>, vector<16xf32>, vector<16xf32>, vector<16xf32>, vector<16xf32>)  : i32 {
      %mul3A_1073 = arith.constant 4 : i32
      %mul3A_1074 = arith.muli %scan3A_1056, %mul3A_1073 : i32
      %add3A_1075 = arith.constant 0 : i32
      %add3A_1076 = arith.addi %mul3A_1074, %add3A_1075 : i32
      %get3A = arith.constant 1 : i32
      %get3A_1077 = arith.index_cast %get3A : i32 to index
      %get3A_1078 = arith.index_cast %add3A_1076 : i32 to index
      %get3A_1079 = arith.constant 128 : index
      %get3A_1080 = tpu.vector_load %arg16[%get3A_1077, %get3A_1078, %get3A_1079] {strides = array<i32>} : memref<4x104x256xf32, #tpu.memory_space<vmem>>, vector<1x1x16xf32>,
      %get3A_1081 = vector.shape_cast %get3A_1080 : vector<1x1x16xf32> to vector<16xf32>
      %add3A_1082 = arith.addf %scan3A_1057, %get3A_1081 : vector<16xf32>
      %mul3A_1083 = arith.mulf %get3A_1081, %get3A_1081 : vector<16xf32>
      %add3A_1084 = arith.addf %scan3A_1065, %mul3A_1083 : vector<16xf32>
      %get3A_1085 = arith.constant 1 : i32
      %get3A_1086 = arith.index_cast %get3A_1085 : i32 to index
      %get3A_1087 = arith.index_cast %add3A_1076 : i32 to index
      %get3A_1088 = arith.constant 144 : index
      %get3A_1089 = tpu.vector_load %arg16[%get3A_1086, %get3A_1087, %get3A_1088] {strides = array<i32>} : memref<4x104x256xf32, #tpu.memory_space<vmem>>, vector<1x1x16xf32>,
      %get3A_1090 = vector.shape_cast %get3A_1089 : vector<1x1x16xf32> to vector<16xf32>
      %add3A_1091 = arith.addf %scan3A_1058, %get3A_1090 : vector<16xf32>
      %mul3A_1092 = arith.mulf %get3A_1090, %get3A_1090 : vector<16xf32>
      %add3A_1093 = arith.addf %scan3A_1066, %mul3A_1092 : vector<16xf32>
      %get3A_1094 = arith.constant 1 : i32
      %get3A_1095 = arith.index_cast %get3A_1094 : i32 to index
      %get3A_1096 = arith.index_cast %add3A_1076 : i32 to index
      %get3A_1097 = arith.constant 160 : index
      %get3A_1098 = tpu.vector_load %arg16[%get3A_1095, %get3A_1096, %get3A_1097] {strides = array<i32>} : memref<4x104x256xf32, #tpu.memory_space<vmem>>, vector<1x1x16xf32>,
      %get3A_1099 = vector.shape_cast %get3A_1098 : vector<1x1x16xf32> to vector<16xf32>
      %add3A_1100 = arith.addf %scan3A_1059, %get3A_1099 : vector<16xf32>
      %mul3A_1101 = arith.mulf %get3A_1099, %get3A_1099 : vector<16xf32>
      %add3A_1102 = arith.addf %scan3A_1067, %mul3A_1101 : vector<16xf32>
      %get3A_1103 = arith.constant 1 : i32
      %get3A_1104 = arith.index_cast %get3A_1103 : i32 to index
      %get3A_1105 = arith.index_cast %add3A_1076 : i32 to index
      %get3A_1106 = arith.constant 176 : index
      %get3A_1107 = tpu.vector_load %arg16[%get3A_1104, %get3A_1105, %get3A_1106] {strides = array<i32>} : memref<4x104x256xf32, #tpu.memory_space<vmem>>, vector<1x1x16xf32>,
      %get3A_1108 = vector.shape_cast %get3A_1107 : vector<1x1x16xf32> to vector<16xf32>
      %add3A_1109 = arith.addf %scan3A_1060, %get3A_1108 : vector<16xf32>
      %mul3A_1110 = arith.mulf %get3A_1108, %get3A_1108 : vector<16xf32>
      %add3A_1111 = arith.addf %scan3A_1068, %mul3A_1110 : vector<16xf32>
      %get3A_1112 = arith.constant 1 : i32
      %get3A_1113 = arith.index_cast %get3A_1112 : i32 to index
      %get3A_1114 = arith.index_cast %add3A_1076 : i32 to index
      %get3A_1115 = arith.constant 192 : index
      %get3A_1116 = tpu.vector_load %arg16[%get3A_1113, %get3A_1114, %get3A_1115] {strides = array<i32>} : memref<4x104x256xf32, #tpu.memory_space<vmem>>, vector<1x1x16xf32>,
      %get3A_1117 = vector.shape_cast %get3A_1116 : vector<1x1x16xf32> to vector<16xf32>
      %add3A_1118 = arith.addf %scan3A_1061, %get3A_1117 : vector<16xf32>
      %mul3A_1119 = arith.mulf %get3A_1117, %get3A_1117 : vector<16xf32>
      %add3A_1120 = arith.addf %scan3A_1069, %mul3A_1119 : vector<16xf32>
      %get3A_1121 = arith.constant 1 : i32
      %get3A_1122 = arith.index_cast %get3A_1121 : i32 to index
      %get3A_1123 = arith.index_cast %add3A_1076 : i32 to index
      %get3A_1124 = arith.constant 208 : index
      %get3A_1125 = tpu.vector_load %arg16[%get3A_1122, %get3A_1123, %get3A_1124] {strides = array<i32>} : memref<4x104x256xf32, #tpu.memory_space<vmem>>, vector<1x1x16xf32>,
      %get3A_1126 = vector.shape_cast %get3A_1125 : vector<1x1x16xf32> to vector<16xf32>
      %add3A_1127 = arith.addf %scan3A_1062, %get3A_1126 : vector<16xf32>
      %mul3A_1128 = arith.mulf %get3A_1126, %get3A_1126 : vector<16xf32>
      %add3A_1129 = arith.addf %scan3A_1070, %mul3A_1128 : vector<16xf32>
      %get3A_1130 = arith.constant 1 : i32
      %get3A_1131 = arith.index_cast %get3A_1130 : i32 to index
      %get3A_1132 = arith.index_cast %add3A_1076 : i32 to index
      %get3A_1133 = arith.constant 224 : index
      %get3A_1134 = tpu.vector_load %arg16[%get3A_1131, %get3A_1132, %get3A_1133] {strides = array<i32>} : memref<4x104x256xf32, #tpu.memory_space<vmem>>, vector<1x1x16xf32>,
      %get3A_1135 = vector.shape_cast %get3A_1134 : vector<1x1x16xf32> to vector<16xf32>
      %add3A_1136 = arith.addf %scan3A_1063, %get3A_1135 : vector<16xf32>
      %mul3A_1137 = arith.mulf %get3A_1135, %get3A_1135 : vector<16xf32>
      %add3A_1138 = arith.addf %scan3A_1071, %mul3A_1137 : vector<16xf32>
      %get3A_1139 = arith.constant 1 : i32
      %get3A_1140 = arith.index_cast %get3A_1139 : i32 to index
      %get3A_1141 = arith.index_cast %add3A_1076 : i32 to index
      %get3A_1142 = arith.constant 240 : index
      %get3A_1143 = tpu.vector_load %arg16[%get3A_1140, %get3A_1141, %get3A_1142] {strides = array<i32>} : memref<4x104x256xf32, #tpu.memory_space<vmem>>, vector<1x1x16xf32>,
      %get3A_1144 = vector.shape_cast %get3A_1143 : vector<1x1x16xf32> to vector<16xf32>
      %add3A_1145 = arith.addf %scan3A_1064, %get3A_1144 : vector<16xf32>
      %mul3A_1146 = arith.mulf %get3A_1144, %get3A_1144 : vector<16xf32>
      %add3A_1147 = arith.addf %scan3A_1072, %mul3A_1146 : vector<16xf32>
      %mul3A_1148 = arith.constant 4 : i32
      %mul3A_1149 = arith.muli %scan3A_1056, %mul3A_1148 : i32
      %add3A_1150 = arith.constant 1 : i32
      %add3A_1151 = arith.addi %mul3A_1149, %add3A_1150 : i32
      %get3A_1152 = arith.constant 1 : i32
      %get3A_1153 = arith.index_cast %get3A_1152 : i32 to index
      %get3A_1154 = arith.index_cast %add3A_1151 : i32 to index
      %get3A_1155 = arith.constant 128 : index
      %get3A_1156 = tpu.vector_load %arg16[%get3A_1153, %get3A_1154, %get3A_1155] {strides = array<i32>} : memref<4x104x256xf32, #tpu.memory_space<vmem>>, vector<1x1x16xf32>,
      %get3A_1157 = vector.shape_cast %get3A_1156 : vector<1x1x16xf32> to vector<16xf32>
      %add3A_1158 = arith.addf %add3A_1082, %get3A_1157 : vector<16xf32>
      %mul3A_1159 = arith.mulf %get3A_1157, %get3A_1157 : vector<16xf32>
      %add3A_1160 = arith.addf %add3A_1084, %mul3A_1159 : vector<16xf32>
      %get3A_1161 = arith.constant 1 : i32
      %get3A_1162 = arith.index_cast %get3A_1161 : i32 to index
      %get3A_1163 = arith.index_cast %add3A_1151 : i32 to index
      %get3A_1164 = arith.constant 144 : index
      %get3A_1165 = tpu.vector_load %arg16[%get3A_1162, %get3A_1163, %get3A_1164] {strides = array<i32>} : memref<4x104x256xf32, #tpu.memory_space<vmem>>, vector<1x1x16xf32>,
      %get3A_1166 = vector.shape_cast %get3A_1165 : vector<1x1x16xf32> to vector<16xf32>
      %add3A_1167 = arith.addf %add3A_1091, %get3A_1166 : vector<16xf32>
      %mul3A_1168 = arith.mulf %get3A_1166, %get3A_1166 : vector<16xf32>
      %add3A_1169 = arith.addf %add3A_1093, %mul3A_1168 : vector<16xf32>
      %get3A_1170 = arith.constant 1 : i32
      %get3A_1171 = arith.index_cast %get3A_1170 : i32 to index
      %get3A_1172 = arith.index_cast %add3A_1151 : i32 to index
      %get3A_1173 = arith.constant 160 : index
      %get3A_1174 = tpu.vector_load %arg16[%get3A_1171, %get3A_1172, %get3A_1173] {strides = array<i32>} : memref<4x104x256xf32, #tpu.memory_space<vmem>>, vector<1x1x16xf32>,
      %get3A_1175 = vector.shape_cast %get3A_1174 : vector<1x1x16xf32> to vector<16xf32>
      %add3A_1176 = arith.addf %add3A_1100, %get3A_1175 : vector<16xf32>
      %mul3A_1177 = arith.mulf %get3A_1175, %get3A_1175 : vector<16xf32>
      %add3A_1178 = arith.addf %add3A_1102, %mul3A_1177 : vector<16xf32>
      %get3A_1179 = arith.constant 1 : i32
      %get3A_1180 = arith.index_cast %get3A_1179 : i32 to index
      %get3A_1181 = arith.index_cast %add3A_1151 : i32 to index
      %get3A_1182 = arith.constant 176 : index
      %get3A_1183 = tpu.vector_load %arg16[%get3A_1180, %get3A_1181, %get3A_1182] {strides = array<i32>} : memref<4x104x256xf32, #tpu.memory_space<vmem>>, vector<1x1x16xf32>,
      %get3A_1184 = vector.shape_cast %get3A_1183 : vector<1x1x16xf32> to vector<16xf32>
      %add3A_1185 = arith.addf %add3A_1109, %get3A_1184 : vector<16xf32>
      %mul3A_1186 = arith.mulf %get3A_1184, %get3A_1184 : vector<16xf32>
      %add3A_1187 = arith.addf %add3A_1111, %mul3A_1186 : vector<16xf32>
      %get3A_1188 = arith.constant 1 : i32
      %get3A_1189 = arith.index_cast %get3A_1188 : i32 to index
      %get3A_1190 = arith.index_cast %add3A_1151 : i32 to index
      %get3A_1191 = arith.constant 192 : index
      %get3A_1192 = tpu.vector_load %arg16[%get3A_1189, %get3A_1190, %get3A_1191] {strides = array<i32>} : memref<4x104x256xf32, #tpu.memory_space<vmem>>, vector<1x1x16xf32>,
      %get3A_1193 = vector.shape_cast %get3A_1192 : vector<1x1x16xf32> to vector<16xf32>
      %add3A_1194 = arith.addf %add3A_1118, %get3A_1193 : vector<16xf32>
      %mul3A_1195 = arith.mulf %get3A_1193, %get3A_1193 : vector<16xf32>
      %add3A_1196 = arith.addf %add3A_1120, %mul3A_1195 : vector<16xf32>
      %get3A_1197 = arith.constant 1 : i32
      %get3A_1198 = arith.index_cast %get3A_1197 : i32 to index
      %get3A_1199 = arith.index_cast %add3A_1151 : i32 to index
      %get3A_1200 = arith.constant 208 : index
      %get3A_1201 = tpu.vector_load %arg16[%get3A_1198, %get3A_1199, %get3A_1200] {strides = array<i32>} : memref<4x104x256xf32, #tpu.memory_space<vmem>>, vector<1x1x16xf32>,
      %get3A_1202 = vector.shape_cast %get3A_1201 : vector<1x1x16xf32> to vector<16xf32>
      %add3A_1203 = arith.addf %add3A_1127, %get3A_1202 : vector<16xf32>
      %mul3A_1204 = arith.mulf %get3A_1202, %get3A_1202 : vector<16xf32>
      %add3A_1205 = arith.addf %add3A_1129, %mul3A_1204 : vector<16xf32>
      %get3A_1206 = arith.constant 1 : i32
      %get3A_1207 = arith.index_cast %get3A_1206 : i32 to index
      %get3A_1208 = arith.index_cast %add3A_1151 : i32 to index
      %get3A_1209 = arith.constant 224 : index
      %get3A_1210 = tpu.vector_load %arg16[%get3A_1207, %get3A_1208, %get3A_1209] {strides = array<i32>} : memref<4x104x256xf32, #tpu.memory_space<vmem>>, vector<1x1x16xf32>,
      %get3A_1211 = vector.shape_cast %get3A_1210 : vector<1x1x16xf32> to vector<16xf32>
      %add3A_1212 = arith.addf %add3A_1136, %get3A_1211 : vector<16xf32>
      %mul3A_1213 = arith.mulf %get3A_1211, %get3A_1211 : vector<16xf32>
      %add3A_1214 = arith.addf %add3A_1138, %mul3A_1213 : vector<16xf32>
      %get3A_1215 = arith.constant 1 : i32
      %get3A_1216 = arith.index_cast %get3A_1215 : i32 to index
      %get3A_1217 = arith.index_cast %add3A_1151 : i32 to index
      %get3A_1218 = arith.constant 240 : index
      %get3A_1219 = tpu.vector_load %arg16[%get3A_1216, %get3A_1217, %get3A_1218] {strides = array<i32>} : memref<4x104x256xf32, #tpu.memory_space<vmem>>, vector<1x1x16xf32>,
      %get3A_1220 = vector.shape_cast %get3A_1219 : vector<1x1x16xf32> to vector<16xf32>
      %add3A_1221 = arith.addf %add3A_1145, %get3A_1220 : vector<16xf32>
      %mul3A_1222 = arith.mulf %get3A_1220, %get3A_1220 : vector<16xf32>
      %add3A_1223 = arith.addf %add3A_1147, %mul3A_1222 : vector<16xf32>
      %mul3A_1224 = arith.constant 4 : i32
      %mul3A_1225 = arith.muli %scan3A_1056, %mul3A_1224 : i32
      %add3A_1226 = arith.constant 2 : i32
      %add3A_1227 = arith.addi %mul3A_1225, %add3A_1226 : i32
      %get3A_1228 = arith.constant 1 : i32
      %get3A_1229 = arith.index_cast %get3A_1228 : i32 to index
      %get3A_1230 = arith.index_cast %add3A_1227 : i32 to index
      %get3A_1231 = arith.constant 128 : index
      %get3A_1232 = tpu.vector_load %arg16[%get3A_1229, %get3A_1230, %get3A_1231] {strides = array<i32>} : memref<4x104x256xf32, #tpu.memory_space<vmem>>, vector<1x1x16xf32>,
      %get3A_1233 = vector.shape_cast %get3A_1232 : vector<1x1x16xf32> to vector<16xf32>
      %add3A_1234 = arith.addf %add3A_1158, %get3A_1233 : vector<16xf32>
      %mul3A_1235 = arith.mulf %get3A_1233, %get3A_1233 : vector<16xf32>
      %add3A_1236 = arith.addf %add3A_1160, %mul3A_1235 : vector<16xf32>
      %get3A_1237 = arith.constant 1 : i32
      %get3A_1238 = arith.index_cast %get3A_1237 : i32 to index
      %get3A_1239 = arith.index_cast %add3A_1227 : i32 to index
      %get3A_1240 = arith.constant 144 : index
      %get3A_1241 = tpu.vector_load %arg16[%get3A_1238, %get3A_1239, %get3A_1240] {strides = array<i32>} : memref<4x104x256xf32, #tpu.memory_space<vmem>>, vector<1x1x16xf32>,
      %get3A_1242 = vector.shape_cast %get3A_1241 : vector<1x1x16xf32> to vector<16xf32>
      %add3A_1243 = arith.addf %add3A_1167, %get3A_1242 : vector<16xf32>
      %mul3A_1244 = arith.mulf %get3A_1242, %get3A_1242 : vector<16xf32>
      %add3A_1245 = arith.addf %add3A_1169, %mul3A_1244 : vector<16xf32>
      %get3A_1246 = arith.constant 1 : i32
      %get3A_1247 = arith.index_cast %get3A_1246 : i32 to index
      %get3A_1248 = arith.index_cast %add3A_1227 : i32 to index
      %get3A_1249 = arith.constant 160 : index
      %get3A_1250 = tpu.vector_load %arg16[%get3A_1247, %get3A_1248, %get3A_1249] {strides = array<i32>} : memref<4x104x256xf32, #tpu.memory_space<vmem>>, vector<1x1x16xf32>,
      %get3A_1251 = vector.shape_cast %get3A_1250 : vector<1x1x16xf32> to vector<16xf32>
      %add3A_1252 = arith.addf %add3A_1176, %get3A_1251 : vector<16xf32>
      %mul3A_1253 = arith.mulf %get3A_1251, %get3A_1251 : vector<16xf32>
      %add3A_1254 = arith.addf %add3A_1178, %mul3A_1253 : vector<16xf32>
      %get3A_1255 = arith.constant 1 : i32
      %get3A_1256 = arith.index_cast %get3A_1255 : i32 to index
      %get3A_1257 = arith.index_cast %add3A_1227 : i32 to index
      %get3A_1258 = arith.constant 176 : index
      %get3A_1259 = tpu.vector_load %arg16[%get3A_1256, %get3A_1257, %get3A_1258] {strides = array<i32>} : memref<4x104x256xf32, #tpu.memory_space<vmem>>, vector<1x1x16xf32>,
      %get3A_1260 = vector.shape_cast %get3A_1259 : vector<1x1x16xf32> to vector<16xf32>
      %add3A_1261 = arith.addf %add3A_1185, %get3A_1260 : vector<16xf32>
      %mul3A_1262 = arith.mulf %get3A_1260, %get3A_1260 : vector<16xf32>
      %add3A_1263 = arith.addf %add3A_1187, %mul3A_1262 : vector<16xf32>
      %get3A_1264 = arith.constant 1 : i32
      %get3A_1265 = arith.index_cast %get3A_1264 : i32 to index
      %get3A_1266 = arith.index_cast %add3A_1227 : i32 to index
      %get3A_1267 = arith.constant 192 : index
      %get3A_1268 = tpu.vector_load %arg16[%get3A_1265, %get3A_1266, %get3A_1267] {strides = array<i32>} : memref<4x104x256xf32, #tpu.memory_space<vmem>>, vector<1x1x16xf32>,
      %get3A_1269 = vector.shape_cast %get3A_1268 : vector<1x1x16xf32> to vector<16xf32>
      %add3A_1270 = arith.addf %add3A_1194, %get3A_1269 : vector<16xf32>
      %mul3A_1271 = arith.mulf %get3A_1269, %get3A_1269 : vector<16xf32>
      %add3A_1272 = arith.addf %add3A_1196, %mul3A_1271 : vector<16xf32>
      %get3A_1273 = arith.constant 1 : i32
      %get3A_1274 = arith.index_cast %get3A_1273 : i32 to index
      %get3A_1275 = arith.index_cast %add3A_1227 : i32 to index
      %get3A_1276 = arith.constant 208 : index
      %get3A_1277 = tpu.vector_load %arg16[%get3A_1274, %get3A_1275, %get3A_1276] {strides = array<i32>} : memref<4x104x256xf32, #tpu.memory_space<vmem>>, vector<1x1x16xf32>,
      %get3A_1278 = vector.shape_cast %get3A_1277 : vector<1x1x16xf32> to vector<16xf32>
      %add3A_1279 = arith.addf %add3A_1203, %get3A_1278 : vector<16xf32>
      %mul3A_1280 = arith.mulf %get3A_1278, %get3A_1278 : vector<16xf32>
      %add3A_1281 = arith.addf %add3A_1205, %mul3A_1280 : vector<16xf32>
      %get3A_1282 = arith.constant 1 : i32
      %get3A_1283 = arith.index_cast %get3A_1282 : i32 to index
      %get3A_1284 = arith.index_cast %add3A_1227 : i32 to index
      %get3A_1285 = arith.constant 224 : index
      %get3A_1286 = tpu.vector_load %arg16[%get3A_1283, %get3A_1284, %get3A_1285] {strides = array<i32>} : memref<4x104x256xf32, #tpu.memory_space<vmem>>, vector<1x1x16xf32>,
      %get3A_1287 = vector.shape_cast %get3A_1286 : vector<1x1x16xf32> to vector<16xf32>
      %add3A_1288 = arith.addf %add3A_1212, %get3A_1287 : vector<16xf32>
      %mul3A_1289 = arith.mulf %get3A_1287, %get3A_1287 : vector<16xf32>
      %add3A_1290 = arith.addf %add3A_1214, %mul3A_1289 : vector<16xf32>
      %get3A_1291 = arith.constant 1 : i32
      %get3A_1292 = arith.index_cast %get3A_1291 : i32 to index
      %get3A_1293 = arith.index_cast %add3A_1227 : i32 to index
      %get3A_1294 = arith.constant 240 : index
      %get3A_1295 = tpu.vector_load %arg16[%get3A_1292, %get3A_1293, %get3A_1294] {strides = array<i32>} : memref<4x104x256xf32, #tpu.memory_space<vmem>>, vector<1x1x16xf32>,
      %get3A_1296 = vector.shape_cast %get3A_1295 : vector<1x1x16xf32> to vector<16xf32>
      %add3A_1297 = arith.addf %add3A_1221, %get3A_1296 : vector<16xf32>
      %mul3A_1298 = arith.mulf %get3A_1296, %get3A_1296 : vector<16xf32>
      %add3A_1299 = arith.addf %add3A_1223, %mul3A_1298 : vector<16xf32>
      %mul3A_1300 = arith.constant 4 : i32
      %mul3A_1301 = arith.muli %scan3A_1056, %mul3A_1300 : i32
      %add3A_1302 = arith.constant 3 : i32
      %add3A_1303 = arith.addi %mul3A_1301, %add3A_1302 : i32
      %get3A_1304 = arith.constant 1 : i32
      %get3A_1305 = arith.index_cast %get3A_1304 : i32 to index
      %get3A_1306 = arith.index_cast %add3A_1303 : i32 to index
      %get3A_1307 = arith.constant 128 : index
      %get3A_1308 = tpu.vector_load %arg16[%get3A_1305, %get3A_1306, %get3A_1307] {strides = array<i32>} : memref<4x104x256xf32, #tpu.memory_space<vmem>>, vector<1x1x16xf32>,
      %get3A_1309 = vector.shape_cast %get3A_1308 : vector<1x1x16xf32> to vector<16xf32>
      %add3A_1310 = arith.addf %add3A_1234, %get3A_1309 : vector<16xf32>
      %mul3A_1311 = arith.mulf %get3A_1309, %get3A_1309 : vector<16xf32>
      %add3A_1312 = arith.addf %add3A_1236, %mul3A_1311 : vector<16xf32>
      %get3A_1313 = arith.constant 1 : i32
      %get3A_1314 = arith.index_cast %get3A_1313 : i32 to index
      %get3A_1315 = arith.index_cast %add3A_1303 : i32 to index
      %get3A_1316 = arith.constant 144 : index
      %get3A_1317 = tpu.vector_load %arg16[%get3A_1314, %get3A_1315, %get3A_1316] {strides = array<i32>} : memref<4x104x256xf32, #tpu.memory_space<vmem>>, vector<1x1x16xf32>,
      %get3A_1318 = vector.shape_cast %get3A_1317 : vector<1x1x16xf32> to vector<16xf32>
      %add3A_1319 = arith.addf %add3A_1243, %get3A_1318 : vector<16xf32>
      %mul3A_1320 = arith.mulf %get3A_1318, %get3A_1318 : vector<16xf32>
      %add3A_1321 = arith.addf %add3A_1245, %mul3A_1320 : vector<16xf32>
      %get3A_1322 = arith.constant 1 : i32
      %get3A_1323 = arith.index_cast %get3A_1322 : i32 to index
      %get3A_1324 = arith.index_cast %add3A_1303 : i32 to index
      %get3A_1325 = arith.constant 160 : index
      %get3A_1326 = tpu.vector_load %arg16[%get3A_1323, %get3A_1324, %get3A_1325] {strides = array<i32>} : memref<4x104x256xf32, #tpu.memory_space<vmem>>, vector<1x1x16xf32>,
      %get3A_1327 = vector.shape_cast %get3A_1326 : vector<1x1x16xf32> to vector<16xf32>
      %add3A_1328 = arith.addf %add3A_1252, %get3A_1327 : vector<16xf32>
      %mul3A_1329 = arith.mulf %get3A_1327, %get3A_1327 : vector<16xf32>
      %add3A_1330 = arith.addf %add3A_1254, %mul3A_1329 : vector<16xf32>
      %get3A_1331 = arith.constant 1 : i32
      %get3A_1332 = arith.index_cast %get3A_1331 : i32 to index
      %get3A_1333 = arith.index_cast %add3A_1303 : i32 to index
      %get3A_1334 = arith.constant 176 : index
      %get3A_1335 = tpu.vector_load %arg16[%get3A_1332, %get3A_1333, %get3A_1334] {strides = array<i32>} : memref<4x104x256xf32, #tpu.memory_space<vmem>>, vector<1x1x16xf32>,
      %get3A_1336 = vector.shape_cast %get3A_1335 : vector<1x1x16xf32> to vector<16xf32>
      %add3A_1337 = arith.addf %add3A_1261, %get3A_1336 : vector<16xf32>
      %mul3A_1338 = arith.mulf %get3A_1336, %get3A_1336 : vector<16xf32>
      %add3A_1339 = arith.addf %add3A_1263, %mul3A_1338 : vector<16xf32>
      %get3A_1340 = arith.constant 1 : i32
      %get3A_1341 = arith.index_cast %get3A_1340 : i32 to index
      %get3A_1342 = arith.index_cast %add3A_1303 : i32 to index
      %get3A_1343 = arith.constant 192 : index
      %get3A_1344 = tpu.vector_load %arg16[%get3A_1341, %get3A_1342, %get3A_1343] {strides = array<i32>} : memref<4x104x256xf32, #tpu.memory_space<vmem>>, vector<1x1x16xf32>,
      %get3A_1345 = vector.shape_cast %get3A_1344 : vector<1x1x16xf32> to vector<16xf32>
      %add3A_1346 = arith.addf %add3A_1270, %get3A_1345 : vector<16xf32>
      %mul3A_1347 = arith.mulf %get3A_1345, %get3A_1345 : vector<16xf32>
      %add3A_1348 = arith.addf %add3A_1272, %mul3A_1347 : vector<16xf32>
      %get3A_1349 = arith.constant 1 : i32
      %get3A_1350 = arith.index_cast %get3A_1349 : i32 to index
      %get3A_1351 = arith.index_cast %add3A_1303 : i32 to index
      %get3A_1352 = arith.constant 208 : index
      %get3A_1353 = tpu.vector_load %arg16[%get3A_1350, %get3A_1351, %get3A_1352] {strides = array<i32>} : memref<4x104x256xf32, #tpu.memory_space<vmem>>, vector<1x1x16xf32>,
      %get3A_1354 = vector.shape_cast %get3A_1353 : vector<1x1x16xf32> to vector<16xf32>
      %add3A_1355 = arith.addf %add3A_1279, %get3A_1354 : vector<16xf32>
      %mul3A_1356 = arith.mulf %get3A_1354, %get3A_1354 : vector<16xf32>
      %add3A_1357 = arith.addf %add3A_1281, %mul3A_1356 : vector<16xf32>
      %get3A_1358 = arith.constant 1 : i32
      %get3A_1359 = arith.index_cast %get3A_1358 : i32 to index
      %get3A_1360 = arith.index_cast %add3A_1303 : i32 to index
      %get3A_1361 = arith.constant 224 : index
      %get3A_1362 = tpu.vector_load %arg16[%get3A_1359, %get3A_1360, %get3A_1361] {strides = array<i32>} : memref<4x104x256xf32, #tpu.memory_space<vmem>>, vector<1x1x16xf32>,
      %get3A_1363 = vector.shape_cast %get3A_1362 : vector<1x1x16xf32> to vector<16xf32>
      %add3A_1364 = arith.addf %add3A_1288, %get3A_1363 : vector<16xf32>
      %mul3A_1365 = arith.mulf %get3A_1363, %get3A_1363 : vector<16xf32>
      %add3A_1366 = arith.addf %add3A_1290, %mul3A_1365 : vector<16xf32>
      %get3A_1367 = arith.constant 1 : i32
      %get3A_1368 = arith.index_cast %get3A_1367 : i32 to index
      %get3A_1369 = arith.index_cast %add3A_1303 : i32 to index
      %get3A_1370 = arith.constant 240 : index
      %get3A_1371 = tpu.vector_load %arg16[%get3A_1368, %get3A_1369, %get3A_1370] {strides = array<i32>} : memref<4x104x256xf32, #tpu.memory_space<vmem>>, vector<1x1x16xf32>,
      %get3A_1372 = vector.shape_cast %get3A_1371 : vector<1x1x16xf32> to vector<16xf32>
      %add3A_1373 = arith.addf %add3A_1297, %get3A_1372 : vector<16xf32>
      %mul3A_1374 = arith.mulf %get3A_1372, %get3A_1372 : vector<16xf32>
      %add3A_1375 = arith.addf %add3A_1299, %mul3A_1374 : vector<16xf32>
      scf.yield %add3A_1310, %add3A_1319, %add3A_1328, %add3A_1337, %add3A_1346, %add3A_1355, %add3A_1364, %add3A_1373, %add3A_1312, %add3A_1321, %add3A_1330, %add3A_1339, %add3A_1348, %add3A_1357, %add3A_1366, %add3A_1375 : vector<16xf32>, vector<16xf32>, vector<16xf32>, vector<16xf32>, vector<16xf32>, vector<16xf32>, vector<16xf32>, vector<16xf32>, vector<16xf32>, vector<16xf32>, vector<16xf32>, vector<16xf32>, vector<16xf32>, vector<16xf32>, vector<16xf32>, vector<16xf32>
    }
    %scan3A_435 = arith.constant 25 : i32
    %swap3A_436 = arith.constant 1 : i32
    %swap3A_437 = arith.index_cast %swap3A_436 : i32 to index
    %swap3A_438 = arith.constant 128 : index
    %swap3A_439 = tpu.vector_load %arg17[%swap3A_437, %swap3A_438] {strides = array<i32>} : memref<4x256xf32, #tpu.memory_space<vmem>>, vector<1x16xf32>,
    %swap3A_440 = vector.shape_cast %swap3A_439 : vector<1x16xf32> to vector<16xf32>
    %swap3A_441 = vector.shape_cast %scan3A_434#0 : vector<16xf32> to vector<1x16xf32>
    tpu.vector_store %arg17[%swap3A_437, %swap3A_438], %swap3A_441 {strides = array<i32>} : memref<4x256xf32, #tpu.memory_space<vmem>>, vector<1x16xf32>,
    %swap3A_442 = arith.constant 1 : i32
    %swap3A_443 = arith.index_cast %swap3A_442 : i32 to index
    %swap3A_444 = arith.constant 128 : index
    %swap3A_445 = tpu.vector_load %arg18[%swap3A_443, %swap3A_444] {strides = array<i32>} : memref<4x256xf32, #tpu.memory_space<vmem>>, vector<1x16xf32>,
    %swap3A_446 = vector.shape_cast %swap3A_445 : vector<1x16xf32> to vector<16xf32>
    %swap3A_447 = vector.shape_cast %scan3A_434#8 : vector<16xf32> to vector<1x16xf32>
    tpu.vector_store %arg18[%swap3A_443, %swap3A_444], %swap3A_447 {strides = array<i32>} : memref<4x256xf32, #tpu.memory_space<vmem>>, vector<1x16xf32>,
    %swap3A_448 = arith.constant 1 : i32
    %swap3A_449 = arith.index_cast %swap3A_448 : i32 to index
    %swap3A_450 = arith.constant 144 : index
    %swap3A_451 = tpu.vector_load %arg17[%swap3A_449, %swap3A_450] {strides = array<i32>} : memref<4x256xf32, #tpu.memory_space<vmem>>, vector<1x16xf32>,
    %swap3A_452 = vector.shape_cast %swap3A_451 : vector<1x16xf32> to vector<16xf32>
    %swap3A_453 = vector.shape_cast %scan3A_434#1 : vector<16xf32> to vector<1x16xf32>
    tpu.vector_store %arg17[%swap3A_449, %swap3A_450], %swap3A_453 {strides = array<i32>} : memref<4x256xf32, #tpu.memory_space<vmem>>, vector<1x16xf32>,
    %swap3A_454 = arith.constant 1 : i32
    %swap3A_455 = arith.index_cast %swap3A_454 : i32 to index
    %swap3A_456 = arith.constant 144 : index
    %swap3A_457 = tpu.vector_load %arg18[%swap3A_455, %swap3A_456] {strides = array<i32>} : memref<4x256xf32, #tpu.memory_space<vmem>>, vector<1x16xf32>,
    %swap3A_458 = vector.shape_cast %swap3A_457 : vector<1x16xf32> to vector<16xf32>
    %swap3A_459 = vector.shape_cast %scan3A_434#9 : vector<16xf32> to vector<1x16xf32>
    tpu.vector_store %arg18[%swap3A_455, %swap3A_456], %swap3A_459 {strides = array<i32>} : memref<4x256xf32, #tpu.memory_space<vmem>>, vector<1x16xf32>,
    %swap3A_460 = arith.constant 1 : i32
    %swap3A_461 = arith.index_cast %swap3A_460 : i32 to index
    %swap3A_462 = arith.constant 160 : index
    %swap3A_463 = tpu.vector_load %arg17[%swap3A_461, %swap3A_462] {strides = array<i32>} : memref<4x256xf32, #tpu.memory_space<vmem>>, vector<1x16xf32>,
    %swap3A_464 = vector.shape_cast %swap3A_463 : vector<1x16xf32> to vector<16xf32>
    %swap3A_465 = vector.shape_cast %scan3A_434#2 : vector<16xf32> to vector<1x16xf32>
    tpu.vector_store %arg17[%swap3A_461, %swap3A_462], %swap3A_465 {strides = array<i32>} : memref<4x256xf32, #tpu.memory_space<vmem>>, vector<1x16xf32>,
    %swap3A_466 = arith.constant 1 : i32
    %swap3A_467 = arith.index_cast %swap3A_466 : i32 to index
    %swap3A_468 = arith.constant 160 : index
    %swap3A_469 = tpu.vector_load %arg18[%swap3A_467, %swap3A_468] {strides = array<i32>} : memref<4x256xf32, #tpu.memory_space<vmem>>, vector<1x16xf32>,
    %swap3A_470 = vector.shape_cast %swap3A_469 : vector<1x16xf32> to vector<16xf32>
    %swap3A_471 = vector.shape_cast %scan3A_434#10 : vector<16xf32> to vector<1x16xf32>
    tpu.vector_store %arg18[%swap3A_467, %swap3A_468], %swap3A_471 {strides = array<i32>} : memref<4x256xf32, #tpu.memory_space<vmem>>, vector<1x16xf32>,
    %swap3A_472 = arith.constant 1 : i32
    %swap3A_473 = arith.index_cast %swap3A_472 : i32 to index
    %swap3A_474 = arith.constant 176 : index
    %swap3A_475 = tpu.vector_load %arg17[%swap3A_473, %swap3A_474] {strides = array<i32>} : memref<4x256xf32, #tpu.memory_space<vmem>>, vector<1x16xf32>,
    %swap3A_476 = vector.shape_cast %swap3A_475 : vector<1x16xf32> to vector<16xf32>
    %swap3A_477 = vector.shape_cast %scan3A_434#3 : vector<16xf32> to vector<1x16xf32>
    tpu.vector_store %arg17[%swap3A_473, %swap3A_474], %swap3A_477 {strides = array<i32>} : memref<4x256xf32, #tpu.memory_space<vmem>>, vector<1x16xf32>,
    %swap3A_478 = arith.constant 1 : i32
    %swap3A_479 = arith.index_cast %swap3A_478 : i32 to index
    %swap3A_480 = arith.constant 176 : index
    %swap3A_481 = tpu.vector_load %arg18[%swap3A_479, %swap3A_480] {strides = array<i32>} : memref<4x256xf32, #tpu.memory_space<vmem>>, vector<1x16xf32>,
    %swap3A_482 = vector.shape_cast %swap3A_481 : vector<1x16xf32> to vector<16xf32>
    %swap3A_483 = vector.shape_cast %scan3A_434#11 : vector<16xf32> to vector<1x16xf32>
    tpu.vector_store %arg18[%swap3A_479, %swap3A_480], %swap3A_483 {strides = array<i32>} : memref<4x256xf32, #tpu.memory_space<vmem>>, vector<1x16xf32>,
    %swap3A_484 = arith.constant 1 : i32
    %swap3A_485 = arith.index_cast %swap3A_484 : i32 to index
    %swap3A_486 = arith.constant 192 : index
    %swap3A_487 = tpu.vector_load %arg17[%swap3A_485, %swap3A_486] {strides = array<i32>} : memref<4x256xf32, #tpu.memory_space<vmem>>, vector<1x16xf32>,
    %swap3A_488 = vector.shape_cast %swap3A_487 : vector<1x16xf32> to vector<16xf32>
    %swap3A_489 = vector.shape_cast %scan3A_434#4 : vector<16xf32> to vector<1x16xf32>
    tpu.vector_store %arg17[%swap3A_485, %swap3A_486], %swap3A_489 {strides = array<i32>} : memref<4x256xf32, #tpu.memory_space<vmem>>, vector<1x16xf32>,
    %swap3A_490 = arith.constant 1 : i32
    %swap3A_491 = arith.index_cast %swap3A_490 : i32 to index
    %swap3A_492 = arith.constant 192 : index
    %swap3A_493 = tpu.vector_load %arg18[%swap3A_491, %swap3A_492] {strides = array<i32>} : memref<4x256xf32, #tpu.memory_space<vmem>>, vector<1x16xf32>,
    %swap3A_494 = vector.shape_cast %swap3A_493 : vector<1x16xf32> to vector<16xf32>
    %swap3A_495 = vector.shape_cast %scan3A_434#12 : vector<16xf32> to vector<1x16xf32>
    tpu.vector_store %arg18[%swap3A_491, %swap3A_492], %swap3A_495 {strides = array<i32>} : memref<4x256xf32, #tpu.memory_space<vmem>>, vector<1x16xf32>,
    %swap3A_496 = arith.constant 1 : i32
    %swap3A_497 = arith.index_cast %swap3A_496 : i32 to index
    %swap3A_498 = arith.constant 208 : index
    %swap3A_499 = tpu.vector_load %arg17[%swap3A_497, %swap3A_498] {strides = array<i32>} : memref<4x256xf32, #tpu.memory_space<vmem>>, vector<1x16xf32>,
    %swap3A_500 = vector.shape_cast %swap3A_499 : vector<1x16xf32> to vector<16xf32>
    %swap3A_501 = vector.shape_cast %scan3A_434#5 : vector<16xf32> to vector<1x16xf32>
    tpu.vector_store %arg17[%swap3A_497, %swap3A_498], %swap3A_501 {strides = array<i32>} : memref<4x256xf32, #tpu.memory_space<vmem>>, vector<1x16xf32>,
    %swap3A_502 = arith.constant 1 : i32
    %swap3A_503 = arith.index_cast %swap3A_502 : i32 to index
    %swap3A_504 = arith.constant 208 : index
    %swap3A_505 = tpu.vector_load %arg18[%swap3A_503, %swap3A_504] {strides = array<i32>} : memref<4x256xf32, #tpu.memory_space<vmem>>, vector<1x16xf32>,
    %swap3A_506 = vector.shape_cast %swap3A_505 : vector<1x16xf32> to vector<16xf32>
    %swap3A_507 = vector.shape_cast %scan3A_434#13 : vector<16xf32> to vector<1x16xf32>
    tpu.vector_store %arg18[%swap3A_503, %swap3A_504], %swap3A_507 {strides = array<i32>} : memref<4x256xf32, #tpu.memory_space<vmem>>, vector<1x16xf32>,
    %swap3A_508 = arith.constant 1 : i32
    %swap3A_509 = arith.index_cast %swap3A_508 : i32 to index
    %swap3A_510 = arith.constant 224 : index
    %swap3A_511 = tpu.vector_load %arg17[%swap3A_509, %swap3A_510] {strides = array<i32>} : memref<4x256xf32, #tpu.memory_space<vmem>>, vector<1x16xf32>,
    %swap3A_512 = vector.shape_cast %swap3A_511 : vector<1x16xf32> to vector<16xf32>
    %swap3A_513 = vector.shape_cast %scan3A_434#6 : vector<16xf32> to vector<1x16xf32>
    tpu.vector_store %arg17[%swap3A_509, %swap3A_510], %swap3A_513 {strides = array<i32>} : memref<4x256xf32, #tpu.memory_space<vmem>>, vector<1x16xf32>,
    %swap3A_514 = arith.constant 1 : i32
    %swap3A_515 = arith.index_cast %swap3A_514 : i32 to index
    %swap3A_516 = arith.constant 224 : index
    %swap3A_517 = tpu.vector_load %arg18[%swap3A_515, %swap3A_516] {strides = array<i32>} : memref<4x256xf32, #tpu.memory_space<vmem>>, vector<1x16xf32>,
    %swap3A_518 = vector.shape_cast %swap3A_517 : vector<1x16xf32> to vector<16xf32>
    %swap3A_519 = vector.shape_cast %scan3A_434#14 : vector<16xf32> to vector<1x16xf32>
    tpu.vector_store %arg18[%swap3A_515, %swap3A_516], %swap3A_519 {strides = array<i32>} : memref<4x256xf32, #tpu.memory_space<vmem>>, vector<1x16xf32>,
    %swap3A_520 = arith.constant 1 : i32
    %swap3A_521 = arith.index_cast %swap3A_520 : i32 to index
    %swap3A_522 = arith.constant 240 : index
    %swap3A_523 = tpu.vector_load %arg17[%swap3A_521, %swap3A_522] {strides = array<i32>} : memref<4x256xf32, #tpu.memory_space<vmem>>, vector<1x16xf32>,
    %swap3A_524 = vector.shape_cast %swap3A_523 : vector<1x16xf32> to vector<16xf32>
    %swap3A_525 = vector.shape_cast %scan3A_434#7 : vector<16xf32> to vector<1x16xf32>
    tpu.vector_store %arg17[%swap3A_521, %swap3A_522], %swap3A_525 {strides = array<i32>} : memref<4x256xf32, #tpu.memory_space<vmem>>, vector<1x16xf32>,
    %swap3A_526 = arith.constant 1 : i32
    %swap3A_527 = arith.index_cast %swap3A_526 : i32 to index
    %swap3A_528 = arith.constant 240 : index
    %swap3A_529 = tpu.vector_load %arg18[%swap3A_527, %swap3A_528] {strides = array<i32>} : memref<4x256xf32, #tpu.memory_space<vmem>>, vector<1x16xf32>,
    %swap3A_530 = vector.shape_cast %swap3A_529 : vector<1x16xf32> to vector<16xf32>
    %swap3A_531 = vector.shape_cast %scan3A_434#15 : vector<16xf32> to vector<1x16xf32>
    tpu.vector_store %arg18[%swap3A_527, %swap3A_528], %swap3A_531 {strides = array<i32>} : memref<4x256xf32, #tpu.memory_space<vmem>>, vector<1x16xf32>,
    %dma_wait3A_532 = arith.constant 2 : i32
    %dma_wait3A_533 = arith.constant 0 : i32
    %dma_wait3A_534 = arith.constant 0 : i32
    %dma_wait3A_535 = tpu.memref_slice %arg16[%dma_wait3A_532, %dma_wait3A_533, %dma_wait3A_534] : memref<4x104x256xf32, #tpu.memory_space<vmem>> -> memref<1x104x256xf32, #tpu.memory_space<vmem>>
    %dma_wait3A_536 = tpu.memref_squeeze %dma_wait3A_535 : memref<1x104x256xf32, #tpu.memory_space<vmem>> -> memref<104x256xf32, #tpu.memory_space<vmem>>
    %dma_wait3A_537 = arith.constant 0 : i32
    %dma_wait3A_538 = arith.constant 0 : i32
    %dma_wait3A_539 = tpu.memref_slice %arg2[%dma_wait3A_537, %dma_wait3A_538] : memref<10000x256xf32, #tpu.memory_space<hbm>> -> memref<10000x256xf32, #tpu.memory_space<hbm>>
    tpu.wait_indirect_dma semaphore(%arg21 : memref<!tpu.dma_semaphore, #tpu.memory_space<semaphore_mem>>) src(%dma_wait3A_539 : memref<10000x256xf32, #tpu.memory_space<hbm>>) dst(%dma_wait3A_536 : memref<104x256xf32, #tpu.memory_space<vmem>>)
    %broadcast_in_dim3A_540 = arith.constant 0.000000e+00 : f32
    %broadcast_in_dim3A_541 = vector.broadcast %broadcast_in_dim3A_540 : f32 to vector<16xf32>
    %scan3A_542 = arith.constant 0 : i32
    %scan3A_543 = arith.constant 25 : i32
    %scan3A_544 = arith.addi %scan3A_542, %scan3A_543 : i32
    %scan3A_545 = arith.constant 1 : i32
    %scan3A_546:16 = scf.for %scan3A_1056 = %scan3A_542 to %scan3A_544 step %scan3A_545 iter_args(%scan3A_1057 = %broadcast_in_dim3A_541, %scan3A_1058 = %broadcast_in_dim3A_541, %scan3A_1059 = %broadcast_in_dim3A_541, %scan3A_1060 = %broadcast_in_dim3A_541, %scan3A_1061 = %broadcast_in_dim3A_541, %scan3A_1062 = %broadcast_in_dim3A_541, %scan3A_1063 = %broadcast_in_dim3A_541, %scan3A_1064 = %broadcast_in_dim3A_541, %scan3A_1065 = %broadcast_in_dim3A_541, %scan3A_1066 = %broadcast_in_dim3A_541, %scan3A_1067 = %broadcast_in_dim3A_541, %scan3A_1068 = %broadcast_in_dim3A_541, %scan3A_1069 = %broadcast_in_dim3A_541, %scan3A_1070 = %broadcast_in_dim3A_541, %scan3A_1071 = %broadcast_in_dim3A_541, %scan3A_1072 = %broadcast_in_dim3A_541) -> (vector<16xf32>, vector<16xf32>, vector<16xf32>, vector<16xf32>, vector<16xf32>, vector<16xf32>, vector<16xf32>, vector<16xf32>, vector<16xf32>, vector<16xf32>, vector<16xf32>, vector<16xf32>, vector<16xf32>, vector<16xf32>, vector<16xf32>, vector<16xf32>)  : i32 {
      %mul3A_1073 = arith.constant 4 : i32
      %mul3A_1074 = arith.muli %scan3A_1056, %mul3A_1073 : i32
      %add3A_1075 = arith.constant 0 : i32
      %add3A_1076 = arith.addi %mul3A_1074, %add3A_1075 : i32
      %get3A = arith.constant 2 : i32
      %get3A_1077 = arith.index_cast %get3A : i32 to index
      %get3A_1078 = arith.index_cast %add3A_1076 : i32 to index
      %get3A_1079 = arith.constant 0 : index
      %get3A_1080 = tpu.vector_load %arg16[%get3A_1077, %get3A_1078, %get3A_1079] {strides = array<i32>} : memref<4x104x256xf32, #tpu.memory_space<vmem>>, vector<1x1x16xf32>,
      %get3A_1081 = vector.shape_cast %get3A_1080 : vector<1x1x16xf32> to vector<16xf32>
      %add3A_1082 = arith.addf %scan3A_1057, %get3A_1081 : vector<16xf32>
      %mul3A_1083 = arith.mulf %get3A_1081, %get3A_1081 : vector<16xf32>
      %add3A_1084 = arith.addf %scan3A_1065, %mul3A_1083 : vector<16xf32>
      %get3A_1085 = arith.constant 2 : i32
      %get3A_1086 = arith.index_cast %get3A_1085 : i32 to index
      %get3A_1087 = arith.index_cast %add3A_1076 : i32 to index
      %get3A_1088 = arith.constant 16 : index
      %get3A_1089 = tpu.vector_load %arg16[%get3A_1086, %get3A_1087, %get3A_1088] {strides = array<i32>} : memref<4x104x256xf32, #tpu.memory_space<vmem>>, vector<1x1x16xf32>,
      %get3A_1090 = vector.shape_cast %get3A_1089 : vector<1x1x16xf32> to vector<16xf32>
      %add3A_1091 = arith.addf %scan3A_1058, %get3A_1090 : vector<16xf32>
      %mul3A_1092 = arith.mulf %get3A_1090, %get3A_1090 : vector<16xf32>
      %add3A_1093 = arith.addf %scan3A_1066, %mul3A_1092 : vector<16xf32>
      %get3A_1094 = arith.constant 2 : i32
      %get3A_1095 = arith.index_cast %get3A_1094 : i32 to index
      %get3A_1096 = arith.index_cast %add3A_1076 : i32 to index
      %get3A_1097 = arith.constant 32 : index
      %get3A_1098 = tpu.vector_load %arg16[%get3A_1095, %get3A_1096, %get3A_1097] {strides = array<i32>} : memref<4x104x256xf32, #tpu.memory_space<vmem>>, vector<1x1x16xf32>,
      %get3A_1099 = vector.shape_cast %get3A_1098 : vector<1x1x16xf32> to vector<16xf32>
      %add3A_1100 = arith.addf %scan3A_1059, %get3A_1099 : vector<16xf32>
      %mul3A_1101 = arith.mulf %get3A_1099, %get3A_1099 : vector<16xf32>
      %add3A_1102 = arith.addf %scan3A_1067, %mul3A_1101 : vector<16xf32>
      %get3A_1103 = arith.constant 2 : i32
      %get3A_1104 = arith.index_cast %get3A_1103 : i32 to index
      %get3A_1105 = arith.index_cast %add3A_1076 : i32 to index
      %get3A_1106 = arith.constant 48 : index
      %get3A_1107 = tpu.vector_load %arg16[%get3A_1104, %get3A_1105, %get3A_1106] {strides = array<i32>} : memref<4x104x256xf32, #tpu.memory_space<vmem>>, vector<1x1x16xf32>,
      %get3A_1108 = vector.shape_cast %get3A_1107 : vector<1x1x16xf32> to vector<16xf32>
      %add3A_1109 = arith.addf %scan3A_1060, %get3A_1108 : vector<16xf32>
      %mul3A_1110 = arith.mulf %get3A_1108, %get3A_1108 : vector<16xf32>
      %add3A_1111 = arith.addf %scan3A_1068, %mul3A_1110 : vector<16xf32>
      %get3A_1112 = arith.constant 2 : i32
      %get3A_1113 = arith.index_cast %get3A_1112 : i32 to index
      %get3A_1114 = arith.index_cast %add3A_1076 : i32 to index
      %get3A_1115 = arith.constant 64 : index
      %get3A_1116 = tpu.vector_load %arg16[%get3A_1113, %get3A_1114, %get3A_1115] {strides = array<i32>} : memref<4x104x256xf32, #tpu.memory_space<vmem>>, vector<1x1x16xf32>,
      %get3A_1117 = vector.shape_cast %get3A_1116 : vector<1x1x16xf32> to vector<16xf32>
      %add3A_1118 = arith.addf %scan3A_1061, %get3A_1117 : vector<16xf32>
      %mul3A_1119 = arith.mulf %get3A_1117, %get3A_1117 : vector<16xf32>
      %add3A_1120 = arith.addf %scan3A_1069, %mul3A_1119 : vector<16xf32>
      %get3A_1121 = arith.constant 2 : i32
      %get3A_1122 = arith.index_cast %get3A_1121 : i32 to index
      %get3A_1123 = arith.index_cast %add3A_1076 : i32 to index
      %get3A_1124 = arith.constant 80 : index
      %get3A_1125 = tpu.vector_load %arg16[%get3A_1122, %get3A_1123, %get3A_1124] {strides = array<i32>} : memref<4x104x256xf32, #tpu.memory_space<vmem>>, vector<1x1x16xf32>,
      %get3A_1126 = vector.shape_cast %get3A_1125 : vector<1x1x16xf32> to vector<16xf32>
      %add3A_1127 = arith.addf %scan3A_1062, %get3A_1126 : vector<16xf32>
      %mul3A_1128 = arith.mulf %get3A_1126, %get3A_1126 : vector<16xf32>
      %add3A_1129 = arith.addf %scan3A_1070, %mul3A_1128 : vector<16xf32>
      %get3A_1130 = arith.constant 2 : i32
      %get3A_1131 = arith.index_cast %get3A_1130 : i32 to index
      %get3A_1132 = arith.index_cast %add3A_1076 : i32 to index
      %get3A_1133 = arith.constant 96 : index
      %get3A_1134 = tpu.vector_load %arg16[%get3A_1131, %get3A_1132, %get3A_1133] {strides = array<i32>} : memref<4x104x256xf32, #tpu.memory_space<vmem>>, vector<1x1x16xf32>,
      %get3A_1135 = vector.shape_cast %get3A_1134 : vector<1x1x16xf32> to vector<16xf32>
      %add3A_1136 = arith.addf %scan3A_1063, %get3A_1135 : vector<16xf32>
      %mul3A_1137 = arith.mulf %get3A_1135, %get3A_1135 : vector<16xf32>
      %add3A_1138 = arith.addf %scan3A_1071, %mul3A_1137 : vector<16xf32>
      %get3A_1139 = arith.constant 2 : i32
      %get3A_1140 = arith.index_cast %get3A_1139 : i32 to index
      %get3A_1141 = arith.index_cast %add3A_1076 : i32 to index
      %get3A_1142 = arith.constant 112 : index
      %get3A_1143 = tpu.vector_load %arg16[%get3A_1140, %get3A_1141, %get3A_1142] {strides = array<i32>} : memref<4x104x256xf32, #tpu.memory_space<vmem>>, vector<1x1x16xf32>,
      %get3A_1144 = vector.shape_cast %get3A_1143 : vector<1x1x16xf32> to vector<16xf32>
      %add3A_1145 = arith.addf %scan3A_1064, %get3A_1144 : vector<16xf32>
      %mul3A_1146 = arith.mulf %get3A_1144, %get3A_1144 : vector<16xf32>
      %add3A_1147 = arith.addf %scan3A_1072, %mul3A_1146 : vector<16xf32>
      %mul3A_1148 = arith.constant 4 : i32
      %mul3A_1149 = arith.muli %scan3A_1056, %mul3A_1148 : i32
      %add3A_1150 = arith.constant 1 : i32
      %add3A_1151 = arith.addi %mul3A_1149, %add3A_1150 : i32
      %get3A_1152 = arith.constant 2 : i32
      %get3A_1153 = arith.index_cast %get3A_1152 : i32 to index
      %get3A_1154 = arith.index_cast %add3A_1151 : i32 to index
      %get3A_1155 = arith.constant 0 : index
      %get3A_1156 = tpu.vector_load %arg16[%get3A_1153, %get3A_1154, %get3A_1155] {strides = array<i32>} : memref<4x104x256xf32, #tpu.memory_space<vmem>>, vector<1x1x16xf32>,
      %get3A_1157 = vector.shape_cast %get3A_1156 : vector<1x1x16xf32> to vector<16xf32>
      %add3A_1158 = arith.addf %add3A_1082, %get3A_1157 : vector<16xf32>
      %mul3A_1159 = arith.mulf %get3A_1157, %get3A_1157 : vector<16xf32>
      %add3A_1160 = arith.addf %add3A_1084, %mul3A_1159 : vector<16xf32>
      %get3A_1161 = arith.constant 2 : i32
      %get3A_1162 = arith.index_cast %get3A_1161 : i32 to index
      %get3A_1163 = arith.index_cast %add3A_1151 : i32 to index
      %get3A_1164 = arith.constant 16 : index
      %get3A_1165 = tpu.vector_load %arg16[%get3A_1162, %get3A_1163, %get3A_1164] {strides = array<i32>} : memref<4x104x256xf32, #tpu.memory_space<vmem>>, vector<1x1x16xf32>,
      %get3A_1166 = vector.shape_cast %get3A_1165 : vector<1x1x16xf32> to vector<16xf32>
      %add3A_1167 = arith.addf %add3A_1091, %get3A_1166 : vector<16xf32>
      %mul3A_1168 = arith.mulf %get3A_1166, %get3A_1166 : vector<16xf32>
      %add3A_1169 = arith.addf %add3A_1093, %mul3A_1168 : vector<16xf32>
      %get3A_1170 = arith.constant 2 : i32
      %get3A_1171 = arith.index_cast %get3A_1170 : i32 to index
      %get3A_1172 = arith.index_cast %add3A_1151 : i32 to index
      %get3A_1173 = arith.constant 32 : index
      %get3A_1174 = tpu.vector_load %arg16[%get3A_1171, %get3A_1172, %get3A_1173] {strides = array<i32>} : memref<4x104x256xf32, #tpu.memory_space<vmem>>, vector<1x1x16xf32>,
      %get3A_1175 = vector.shape_cast %get3A_1174 : vector<1x1x16xf32> to vector<16xf32>
      %add3A_1176 = arith.addf %add3A_1100, %get3A_1175 : vector<16xf32>
      %mul3A_1177 = arith.mulf %get3A_1175, %get3A_1175 : vector<16xf32>
      %add3A_1178 = arith.addf %add3A_1102, %mul3A_1177 : vector<16xf32>
      %get3A_1179 = arith.constant 2 : i32
      %get3A_1180 = arith.index_cast %get3A_1179 : i32 to index
      %get3A_1181 = arith.index_cast %add3A_1151 : i32 to index
      %get3A_1182 = arith.constant 48 : index
      %get3A_1183 = tpu.vector_load %arg16[%get3A_1180, %get3A_1181, %get3A_1182] {strides = array<i32>} : memref<4x104x256xf32, #tpu.memory_space<vmem>>, vector<1x1x16xf32>,
      %get3A_1184 = vector.shape_cast %get3A_1183 : vector<1x1x16xf32> to vector<16xf32>
      %add3A_1185 = arith.addf %add3A_1109, %get3A_1184 : vector<16xf32>
      %mul3A_1186 = arith.mulf %get3A_1184, %get3A_1184 : vector<16xf32>
      %add3A_1187 = arith.addf %add3A_1111, %mul3A_1186 : vector<16xf32>
      %get3A_1188 = arith.constant 2 : i32
      %get3A_1189 = arith.index_cast %get3A_1188 : i32 to index
      %get3A_1190 = arith.index_cast %add3A_1151 : i32 to index
      %get3A_1191 = arith.constant 64 : index
      %get3A_1192 = tpu.vector_load %arg16[%get3A_1189, %get3A_1190, %get3A_1191] {strides = array<i32>} : memref<4x104x256xf32, #tpu.memory_space<vmem>>, vector<1x1x16xf32>,
      %get3A_1193 = vector.shape_cast %get3A_1192 : vector<1x1x16xf32> to vector<16xf32>
      %add3A_1194 = arith.addf %add3A_1118, %get3A_1193 : vector<16xf32>
      %mul3A_1195 = arith.mulf %get3A_1193, %get3A_1193 : vector<16xf32>
      %add3A_1196 = arith.addf %add3A_1120, %mul3A_1195 : vector<16xf32>
      %get3A_1197 = arith.constant 2 : i32
      %get3A_1198 = arith.index_cast %get3A_1197 : i32 to index
      %get3A_1199 = arith.index_cast %add3A_1151 : i32 to index
      %get3A_1200 = arith.constant 80 : index
      %get3A_1201 = tpu.vector_load %arg16[%get3A_1198, %get3A_1199, %get3A_1200] {strides = array<i32>} : memref<4x104x256xf32, #tpu.memory_space<vmem>>, vector<1x1x16xf32>,
      %get3A_1202 = vector.shape_cast %get3A_1201 : vector<1x1x16xf32> to vector<16xf32>
      %add3A_1203 = arith.addf %add3A_1127, %get3A_1202 : vector<16xf32>
      %mul3A_1204 = arith.mulf %get3A_1202, %get3A_1202 : vector<16xf32>
      %add3A_1205 = arith.addf %add3A_1129, %mul3A_1204 : vector<16xf32>
      %get3A_1206 = arith.constant 2 : i32
      %get3A_1207 = arith.index_cast %get3A_1206 : i32 to index
      %get3A_1208 = arith.index_cast %add3A_1151 : i32 to index
      %get3A_1209 = arith.constant 96 : index
      %get3A_1210 = tpu.vector_load %arg16[%get3A_1207, %get3A_1208, %get3A_1209] {strides = array<i32>} : memref<4x104x256xf32, #tpu.memory_space<vmem>>, vector<1x1x16xf32>,
      %get3A_1211 = vector.shape_cast %get3A_1210 : vector<1x1x16xf32> to vector<16xf32>
      %add3A_1212 = arith.addf %add3A_1136, %get3A_1211 : vector<16xf32>
      %mul3A_1213 = arith.mulf %get3A_1211, %get3A_1211 : vector<16xf32>
      %add3A_1214 = arith.addf %add3A_1138, %mul3A_1213 : vector<16xf32>
      %get3A_1215 = arith.constant 2 : i32
      %get3A_1216 = arith.index_cast %get3A_1215 : i32 to index
      %get3A_1217 = arith.index_cast %add3A_1151 : i32 to index
      %get3A_1218 = arith.constant 112 : index
      %get3A_1219 = tpu.vector_load %arg16[%get3A_1216, %get3A_1217, %get3A_1218] {strides = array<i32>} : memref<4x104x256xf32, #tpu.memory_space<vmem>>, vector<1x1x16xf32>,
      %get3A_1220 = vector.shape_cast %get3A_1219 : vector<1x1x16xf32> to vector<16xf32>
      %add3A_1221 = arith.addf %add3A_1145, %get3A_1220 : vector<16xf32>
      %mul3A_1222 = arith.mulf %get3A_1220, %get3A_1220 : vector<16xf32>
      %add3A_1223 = arith.addf %add3A_1147, %mul3A_1222 : vector<16xf32>
      %mul3A_1224 = arith.constant 4 : i32
      %mul3A_1225 = arith.muli %scan3A_1056, %mul3A_1224 : i32
      %add3A_1226 = arith.constant 2 : i32
      %add3A_1227 = arith.addi %mul3A_1225, %add3A_1226 : i32
      %get3A_1228 = arith.constant 2 : i32
      %get3A_1229 = arith.index_cast %get3A_1228 : i32 to index
      %get3A_1230 = arith.index_cast %add3A_1227 : i32 to index
      %get3A_1231 = arith.constant 0 : index
      %get3A_1232 = tpu.vector_load %arg16[%get3A_1229, %get3A_1230, %get3A_1231] {strides = array<i32>} : memref<4x104x256xf32, #tpu.memory_space<vmem>>, vector<1x1x16xf32>,
      %get3A_1233 = vector.shape_cast %get3A_1232 : vector<1x1x16xf32> to vector<16xf32>
      %add3A_1234 = arith.addf %add3A_1158, %get3A_1233 : vector<16xf32>
      %mul3A_1235 = arith.mulf %get3A_1233, %get3A_1233 : vector<16xf32>
      %add3A_1236 = arith.addf %add3A_1160, %mul3A_1235 : vector<16xf32>
      %get3A_1237 = arith.constant 2 : i32
      %get3A_1238 = arith.index_cast %get3A_1237 : i32 to index
      %get3A_1239 = arith.index_cast %add3A_1227 : i32 to index
      %get3A_1240 = arith.constant 16 : index
      %get3A_1241 = tpu.vector_load %arg16[%get3A_1238, %get3A_1239, %get3A_1240] {strides = array<i32>} : memref<4x104x256xf32, #tpu.memory_space<vmem>>, vector<1x1x16xf32>,
      %get3A_1242 = vector.shape_cast %get3A_1241 : vector<1x1x16xf32> to vector<16xf32>
      %add3A_1243 = arith.addf %add3A_1167, %get3A_1242 : vector<16xf32>
      %mul3A_1244 = arith.mulf %get3A_1242, %get3A_1242 : vector<16xf32>
      %add3A_1245 = arith.addf %add3A_1169, %mul3A_1244 : vector<16xf32>
      %get3A_1246 = arith.constant 2 : i32
      %get3A_1247 = arith.index_cast %get3A_1246 : i32 to index
      %get3A_1248 = arith.index_cast %add3A_1227 : i32 to index
      %get3A_1249 = arith.constant 32 : index
      %get3A_1250 = tpu.vector_load %arg16[%get3A_1247, %get3A_1248, %get3A_1249] {strides = array<i32>} : memref<4x104x256xf32, #tpu.memory_space<vmem>>, vector<1x1x16xf32>,
      %get3A_1251 = vector.shape_cast %get3A_1250 : vector<1x1x16xf32> to vector<16xf32>
      %add3A_1252 = arith.addf %add3A_1176, %get3A_1251 : vector<16xf32>
      %mul3A_1253 = arith.mulf %get3A_1251, %get3A_1251 : vector<16xf32>
      %add3A_1254 = arith.addf %add3A_1178, %mul3A_1253 : vector<16xf32>
      %get3A_1255 = arith.constant 2 : i32
      %get3A_1256 = arith.index_cast %get3A_1255 : i32 to index
      %get3A_1257 = arith.index_cast %add3A_1227 : i32 to index
      %get3A_1258 = arith.constant 48 : index
      %get3A_1259 = tpu.vector_load %arg16[%get3A_1256, %get3A_1257, %get3A_1258] {strides = array<i32>} : memref<4x104x256xf32, #tpu.memory_space<vmem>>, vector<1x1x16xf32>,
      %get3A_1260 = vector.shape_cast %get3A_1259 : vector<1x1x16xf32> to vector<16xf32>
      %add3A_1261 = arith.addf %add3A_1185, %get3A_1260 : vector<16xf32>
      %mul3A_1262 = arith.mulf %get3A_1260, %get3A_1260 : vector<16xf32>
      %add3A_1263 = arith.addf %add3A_1187, %mul3A_1262 : vector<16xf32>
      %get3A_1264 = arith.constant 2 : i32
      %get3A_1265 = arith.index_cast %get3A_1264 : i32 to index
      %get3A_1266 = arith.index_cast %add3A_1227 : i32 to index
      %get3A_1267 = arith.constant 64 : index
      %get3A_1268 = tpu.vector_load %arg16[%get3A_1265, %get3A_1266, %get3A_1267] {strides = array<i32>} : memref<4x104x256xf32, #tpu.memory_space<vmem>>, vector<1x1x16xf32>,
      %get3A_1269 = vector.shape_cast %get3A_1268 : vector<1x1x16xf32> to vector<16xf32>
      %add3A_1270 = arith.addf %add3A_1194, %get3A_1269 : vector<16xf32>
      %mul3A_1271 = arith.mulf %get3A_1269, %get3A_1269 : vector<16xf32>
      %add3A_1272 = arith.addf %add3A_1196, %mul3A_1271 : vector<16xf32>
      %get3A_1273 = arith.constant 2 : i32
      %get3A_1274 = arith.index_cast %get3A_1273 : i32 to index
      %get3A_1275 = arith.index_cast %add3A_1227 : i32 to index
      %get3A_1276 = arith.constant 80 : index
      %get3A_1277 = tpu.vector_load %arg16[%get3A_1274, %get3A_1275, %get3A_1276] {strides = array<i32>} : memref<4x104x256xf32, #tpu.memory_space<vmem>>, vector<1x1x16xf32>,
      %get3A_1278 = vector.shape_cast %get3A_1277 : vector<1x1x16xf32> to vector<16xf32>
      %add3A_1279 = arith.addf %add3A_1203, %get3A_1278 : vector<16xf32>
      %mul3A_1280 = arith.mulf %get3A_1278, %get3A_1278 : vector<16xf32>
      %add3A_1281 = arith.addf %add3A_1205, %mul3A_1280 : vector<16xf32>
      %get3A_1282 = arith.constant 2 : i32
      %get3A_1283 = arith.index_cast %get3A_1282 : i32 to index
      %get3A_1284 = arith.index_cast %add3A_1227 : i32 to index
      %get3A_1285 = arith.constant 96 : index
      %get3A_1286 = tpu.vector_load %arg16[%get3A_1283, %get3A_1284, %get3A_1285] {strides = array<i32>} : memref<4x104x256xf32, #tpu.memory_space<vmem>>, vector<1x1x16xf32>,
      %get3A_1287 = vector.shape_cast %get3A_1286 : vector<1x1x16xf32> to vector<16xf32>
      %add3A_1288 = arith.addf %add3A_1212, %get3A_1287 : vector<16xf32>
      %mul3A_1289 = arith.mulf %get3A_1287, %get3A_1287 : vector<16xf32>
      %add3A_1290 = arith.addf %add3A_1214, %mul3A_1289 : vector<16xf32>
      %get3A_1291 = arith.constant 2 : i32
      %get3A_1292 = arith.index_cast %get3A_1291 : i32 to index
      %get3A_1293 = arith.index_cast %add3A_1227 : i32 to index
      %get3A_1294 = arith.constant 112 : index
      %get3A_1295 = tpu.vector_load %arg16[%get3A_1292, %get3A_1293, %get3A_1294] {strides = array<i32>} : memref<4x104x256xf32, #tpu.memory_space<vmem>>, vector<1x1x16xf32>,
      %get3A_1296 = vector.shape_cast %get3A_1295 : vector<1x1x16xf32> to vector<16xf32>
      %add3A_1297 = arith.addf %add3A_1221, %get3A_1296 : vector<16xf32>
      %mul3A_1298 = arith.mulf %get3A_1296, %get3A_1296 : vector<16xf32>
      %add3A_1299 = arith.addf %add3A_1223, %mul3A_1298 : vector<16xf32>
      %mul3A_1300 = arith.constant 4 : i32
      %mul3A_1301 = arith.muli %scan3A_1056, %mul3A_1300 : i32
      %add3A_1302 = arith.constant 3 : i32
      %add3A_1303 = arith.addi %mul3A_1301, %add3A_1302 : i32
      %get3A_1304 = arith.constant 2 : i32
      %get3A_1305 = arith.index_cast %get3A_1304 : i32 to index
      %get3A_1306 = arith.index_cast %add3A_1303 : i32 to index
      %get3A_1307 = arith.constant 0 : index
      %get3A_1308 = tpu.vector_load %arg16[%get3A_1305, %get3A_1306, %get3A_1307] {strides = array<i32>} : memref<4x104x256xf32, #tpu.memory_space<vmem>>, vector<1x1x16xf32>,
      %get3A_1309 = vector.shape_cast %get3A_1308 : vector<1x1x16xf32> to vector<16xf32>
      %add3A_1310 = arith.addf %add3A_1234, %get3A_1309 : vector<16xf32>
      %mul3A_1311 = arith.mulf %get3A_1309, %get3A_1309 : vector<16xf32>
      %add3A_1312 = arith.addf %add3A_1236, %mul3A_1311 : vector<16xf32>
      %get3A_1313 = arith.constant 2 : i32
      %get3A_1314 = arith.index_cast %get3A_1313 : i32 to index
      %get3A_1315 = arith.index_cast %add3A_1303 : i32 to index
      %get3A_1316 = arith.constant 16 : index
      %get3A_1317 = tpu.vector_load %arg16[%get3A_1314, %get3A_1315, %get3A_1316] {strides = array<i32>} : memref<4x104x256xf32, #tpu.memory_space<vmem>>, vector<1x1x16xf32>,
      %get3A_1318 = vector.shape_cast %get3A_1317 : vector<1x1x16xf32> to vector<16xf32>
      %add3A_1319 = arith.addf %add3A_1243, %get3A_1318 : vector<16xf32>
      %mul3A_1320 = arith.mulf %get3A_1318, %get3A_1318 : vector<16xf32>
      %add3A_1321 = arith.addf %add3A_1245, %mul3A_1320 : vector<16xf32>
      %get3A_1322 = arith.constant 2 : i32
      %get3A_1323 = arith.index_cast %get3A_1322 : i32 to index
      %get3A_1324 = arith.index_cast %add3A_1303 : i32 to index
      %get3A_1325 = arith.constant 32 : index
      %get3A_1326 = tpu.vector_load %arg16[%get3A_1323, %get3A_1324, %get3A_1325] {strides = array<i32>} : memref<4x104x256xf32, #tpu.memory_space<vmem>>, vector<1x1x16xf32>,
      %get3A_1327 = vector.shape_cast %get3A_1326 : vector<1x1x16xf32> to vector<16xf32>
      %add3A_1328 = arith.addf %add3A_1252, %get3A_1327 : vector<16xf32>
      %mul3A_1329 = arith.mulf %get3A_1327, %get3A_1327 : vector<16xf32>
      %add3A_1330 = arith.addf %add3A_1254, %mul3A_1329 : vector<16xf32>
      %get3A_1331 = arith.constant 2 : i32
      %get3A_1332 = arith.index_cast %get3A_1331 : i32 to index
      %get3A_1333 = arith.index_cast %add3A_1303 : i32 to index
      %get3A_1334 = arith.constant 48 : index
      %get3A_1335 = tpu.vector_load %arg16[%get3A_1332, %get3A_1333, %get3A_1334] {strides = array<i32>} : memref<4x104x256xf32, #tpu.memory_space<vmem>>, vector<1x1x16xf32>,
      %get3A_1336 = vector.shape_cast %get3A_1335 : vector<1x1x16xf32> to vector<16xf32>
      %add3A_1337 = arith.addf %add3A_1261, %get3A_1336 : vector<16xf32>
      %mul3A_1338 = arith.mulf %get3A_1336, %get3A_1336 : vector<16xf32>
      %add3A_1339 = arith.addf %add3A_1263, %mul3A_1338 : vector<16xf32>
      %get3A_1340 = arith.constant 2 : i32
      %get3A_1341 = arith.index_cast %get3A_1340 : i32 to index
      %get3A_1342 = arith.index_cast %add3A_1303 : i32 to index
      %get3A_1343 = arith.constant 64 : index
      %get3A_1344 = tpu.vector_load %arg16[%get3A_1341, %get3A_1342, %get3A_1343] {strides = array<i32>} : memref<4x104x256xf32, #tpu.memory_space<vmem>>, vector<1x1x16xf32>,
      %get3A_1345 = vector.shape_cast %get3A_1344 : vector<1x1x16xf32> to vector<16xf32>
      %add3A_1346 = arith.addf %add3A_1270, %get3A_1345 : vector<16xf32>
      %mul3A_1347 = arith.mulf %get3A_1345, %get3A_1345 : vector<16xf32>
      %add3A_1348 = arith.addf %add3A_1272, %mul3A_1347 : vector<16xf32>
      %get3A_1349 = arith.constant 2 : i32
      %get3A_1350 = arith.index_cast %get3A_1349 : i32 to index
      %get3A_1351 = arith.index_cast %add3A_1303 : i32 to index
      %get3A_1352 = arith.constant 80 : index
      %get3A_1353 = tpu.vector_load %arg16[%get3A_1350, %get3A_1351, %get3A_1352] {strides = array<i32>} : memref<4x104x256xf32, #tpu.memory_space<vmem>>, vector<1x1x16xf32>,
      %get3A_1354 = vector.shape_cast %get3A_1353 : vector<1x1x16xf32> to vector<16xf32>
      %add3A_1355 = arith.addf %add3A_1279, %get3A_1354 : vector<16xf32>
      %mul3A_1356 = arith.mulf %get3A_1354, %get3A_1354 : vector<16xf32>
      %add3A_1357 = arith.addf %add3A_1281, %mul3A_1356 : vector<16xf32>
      %get3A_1358 = arith.constant 2 : i32
      %get3A_1359 = arith.index_cast %get3A_1358 : i32 to index
      %get3A_1360 = arith.index_cast %add3A_1303 : i32 to index
      %get3A_1361 = arith.constant 96 : index
      %get3A_1362 = tpu.vector_load %arg16[%get3A_1359, %get3A_1360, %get3A_1361] {strides = array<i32>} : memref<4x104x256xf32, #tpu.memory_space<vmem>>, vector<1x1x16xf32>,
      %get3A_1363 = vector.shape_cast %get3A_1362 : vector<1x1x16xf32> to vector<16xf32>
      %add3A_1364 = arith.addf %add3A_1288, %get3A_1363 : vector<16xf32>
      %mul3A_1365 = arith.mulf %get3A_1363, %get3A_1363 : vector<16xf32>
      %add3A_1366 = arith.addf %add3A_1290, %mul3A_1365 : vector<16xf32>
      %get3A_1367 = arith.constant 2 : i32
      %get3A_1368 = arith.index_cast %get3A_1367 : i32 to index
      %get3A_1369 = arith.index_cast %add3A_1303 : i32 to index
      %get3A_1370 = arith.constant 112 : index
      %get3A_1371 = tpu.vector_load %arg16[%get3A_1368, %get3A_1369, %get3A_1370] {strides = array<i32>} : memref<4x104x256xf32, #tpu.memory_space<vmem>>, vector<1x1x16xf32>,
      %get3A_1372 = vector.shape_cast %get3A_1371 : vector<1x1x16xf32> to vector<16xf32>
      %add3A_1373 = arith.addf %add3A_1297, %get3A_1372 : vector<16xf32>
      %mul3A_1374 = arith.mulf %get3A_1372, %get3A_1372 : vector<16xf32>
      %add3A_1375 = arith.addf %add3A_1299, %mul3A_1374 : vector<16xf32>
      scf.yield %add3A_1310, %add3A_1319, %add3A_1328, %add3A_1337, %add3A_1346, %add3A_1355, %add3A_1364, %add3A_1373, %add3A_1312, %add3A_1321, %add3A_1330, %add3A_1339, %add3A_1348, %add3A_1357, %add3A_1366, %add3A_1375 : vector<16xf32>, vector<16xf32>, vector<16xf32>, vector<16xf32>, vector<16xf32>, vector<16xf32>, vector<16xf32>, vector<16xf32>, vector<16xf32>, vector<16xf32>, vector<16xf32>, vector<16xf32>, vector<16xf32>, vector<16xf32>, vector<16xf32>, vector<16xf32>
    }
    %scan3A_547 = arith.constant 25 : i32
    %swap3A_548 = arith.constant 2 : i32
    %swap3A_549 = arith.index_cast %swap3A_548 : i32 to index
    %swap3A_550 = arith.constant 0 : index
    %swap3A_551 = tpu.vector_load %arg17[%swap3A_549, %swap3A_550] {strides = array<i32>} : memref<4x256xf32, #tpu.memory_space<vmem>>, vector<1x16xf32>,
    %swap3A_552 = vector.shape_cast %swap3A_551 : vector<1x16xf32> to vector<16xf32>
    %swap3A_553 = vector.shape_cast %scan3A_546#0 : vector<16xf32> to vector<1x16xf32>
    tpu.vector_store %arg17[%swap3A_549, %swap3A_550], %swap3A_553 {strides = array<i32>} : memref<4x256xf32, #tpu.memory_space<vmem>>, vector<1x16xf32>,
    %swap3A_554 = arith.constant 2 : i32
    %swap3A_555 = arith.index_cast %swap3A_554 : i32 to index
    %swap3A_556 = arith.constant 0 : index
    %swap3A_557 = tpu.vector_load %arg18[%swap3A_555, %swap3A_556] {strides = array<i32>} : memref<4x256xf32, #tpu.memory_space<vmem>>, vector<1x16xf32>,
    %swap3A_558 = vector.shape_cast %swap3A_557 : vector<1x16xf32> to vector<16xf32>
    %swap3A_559 = vector.shape_cast %scan3A_546#8 : vector<16xf32> to vector<1x16xf32>
    tpu.vector_store %arg18[%swap3A_555, %swap3A_556], %swap3A_559 {strides = array<i32>} : memref<4x256xf32, #tpu.memory_space<vmem>>, vector<1x16xf32>,
    %swap3A_560 = arith.constant 2 : i32
    %swap3A_561 = arith.index_cast %swap3A_560 : i32 to index
    %swap3A_562 = arith.constant 16 : index
    %swap3A_563 = tpu.vector_load %arg17[%swap3A_561, %swap3A_562] {strides = array<i32>} : memref<4x256xf32, #tpu.memory_space<vmem>>, vector<1x16xf32>,
    %swap3A_564 = vector.shape_cast %swap3A_563 : vector<1x16xf32> to vector<16xf32>
    %swap3A_565 = vector.shape_cast %scan3A_546#1 : vector<16xf32> to vector<1x16xf32>
    tpu.vector_store %arg17[%swap3A_561, %swap3A_562], %swap3A_565 {strides = array<i32>} : memref<4x256xf32, #tpu.memory_space<vmem>>, vector<1x16xf32>,
    %swap3A_566 = arith.constant 2 : i32
    %swap3A_567 = arith.index_cast %swap3A_566 : i32 to index
    %swap3A_568 = arith.constant 16 : index
    %swap3A_569 = tpu.vector_load %arg18[%swap3A_567, %swap3A_568] {strides = array<i32>} : memref<4x256xf32, #tpu.memory_space<vmem>>, vector<1x16xf32>,
    %swap3A_570 = vector.shape_cast %swap3A_569 : vector<1x16xf32> to vector<16xf32>
    %swap3A_571 = vector.shape_cast %scan3A_546#9 : vector<16xf32> to vector<1x16xf32>
    tpu.vector_store %arg18[%swap3A_567, %swap3A_568], %swap3A_571 {strides = array<i32>} : memref<4x256xf32, #tpu.memory_space<vmem>>, vector<1x16xf32>,
    %swap3A_572 = arith.constant 2 : i32
    %swap3A_573 = arith.index_cast %swap3A_572 : i32 to index
    %swap3A_574 = arith.constant 32 : index
    %swap3A_575 = tpu.vector_load %arg17[%swap3A_573, %swap3A_574] {strides = array<i32>} : memref<4x256xf32, #tpu.memory_space<vmem>>, vector<1x16xf32>,
    %swap3A_576 = vector.shape_cast %swap3A_575 : vector<1x16xf32> to vector<16xf32>
    %swap3A_577 = vector.shape_cast %scan3A_546#2 : vector<16xf32> to vector<1x16xf32>
    tpu.vector_store %arg17[%swap3A_573, %swap3A_574], %swap3A_577 {strides = array<i32>} : memref<4x256xf32, #tpu.memory_space<vmem>>, vector<1x16xf32>,
    %swap3A_578 = arith.constant 2 : i32
    %swap3A_579 = arith.index_cast %swap3A_578 : i32 to index
    %swap3A_580 = arith.constant 32 : index
    %swap3A_581 = tpu.vector_load %arg18[%swap3A_579, %swap3A_580] {strides = array<i32>} : memref<4x256xf32, #tpu.memory_space<vmem>>, vector<1x16xf32>,
    %swap3A_582 = vector.shape_cast %swap3A_581 : vector<1x16xf32> to vector<16xf32>
    %swap3A_583 = vector.shape_cast %scan3A_546#10 : vector<16xf32> to vector<1x16xf32>
    tpu.vector_store %arg18[%swap3A_579, %swap3A_580], %swap3A_583 {strides = array<i32>} : memref<4x256xf32, #tpu.memory_space<vmem>>, vector<1x16xf32>,
    %swap3A_584 = arith.constant 2 : i32
    %swap3A_585 = arith.index_cast %swap3A_584 : i32 to index
    %swap3A_586 = arith.constant 48 : index
    %swap3A_587 = tpu.vector_load %arg17[%swap3A_585, %swap3A_586] {strides = array<i32>} : memref<4x256xf32, #tpu.memory_space<vmem>>, vector<1x16xf32>,
    %swap3A_588 = vector.shape_cast %swap3A_587 : vector<1x16xf32> to vector<16xf32>
    %swap3A_589 = vector.shape_cast %scan3A_546#3 : vector<16xf32> to vector<1x16xf32>
    tpu.vector_store %arg17[%swap3A_585, %swap3A_586], %swap3A_589 {strides = array<i32>} : memref<4x256xf32, #tpu.memory_space<vmem>>, vector<1x16xf32>,
    %swap3A_590 = arith.constant 2 : i32
    %swap3A_591 = arith.index_cast %swap3A_590 : i32 to index
    %swap3A_592 = arith.constant 48 : index
    %swap3A_593 = tpu.vector_load %arg18[%swap3A_591, %swap3A_592] {strides = array<i32>} : memref<4x256xf32, #tpu.memory_space<vmem>>, vector<1x16xf32>,
    %swap3A_594 = vector.shape_cast %swap3A_593 : vector<1x16xf32> to vector<16xf32>
    %swap3A_595 = vector.shape_cast %scan3A_546#11 : vector<16xf32> to vector<1x16xf32>
    tpu.vector_store %arg18[%swap3A_591, %swap3A_592], %swap3A_595 {strides = array<i32>} : memref<4x256xf32, #tpu.memory_space<vmem>>, vector<1x16xf32>,
    %swap3A_596 = arith.constant 2 : i32
    %swap3A_597 = arith.index_cast %swap3A_596 : i32 to index
    %swap3A_598 = arith.constant 64 : index
    %swap3A_599 = tpu.vector_load %arg17[%swap3A_597, %swap3A_598] {strides = array<i32>} : memref<4x256xf32, #tpu.memory_space<vmem>>, vector<1x16xf32>,
    %swap3A_600 = vector.shape_cast %swap3A_599 : vector<1x16xf32> to vector<16xf32>
    %swap3A_601 = vector.shape_cast %scan3A_546#4 : vector<16xf32> to vector<1x16xf32>
    tpu.vector_store %arg17[%swap3A_597, %swap3A_598], %swap3A_601 {strides = array<i32>} : memref<4x256xf32, #tpu.memory_space<vmem>>, vector<1x16xf32>,
    %swap3A_602 = arith.constant 2 : i32
    %swap3A_603 = arith.index_cast %swap3A_602 : i32 to index
    %swap3A_604 = arith.constant 64 : index
    %swap3A_605 = tpu.vector_load %arg18[%swap3A_603, %swap3A_604] {strides = array<i32>} : memref<4x256xf32, #tpu.memory_space<vmem>>, vector<1x16xf32>,
    %swap3A_606 = vector.shape_cast %swap3A_605 : vector<1x16xf32> to vector<16xf32>
    %swap3A_607 = vector.shape_cast %scan3A_546#12 : vector<16xf32> to vector<1x16xf32>
    tpu.vector_store %arg18[%swap3A_603, %swap3A_604], %swap3A_607 {strides = array<i32>} : memref<4x256xf32, #tpu.memory_space<vmem>>, vector<1x16xf32>,
    %swap3A_608 = arith.constant 2 : i32
    %swap3A_609 = arith.index_cast %swap3A_608 : i32 to index
    %swap3A_610 = arith.constant 80 : index
    %swap3A_611 = tpu.vector_load %arg17[%swap3A_609, %swap3A_610] {strides = array<i32>} : memref<4x256xf32, #tpu.memory_space<vmem>>, vector<1x16xf32>,
    %swap3A_612 = vector.shape_cast %swap3A_611 : vector<1x16xf32> to vector<16xf32>
    %swap3A_613 = vector.shape_cast %scan3A_546#5 : vector<16xf32> to vector<1x16xf32>
    tpu.vector_store %arg17[%swap3A_609, %swap3A_610], %swap3A_613 {strides = array<i32>} : memref<4x256xf32, #tpu.memory_space<vmem>>, vector<1x16xf32>,
    %swap3A_614 = arith.constant 2 : i32
    %swap3A_615 = arith.index_cast %swap3A_614 : i32 to index
    %swap3A_616 = arith.constant 80 : index
    %swap3A_617 = tpu.vector_load %arg18[%swap3A_615, %swap3A_616] {strides = array<i32>} : memref<4x256xf32, #tpu.memory_space<vmem>>, vector<1x16xf32>,
    %swap3A_618 = vector.shape_cast %swap3A_617 : vector<1x16xf32> to vector<16xf32>
    %swap3A_619 = vector.shape_cast %scan3A_546#13 : vector<16xf32> to vector<1x16xf32>
    tpu.vector_store %arg18[%swap3A_615, %swap3A_616], %swap3A_619 {strides = array<i32>} : memref<4x256xf32, #tpu.memory_space<vmem>>, vector<1x16xf32>,
    %swap3A_620 = arith.constant 2 : i32
    %swap3A_621 = arith.index_cast %swap3A_620 : i32 to index
    %swap3A_622 = arith.constant 96 : index
    %swap3A_623 = tpu.vector_load %arg17[%swap3A_621, %swap3A_622] {strides = array<i32>} : memref<4x256xf32, #tpu.memory_space<vmem>>, vector<1x16xf32>,
    %swap3A_624 = vector.shape_cast %swap3A_623 : vector<1x16xf32> to vector<16xf32>
    %swap3A_625 = vector.shape_cast %scan3A_546#6 : vector<16xf32> to vector<1x16xf32>
    tpu.vector_store %arg17[%swap3A_621, %swap3A_622], %swap3A_625 {strides = array<i32>} : memref<4x256xf32, #tpu.memory_space<vmem>>, vector<1x16xf32>,
    %swap3A_626 = arith.constant 2 : i32
    %swap3A_627 = arith.index_cast %swap3A_626 : i32 to index
    %swap3A_628 = arith.constant 96 : index
    %swap3A_629 = tpu.vector_load %arg18[%swap3A_627, %swap3A_628] {strides = array<i32>} : memref<4x256xf32, #tpu.memory_space<vmem>>, vector<1x16xf32>,
    %swap3A_630 = vector.shape_cast %swap3A_629 : vector<1x16xf32> to vector<16xf32>
    %swap3A_631 = vector.shape_cast %scan3A_546#14 : vector<16xf32> to vector<1x16xf32>
    tpu.vector_store %arg18[%swap3A_627, %swap3A_628], %swap3A_631 {strides = array<i32>} : memref<4x256xf32, #tpu.memory_space<vmem>>, vector<1x16xf32>,
    %swap3A_632 = arith.constant 2 : i32
    %swap3A_633 = arith.index_cast %swap3A_632 : i32 to index
    %swap3A_634 = arith.constant 112 : index
    %swap3A_635 = tpu.vector_load %arg17[%swap3A_633, %swap3A_634] {strides = array<i32>} : memref<4x256xf32, #tpu.memory_space<vmem>>, vector<1x16xf32>,
    %swap3A_636 = vector.shape_cast %swap3A_635 : vector<1x16xf32> to vector<16xf32>
    %swap3A_637 = vector.shape_cast %scan3A_546#7 : vector<16xf32> to vector<1x16xf32>
    tpu.vector_store %arg17[%swap3A_633, %swap3A_634], %swap3A_637 {strides = array<i32>} : memref<4x256xf32, #tpu.memory_space<vmem>>, vector<1x16xf32>,
    %swap3A_638 = arith.constant 2 : i32
    %swap3A_639 = arith.index_cast %swap3A_638 : i32 to index
    %swap3A_640 = arith.constant 112 : index
    %swap3A_641 = tpu.vector_load %arg18[%swap3A_639, %swap3A_640] {strides = array<i32>} : memref<4x256xf32, #tpu.memory_space<vmem>>, vector<1x16xf32>,
    %swap3A_642 = vector.shape_cast %swap3A_641 : vector<1x16xf32> to vector<16xf32>
    %swap3A_643 = vector.shape_cast %scan3A_546#15 : vector<16xf32> to vector<1x16xf32>
    tpu.vector_store %arg18[%swap3A_639, %swap3A_640], %swap3A_643 {strides = array<i32>} : memref<4x256xf32, #tpu.memory_space<vmem>>, vector<1x16xf32>,
    %broadcast_in_dim3A_644 = arith.constant 0.000000e+00 : f32
    %broadcast_in_dim3A_645 = vector.broadcast %broadcast_in_dim3A_644 : f32 to vector<16xf32>
    %scan3A_646 = arith.constant 0 : i32
    %scan3A_647 = arith.constant 25 : i32
    %scan3A_648 = arith.addi %scan3A_646, %scan3A_647 : i32
    %scan3A_649 = arith.constant 1 : i32
    %scan3A_650:16 = scf.for %scan3A_1056 = %scan3A_646 to %scan3A_648 step %scan3A_649 iter_args(%scan3A_1057 = %broadcast_in_dim3A_645, %scan3A_1058 = %broadcast_in_dim3A_645, %scan3A_1059 = %broadcast_in_dim3A_645, %scan3A_1060 = %broadcast_in_dim3A_645, %scan3A_1061 = %broadcast_in_dim3A_645, %scan3A_1062 = %broadcast_in_dim3A_645, %scan3A_1063 = %broadcast_in_dim3A_645, %scan3A_1064 = %broadcast_in_dim3A_645, %scan3A_1065 = %broadcast_in_dim3A_645, %scan3A_1066 = %broadcast_in_dim3A_645, %scan3A_1067 = %broadcast_in_dim3A_645, %scan3A_1068 = %broadcast_in_dim3A_645, %scan3A_1069 = %broadcast_in_dim3A_645, %scan3A_1070 = %broadcast_in_dim3A_645, %scan3A_1071 = %broadcast_in_dim3A_645, %scan3A_1072 = %broadcast_in_dim3A_645) -> (vector<16xf32>, vector<16xf32>, vector<16xf32>, vector<16xf32>, vector<16xf32>, vector<16xf32>, vector<16xf32>, vector<16xf32>, vector<16xf32>, vector<16xf32>, vector<16xf32>, vector<16xf32>, vector<16xf32>, vector<16xf32>, vector<16xf32>, vector<16xf32>)  : i32 {
      %mul3A_1073 = arith.constant 4 : i32
      %mul3A_1074 = arith.muli %scan3A_1056, %mul3A_1073 : i32
      %add3A_1075 = arith.constant 0 : i32
      %add3A_1076 = arith.addi %mul3A_1074, %add3A_1075 : i32
      %get3A = arith.constant 2 : i32
      %get3A_1077 = arith.index_cast %get3A : i32 to index
      %get3A_1078 = arith.index_cast %add3A_1076 : i32 to index
      %get3A_1079 = arith.constant 128 : index
      %get3A_1080 = tpu.vector_load %arg16[%get3A_1077, %get3A_1078, %get3A_1079] {strides = array<i32>} : memref<4x104x256xf32, #tpu.memory_space<vmem>>, vector<1x1x16xf32>,
      %get3A_1081 = vector.shape_cast %get3A_1080 : vector<1x1x16xf32> to vector<16xf32>
      %add3A_1082 = arith.addf %scan3A_1057, %get3A_1081 : vector<16xf32>
      %mul3A_1083 = arith.mulf %get3A_1081, %get3A_1081 : vector<16xf32>
      %add3A_1084 = arith.addf %scan3A_1065, %mul3A_1083 : vector<16xf32>
      %get3A_1085 = arith.constant 2 : i32
      %get3A_1086 = arith.index_cast %get3A_1085 : i32 to index
      %get3A_1087 = arith.index_cast %add3A_1076 : i32 to index
      %get3A_1088 = arith.constant 144 : index
      %get3A_1089 = tpu.vector_load %arg16[%get3A_1086, %get3A_1087, %get3A_1088] {strides = array<i32>} : memref<4x104x256xf32, #tpu.memory_space<vmem>>, vector<1x1x16xf32>,
      %get3A_1090 = vector.shape_cast %get3A_1089 : vector<1x1x16xf32> to vector<16xf32>
      %add3A_1091 = arith.addf %scan3A_1058, %get3A_1090 : vector<16xf32>
      %mul3A_1092 = arith.mulf %get3A_1090, %get3A_1090 : vector<16xf32>
      %add3A_1093 = arith.addf %scan3A_1066, %mul3A_1092 : vector<16xf32>
      %get3A_1094 = arith.constant 2 : i32
      %get3A_1095 = arith.index_cast %get3A_1094 : i32 to index
      %get3A_1096 = arith.index_cast %add3A_1076 : i32 to index
      %get3A_1097 = arith.constant 160 : index
      %get3A_1098 = tpu.vector_load %arg16[%get3A_1095, %get3A_1096, %get3A_1097] {strides = array<i32>} : memref<4x104x256xf32, #tpu.memory_space<vmem>>, vector<1x1x16xf32>,
      %get3A_1099 = vector.shape_cast %get3A_1098 : vector<1x1x16xf32> to vector<16xf32>
      %add3A_1100 = arith.addf %scan3A_1059, %get3A_1099 : vector<16xf32>
      %mul3A_1101 = arith.mulf %get3A_1099, %get3A_1099 : vector<16xf32>
      %add3A_1102 = arith.addf %scan3A_1067, %mul3A_1101 : vector<16xf32>
      %get3A_1103 = arith.constant 2 : i32
      %get3A_1104 = arith.index_cast %get3A_1103 : i32 to index
      %get3A_1105 = arith.index_cast %add3A_1076 : i32 to index
      %get3A_1106 = arith.constant 176 : index
      %get3A_1107 = tpu.vector_load %arg16[%get3A_1104, %get3A_1105, %get3A_1106] {strides = array<i32>} : memref<4x104x256xf32, #tpu.memory_space<vmem>>, vector<1x1x16xf32>,
      %get3A_1108 = vector.shape_cast %get3A_1107 : vector<1x1x16xf32> to vector<16xf32>
      %add3A_1109 = arith.addf %scan3A_1060, %get3A_1108 : vector<16xf32>
      %mul3A_1110 = arith.mulf %get3A_1108, %get3A_1108 : vector<16xf32>
      %add3A_1111 = arith.addf %scan3A_1068, %mul3A_1110 : vector<16xf32>
      %get3A_1112 = arith.constant 2 : i32
      %get3A_1113 = arith.index_cast %get3A_1112 : i32 to index
      %get3A_1114 = arith.index_cast %add3A_1076 : i32 to index
      %get3A_1115 = arith.constant 192 : index
      %get3A_1116 = tpu.vector_load %arg16[%get3A_1113, %get3A_1114, %get3A_1115] {strides = array<i32>} : memref<4x104x256xf32, #tpu.memory_space<vmem>>, vector<1x1x16xf32>,
      %get3A_1117 = vector.shape_cast %get3A_1116 : vector<1x1x16xf32> to vector<16xf32>
      %add3A_1118 = arith.addf %scan3A_1061, %get3A_1117 : vector<16xf32>
      %mul3A_1119 = arith.mulf %get3A_1117, %get3A_1117 : vector<16xf32>
      %add3A_1120 = arith.addf %scan3A_1069, %mul3A_1119 : vector<16xf32>
      %get3A_1121 = arith.constant 2 : i32
      %get3A_1122 = arith.index_cast %get3A_1121 : i32 to index
      %get3A_1123 = arith.index_cast %add3A_1076 : i32 to index
      %get3A_1124 = arith.constant 208 : index
      %get3A_1125 = tpu.vector_load %arg16[%get3A_1122, %get3A_1123, %get3A_1124] {strides = array<i32>} : memref<4x104x256xf32, #tpu.memory_space<vmem>>, vector<1x1x16xf32>,
      %get3A_1126 = vector.shape_cast %get3A_1125 : vector<1x1x16xf32> to vector<16xf32>
      %add3A_1127 = arith.addf %scan3A_1062, %get3A_1126 : vector<16xf32>
      %mul3A_1128 = arith.mulf %get3A_1126, %get3A_1126 : vector<16xf32>
      %add3A_1129 = arith.addf %scan3A_1070, %mul3A_1128 : vector<16xf32>
      %get3A_1130 = arith.constant 2 : i32
      %get3A_1131 = arith.index_cast %get3A_1130 : i32 to index
      %get3A_1132 = arith.index_cast %add3A_1076 : i32 to index
      %get3A_1133 = arith.constant 224 : index
      %get3A_1134 = tpu.vector_load %arg16[%get3A_1131, %get3A_1132, %get3A_1133] {strides = array<i32>} : memref<4x104x256xf32, #tpu.memory_space<vmem>>, vector<1x1x16xf32>,
      %get3A_1135 = vector.shape_cast %get3A_1134 : vector<1x1x16xf32> to vector<16xf32>
      %add3A_1136 = arith.addf %scan3A_1063, %get3A_1135 : vector<16xf32>
      %mul3A_1137 = arith.mulf %get3A_1135, %get3A_1135 : vector<16xf32>
      %add3A_1138 = arith.addf %scan3A_1071, %mul3A_1137 : vector<16xf32>
      %get3A_1139 = arith.constant 2 : i32
      %get3A_1140 = arith.index_cast %get3A_1139 : i32 to index
      %get3A_1141 = arith.index_cast %add3A_1076 : i32 to index
      %get3A_1142 = arith.constant 240 : index
      %get3A_1143 = tpu.vector_load %arg16[%get3A_1140, %get3A_1141, %get3A_1142] {strides = array<i32>} : memref<4x104x256xf32, #tpu.memory_space<vmem>>, vector<1x1x16xf32>,
      %get3A_1144 = vector.shape_cast %get3A_1143 : vector<1x1x16xf32> to vector<16xf32>
      %add3A_1145 = arith.addf %scan3A_1064, %get3A_1144 : vector<16xf32>
      %mul3A_1146 = arith.mulf %get3A_1144, %get3A_1144 : vector<16xf32>
      %add3A_1147 = arith.addf %scan3A_1072, %mul3A_1146 : vector<16xf32>
      %mul3A_1148 = arith.constant 4 : i32
      %mul3A_1149 = arith.muli %scan3A_1056, %mul3A_1148 : i32
      %add3A_1150 = arith.constant 1 : i32
      %add3A_1151 = arith.addi %mul3A_1149, %add3A_1150 : i32
      %get3A_1152 = arith.constant 2 : i32
      %get3A_1153 = arith.index_cast %get3A_1152 : i32 to index
      %get3A_1154 = arith.index_cast %add3A_1151 : i32 to index
      %get3A_1155 = arith.constant 128 : index
      %get3A_1156 = tpu.vector_load %arg16[%get3A_1153, %get3A_1154, %get3A_1155] {strides = array<i32>} : memref<4x104x256xf32, #tpu.memory_space<vmem>>, vector<1x1x16xf32>,
      %get3A_1157 = vector.shape_cast %get3A_1156 : vector<1x1x16xf32> to vector<16xf32>
      %add3A_1158 = arith.addf %add3A_1082, %get3A_1157 : vector<16xf32>
      %mul3A_1159 = arith.mulf %get3A_1157, %get3A_1157 : vector<16xf32>
      %add3A_1160 = arith.addf %add3A_1084, %mul3A_1159 : vector<16xf32>
      %get3A_1161 = arith.constant 2 : i32
      %get3A_1162 = arith.index_cast %get3A_1161 : i32 to index
      %get3A_1163 = arith.index_cast %add3A_1151 : i32 to index
      %get3A_1164 = arith.constant 144 : index
      %get3A_1165 = tpu.vector_load %arg16[%get3A_1162, %get3A_1163, %get3A_1164] {strides = array<i32>} : memref<4x104x256xf32, #tpu.memory_space<vmem>>, vector<1x1x16xf32>,
      %get3A_1166 = vector.shape_cast %get3A_1165 : vector<1x1x16xf32> to vector<16xf32>
      %add3A_1167 = arith.addf %add3A_1091, %get3A_1166 : vector<16xf32>
      %mul3A_1168 = arith.mulf %get3A_1166, %get3A_1166 : vector<16xf32>
      %add3A_1169 = arith.addf %add3A_1093, %mul3A_1168 : vector<16xf32>
      %get3A_1170 = arith.constant 2 : i32
      %get3A_1171 = arith.index_cast %get3A_1170 : i32 to index
      %get3A_1172 = arith.index_cast %add3A_1151 : i32 to index
      %get3A_1173 = arith.constant 160 : index
      %get3A_1174 = tpu.vector_load %arg16[%get3A_1171, %get3A_1172, %get3A_1173] {strides = array<i32>} : memref<4x104x256xf32, #tpu.memory_space<vmem>>, vector<1x1x16xf32>,
      %get3A_1175 = vector.shape_cast %get3A_1174 : vector<1x1x16xf32> to vector<16xf32>
      %add3A_1176 = arith.addf %add3A_1100, %get3A_1175 : vector<16xf32>
      %mul3A_1177 = arith.mulf %get3A_1175, %get3A_1175 : vector<16xf32>
      %add3A_1178 = arith.addf %add3A_1102, %mul3A_1177 : vector<16xf32>
      %get3A_1179 = arith.constant 2 : i32
      %get3A_1180 = arith.index_cast %get3A_1179 : i32 to index
      %get3A_1181 = arith.index_cast %add3A_1151 : i32 to index
      %get3A_1182 = arith.constant 176 : index
      %get3A_1183 = tpu.vector_load %arg16[%get3A_1180, %get3A_1181, %get3A_1182] {strides = array<i32>} : memref<4x104x256xf32, #tpu.memory_space<vmem>>, vector<1x1x16xf32>,
      %get3A_1184 = vector.shape_cast %get3A_1183 : vector<1x1x16xf32> to vector<16xf32>
      %add3A_1185 = arith.addf %add3A_1109, %get3A_1184 : vector<16xf32>
      %mul3A_1186 = arith.mulf %get3A_1184, %get3A_1184 : vector<16xf32>
      %add3A_1187 = arith.addf %add3A_1111, %mul3A_1186 : vector<16xf32>
      %get3A_1188 = arith.constant 2 : i32
      %get3A_1189 = arith.index_cast %get3A_1188 : i32 to index
      %get3A_1190 = arith.index_cast %add3A_1151 : i32 to index
      %get3A_1191 = arith.constant 192 : index
      %get3A_1192 = tpu.vector_load %arg16[%get3A_1189, %get3A_1190, %get3A_1191] {strides = array<i32>} : memref<4x104x256xf32, #tpu.memory_space<vmem>>, vector<1x1x16xf32>,
      %get3A_1193 = vector.shape_cast %get3A_1192 : vector<1x1x16xf32> to vector<16xf32>
      %add3A_1194 = arith.addf %add3A_1118, %get3A_1193 : vector<16xf32>
      %mul3A_1195 = arith.mulf %get3A_1193, %get3A_1193 : vector<16xf32>
      %add3A_1196 = arith.addf %add3A_1120, %mul3A_1195 : vector<16xf32>
      %get3A_1197 = arith.constant 2 : i32
      %get3A_1198 = arith.index_cast %get3A_1197 : i32 to index
      %get3A_1199 = arith.index_cast %add3A_1151 : i32 to index
      %get3A_1200 = arith.constant 208 : index
      %get3A_1201 = tpu.vector_load %arg16[%get3A_1198, %get3A_1199, %get3A_1200] {strides = array<i32>} : memref<4x104x256xf32, #tpu.memory_space<vmem>>, vector<1x1x16xf32>,
      %get3A_1202 = vector.shape_cast %get3A_1201 : vector<1x1x16xf32> to vector<16xf32>
      %add3A_1203 = arith.addf %add3A_1127, %get3A_1202 : vector<16xf32>
      %mul3A_1204 = arith.mulf %get3A_1202, %get3A_1202 : vector<16xf32>
      %add3A_1205 = arith.addf %add3A_1129, %mul3A_1204 : vector<16xf32>
      %get3A_1206 = arith.constant 2 : i32
      %get3A_1207 = arith.index_cast %get3A_1206 : i32 to index
      %get3A_1208 = arith.index_cast %add3A_1151 : i32 to index
      %get3A_1209 = arith.constant 224 : index
      %get3A_1210 = tpu.vector_load %arg16[%get3A_1207, %get3A_1208, %get3A_1209] {strides = array<i32>} : memref<4x104x256xf32, #tpu.memory_space<vmem>>, vector<1x1x16xf32>,
      %get3A_1211 = vector.shape_cast %get3A_1210 : vector<1x1x16xf32> to vector<16xf32>
      %add3A_1212 = arith.addf %add3A_1136, %get3A_1211 : vector<16xf32>
      %mul3A_1213 = arith.mulf %get3A_1211, %get3A_1211 : vector<16xf32>
      %add3A_1214 = arith.addf %add3A_1138, %mul3A_1213 : vector<16xf32>
      %get3A_1215 = arith.constant 2 : i32
      %get3A_1216 = arith.index_cast %get3A_1215 : i32 to index
      %get3A_1217 = arith.index_cast %add3A_1151 : i32 to index
      %get3A_1218 = arith.constant 240 : index
      %get3A_1219 = tpu.vector_load %arg16[%get3A_1216, %get3A_1217, %get3A_1218] {strides = array<i32>} : memref<4x104x256xf32, #tpu.memory_space<vmem>>, vector<1x1x16xf32>,
      %get3A_1220 = vector.shape_cast %get3A_1219 : vector<1x1x16xf32> to vector<16xf32>
      %add3A_1221 = arith.addf %add3A_1145, %get3A_1220 : vector<16xf32>
      %mul3A_1222 = arith.mulf %get3A_1220, %get3A_1220 : vector<16xf32>
      %add3A_1223 = arith.addf %add3A_1147, %mul3A_1222 : vector<16xf32>
      %mul3A_1224 = arith.constant 4 : i32
      %mul3A_1225 = arith.muli %scan3A_1056, %mul3A_1224 : i32
      %add3A_1226 = arith.constant 2 : i32
      %add3A_1227 = arith.addi %mul3A_1225, %add3A_1226 : i32
      %get3A_1228 = arith.constant 2 : i32
      %get3A_1229 = arith.index_cast %get3A_1228 : i32 to index
      %get3A_1230 = arith.index_cast %add3A_1227 : i32 to index
      %get3A_1231 = arith.constant 128 : index
      %get3A_1232 = tpu.vector_load %arg16[%get3A_1229, %get3A_1230, %get3A_1231] {strides = array<i32>} : memref<4x104x256xf32, #tpu.memory_space<vmem>>, vector<1x1x16xf32>,
      %get3A_1233 = vector.shape_cast %get3A_1232 : vector<1x1x16xf32> to vector<16xf32>
      %add3A_1234 = arith.addf %add3A_1158, %get3A_1233 : vector<16xf32>
      %mul3A_1235 = arith.mulf %get3A_1233, %get3A_1233 : vector<16xf32>
      %add3A_1236 = arith.addf %add3A_1160, %mul3A_1235 : vector<16xf32>
      %get3A_1237 = arith.constant 2 : i32
      %get3A_1238 = arith.index_cast %get3A_1237 : i32 to index
      %get3A_1239 = arith.index_cast %add3A_1227 : i32 to index
      %get3A_1240 = arith.constant 144 : index
      %get3A_1241 = tpu.vector_load %arg16[%get3A_1238, %get3A_1239, %get3A_1240] {strides = array<i32>} : memref<4x104x256xf32, #tpu.memory_space<vmem>>, vector<1x1x16xf32>,
      %get3A_1242 = vector.shape_cast %get3A_1241 : vector<1x1x16xf32> to vector<16xf32>
      %add3A_1243 = arith.addf %add3A_1167, %get3A_1242 : vector<16xf32>
      %mul3A_1244 = arith.mulf %get3A_1242, %get3A_1242 : vector<16xf32>
      %add3A_1245 = arith.addf %add3A_1169, %mul3A_1244 : vector<16xf32>
      %get3A_1246 = arith.constant 2 : i32
      %get3A_1247 = arith.index_cast %get3A_1246 : i32 to index
      %get3A_1248 = arith.index_cast %add3A_1227 : i32 to index
      %get3A_1249 = arith.constant 160 : index
      %get3A_1250 = tpu.vector_load %arg16[%get3A_1247, %get3A_1248, %get3A_1249] {strides = array<i32>} : memref<4x104x256xf32, #tpu.memory_space<vmem>>, vector<1x1x16xf32>,
      %get3A_1251 = vector.shape_cast %get3A_1250 : vector<1x1x16xf32> to vector<16xf32>
      %add3A_1252 = arith.addf %add3A_1176, %get3A_1251 : vector<16xf32>
      %mul3A_1253 = arith.mulf %get3A_1251, %get3A_1251 : vector<16xf32>
      %add3A_1254 = arith.addf %add3A_1178, %mul3A_1253 : vector<16xf32>
      %get3A_1255 = arith.constant 2 : i32
      %get3A_1256 = arith.index_cast %get3A_1255 : i32 to index
      %get3A_1257 = arith.index_cast %add3A_1227 : i32 to index
      %get3A_1258 = arith.constant 176 : index
      %get3A_1259 = tpu.vector_load %arg16[%get3A_1256, %get3A_1257, %get3A_1258] {strides = array<i32>} : memref<4x104x256xf32, #tpu.memory_space<vmem>>, vector<1x1x16xf32>,
      %get3A_1260 = vector.shape_cast %get3A_1259 : vector<1x1x16xf32> to vector<16xf32>
      %add3A_1261 = arith.addf %add3A_1185, %get3A_1260 : vector<16xf32>
      %mul3A_1262 = arith.mulf %get3A_1260, %get3A_1260 : vector<16xf32>
      %add3A_1263 = arith.addf %add3A_1187, %mul3A_1262 : vector<16xf32>
      %get3A_1264 = arith.constant 2 : i32
      %get3A_1265 = arith.index_cast %get3A_1264 : i32 to index
      %get3A_1266 = arith.index_cast %add3A_1227 : i32 to index
      %get3A_1267 = arith.constant 192 : index
      %get3A_1268 = tpu.vector_load %arg16[%get3A_1265, %get3A_1266, %get3A_1267] {strides = array<i32>} : memref<4x104x256xf32, #tpu.memory_space<vmem>>, vector<1x1x16xf32>,
      %get3A_1269 = vector.shape_cast %get3A_1268 : vector<1x1x16xf32> to vector<16xf32>
      %add3A_1270 = arith.addf %add3A_1194, %get3A_1269 : vector<16xf32>
      %mul3A_1271 = arith.mulf %get3A_1269, %get3A_1269 : vector<16xf32>
      %add3A_1272 = arith.addf %add3A_1196, %mul3A_1271 : vector<16xf32>
      %get3A_1273 = arith.constant 2 : i32
      %get3A_1274 = arith.index_cast %get3A_1273 : i32 to index
      %get3A_1275 = arith.index_cast %add3A_1227 : i32 to index
      %get3A_1276 = arith.constant 208 : index
      %get3A_1277 = tpu.vector_load %arg16[%get3A_1274, %get3A_1275, %get3A_1276] {strides = array<i32>} : memref<4x104x256xf32, #tpu.memory_space<vmem>>, vector<1x1x16xf32>,
      %get3A_1278 = vector.shape_cast %get3A_1277 : vector<1x1x16xf32> to vector<16xf32>
      %add3A_1279 = arith.addf %add3A_1203, %get3A_1278 : vector<16xf32>
      %mul3A_1280 = arith.mulf %get3A_1278, %get3A_1278 : vector<16xf32>
      %add3A_1281 = arith.addf %add3A_1205, %mul3A_1280 : vector<16xf32>
      %get3A_1282 = arith.constant 2 : i32
      %get3A_1283 = arith.index_cast %get3A_1282 : i32 to index
      %get3A_1284 = arith.index_cast %add3A_1227 : i32 to index
      %get3A_1285 = arith.constant 224 : index
      %get3A_1286 = tpu.vector_load %arg16[%get3A_1283, %get3A_1284, %get3A_1285] {strides = array<i32>} : memref<4x104x256xf32, #tpu.memory_space<vmem>>, vector<1x1x16xf32>,
      %get3A_1287 = vector.shape_cast %get3A_1286 : vector<1x1x16xf32> to vector<16xf32>
      %add3A_1288 = arith.addf %add3A_1212, %get3A_1287 : vector<16xf32>
      %mul3A_1289 = arith.mulf %get3A_1287, %get3A_1287 : vector<16xf32>
      %add3A_1290 = arith.addf %add3A_1214, %mul3A_1289 : vector<16xf32>
      %get3A_1291 = arith.constant 2 : i32
      %get3A_1292 = arith.index_cast %get3A_1291 : i32 to index
      %get3A_1293 = arith.index_cast %add3A_1227 : i32 to index
      %get3A_1294 = arith.constant 240 : index
      %get3A_1295 = tpu.vector_load %arg16[%get3A_1292, %get3A_1293, %get3A_1294] {strides = array<i32>} : memref<4x104x256xf32, #tpu.memory_space<vmem>>, vector<1x1x16xf32>,
      %get3A_1296 = vector.shape_cast %get3A_1295 : vector<1x1x16xf32> to vector<16xf32>
      %add3A_1297 = arith.addf %add3A_1221, %get3A_1296 : vector<16xf32>
      %mul3A_1298 = arith.mulf %get3A_1296, %get3A_1296 : vector<16xf32>
      %add3A_1299 = arith.addf %add3A_1223, %mul3A_1298 : vector<16xf32>
      %mul3A_1300 = arith.constant 4 : i32
      %mul3A_1301 = arith.muli %scan3A_1056, %mul3A_1300 : i32
      %add3A_1302 = arith.constant 3 : i32
      %add3A_1303 = arith.addi %mul3A_1301, %add3A_1302 : i32
      %get3A_1304 = arith.constant 2 : i32
      %get3A_1305 = arith.index_cast %get3A_1304 : i32 to index
      %get3A_1306 = arith.index_cast %add3A_1303 : i32 to index
      %get3A_1307 = arith.constant 128 : index
      %get3A_1308 = tpu.vector_load %arg16[%get3A_1305, %get3A_1306, %get3A_1307] {strides = array<i32>} : memref<4x104x256xf32, #tpu.memory_space<vmem>>, vector<1x1x16xf32>,
      %get3A_1309 = vector.shape_cast %get3A_1308 : vector<1x1x16xf32> to vector<16xf32>
      %add3A_1310 = arith.addf %add3A_1234, %get3A_1309 : vector<16xf32>
      %mul3A_1311 = arith.mulf %get3A_1309, %get3A_1309 : vector<16xf32>
      %add3A_1312 = arith.addf %add3A_1236, %mul3A_1311 : vector<16xf32>
      %get3A_1313 = arith.constant 2 : i32
      %get3A_1314 = arith.index_cast %get3A_1313 : i32 to index
      %get3A_1315 = arith.index_cast %add3A_1303 : i32 to index
      %get3A_1316 = arith.constant 144 : index
      %get3A_1317 = tpu.vector_load %arg16[%get3A_1314, %get3A_1315, %get3A_1316] {strides = array<i32>} : memref<4x104x256xf32, #tpu.memory_space<vmem>>, vector<1x1x16xf32>,
      %get3A_1318 = vector.shape_cast %get3A_1317 : vector<1x1x16xf32> to vector<16xf32>
      %add3A_1319 = arith.addf %add3A_1243, %get3A_1318 : vector<16xf32>
      %mul3A_1320 = arith.mulf %get3A_1318, %get3A_1318 : vector<16xf32>
      %add3A_1321 = arith.addf %add3A_1245, %mul3A_1320 : vector<16xf32>
      %get3A_1322 = arith.constant 2 : i32
      %get3A_1323 = arith.index_cast %get3A_1322 : i32 to index
      %get3A_1324 = arith.index_cast %add3A_1303 : i32 to index
      %get3A_1325 = arith.constant 160 : index
      %get3A_1326 = tpu.vector_load %arg16[%get3A_1323, %get3A_1324, %get3A_1325] {strides = array<i32>} : memref<4x104x256xf32, #tpu.memory_space<vmem>>, vector<1x1x16xf32>,
      %get3A_1327 = vector.shape_cast %get3A_1326 : vector<1x1x16xf32> to vector<16xf32>
      %add3A_1328 = arith.addf %add3A_1252, %get3A_1327 : vector<16xf32>
      %mul3A_1329 = arith.mulf %get3A_1327, %get3A_1327 : vector<16xf32>
      %add3A_1330 = arith.addf %add3A_1254, %mul3A_1329 : vector<16xf32>
      %get3A_1331 = arith.constant 2 : i32
      %get3A_1332 = arith.index_cast %get3A_1331 : i32 to index
      %get3A_1333 = arith.index_cast %add3A_1303 : i32 to index
      %get3A_1334 = arith.constant 176 : index
      %get3A_1335 = tpu.vector_load %arg16[%get3A_1332, %get3A_1333, %get3A_1334] {strides = array<i32>} : memref<4x104x256xf32, #tpu.memory_space<vmem>>, vector<1x1x16xf32>,
      %get3A_1336 = vector.shape_cast %get3A_1335 : vector<1x1x16xf32> to vector<16xf32>
      %add3A_1337 = arith.addf %add3A_1261, %get3A_1336 : vector<16xf32>
      %mul3A_1338 = arith.mulf %get3A_1336, %get3A_1336 : vector<16xf32>
      %add3A_1339 = arith.addf %add3A_1263, %mul3A_1338 : vector<16xf32>
      %get3A_1340 = arith.constant 2 : i32
      %get3A_1341 = arith.index_cast %get3A_1340 : i32 to index
      %get3A_1342 = arith.index_cast %add3A_1303 : i32 to index
      %get3A_1343 = arith.constant 192 : index
      %get3A_1344 = tpu.vector_load %arg16[%get3A_1341, %get3A_1342, %get3A_1343] {strides = array<i32>} : memref<4x104x256xf32, #tpu.memory_space<vmem>>, vector<1x1x16xf32>,
      %get3A_1345 = vector.shape_cast %get3A_1344 : vector<1x1x16xf32> to vector<16xf32>
      %add3A_1346 = arith.addf %add3A_1270, %get3A_1345 : vector<16xf32>
      %mul3A_1347 = arith.mulf %get3A_1345, %get3A_1345 : vector<16xf32>
      %add3A_1348 = arith.addf %add3A_1272, %mul3A_1347 : vector<16xf32>
      %get3A_1349 = arith.constant 2 : i32
      %get3A_1350 = arith.index_cast %get3A_1349 : i32 to index
      %get3A_1351 = arith.index_cast %add3A_1303 : i32 to index
      %get3A_1352 = arith.constant 208 : index
      %get3A_1353 = tpu.vector_load %arg16[%get3A_1350, %get3A_1351, %get3A_1352] {strides = array<i32>} : memref<4x104x256xf32, #tpu.memory_space<vmem>>, vector<1x1x16xf32>,
      %get3A_1354 = vector.shape_cast %get3A_1353 : vector<1x1x16xf32> to vector<16xf32>
      %add3A_1355 = arith.addf %add3A_1279, %get3A_1354 : vector<16xf32>
      %mul3A_1356 = arith.mulf %get3A_1354, %get3A_1354 : vector<16xf32>
      %add3A_1357 = arith.addf %add3A_1281, %mul3A_1356 : vector<16xf32>
      %get3A_1358 = arith.constant 2 : i32
      %get3A_1359 = arith.index_cast %get3A_1358 : i32 to index
      %get3A_1360 = arith.index_cast %add3A_1303 : i32 to index
      %get3A_1361 = arith.constant 224 : index
      %get3A_1362 = tpu.vector_load %arg16[%get3A_1359, %get3A_1360, %get3A_1361] {strides = array<i32>} : memref<4x104x256xf32, #tpu.memory_space<vmem>>, vector<1x1x16xf32>,
      %get3A_1363 = vector.shape_cast %get3A_1362 : vector<1x1x16xf32> to vector<16xf32>
      %add3A_1364 = arith.addf %add3A_1288, %get3A_1363 : vector<16xf32>
      %mul3A_1365 = arith.mulf %get3A_1363, %get3A_1363 : vector<16xf32>
      %add3A_1366 = arith.addf %add3A_1290, %mul3A_1365 : vector<16xf32>
      %get3A_1367 = arith.constant 2 : i32
      %get3A_1368 = arith.index_cast %get3A_1367 : i32 to index
      %get3A_1369 = arith.index_cast %add3A_1303 : i32 to index
      %get3A_1370 = arith.constant 240 : index
      %get3A_1371 = tpu.vector_load %arg16[%get3A_1368, %get3A_1369, %get3A_1370] {strides = array<i32>} : memref<4x104x256xf32, #tpu.memory_space<vmem>>, vector<1x1x16xf32>,
      %get3A_1372 = vector.shape_cast %get3A_1371 : vector<1x1x16xf32> to vector<16xf32>
      %add3A_1373 = arith.addf %add3A_1297, %get3A_1372 : vector<16xf32>
      %mul3A_1374 = arith.mulf %get3A_1372, %get3A_1372 : vector<16xf32>
      %add3A_1375 = arith.addf %add3A_1299, %mul3A_1374 : vector<16xf32>
      scf.yield %add3A_1310, %add3A_1319, %add3A_1328, %add3A_1337, %add3A_1346, %add3A_1355, %add3A_1364, %add3A_1373, %add3A_1312, %add3A_1321, %add3A_1330, %add3A_1339, %add3A_1348, %add3A_1357, %add3A_1366, %add3A_1375 : vector<16xf32>, vector<16xf32>, vector<16xf32>, vector<16xf32>, vector<16xf32>, vector<16xf32>, vector<16xf32>, vector<16xf32>, vector<16xf32>, vector<16xf32>, vector<16xf32>, vector<16xf32>, vector<16xf32>, vector<16xf32>, vector<16xf32>, vector<16xf32>
    }
    %scan3A_651 = arith.constant 25 : i32
    %swap3A_652 = arith.constant 2 : i32
    %swap3A_653 = arith.index_cast %swap3A_652 : i32 to index
    %swap3A_654 = arith.constant 128 : index
    %swap3A_655 = tpu.vector_load %arg17[%swap3A_653, %swap3A_654] {strides = array<i32>} : memref<4x256xf32, #tpu.memory_space<vmem>>, vector<1x16xf32>,
    %swap3A_656 = vector.shape_cast %swap3A_655 : vector<1x16xf32> to vector<16xf32>
    %swap3A_657 = vector.shape_cast %scan3A_650#0 : vector<16xf32> to vector<1x16xf32>
    tpu.vector_store %arg17[%swap3A_653, %swap3A_654], %swap3A_657 {strides = array<i32>} : memref<4x256xf32, #tpu.memory_space<vmem>>, vector<1x16xf32>,
    %swap3A_658 = arith.constant 2 : i32
    %swap3A_659 = arith.index_cast %swap3A_658 : i32 to index
    %swap3A_660 = arith.constant 128 : index
    %swap3A_661 = tpu.vector_load %arg18[%swap3A_659, %swap3A_660] {strides = array<i32>} : memref<4x256xf32, #tpu.memory_space<vmem>>, vector<1x16xf32>,
    %swap3A_662 = vector.shape_cast %swap3A_661 : vector<1x16xf32> to vector<16xf32>
    %swap3A_663 = vector.shape_cast %scan3A_650#8 : vector<16xf32> to vector<1x16xf32>
    tpu.vector_store %arg18[%swap3A_659, %swap3A_660], %swap3A_663 {strides = array<i32>} : memref<4x256xf32, #tpu.memory_space<vmem>>, vector<1x16xf32>,
    %swap3A_664 = arith.constant 2 : i32
    %swap3A_665 = arith.index_cast %swap3A_664 : i32 to index
    %swap3A_666 = arith.constant 144 : index
    %swap3A_667 = tpu.vector_load %arg17[%swap3A_665, %swap3A_666] {strides = array<i32>} : memref<4x256xf32, #tpu.memory_space<vmem>>, vector<1x16xf32>,
    %swap3A_668 = vector.shape_cast %swap3A_667 : vector<1x16xf32> to vector<16xf32>
    %swap3A_669 = vector.shape_cast %scan3A_650#1 : vector<16xf32> to vector<1x16xf32>
    tpu.vector_store %arg17[%swap3A_665, %swap3A_666], %swap3A_669 {strides = array<i32>} : memref<4x256xf32, #tpu.memory_space<vmem>>, vector<1x16xf32>,
    %swap3A_670 = arith.constant 2 : i32
    %swap3A_671 = arith.index_cast %swap3A_670 : i32 to index
    %swap3A_672 = arith.constant 144 : index
    %swap3A_673 = tpu.vector_load %arg18[%swap3A_671, %swap3A_672] {strides = array<i32>} : memref<4x256xf32, #tpu.memory_space<vmem>>, vector<1x16xf32>,
    %swap3A_674 = vector.shape_cast %swap3A_673 : vector<1x16xf32> to vector<16xf32>
    %swap3A_675 = vector.shape_cast %scan3A_650#9 : vector<16xf32> to vector<1x16xf32>
    tpu.vector_store %arg18[%swap3A_671, %swap3A_672], %swap3A_675 {strides = array<i32>} : memref<4x256xf32, #tpu.memory_space<vmem>>, vector<1x16xf32>,
    %swap3A_676 = arith.constant 2 : i32
    %swap3A_677 = arith.index_cast %swap3A_676 : i32 to index
    %swap3A_678 = arith.constant 160 : index
    %swap3A_679 = tpu.vector_load %arg17[%swap3A_677, %swap3A_678] {strides = array<i32>} : memref<4x256xf32, #tpu.memory_space<vmem>>, vector<1x16xf32>,
    %swap3A_680 = vector.shape_cast %swap3A_679 : vector<1x16xf32> to vector<16xf32>
    %swap3A_681 = vector.shape_cast %scan3A_650#2 : vector<16xf32> to vector<1x16xf32>
    tpu.vector_store %arg17[%swap3A_677, %swap3A_678], %swap3A_681 {strides = array<i32>} : memref<4x256xf32, #tpu.memory_space<vmem>>, vector<1x16xf32>,
    %swap3A_682 = arith.constant 2 : i32
    %swap3A_683 = arith.index_cast %swap3A_682 : i32 to index
    %swap3A_684 = arith.constant 160 : index
    %swap3A_685 = tpu.vector_load %arg18[%swap3A_683, %swap3A_684] {strides = array<i32>} : memref<4x256xf32, #tpu.memory_space<vmem>>, vector<1x16xf32>,
    %swap3A_686 = vector.shape_cast %swap3A_685 : vector<1x16xf32> to vector<16xf32>
    %swap3A_687 = vector.shape_cast %scan3A_650#10 : vector<16xf32> to vector<1x16xf32>
    tpu.vector_store %arg18[%swap3A_683, %swap3A_684], %swap3A_687 {strides = array<i32>} : memref<4x256xf32, #tpu.memory_space<vmem>>, vector<1x16xf32>,
    %swap3A_688 = arith.constant 2 : i32
    %swap3A_689 = arith.index_cast %swap3A_688 : i32 to index
    %swap3A_690 = arith.constant 176 : index
    %swap3A_691 = tpu.vector_load %arg17[%swap3A_689, %swap3A_690] {strides = array<i32>} : memref<4x256xf32, #tpu.memory_space<vmem>>, vector<1x16xf32>,
    %swap3A_692 = vector.shape_cast %swap3A_691 : vector<1x16xf32> to vector<16xf32>
    %swap3A_693 = vector.shape_cast %scan3A_650#3 : vector<16xf32> to vector<1x16xf32>
    tpu.vector_store %arg17[%swap3A_689, %swap3A_690], %swap3A_693 {strides = array<i32>} : memref<4x256xf32, #tpu.memory_space<vmem>>, vector<1x16xf32>,
    %swap3A_694 = arith.constant 2 : i32
    %swap3A_695 = arith.index_cast %swap3A_694 : i32 to index
    %swap3A_696 = arith.constant 176 : index
    %swap3A_697 = tpu.vector_load %arg18[%swap3A_695, %swap3A_696] {strides = array<i32>} : memref<4x256xf32, #tpu.memory_space<vmem>>, vector<1x16xf32>,
    %swap3A_698 = vector.shape_cast %swap3A_697 : vector<1x16xf32> to vector<16xf32>
    %swap3A_699 = vector.shape_cast %scan3A_650#11 : vector<16xf32> to vector<1x16xf32>
    tpu.vector_store %arg18[%swap3A_695, %swap3A_696], %swap3A_699 {strides = array<i32>} : memref<4x256xf32, #tpu.memory_space<vmem>>, vector<1x16xf32>,
    %swap3A_700 = arith.constant 2 : i32
    %swap3A_701 = arith.index_cast %swap3A_700 : i32 to index
    %swap3A_702 = arith.constant 192 : index
    %swap3A_703 = tpu.vector_load %arg17[%swap3A_701, %swap3A_702] {strides = array<i32>} : memref<4x256xf32, #tpu.memory_space<vmem>>, vector<1x16xf32>,
    %swap3A_704 = vector.shape_cast %swap3A_703 : vector<1x16xf32> to vector<16xf32>
    %swap3A_705 = vector.shape_cast %scan3A_650#4 : vector<16xf32> to vector<1x16xf32>
    tpu.vector_store %arg17[%swap3A_701, %swap3A_702], %swap3A_705 {strides = array<i32>} : memref<4x256xf32, #tpu.memory_space<vmem>>, vector<1x16xf32>,
    %swap3A_706 = arith.constant 2 : i32
    %swap3A_707 = arith.index_cast %swap3A_706 : i32 to index
    %swap3A_708 = arith.constant 192 : index
    %swap3A_709 = tpu.vector_load %arg18[%swap3A_707, %swap3A_708] {strides = array<i32>} : memref<4x256xf32, #tpu.memory_space<vmem>>, vector<1x16xf32>,
    %swap3A_710 = vector.shape_cast %swap3A_709 : vector<1x16xf32> to vector<16xf32>
    %swap3A_711 = vector.shape_cast %scan3A_650#12 : vector<16xf32> to vector<1x16xf32>
    tpu.vector_store %arg18[%swap3A_707, %swap3A_708], %swap3A_711 {strides = array<i32>} : memref<4x256xf32, #tpu.memory_space<vmem>>, vector<1x16xf32>,
    %swap3A_712 = arith.constant 2 : i32
    %swap3A_713 = arith.index_cast %swap3A_712 : i32 to index
    %swap3A_714 = arith.constant 208 : index
    %swap3A_715 = tpu.vector_load %arg17[%swap3A_713, %swap3A_714] {strides = array<i32>} : memref<4x256xf32, #tpu.memory_space<vmem>>, vector<1x16xf32>,
    %swap3A_716 = vector.shape_cast %swap3A_715 : vector<1x16xf32> to vector<16xf32>
    %swap3A_717 = vector.shape_cast %scan3A_650#5 : vector<16xf32> to vector<1x16xf32>
    tpu.vector_store %arg17[%swap3A_713, %swap3A_714], %swap3A_717 {strides = array<i32>} : memref<4x256xf32, #tpu.memory_space<vmem>>, vector<1x16xf32>,
    %swap3A_718 = arith.constant 2 : i32
    %swap3A_719 = arith.index_cast %swap3A_718 : i32 to index
    %swap3A_720 = arith.constant 208 : index
    %swap3A_721 = tpu.vector_load %arg18[%swap3A_719, %swap3A_720] {strides = array<i32>} : memref<4x256xf32, #tpu.memory_space<vmem>>, vector<1x16xf32>,
    %swap3A_722 = vector.shape_cast %swap3A_721 : vector<1x16xf32> to vector<16xf32>
    %swap3A_723 = vector.shape_cast %scan3A_650#13 : vector<16xf32> to vector<1x16xf32>
    tpu.vector_store %arg18[%swap3A_719, %swap3A_720], %swap3A_723 {strides = array<i32>} : memref<4x256xf32, #tpu.memory_space<vmem>>, vector<1x16xf32>,
    %swap3A_724 = arith.constant 2 : i32
    %swap3A_725 = arith.index_cast %swap3A_724 : i32 to index
    %swap3A_726 = arith.constant 224 : index
    %swap3A_727 = tpu.vector_load %arg17[%swap3A_725, %swap3A_726] {strides = array<i32>} : memref<4x256xf32, #tpu.memory_space<vmem>>, vector<1x16xf32>,
    %swap3A_728 = vector.shape_cast %swap3A_727 : vector<1x16xf32> to vector<16xf32>
    %swap3A_729 = vector.shape_cast %scan3A_650#6 : vector<16xf32> to vector<1x16xf32>
    tpu.vector_store %arg17[%swap3A_725, %swap3A_726], %swap3A_729 {strides = array<i32>} : memref<4x256xf32, #tpu.memory_space<vmem>>, vector<1x16xf32>,
    %swap3A_730 = arith.constant 2 : i32
    %swap3A_731 = arith.index_cast %swap3A_730 : i32 to index
    %swap3A_732 = arith.constant 224 : index
    %swap3A_733 = tpu.vector_load %arg18[%swap3A_731, %swap3A_732] {strides = array<i32>} : memref<4x256xf32, #tpu.memory_space<vmem>>, vector<1x16xf32>,
    %swap3A_734 = vector.shape_cast %swap3A_733 : vector<1x16xf32> to vector<16xf32>
    %swap3A_735 = vector.shape_cast %scan3A_650#14 : vector<16xf32> to vector<1x16xf32>
    tpu.vector_store %arg18[%swap3A_731, %swap3A_732], %swap3A_735 {strides = array<i32>} : memref<4x256xf32, #tpu.memory_space<vmem>>, vector<1x16xf32>,
    %swap3A_736 = arith.constant 2 : i32
    %swap3A_737 = arith.index_cast %swap3A_736 : i32 to index
    %swap3A_738 = arith.constant 240 : index
    %swap3A_739 = tpu.vector_load %arg17[%swap3A_737, %swap3A_738] {strides = array<i32>} : memref<4x256xf32, #tpu.memory_space<vmem>>, vector<1x16xf32>,
    %swap3A_740 = vector.shape_cast %swap3A_739 : vector<1x16xf32> to vector<16xf32>
    %swap3A_741 = vector.shape_cast %scan3A_650#7 : vector<16xf32> to vector<1x16xf32>
    tpu.vector_store %arg17[%swap3A_737, %swap3A_738], %swap3A_741 {strides = array<i32>} : memref<4x256xf32, #tpu.memory_space<vmem>>, vector<1x16xf32>,
    %swap3A_742 = arith.constant 2 : i32
    %swap3A_743 = arith.index_cast %swap3A_742 : i32 to index
    %swap3A_744 = arith.constant 240 : index
    %swap3A_745 = tpu.vector_load %arg18[%swap3A_743, %swap3A_744] {strides = array<i32>} : memref<4x256xf32, #tpu.memory_space<vmem>>, vector<1x16xf32>,
    %swap3A_746 = vector.shape_cast %swap3A_745 : vector<1x16xf32> to vector<16xf32>
    %swap3A_747 = vector.shape_cast %scan3A_650#15 : vector<16xf32> to vector<1x16xf32>
    tpu.vector_store %arg18[%swap3A_743, %swap3A_744], %swap3A_747 {strides = array<i32>} : memref<4x256xf32, #tpu.memory_space<vmem>>, vector<1x16xf32>,
    %dma_wait3A_748 = arith.constant 3 : i32
    %dma_wait3A_749 = arith.constant 0 : i32
    %dma_wait3A_750 = arith.constant 0 : i32
    %dma_wait3A_751 = tpu.memref_slice %arg16[%dma_wait3A_748, %dma_wait3A_749, %dma_wait3A_750] : memref<4x104x256xf32, #tpu.memory_space<vmem>> -> memref<1x104x256xf32, #tpu.memory_space<vmem>>
    %dma_wait3A_752 = tpu.memref_squeeze %dma_wait3A_751 : memref<1x104x256xf32, #tpu.memory_space<vmem>> -> memref<104x256xf32, #tpu.memory_space<vmem>>
    %dma_wait3A_753 = arith.constant 0 : i32
    %dma_wait3A_754 = arith.constant 0 : i32
    %dma_wait3A_755 = tpu.memref_slice %arg2[%dma_wait3A_753, %dma_wait3A_754] : memref<10000x256xf32, #tpu.memory_space<hbm>> -> memref<10000x256xf32, #tpu.memory_space<hbm>>
    tpu.wait_indirect_dma semaphore(%arg22 : memref<!tpu.dma_semaphore, #tpu.memory_space<semaphore_mem>>) src(%dma_wait3A_755 : memref<10000x256xf32, #tpu.memory_space<hbm>>) dst(%dma_wait3A_752 : memref<104x256xf32, #tpu.memory_space<vmem>>)
    %broadcast_in_dim3A_756 = arith.constant 0.000000e+00 : f32
    %broadcast_in_dim3A_757 = vector.broadcast %broadcast_in_dim3A_756 : f32 to vector<16xf32>
    %scan3A_758 = arith.constant 0 : i32
    %scan3A_759 = arith.constant 25 : i32
    %scan3A_760 = arith.addi %scan3A_758, %scan3A_759 : i32
    %scan3A_761 = arith.constant 1 : i32
    %scan3A_762:16 = scf.for %scan3A_1056 = %scan3A_758 to %scan3A_760 step %scan3A_761 iter_args(%scan3A_1057 = %broadcast_in_dim3A_757, %scan3A_1058 = %broadcast_in_dim3A_757, %scan3A_1059 = %broadcast_in_dim3A_757, %scan3A_1060 = %broadcast_in_dim3A_757, %scan3A_1061 = %broadcast_in_dim3A_757, %scan3A_1062 = %broadcast_in_dim3A_757, %scan3A_1063 = %broadcast_in_dim3A_757, %scan3A_1064 = %broadcast_in_dim3A_757, %scan3A_1065 = %broadcast_in_dim3A_757, %scan3A_1066 = %broadcast_in_dim3A_757, %scan3A_1067 = %broadcast_in_dim3A_757, %scan3A_1068 = %broadcast_in_dim3A_757, %scan3A_1069 = %broadcast_in_dim3A_757, %scan3A_1070 = %broadcast_in_dim3A_757, %scan3A_1071 = %broadcast_in_dim3A_757, %scan3A_1072 = %broadcast_in_dim3A_757) -> (vector<16xf32>, vector<16xf32>, vector<16xf32>, vector<16xf32>, vector<16xf32>, vector<16xf32>, vector<16xf32>, vector<16xf32>, vector<16xf32>, vector<16xf32>, vector<16xf32>, vector<16xf32>, vector<16xf32>, vector<16xf32>, vector<16xf32>, vector<16xf32>)  : i32 {
      %mul3A_1073 = arith.constant 4 : i32
      %mul3A_1074 = arith.muli %scan3A_1056, %mul3A_1073 : i32
      %add3A_1075 = arith.constant 0 : i32
      %add3A_1076 = arith.addi %mul3A_1074, %add3A_1075 : i32
      %get3A = arith.constant 3 : i32
      %get3A_1077 = arith.index_cast %get3A : i32 to index
      %get3A_1078 = arith.index_cast %add3A_1076 : i32 to index
      %get3A_1079 = arith.constant 0 : index
      %get3A_1080 = tpu.vector_load %arg16[%get3A_1077, %get3A_1078, %get3A_1079] {strides = array<i32>} : memref<4x104x256xf32, #tpu.memory_space<vmem>>, vector<1x1x16xf32>,
      %get3A_1081 = vector.shape_cast %get3A_1080 : vector<1x1x16xf32> to vector<16xf32>
      %add3A_1082 = arith.addf %scan3A_1057, %get3A_1081 : vector<16xf32>
      %mul3A_1083 = arith.mulf %get3A_1081, %get3A_1081 : vector<16xf32>
      %add3A_1084 = arith.addf %scan3A_1065, %mul3A_1083 : vector<16xf32>
      %get3A_1085 = arith.constant 3 : i32
      %get3A_1086 = arith.index_cast %get3A_1085 : i32 to index
      %get3A_1087 = arith.index_cast %add3A_1076 : i32 to index
      %get3A_1088 = arith.constant 16 : index
      %get3A_1089 = tpu.vector_load %arg16[%get3A_1086, %get3A_1087, %get3A_1088] {strides = array<i32>} : memref<4x104x256xf32, #tpu.memory_space<vmem>>, vector<1x1x16xf32>,
      %get3A_1090 = vector.shape_cast %get3A_1089 : vector<1x1x16xf32> to vector<16xf32>
      %add3A_1091 = arith.addf %scan3A_1058, %get3A_1090 : vector<16xf32>
      %mul3A_1092 = arith.mulf %get3A_1090, %get3A_1090 : vector<16xf32>
      %add3A_1093 = arith.addf %scan3A_1066, %mul3A_1092 : vector<16xf32>
      %get3A_1094 = arith.constant 3 : i32
      %get3A_1095 = arith.index_cast %get3A_1094 : i32 to index
      %get3A_1096 = arith.index_cast %add3A_1076 : i32 to index
      %get3A_1097 = arith.constant 32 : index
      %get3A_1098 = tpu.vector_load %arg16[%get3A_1095, %get3A_1096, %get3A_1097] {strides = array<i32>} : memref<4x104x256xf32, #tpu.memory_space<vmem>>, vector<1x1x16xf32>,
      %get3A_1099 = vector.shape_cast %get3A_1098 : vector<1x1x16xf32> to vector<16xf32>
      %add3A_1100 = arith.addf %scan3A_1059, %get3A_1099 : vector<16xf32>
      %mul3A_1101 = arith.mulf %get3A_1099, %get3A_1099 : vector<16xf32>
      %add3A_1102 = arith.addf %scan3A_1067, %mul3A_1101 : vector<16xf32>
      %get3A_1103 = arith.constant 3 : i32
      %get3A_1104 = arith.index_cast %get3A_1103 : i32 to index
      %get3A_1105 = arith.index_cast %add3A_1076 : i32 to index
      %get3A_1106 = arith.constant 48 : index
      %get3A_1107 = tpu.vector_load %arg16[%get3A_1104, %get3A_1105, %get3A_1106] {strides = array<i32>} : memref<4x104x256xf32, #tpu.memory_space<vmem>>, vector<1x1x16xf32>,
      %get3A_1108 = vector.shape_cast %get3A_1107 : vector<1x1x16xf32> to vector<16xf32>
      %add3A_1109 = arith.addf %scan3A_1060, %get3A_1108 : vector<16xf32>
      %mul3A_1110 = arith.mulf %get3A_1108, %get3A_1108 : vector<16xf32>
      %add3A_1111 = arith.addf %scan3A_1068, %mul3A_1110 : vector<16xf32>
      %get3A_1112 = arith.constant 3 : i32
      %get3A_1113 = arith.index_cast %get3A_1112 : i32 to index
      %get3A_1114 = arith.index_cast %add3A_1076 : i32 to index
      %get3A_1115 = arith.constant 64 : index
      %get3A_1116 = tpu.vector_load %arg16[%get3A_1113, %get3A_1114, %get3A_1115] {strides = array<i32>} : memref<4x104x256xf32, #tpu.memory_space<vmem>>, vector<1x1x16xf32>,
      %get3A_1117 = vector.shape_cast %get3A_1116 : vector<1x1x16xf32> to vector<16xf32>
      %add3A_1118 = arith.addf %scan3A_1061, %get3A_1117 : vector<16xf32>
      %mul3A_1119 = arith.mulf %get3A_1117, %get3A_1117 : vector<16xf32>
      %add3A_1120 = arith.addf %scan3A_1069, %mul3A_1119 : vector<16xf32>
      %get3A_1121 = arith.constant 3 : i32
      %get3A_1122 = arith.index_cast %get3A_1121 : i32 to index
      %get3A_1123 = arith.index_cast %add3A_1076 : i32 to index
      %get3A_1124 = arith.constant 80 : index
      %get3A_1125 = tpu.vector_load %arg16[%get3A_1122, %get3A_1123, %get3A_1124] {strides = array<i32>} : memref<4x104x256xf32, #tpu.memory_space<vmem>>, vector<1x1x16xf32>,
      %get3A_1126 = vector.shape_cast %get3A_1125 : vector<1x1x16xf32> to vector<16xf32>
      %add3A_1127 = arith.addf %scan3A_1062, %get3A_1126 : vector<16xf32>
      %mul3A_1128 = arith.mulf %get3A_1126, %get3A_1126 : vector<16xf32>
      %add3A_1129 = arith.addf %scan3A_1070, %mul3A_1128 : vector<16xf32>
      %get3A_1130 = arith.constant 3 : i32
      %get3A_1131 = arith.index_cast %get3A_1130 : i32 to index
      %get3A_1132 = arith.index_cast %add3A_1076 : i32 to index
      %get3A_1133 = arith.constant 96 : index
      %get3A_1134 = tpu.vector_load %arg16[%get3A_1131, %get3A_1132, %get3A_1133] {strides = array<i32>} : memref<4x104x256xf32, #tpu.memory_space<vmem>>, vector<1x1x16xf32>,
      %get3A_1135 = vector.shape_cast %get3A_1134 : vector<1x1x16xf32> to vector<16xf32>
      %add3A_1136 = arith.addf %scan3A_1063, %get3A_1135 : vector<16xf32>
      %mul3A_1137 = arith.mulf %get3A_1135, %get3A_1135 : vector<16xf32>
      %add3A_1138 = arith.addf %scan3A_1071, %mul3A_1137 : vector<16xf32>
      %get3A_1139 = arith.constant 3 : i32
      %get3A_1140 = arith.index_cast %get3A_1139 : i32 to index
      %get3A_1141 = arith.index_cast %add3A_1076 : i32 to index
      %get3A_1142 = arith.constant 112 : index
      %get3A_1143 = tpu.vector_load %arg16[%get3A_1140, %get3A_1141, %get3A_1142] {strides = array<i32>} : memref<4x104x256xf32, #tpu.memory_space<vmem>>, vector<1x1x16xf32>,
      %get3A_1144 = vector.shape_cast %get3A_1143 : vector<1x1x16xf32> to vector<16xf32>
      %add3A_1145 = arith.addf %scan3A_1064, %get3A_1144 : vector<16xf32>
      %mul3A_1146 = arith.mulf %get3A_1144, %get3A_1144 : vector<16xf32>
      %add3A_1147 = arith.addf %scan3A_1072, %mul3A_1146 : vector<16xf32>
      %mul3A_1148 = arith.constant 4 : i32
      %mul3A_1149 = arith.muli %scan3A_1056, %mul3A_1148 : i32
      %add3A_1150 = arith.constant 1 : i32
      %add3A_1151 = arith.addi %mul3A_1149, %add3A_1150 : i32
      %get3A_1152 = arith.constant 3 : i32
      %get3A_1153 = arith.index_cast %get3A_1152 : i32 to index
      %get3A_1154 = arith.index_cast %add3A_1151 : i32 to index
      %get3A_1155 = arith.constant 0 : index
      %get3A_1156 = tpu.vector_load %arg16[%get3A_1153, %get3A_1154, %get3A_1155] {strides = array<i32>} : memref<4x104x256xf32, #tpu.memory_space<vmem>>, vector<1x1x16xf32>,
      %get3A_1157 = vector.shape_cast %get3A_1156 : vector<1x1x16xf32> to vector<16xf32>
      %add3A_1158 = arith.addf %add3A_1082, %get3A_1157 : vector<16xf32>
      %mul3A_1159 = arith.mulf %get3A_1157, %get3A_1157 : vector<16xf32>
      %add3A_1160 = arith.addf %add3A_1084, %mul3A_1159 : vector<16xf32>
      %get3A_1161 = arith.constant 3 : i32
      %get3A_1162 = arith.index_cast %get3A_1161 : i32 to index
      %get3A_1163 = arith.index_cast %add3A_1151 : i32 to index
      %get3A_1164 = arith.constant 16 : index
      %get3A_1165 = tpu.vector_load %arg16[%get3A_1162, %get3A_1163, %get3A_1164] {strides = array<i32>} : memref<4x104x256xf32, #tpu.memory_space<vmem>>, vector<1x1x16xf32>,
      %get3A_1166 = vector.shape_cast %get3A_1165 : vector<1x1x16xf32> to vector<16xf32>
      %add3A_1167 = arith.addf %add3A_1091, %get3A_1166 : vector<16xf32>
      %mul3A_1168 = arith.mulf %get3A_1166, %get3A_1166 : vector<16xf32>
      %add3A_1169 = arith.addf %add3A_1093, %mul3A_1168 : vector<16xf32>
      %get3A_1170 = arith.constant 3 : i32
      %get3A_1171 = arith.index_cast %get3A_1170 : i32 to index
      %get3A_1172 = arith.index_cast %add3A_1151 : i32 to index
      %get3A_1173 = arith.constant 32 : index
      %get3A_1174 = tpu.vector_load %arg16[%get3A_1171, %get3A_1172, %get3A_1173] {strides = array<i32>} : memref<4x104x256xf32, #tpu.memory_space<vmem>>, vector<1x1x16xf32>,
      %get3A_1175 = vector.shape_cast %get3A_1174 : vector<1x1x16xf32> to vector<16xf32>
      %add3A_1176 = arith.addf %add3A_1100, %get3A_1175 : vector<16xf32>
      %mul3A_1177 = arith.mulf %get3A_1175, %get3A_1175 : vector<16xf32>
      %add3A_1178 = arith.addf %add3A_1102, %mul3A_1177 : vector<16xf32>
      %get3A_1179 = arith.constant 3 : i32
      %get3A_1180 = arith.index_cast %get3A_1179 : i32 to index
      %get3A_1181 = arith.index_cast %add3A_1151 : i32 to index
      %get3A_1182 = arith.constant 48 : index
      %get3A_1183 = tpu.vector_load %arg16[%get3A_1180, %get3A_1181, %get3A_1182] {strides = array<i32>} : memref<4x104x256xf32, #tpu.memory_space<vmem>>, vector<1x1x16xf32>,
      %get3A_1184 = vector.shape_cast %get3A_1183 : vector<1x1x16xf32> to vector<16xf32>
      %add3A_1185 = arith.addf %add3A_1109, %get3A_1184 : vector<16xf32>
      %mul3A_1186 = arith.mulf %get3A_1184, %get3A_1184 : vector<16xf32>
      %add3A_1187 = arith.addf %add3A_1111, %mul3A_1186 : vector<16xf32>
      %get3A_1188 = arith.constant 3 : i32
      %get3A_1189 = arith.index_cast %get3A_1188 : i32 to index
      %get3A_1190 = arith.index_cast %add3A_1151 : i32 to index
      %get3A_1191 = arith.constant 64 : index
      %get3A_1192 = tpu.vector_load %arg16[%get3A_1189, %get3A_1190, %get3A_1191] {strides = array<i32>} : memref<4x104x256xf32, #tpu.memory_space<vmem>>, vector<1x1x16xf32>,
      %get3A_1193 = vector.shape_cast %get3A_1192 : vector<1x1x16xf32> to vector<16xf32>
      %add3A_1194 = arith.addf %add3A_1118, %get3A_1193 : vector<16xf32>
      %mul3A_1195 = arith.mulf %get3A_1193, %get3A_1193 : vector<16xf32>
      %add3A_1196 = arith.addf %add3A_1120, %mul3A_1195 : vector<16xf32>
      %get3A_1197 = arith.constant 3 : i32
      %get3A_1198 = arith.index_cast %get3A_1197 : i32 to index
      %get3A_1199 = arith.index_cast %add3A_1151 : i32 to index
      %get3A_1200 = arith.constant 80 : index
      %get3A_1201 = tpu.vector_load %arg16[%get3A_1198, %get3A_1199, %get3A_1200] {strides = array<i32>} : memref<4x104x256xf32, #tpu.memory_space<vmem>>, vector<1x1x16xf32>,
      %get3A_1202 = vector.shape_cast %get3A_1201 : vector<1x1x16xf32> to vector<16xf32>
      %add3A_1203 = arith.addf %add3A_1127, %get3A_1202 : vector<16xf32>
      %mul3A_1204 = arith.mulf %get3A_1202, %get3A_1202 : vector<16xf32>
      %add3A_1205 = arith.addf %add3A_1129, %mul3A_1204 : vector<16xf32>
      %get3A_1206 = arith.constant 3 : i32
      %get3A_1207 = arith.index_cast %get3A_1206 : i32 to index
      %get3A_1208 = arith.index_cast %add3A_1151 : i32 to index
      %get3A_1209 = arith.constant 96 : index
      %get3A_1210 = tpu.vector_load %arg16[%get3A_1207, %get3A_1208, %get3A_1209] {strides = array<i32>} : memref<4x104x256xf32, #tpu.memory_space<vmem>>, vector<1x1x16xf32>,
      %get3A_1211 = vector.shape_cast %get3A_1210 : vector<1x1x16xf32> to vector<16xf32>
      %add3A_1212 = arith.addf %add3A_1136, %get3A_1211 : vector<16xf32>
      %mul3A_1213 = arith.mulf %get3A_1211, %get3A_1211 : vector<16xf32>
      %add3A_1214 = arith.addf %add3A_1138, %mul3A_1213 : vector<16xf32>
      %get3A_1215 = arith.constant 3 : i32
      %get3A_1216 = arith.index_cast %get3A_1215 : i32 to index
      %get3A_1217 = arith.index_cast %add3A_1151 : i32 to index
      %get3A_1218 = arith.constant 112 : index
      %get3A_1219 = tpu.vector_load %arg16[%get3A_1216, %get3A_1217, %get3A_1218] {strides = array<i32>} : memref<4x104x256xf32, #tpu.memory_space<vmem>>, vector<1x1x16xf32>,
      %get3A_1220 = vector.shape_cast %get3A_1219 : vector<1x1x16xf32> to vector<16xf32>
      %add3A_1221 = arith.addf %add3A_1145, %get3A_1220 : vector<16xf32>
      %mul3A_1222 = arith.mulf %get3A_1220, %get3A_1220 : vector<16xf32>
      %add3A_1223 = arith.addf %add3A_1147, %mul3A_1222 : vector<16xf32>
      %mul3A_1224 = arith.constant 4 : i32
      %mul3A_1225 = arith.muli %scan3A_1056, %mul3A_1224 : i32
      %add3A_1226 = arith.constant 2 : i32
      %add3A_1227 = arith.addi %mul3A_1225, %add3A_1226 : i32
      %get3A_1228 = arith.constant 3 : i32
      %get3A_1229 = arith.index_cast %get3A_1228 : i32 to index
      %get3A_1230 = arith.index_cast %add3A_1227 : i32 to index
      %get3A_1231 = arith.constant 0 : index
      %get3A_1232 = tpu.vector_load %arg16[%get3A_1229, %get3A_1230, %get3A_1231] {strides = array<i32>} : memref<4x104x256xf32, #tpu.memory_space<vmem>>, vector<1x1x16xf32>,
      %get3A_1233 = vector.shape_cast %get3A_1232 : vector<1x1x16xf32> to vector<16xf32>
      %add3A_1234 = arith.addf %add3A_1158, %get3A_1233 : vector<16xf32>
      %mul3A_1235 = arith.mulf %get3A_1233, %get3A_1233 : vector<16xf32>
      %add3A_1236 = arith.addf %add3A_1160, %mul3A_1235 : vector<16xf32>
      %get3A_1237 = arith.constant 3 : i32
      %get3A_1238 = arith.index_cast %get3A_1237 : i32 to index
      %get3A_1239 = arith.index_cast %add3A_1227 : i32 to index
      %get3A_1240 = arith.constant 16 : index
      %get3A_1241 = tpu.vector_load %arg16[%get3A_1238, %get3A_1239, %get3A_1240] {strides = array<i32>} : memref<4x104x256xf32, #tpu.memory_space<vmem>>, vector<1x1x16xf32>,
      %get3A_1242 = vector.shape_cast %get3A_1241 : vector<1x1x16xf32> to vector<16xf32>
      %add3A_1243 = arith.addf %add3A_1167, %get3A_1242 : vector<16xf32>
      %mul3A_1244 = arith.mulf %get3A_1242, %get3A_1242 : vector<16xf32>
      %add3A_1245 = arith.addf %add3A_1169, %mul3A_1244 : vector<16xf32>
      %get3A_1246 = arith.constant 3 : i32
      %get3A_1247 = arith.index_cast %get3A_1246 : i32 to index
      %get3A_1248 = arith.index_cast %add3A_1227 : i32 to index
      %get3A_1249 = arith.constant 32 : index
      %get3A_1250 = tpu.vector_load %arg16[%get3A_1247, %get3A_1248, %get3A_1249] {strides = array<i32>} : memref<4x104x256xf32, #tpu.memory_space<vmem>>, vector<1x1x16xf32>,
      %get3A_1251 = vector.shape_cast %get3A_1250 : vector<1x1x16xf32> to vector<16xf32>
      %add3A_1252 = arith.addf %add3A_1176, %get3A_1251 : vector<16xf32>
      %mul3A_1253 = arith.mulf %get3A_1251, %get3A_1251 : vector<16xf32>
      %add3A_1254 = arith.addf %add3A_1178, %mul3A_1253 : vector<16xf32>
      %get3A_1255 = arith.constant 3 : i32
      %get3A_1256 = arith.index_cast %get3A_1255 : i32 to index
      %get3A_1257 = arith.index_cast %add3A_1227 : i32 to index
      %get3A_1258 = arith.constant 48 : index
      %get3A_1259 = tpu.vector_load %arg16[%get3A_1256, %get3A_1257, %get3A_1258] {strides = array<i32>} : memref<4x104x256xf32, #tpu.memory_space<vmem>>, vector<1x1x16xf32>,
      %get3A_1260 = vector.shape_cast %get3A_1259 : vector<1x1x16xf32> to vector<16xf32>
      %add3A_1261 = arith.addf %add3A_1185, %get3A_1260 : vector<16xf32>
      %mul3A_1262 = arith.mulf %get3A_1260, %get3A_1260 : vector<16xf32>
      %add3A_1263 = arith.addf %add3A_1187, %mul3A_1262 : vector<16xf32>
      %get3A_1264 = arith.constant 3 : i32
      %get3A_1265 = arith.index_cast %get3A_1264 : i32 to index
      %get3A_1266 = arith.index_cast %add3A_1227 : i32 to index
      %get3A_1267 = arith.constant 64 : index
      %get3A_1268 = tpu.vector_load %arg16[%get3A_1265, %get3A_1266, %get3A_1267] {strides = array<i32>} : memref<4x104x256xf32, #tpu.memory_space<vmem>>, vector<1x1x16xf32>,
      %get3A_1269 = vector.shape_cast %get3A_1268 : vector<1x1x16xf32> to vector<16xf32>
      %add3A_1270 = arith.addf %add3A_1194, %get3A_1269 : vector<16xf32>
      %mul3A_1271 = arith.mulf %get3A_1269, %get3A_1269 : vector<16xf32>
      %add3A_1272 = arith.addf %add3A_1196, %mul3A_1271 : vector<16xf32>
      %get3A_1273 = arith.constant 3 : i32
      %get3A_1274 = arith.index_cast %get3A_1273 : i32 to index
      %get3A_1275 = arith.index_cast %add3A_1227 : i32 to index
      %get3A_1276 = arith.constant 80 : index
      %get3A_1277 = tpu.vector_load %arg16[%get3A_1274, %get3A_1275, %get3A_1276] {strides = array<i32>} : memref<4x104x256xf32, #tpu.memory_space<vmem>>, vector<1x1x16xf32>,
      %get3A_1278 = vector.shape_cast %get3A_1277 : vector<1x1x16xf32> to vector<16xf32>
      %add3A_1279 = arith.addf %add3A_1203, %get3A_1278 : vector<16xf32>
      %mul3A_1280 = arith.mulf %get3A_1278, %get3A_1278 : vector<16xf32>
      %add3A_1281 = arith.addf %add3A_1205, %mul3A_1280 : vector<16xf32>
      %get3A_1282 = arith.constant 3 : i32
      %get3A_1283 = arith.index_cast %get3A_1282 : i32 to index
      %get3A_1284 = arith.index_cast %add3A_1227 : i32 to index
      %get3A_1285 = arith.constant 96 : index
      %get3A_1286 = tpu.vector_load %arg16[%get3A_1283, %get3A_1284, %get3A_1285] {strides = array<i32>} : memref<4x104x256xf32, #tpu.memory_space<vmem>>, vector<1x1x16xf32>,
      %get3A_1287 = vector.shape_cast %get3A_1286 : vector<1x1x16xf32> to vector<16xf32>
      %add3A_1288 = arith.addf %add3A_1212, %get3A_1287 : vector<16xf32>
      %mul3A_1289 = arith.mulf %get3A_1287, %get3A_1287 : vector<16xf32>
      %add3A_1290 = arith.addf %add3A_1214, %mul3A_1289 : vector<16xf32>
      %get3A_1291 = arith.constant 3 : i32
      %get3A_1292 = arith.index_cast %get3A_1291 : i32 to index
      %get3A_1293 = arith.index_cast %add3A_1227 : i32 to index
      %get3A_1294 = arith.constant 112 : index
      %get3A_1295 = tpu.vector_load %arg16[%get3A_1292, %get3A_1293, %get3A_1294] {strides = array<i32>} : memref<4x104x256xf32, #tpu.memory_space<vmem>>, vector<1x1x16xf32>,
      %get3A_1296 = vector.shape_cast %get3A_1295 : vector<1x1x16xf32> to vector<16xf32>
      %add3A_1297 = arith.addf %add3A_1221, %get3A_1296 : vector<16xf32>
      %mul3A_1298 = arith.mulf %get3A_1296, %get3A_1296 : vector<16xf32>
      %add3A_1299 = arith.addf %add3A_1223, %mul3A_1298 : vector<16xf32>
      %mul3A_1300 = arith.constant 4 : i32
      %mul3A_1301 = arith.muli %scan3A_1056, %mul3A_1300 : i32
      %add3A_1302 = arith.constant 3 : i32
      %add3A_1303 = arith.addi %mul3A_1301, %add3A_1302 : i32
      %get3A_1304 = arith.constant 3 : i32
      %get3A_1305 = arith.index_cast %get3A_1304 : i32 to index
      %get3A_1306 = arith.index_cast %add3A_1303 : i32 to index
      %get3A_1307 = arith.constant 0 : index
      %get3A_1308 = tpu.vector_load %arg16[%get3A_1305, %get3A_1306, %get3A_1307] {strides = array<i32>} : memref<4x104x256xf32, #tpu.memory_space<vmem>>, vector<1x1x16xf32>,
      %get3A_1309 = vector.shape_cast %get3A_1308 : vector<1x1x16xf32> to vector<16xf32>
      %add3A_1310 = arith.addf %add3A_1234, %get3A_1309 : vector<16xf32>
      %mul3A_1311 = arith.mulf %get3A_1309, %get3A_1309 : vector<16xf32>
      %add3A_1312 = arith.addf %add3A_1236, %mul3A_1311 : vector<16xf32>
      %get3A_1313 = arith.constant 3 : i32
      %get3A_1314 = arith.index_cast %get3A_1313 : i32 to index
      %get3A_1315 = arith.index_cast %add3A_1303 : i32 to index
      %get3A_1316 = arith.constant 16 : index
      %get3A_1317 = tpu.vector_load %arg16[%get3A_1314, %get3A_1315, %get3A_1316] {strides = array<i32>} : memref<4x104x256xf32, #tpu.memory_space<vmem>>, vector<1x1x16xf32>,
      %get3A_1318 = vector.shape_cast %get3A_1317 : vector<1x1x16xf32> to vector<16xf32>
      %add3A_1319 = arith.addf %add3A_1243, %get3A_1318 : vector<16xf32>
      %mul3A_1320 = arith.mulf %get3A_1318, %get3A_1318 : vector<16xf32>
      %add3A_1321 = arith.addf %add3A_1245, %mul3A_1320 : vector<16xf32>
      %get3A_1322 = arith.constant 3 : i32
      %get3A_1323 = arith.index_cast %get3A_1322 : i32 to index
      %get3A_1324 = arith.index_cast %add3A_1303 : i32 to index
      %get3A_1325 = arith.constant 32 : index
      %get3A_1326 = tpu.vector_load %arg16[%get3A_1323, %get3A_1324, %get3A_1325] {strides = array<i32>} : memref<4x104x256xf32, #tpu.memory_space<vmem>>, vector<1x1x16xf32>,
      %get3A_1327 = vector.shape_cast %get3A_1326 : vector<1x1x16xf32> to vector<16xf32>
      %add3A_1328 = arith.addf %add3A_1252, %get3A_1327 : vector<16xf32>
      %mul3A_1329 = arith.mulf %get3A_1327, %get3A_1327 : vector<16xf32>
      %add3A_1330 = arith.addf %add3A_1254, %mul3A_1329 : vector<16xf32>
      %get3A_1331 = arith.constant 3 : i32
      %get3A_1332 = arith.index_cast %get3A_1331 : i32 to index
      %get3A_1333 = arith.index_cast %add3A_1303 : i32 to index
      %get3A_1334 = arith.constant 48 : index
      %get3A_1335 = tpu.vector_load %arg16[%get3A_1332, %get3A_1333, %get3A_1334] {strides = array<i32>} : memref<4x104x256xf32, #tpu.memory_space<vmem>>, vector<1x1x16xf32>,
      %get3A_1336 = vector.shape_cast %get3A_1335 : vector<1x1x16xf32> to vector<16xf32>
      %add3A_1337 = arith.addf %add3A_1261, %get3A_1336 : vector<16xf32>
      %mul3A_1338 = arith.mulf %get3A_1336, %get3A_1336 : vector<16xf32>
      %add3A_1339 = arith.addf %add3A_1263, %mul3A_1338 : vector<16xf32>
      %get3A_1340 = arith.constant 3 : i32
      %get3A_1341 = arith.index_cast %get3A_1340 : i32 to index
      %get3A_1342 = arith.index_cast %add3A_1303 : i32 to index
      %get3A_1343 = arith.constant 64 : index
      %get3A_1344 = tpu.vector_load %arg16[%get3A_1341, %get3A_1342, %get3A_1343] {strides = array<i32>} : memref<4x104x256xf32, #tpu.memory_space<vmem>>, vector<1x1x16xf32>,
      %get3A_1345 = vector.shape_cast %get3A_1344 : vector<1x1x16xf32> to vector<16xf32>
      %add3A_1346 = arith.addf %add3A_1270, %get3A_1345 : vector<16xf32>
      %mul3A_1347 = arith.mulf %get3A_1345, %get3A_1345 : vector<16xf32>
      %add3A_1348 = arith.addf %add3A_1272, %mul3A_1347 : vector<16xf32>
      %get3A_1349 = arith.constant 3 : i32
      %get3A_1350 = arith.index_cast %get3A_1349 : i32 to index
      %get3A_1351 = arith.index_cast %add3A_1303 : i32 to index
      %get3A_1352 = arith.constant 80 : index
      %get3A_1353 = tpu.vector_load %arg16[%get3A_1350, %get3A_1351, %get3A_1352] {strides = array<i32>} : memref<4x104x256xf32, #tpu.memory_space<vmem>>, vector<1x1x16xf32>,
      %get3A_1354 = vector.shape_cast %get3A_1353 : vector<1x1x16xf32> to vector<16xf32>
      %add3A_1355 = arith.addf %add3A_1279, %get3A_1354 : vector<16xf32>
      %mul3A_1356 = arith.mulf %get3A_1354, %get3A_1354 : vector<16xf32>
      %add3A_1357 = arith.addf %add3A_1281, %mul3A_1356 : vector<16xf32>
      %get3A_1358 = arith.constant 3 : i32
      %get3A_1359 = arith.index_cast %get3A_1358 : i32 to index
      %get3A_1360 = arith.index_cast %add3A_1303 : i32 to index
      %get3A_1361 = arith.constant 96 : index
      %get3A_1362 = tpu.vector_load %arg16[%get3A_1359, %get3A_1360, %get3A_1361] {strides = array<i32>} : memref<4x104x256xf32, #tpu.memory_space<vmem>>, vector<1x1x16xf32>,
      %get3A_1363 = vector.shape_cast %get3A_1362 : vector<1x1x16xf32> to vector<16xf32>
      %add3A_1364 = arith.addf %add3A_1288, %get3A_1363 : vector<16xf32>
      %mul3A_1365 = arith.mulf %get3A_1363, %get3A_1363 : vector<16xf32>
      %add3A_1366 = arith.addf %add3A_1290, %mul3A_1365 : vector<16xf32>
      %get3A_1367 = arith.constant 3 : i32
      %get3A_1368 = arith.index_cast %get3A_1367 : i32 to index
      %get3A_1369 = arith.index_cast %add3A_1303 : i32 to index
      %get3A_1370 = arith.constant 112 : index
      %get3A_1371 = tpu.vector_load %arg16[%get3A_1368, %get3A_1369, %get3A_1370] {strides = array<i32>} : memref<4x104x256xf32, #tpu.memory_space<vmem>>, vector<1x1x16xf32>,
      %get3A_1372 = vector.shape_cast %get3A_1371 : vector<1x1x16xf32> to vector<16xf32>
      %add3A_1373 = arith.addf %add3A_1297, %get3A_1372 : vector<16xf32>
      %mul3A_1374 = arith.mulf %get3A_1372, %get3A_1372 : vector<16xf32>
      %add3A_1375 = arith.addf %add3A_1299, %mul3A_1374 : vector<16xf32>
      scf.yield %add3A_1310, %add3A_1319, %add3A_1328, %add3A_1337, %add3A_1346, %add3A_1355, %add3A_1364, %add3A_1373, %add3A_1312, %add3A_1321, %add3A_1330, %add3A_1339, %add3A_1348, %add3A_1357, %add3A_1366, %add3A_1375 : vector<16xf32>, vector<16xf32>, vector<16xf32>, vector<16xf32>, vector<16xf32>, vector<16xf32>, vector<16xf32>, vector<16xf32>, vector<16xf32>, vector<16xf32>, vector<16xf32>, vector<16xf32>, vector<16xf32>, vector<16xf32>, vector<16xf32>, vector<16xf32>
    }
    %scan3A_763 = arith.constant 25 : i32
    %swap3A_764 = arith.constant 3 : i32
    %swap3A_765 = arith.index_cast %swap3A_764 : i32 to index
    %swap3A_766 = arith.constant 0 : index
    %swap3A_767 = tpu.vector_load %arg17[%swap3A_765, %swap3A_766] {strides = array<i32>} : memref<4x256xf32, #tpu.memory_space<vmem>>, vector<1x16xf32>,
    %swap3A_768 = vector.shape_cast %swap3A_767 : vector<1x16xf32> to vector<16xf32>
    %swap3A_769 = vector.shape_cast %scan3A_762#0 : vector<16xf32> to vector<1x16xf32>
    tpu.vector_store %arg17[%swap3A_765, %swap3A_766], %swap3A_769 {strides = array<i32>} : memref<4x256xf32, #tpu.memory_space<vmem>>, vector<1x16xf32>,
    %swap3A_770 = arith.constant 3 : i32
    %swap3A_771 = arith.index_cast %swap3A_770 : i32 to index
    %swap3A_772 = arith.constant 0 : index
    %swap3A_773 = tpu.vector_load %arg18[%swap3A_771, %swap3A_772] {strides = array<i32>} : memref<4x256xf32, #tpu.memory_space<vmem>>, vector<1x16xf32>,
    %swap3A_774 = vector.shape_cast %swap3A_773 : vector<1x16xf32> to vector<16xf32>
    %swap3A_775 = vector.shape_cast %scan3A_762#8 : vector<16xf32> to vector<1x16xf32>
    tpu.vector_store %arg18[%swap3A_771, %swap3A_772], %swap3A_775 {strides = array<i32>} : memref<4x256xf32, #tpu.memory_space<vmem>>, vector<1x16xf32>,
    %swap3A_776 = arith.constant 3 : i32
    %swap3A_777 = arith.index_cast %swap3A_776 : i32 to index
    %swap3A_778 = arith.constant 16 : index
    %swap3A_779 = tpu.vector_load %arg17[%swap3A_777, %swap3A_778] {strides = array<i32>} : memref<4x256xf32, #tpu.memory_space<vmem>>, vector<1x16xf32>,
    %swap3A_780 = vector.shape_cast %swap3A_779 : vector<1x16xf32> to vector<16xf32>
    %swap3A_781 = vector.shape_cast %scan3A_762#1 : vector<16xf32> to vector<1x16xf32>
    tpu.vector_store %arg17[%swap3A_777, %swap3A_778], %swap3A_781 {strides = array<i32>} : memref<4x256xf32, #tpu.memory_space<vmem>>, vector<1x16xf32>,
    %swap3A_782 = arith.constant 3 : i32
    %swap3A_783 = arith.index_cast %swap3A_782 : i32 to index
    %swap3A_784 = arith.constant 16 : index
    %swap3A_785 = tpu.vector_load %arg18[%swap3A_783, %swap3A_784] {strides = array<i32>} : memref<4x256xf32, #tpu.memory_space<vmem>>, vector<1x16xf32>,
    %swap3A_786 = vector.shape_cast %swap3A_785 : vector<1x16xf32> to vector<16xf32>
    %swap3A_787 = vector.shape_cast %scan3A_762#9 : vector<16xf32> to vector<1x16xf32>
    tpu.vector_store %arg18[%swap3A_783, %swap3A_784], %swap3A_787 {strides = array<i32>} : memref<4x256xf32, #tpu.memory_space<vmem>>, vector<1x16xf32>,
    %swap3A_788 = arith.constant 3 : i32
    %swap3A_789 = arith.index_cast %swap3A_788 : i32 to index
    %swap3A_790 = arith.constant 32 : index
    %swap3A_791 = tpu.vector_load %arg17[%swap3A_789, %swap3A_790] {strides = array<i32>} : memref<4x256xf32, #tpu.memory_space<vmem>>, vector<1x16xf32>,
    %swap3A_792 = vector.shape_cast %swap3A_791 : vector<1x16xf32> to vector<16xf32>
    %swap3A_793 = vector.shape_cast %scan3A_762#2 : vector<16xf32> to vector<1x16xf32>
    tpu.vector_store %arg17[%swap3A_789, %swap3A_790], %swap3A_793 {strides = array<i32>} : memref<4x256xf32, #tpu.memory_space<vmem>>, vector<1x16xf32>,
    %swap3A_794 = arith.constant 3 : i32
    %swap3A_795 = arith.index_cast %swap3A_794 : i32 to index
    %swap3A_796 = arith.constant 32 : index
    %swap3A_797 = tpu.vector_load %arg18[%swap3A_795, %swap3A_796] {strides = array<i32>} : memref<4x256xf32, #tpu.memory_space<vmem>>, vector<1x16xf32>,
    %swap3A_798 = vector.shape_cast %swap3A_797 : vector<1x16xf32> to vector<16xf32>
    %swap3A_799 = vector.shape_cast %scan3A_762#10 : vector<16xf32> to vector<1x16xf32>
    tpu.vector_store %arg18[%swap3A_795, %swap3A_796], %swap3A_799 {strides = array<i32>} : memref<4x256xf32, #tpu.memory_space<vmem>>, vector<1x16xf32>,
    %swap3A_800 = arith.constant 3 : i32
    %swap3A_801 = arith.index_cast %swap3A_800 : i32 to index
    %swap3A_802 = arith.constant 48 : index
    %swap3A_803 = tpu.vector_load %arg17[%swap3A_801, %swap3A_802] {strides = array<i32>} : memref<4x256xf32, #tpu.memory_space<vmem>>, vector<1x16xf32>,
    %swap3A_804 = vector.shape_cast %swap3A_803 : vector<1x16xf32> to vector<16xf32>
    %swap3A_805 = vector.shape_cast %scan3A_762#3 : vector<16xf32> to vector<1x16xf32>
    tpu.vector_store %arg17[%swap3A_801, %swap3A_802], %swap3A_805 {strides = array<i32>} : memref<4x256xf32, #tpu.memory_space<vmem>>, vector<1x16xf32>,
    %swap3A_806 = arith.constant 3 : i32
    %swap3A_807 = arith.index_cast %swap3A_806 : i32 to index
    %swap3A_808 = arith.constant 48 : index
    %swap3A_809 = tpu.vector_load %arg18[%swap3A_807, %swap3A_808] {strides = array<i32>} : memref<4x256xf32, #tpu.memory_space<vmem>>, vector<1x16xf32>,
    %swap3A_810 = vector.shape_cast %swap3A_809 : vector<1x16xf32> to vector<16xf32>
    %swap3A_811 = vector.shape_cast %scan3A_762#11 : vector<16xf32> to vector<1x16xf32>
    tpu.vector_store %arg18[%swap3A_807, %swap3A_808], %swap3A_811 {strides = array<i32>} : memref<4x256xf32, #tpu.memory_space<vmem>>, vector<1x16xf32>,
    %swap3A_812 = arith.constant 3 : i32
    %swap3A_813 = arith.index_cast %swap3A_812 : i32 to index
    %swap3A_814 = arith.constant 64 : index
    %swap3A_815 = tpu.vector_load %arg17[%swap3A_813, %swap3A_814] {strides = array<i32>} : memref<4x256xf32, #tpu.memory_space<vmem>>, vector<1x16xf32>,
    %swap3A_816 = vector.shape_cast %swap3A_815 : vector<1x16xf32> to vector<16xf32>
    %swap3A_817 = vector.shape_cast %scan3A_762#4 : vector<16xf32> to vector<1x16xf32>
    tpu.vector_store %arg17[%swap3A_813, %swap3A_814], %swap3A_817 {strides = array<i32>} : memref<4x256xf32, #tpu.memory_space<vmem>>, vector<1x16xf32>,
    %swap3A_818 = arith.constant 3 : i32
    %swap3A_819 = arith.index_cast %swap3A_818 : i32 to index
    %swap3A_820 = arith.constant 64 : index
    %swap3A_821 = tpu.vector_load %arg18[%swap3A_819, %swap3A_820] {strides = array<i32>} : memref<4x256xf32, #tpu.memory_space<vmem>>, vector<1x16xf32>,
    %swap3A_822 = vector.shape_cast %swap3A_821 : vector<1x16xf32> to vector<16xf32>
    %swap3A_823 = vector.shape_cast %scan3A_762#12 : vector<16xf32> to vector<1x16xf32>
    tpu.vector_store %arg18[%swap3A_819, %swap3A_820], %swap3A_823 {strides = array<i32>} : memref<4x256xf32, #tpu.memory_space<vmem>>, vector<1x16xf32>,
    %swap3A_824 = arith.constant 3 : i32
    %swap3A_825 = arith.index_cast %swap3A_824 : i32 to index
    %swap3A_826 = arith.constant 80 : index
    %swap3A_827 = tpu.vector_load %arg17[%swap3A_825, %swap3A_826] {strides = array<i32>} : memref<4x256xf32, #tpu.memory_space<vmem>>, vector<1x16xf32>,
    %swap3A_828 = vector.shape_cast %swap3A_827 : vector<1x16xf32> to vector<16xf32>
    %swap3A_829 = vector.shape_cast %scan3A_762#5 : vector<16xf32> to vector<1x16xf32>
    tpu.vector_store %arg17[%swap3A_825, %swap3A_826], %swap3A_829 {strides = array<i32>} : memref<4x256xf32, #tpu.memory_space<vmem>>, vector<1x16xf32>,
    %swap3A_830 = arith.constant 3 : i32
    %swap3A_831 = arith.index_cast %swap3A_830 : i32 to index
    %swap3A_832 = arith.constant 80 : index
    %swap3A_833 = tpu.vector_load %arg18[%swap3A_831, %swap3A_832] {strides = array<i32>} : memref<4x256xf32, #tpu.memory_space<vmem>>, vector<1x16xf32>,
    %swap3A_834 = vector.shape_cast %swap3A_833 : vector<1x16xf32> to vector<16xf32>
    %swap3A_835 = vector.shape_cast %scan3A_762#13 : vector<16xf32> to vector<1x16xf32>
    tpu.vector_store %arg18[%swap3A_831, %swap3A_832], %swap3A_835 {strides = array<i32>} : memref<4x256xf32, #tpu.memory_space<vmem>>, vector<1x16xf32>,
    %swap3A_836 = arith.constant 3 : i32
    %swap3A_837 = arith.index_cast %swap3A_836 : i32 to index
    %swap3A_838 = arith.constant 96 : index
    %swap3A_839 = tpu.vector_load %arg17[%swap3A_837, %swap3A_838] {strides = array<i32>} : memref<4x256xf32, #tpu.memory_space<vmem>>, vector<1x16xf32>,
    %swap3A_840 = vector.shape_cast %swap3A_839 : vector<1x16xf32> to vector<16xf32>
    %swap3A_841 = vector.shape_cast %scan3A_762#6 : vector<16xf32> to vector<1x16xf32>
    tpu.vector_store %arg17[%swap3A_837, %swap3A_838], %swap3A_841 {strides = array<i32>} : memref<4x256xf32, #tpu.memory_space<vmem>>, vector<1x16xf32>,
    %swap3A_842 = arith.constant 3 : i32
    %swap3A_843 = arith.index_cast %swap3A_842 : i32 to index
    %swap3A_844 = arith.constant 96 : index
    %swap3A_845 = tpu.vector_load %arg18[%swap3A_843, %swap3A_844] {strides = array<i32>} : memref<4x256xf32, #tpu.memory_space<vmem>>, vector<1x16xf32>,
    %swap3A_846 = vector.shape_cast %swap3A_845 : vector<1x16xf32> to vector<16xf32>
    %swap3A_847 = vector.shape_cast %scan3A_762#14 : vector<16xf32> to vector<1x16xf32>
    tpu.vector_store %arg18[%swap3A_843, %swap3A_844], %swap3A_847 {strides = array<i32>} : memref<4x256xf32, #tpu.memory_space<vmem>>, vector<1x16xf32>,
    %swap3A_848 = arith.constant 3 : i32
    %swap3A_849 = arith.index_cast %swap3A_848 : i32 to index
    %swap3A_850 = arith.constant 112 : index
    %swap3A_851 = tpu.vector_load %arg17[%swap3A_849, %swap3A_850] {strides = array<i32>} : memref<4x256xf32, #tpu.memory_space<vmem>>, vector<1x16xf32>,
    %swap3A_852 = vector.shape_cast %swap3A_851 : vector<1x16xf32> to vector<16xf32>
    %swap3A_853 = vector.shape_cast %scan3A_762#7 : vector<16xf32> to vector<1x16xf32>
    tpu.vector_store %arg17[%swap3A_849, %swap3A_850], %swap3A_853 {strides = array<i32>} : memref<4x256xf32, #tpu.memory_space<vmem>>, vector<1x16xf32>,
    %swap3A_854 = arith.constant 3 : i32
    %swap3A_855 = arith.index_cast %swap3A_854 : i32 to index
    %swap3A_856 = arith.constant 112 : index
    %swap3A_857 = tpu.vector_load %arg18[%swap3A_855, %swap3A_856] {strides = array<i32>} : memref<4x256xf32, #tpu.memory_space<vmem>>, vector<1x16xf32>,
    %swap3A_858 = vector.shape_cast %swap3A_857 : vector<1x16xf32> to vector<16xf32>
    %swap3A_859 = vector.shape_cast %scan3A_762#15 : vector<16xf32> to vector<1x16xf32>
    tpu.vector_store %arg18[%swap3A_855, %swap3A_856], %swap3A_859 {strides = array<i32>} : memref<4x256xf32, #tpu.memory_space<vmem>>, vector<1x16xf32>,
    %broadcast_in_dim3A_860 = arith.constant 0.000000e+00 : f32
    %broadcast_in_dim3A_861 = vector.broadcast %broadcast_in_dim3A_860 : f32 to vector<16xf32>
    %scan3A_862 = arith.constant 0 : i32
    %scan3A_863 = arith.constant 25 : i32
    %scan3A_864 = arith.addi %scan3A_862, %scan3A_863 : i32
    %scan3A_865 = arith.constant 1 : i32
    %scan3A_866:16 = scf.for %scan3A_1056 = %scan3A_862 to %scan3A_864 step %scan3A_865 iter_args(%scan3A_1057 = %broadcast_in_dim3A_861, %scan3A_1058 = %broadcast_in_dim3A_861, %scan3A_1059 = %broadcast_in_dim3A_861, %scan3A_1060 = %broadcast_in_dim3A_861, %scan3A_1061 = %broadcast_in_dim3A_861, %scan3A_1062 = %broadcast_in_dim3A_861, %scan3A_1063 = %broadcast_in_dim3A_861, %scan3A_1064 = %broadcast_in_dim3A_861, %scan3A_1065 = %broadcast_in_dim3A_861, %scan3A_1066 = %broadcast_in_dim3A_861, %scan3A_1067 = %broadcast_in_dim3A_861, %scan3A_1068 = %broadcast_in_dim3A_861, %scan3A_1069 = %broadcast_in_dim3A_861, %scan3A_1070 = %broadcast_in_dim3A_861, %scan3A_1071 = %broadcast_in_dim3A_861, %scan3A_1072 = %broadcast_in_dim3A_861) -> (vector<16xf32>, vector<16xf32>, vector<16xf32>, vector<16xf32>, vector<16xf32>, vector<16xf32>, vector<16xf32>, vector<16xf32>, vector<16xf32>, vector<16xf32>, vector<16xf32>, vector<16xf32>, vector<16xf32>, vector<16xf32>, vector<16xf32>, vector<16xf32>)  : i32 {
      %mul3A_1073 = arith.constant 4 : i32
      %mul3A_1074 = arith.muli %scan3A_1056, %mul3A_1073 : i32
      %add3A_1075 = arith.constant 0 : i32
      %add3A_1076 = arith.addi %mul3A_1074, %add3A_1075 : i32
      %get3A = arith.constant 3 : i32
      %get3A_1077 = arith.index_cast %get3A : i32 to index
      %get3A_1078 = arith.index_cast %add3A_1076 : i32 to index
      %get3A_1079 = arith.constant 128 : index
      %get3A_1080 = tpu.vector_load %arg16[%get3A_1077, %get3A_1078, %get3A_1079] {strides = array<i32>} : memref<4x104x256xf32, #tpu.memory_space<vmem>>, vector<1x1x16xf32>,
      %get3A_1081 = vector.shape_cast %get3A_1080 : vector<1x1x16xf32> to vector<16xf32>
      %add3A_1082 = arith.addf %scan3A_1057, %get3A_1081 : vector<16xf32>
      %mul3A_1083 = arith.mulf %get3A_1081, %get3A_1081 : vector<16xf32>
      %add3A_1084 = arith.addf %scan3A_1065, %mul3A_1083 : vector<16xf32>
      %get3A_1085 = arith.constant 3 : i32
      %get3A_1086 = arith.index_cast %get3A_1085 : i32 to index
      %get3A_1087 = arith.index_cast %add3A_1076 : i32 to index
      %get3A_1088 = arith.constant 144 : index
      %get3A_1089 = tpu.vector_load %arg16[%get3A_1086, %get3A_1087, %get3A_1088] {strides = array<i32>} : memref<4x104x256xf32, #tpu.memory_space<vmem>>, vector<1x1x16xf32>,
      %get3A_1090 = vector.shape_cast %get3A_1089 : vector<1x1x16xf32> to vector<16xf32>
      %add3A_1091 = arith.addf %scan3A_1058, %get3A_1090 : vector<16xf32>
      %mul3A_1092 = arith.mulf %get3A_1090, %get3A_1090 : vector<16xf32>
      %add3A_1093 = arith.addf %scan3A_1066, %mul3A_1092 : vector<16xf32>
      %get3A_1094 = arith.constant 3 : i32
      %get3A_1095 = arith.index_cast %get3A_1094 : i32 to index
      %get3A_1096 = arith.index_cast %add3A_1076 : i32 to index
      %get3A_1097 = arith.constant 160 : index
      %get3A_1098 = tpu.vector_load %arg16[%get3A_1095, %get3A_1096, %get3A_1097] {strides = array<i32>} : memref<4x104x256xf32, #tpu.memory_space<vmem>>, vector<1x1x16xf32>,
      %get3A_1099 = vector.shape_cast %get3A_1098 : vector<1x1x16xf32> to vector<16xf32>
      %add3A_1100 = arith.addf %scan3A_1059, %get3A_1099 : vector<16xf32>
      %mul3A_1101 = arith.mulf %get3A_1099, %get3A_1099 : vector<16xf32>
      %add3A_1102 = arith.addf %scan3A_1067, %mul3A_1101 : vector<16xf32>
      %get3A_1103 = arith.constant 3 : i32
      %get3A_1104 = arith.index_cast %get3A_1103 : i32 to index
      %get3A_1105 = arith.index_cast %add3A_1076 : i32 to index
      %get3A_1106 = arith.constant 176 : index
      %get3A_1107 = tpu.vector_load %arg16[%get3A_1104, %get3A_1105, %get3A_1106] {strides = array<i32>} : memref<4x104x256xf32, #tpu.memory_space<vmem>>, vector<1x1x16xf32>,
      %get3A_1108 = vector.shape_cast %get3A_1107 : vector<1x1x16xf32> to vector<16xf32>
      %add3A_1109 = arith.addf %scan3A_1060, %get3A_1108 : vector<16xf32>
      %mul3A_1110 = arith.mulf %get3A_1108, %get3A_1108 : vector<16xf32>
      %add3A_1111 = arith.addf %scan3A_1068, %mul3A_1110 : vector<16xf32>
      %get3A_1112 = arith.constant 3 : i32
      %get3A_1113 = arith.index_cast %get3A_1112 : i32 to index
      %get3A_1114 = arith.index_cast %add3A_1076 : i32 to index
      %get3A_1115 = arith.constant 192 : index
      %get3A_1116 = tpu.vector_load %arg16[%get3A_1113, %get3A_1114, %get3A_1115] {strides = array<i32>} : memref<4x104x256xf32, #tpu.memory_space<vmem>>, vector<1x1x16xf32>,
      %get3A_1117 = vector.shape_cast %get3A_1116 : vector<1x1x16xf32> to vector<16xf32>
      %add3A_1118 = arith.addf %scan3A_1061, %get3A_1117 : vector<16xf32>
      %mul3A_1119 = arith.mulf %get3A_1117, %get3A_1117 : vector<16xf32>
      %add3A_1120 = arith.addf %scan3A_1069, %mul3A_1119 : vector<16xf32>
      %get3A_1121 = arith.constant 3 : i32
      %get3A_1122 = arith.index_cast %get3A_1121 : i32 to index
      %get3A_1123 = arith.index_cast %add3A_1076 : i32 to index
      %get3A_1124 = arith.constant 208 : index
      %get3A_1125 = tpu.vector_load %arg16[%get3A_1122, %get3A_1123, %get3A_1124] {strides = array<i32>} : memref<4x104x256xf32, #tpu.memory_space<vmem>>, vector<1x1x16xf32>,
      %get3A_1126 = vector.shape_cast %get3A_1125 : vector<1x1x16xf32> to vector<16xf32>
      %add3A_1127 = arith.addf %scan3A_1062, %get3A_1126 : vector<16xf32>
      %mul3A_1128 = arith.mulf %get3A_1126, %get3A_1126 : vector<16xf32>
      %add3A_1129 = arith.addf %scan3A_1070, %mul3A_1128 : vector<16xf32>
      %get3A_1130 = arith.constant 3 : i32
      %get3A_1131 = arith.index_cast %get3A_1130 : i32 to index
      %get3A_1132 = arith.index_cast %add3A_1076 : i32 to index
      %get3A_1133 = arith.constant 224 : index
      %get3A_1134 = tpu.vector_load %arg16[%get3A_1131, %get3A_1132, %get3A_1133] {strides = array<i32>} : memref<4x104x256xf32, #tpu.memory_space<vmem>>, vector<1x1x16xf32>,
      %get3A_1135 = vector.shape_cast %get3A_1134 : vector<1x1x16xf32> to vector<16xf32>
      %add3A_1136 = arith.addf %scan3A_1063, %get3A_1135 : vector<16xf32>
      %mul3A_1137 = arith.mulf %get3A_1135, %get3A_1135 : vector<16xf32>
      %add3A_1138 = arith.addf %scan3A_1071, %mul3A_1137 : vector<16xf32>
      %get3A_1139 = arith.constant 3 : i32
      %get3A_1140 = arith.index_cast %get3A_1139 : i32 to index
      %get3A_1141 = arith.index_cast %add3A_1076 : i32 to index
      %get3A_1142 = arith.constant 240 : index
      %get3A_1143 = tpu.vector_load %arg16[%get3A_1140, %get3A_1141, %get3A_1142] {strides = array<i32>} : memref<4x104x256xf32, #tpu.memory_space<vmem>>, vector<1x1x16xf32>,
      %get3A_1144 = vector.shape_cast %get3A_1143 : vector<1x1x16xf32> to vector<16xf32>
      %add3A_1145 = arith.addf %scan3A_1064, %get3A_1144 : vector<16xf32>
      %mul3A_1146 = arith.mulf %get3A_1144, %get3A_1144 : vector<16xf32>
      %add3A_1147 = arith.addf %scan3A_1072, %mul3A_1146 : vector<16xf32>
      %mul3A_1148 = arith.constant 4 : i32
      %mul3A_1149 = arith.muli %scan3A_1056, %mul3A_1148 : i32
      %add3A_1150 = arith.constant 1 : i32
      %add3A_1151 = arith.addi %mul3A_1149, %add3A_1150 : i32
      %get3A_1152 = arith.constant 3 : i32
      %get3A_1153 = arith.index_cast %get3A_1152 : i32 to index
      %get3A_1154 = arith.index_cast %add3A_1151 : i32 to index
      %get3A_1155 = arith.constant 128 : index
      %get3A_1156 = tpu.vector_load %arg16[%get3A_1153, %get3A_1154, %get3A_1155] {strides = array<i32>} : memref<4x104x256xf32, #tpu.memory_space<vmem>>, vector<1x1x16xf32>,
      %get3A_1157 = vector.shape_cast %get3A_1156 : vector<1x1x16xf32> to vector<16xf32>
      %add3A_1158 = arith.addf %add3A_1082, %get3A_1157 : vector<16xf32>
      %mul3A_1159 = arith.mulf %get3A_1157, %get3A_1157 : vector<16xf32>
      %add3A_1160 = arith.addf %add3A_1084, %mul3A_1159 : vector<16xf32>
      %get3A_1161 = arith.constant 3 : i32
      %get3A_1162 = arith.index_cast %get3A_1161 : i32 to index
      %get3A_1163 = arith.index_cast %add3A_1151 : i32 to index
      %get3A_1164 = arith.constant 144 : index
      %get3A_1165 = tpu.vector_load %arg16[%get3A_1162, %get3A_1163, %get3A_1164] {strides = array<i32>} : memref<4x104x256xf32, #tpu.memory_space<vmem>>, vector<1x1x16xf32>,
      %get3A_1166 = vector.shape_cast %get3A_1165 : vector<1x1x16xf32> to vector<16xf32>
      %add3A_1167 = arith.addf %add3A_1091, %get3A_1166 : vector<16xf32>
      %mul3A_1168 = arith.mulf %get3A_1166, %get3A_1166 : vector<16xf32>
      %add3A_1169 = arith.addf %add3A_1093, %mul3A_1168 : vector<16xf32>
      %get3A_1170 = arith.constant 3 : i32
      %get3A_1171 = arith.index_cast %get3A_1170 : i32 to index
      %get3A_1172 = arith.index_cast %add3A_1151 : i32 to index
      %get3A_1173 = arith.constant 160 : index
      %get3A_1174 = tpu.vector_load %arg16[%get3A_1171, %get3A_1172, %get3A_1173] {strides = array<i32>} : memref<4x104x256xf32, #tpu.memory_space<vmem>>, vector<1x1x16xf32>,
      %get3A_1175 = vector.shape_cast %get3A_1174 : vector<1x1x16xf32> to vector<16xf32>
      %add3A_1176 = arith.addf %add3A_1100, %get3A_1175 : vector<16xf32>
      %mul3A_1177 = arith.mulf %get3A_1175, %get3A_1175 : vector<16xf32>
      %add3A_1178 = arith.addf %add3A_1102, %mul3A_1177 : vector<16xf32>
      %get3A_1179 = arith.constant 3 : i32
      %get3A_1180 = arith.index_cast %get3A_1179 : i32 to index
      %get3A_1181 = arith.index_cast %add3A_1151 : i32 to index
      %get3A_1182 = arith.constant 176 : index
      %get3A_1183 = tpu.vector_load %arg16[%get3A_1180, %get3A_1181, %get3A_1182] {strides = array<i32>} : memref<4x104x256xf32, #tpu.memory_space<vmem>>, vector<1x1x16xf32>,
      %get3A_1184 = vector.shape_cast %get3A_1183 : vector<1x1x16xf32> to vector<16xf32>
      %add3A_1185 = arith.addf %add3A_1109, %get3A_1184 : vector<16xf32>
      %mul3A_1186 = arith.mulf %get3A_1184, %get3A_1184 : vector<16xf32>
      %add3A_1187 = arith.addf %add3A_1111, %mul3A_1186 : vector<16xf32>
      %get3A_1188 = arith.constant 3 : i32
      %get3A_1189 = arith.index_cast %get3A_1188 : i32 to index
      %get3A_1190 = arith.index_cast %add3A_1151 : i32 to index
      %get3A_1191 = arith.constant 192 : index
      %get3A_1192 = tpu.vector_load %arg16[%get3A_1189, %get3A_1190, %get3A_1191] {strides = array<i32>} : memref<4x104x256xf32, #tpu.memory_space<vmem>>, vector<1x1x16xf32>,
      %get3A_1193 = vector.shape_cast %get3A_1192 : vector<1x1x16xf32> to vector<16xf32>
      %add3A_1194 = arith.addf %add3A_1118, %get3A_1193 : vector<16xf32>
      %mul3A_1195 = arith.mulf %get3A_1193, %get3A_1193 : vector<16xf32>
      %add3A_1196 = arith.addf %add3A_1120, %mul3A_1195 : vector<16xf32>
      %get3A_1197 = arith.constant 3 : i32
      %get3A_1198 = arith.index_cast %get3A_1197 : i32 to index
      %get3A_1199 = arith.index_cast %add3A_1151 : i32 to index
      %get3A_1200 = arith.constant 208 : index
      %get3A_1201 = tpu.vector_load %arg16[%get3A_1198, %get3A_1199, %get3A_1200] {strides = array<i32>} : memref<4x104x256xf32, #tpu.memory_space<vmem>>, vector<1x1x16xf32>,
      %get3A_1202 = vector.shape_cast %get3A_1201 : vector<1x1x16xf32> to vector<16xf32>
      %add3A_1203 = arith.addf %add3A_1127, %get3A_1202 : vector<16xf32>
      %mul3A_1204 = arith.mulf %get3A_1202, %get3A_1202 : vector<16xf32>
      %add3A_1205 = arith.addf %add3A_1129, %mul3A_1204 : vector<16xf32>
      %get3A_1206 = arith.constant 3 : i32
      %get3A_1207 = arith.index_cast %get3A_1206 : i32 to index
      %get3A_1208 = arith.index_cast %add3A_1151 : i32 to index
      %get3A_1209 = arith.constant 224 : index
      %get3A_1210 = tpu.vector_load %arg16[%get3A_1207, %get3A_1208, %get3A_1209] {strides = array<i32>} : memref<4x104x256xf32, #tpu.memory_space<vmem>>, vector<1x1x16xf32>,
      %get3A_1211 = vector.shape_cast %get3A_1210 : vector<1x1x16xf32> to vector<16xf32>
      %add3A_1212 = arith.addf %add3A_1136, %get3A_1211 : vector<16xf32>
      %mul3A_1213 = arith.mulf %get3A_1211, %get3A_1211 : vector<16xf32>
      %add3A_1214 = arith.addf %add3A_1138, %mul3A_1213 : vector<16xf32>
      %get3A_1215 = arith.constant 3 : i32
      %get3A_1216 = arith.index_cast %get3A_1215 : i32 to index
      %get3A_1217 = arith.index_cast %add3A_1151 : i32 to index
      %get3A_1218 = arith.constant 240 : index
      %get3A_1219 = tpu.vector_load %arg16[%get3A_1216, %get3A_1217, %get3A_1218] {strides = array<i32>} : memref<4x104x256xf32, #tpu.memory_space<vmem>>, vector<1x1x16xf32>,
      %get3A_1220 = vector.shape_cast %get3A_1219 : vector<1x1x16xf32> to vector<16xf32>
      %add3A_1221 = arith.addf %add3A_1145, %get3A_1220 : vector<16xf32>
      %mul3A_1222 = arith.mulf %get3A_1220, %get3A_1220 : vector<16xf32>
      %add3A_1223 = arith.addf %add3A_1147, %mul3A_1222 : vector<16xf32>
      %mul3A_1224 = arith.constant 4 : i32
      %mul3A_1225 = arith.muli %scan3A_1056, %mul3A_1224 : i32
      %add3A_1226 = arith.constant 2 : i32
      %add3A_1227 = arith.addi %mul3A_1225, %add3A_1226 : i32
      %get3A_1228 = arith.constant 3 : i32
      %get3A_1229 = arith.index_cast %get3A_1228 : i32 to index
      %get3A_1230 = arith.index_cast %add3A_1227 : i32 to index
      %get3A_1231 = arith.constant 128 : index
      %get3A_1232 = tpu.vector_load %arg16[%get3A_1229, %get3A_1230, %get3A_1231] {strides = array<i32>} : memref<4x104x256xf32, #tpu.memory_space<vmem>>, vector<1x1x16xf32>,
      %get3A_1233 = vector.shape_cast %get3A_1232 : vector<1x1x16xf32> to vector<16xf32>
      %add3A_1234 = arith.addf %add3A_1158, %get3A_1233 : vector<16xf32>
      %mul3A_1235 = arith.mulf %get3A_1233, %get3A_1233 : vector<16xf32>
      %add3A_1236 = arith.addf %add3A_1160, %mul3A_1235 : vector<16xf32>
      %get3A_1237 = arith.constant 3 : i32
      %get3A_1238 = arith.index_cast %get3A_1237 : i32 to index
      %get3A_1239 = arith.index_cast %add3A_1227 : i32 to index
      %get3A_1240 = arith.constant 144 : index
      %get3A_1241 = tpu.vector_load %arg16[%get3A_1238, %get3A_1239, %get3A_1240] {strides = array<i32>} : memref<4x104x256xf32, #tpu.memory_space<vmem>>, vector<1x1x16xf32>,
      %get3A_1242 = vector.shape_cast %get3A_1241 : vector<1x1x16xf32> to vector<16xf32>
      %add3A_1243 = arith.addf %add3A_1167, %get3A_1242 : vector<16xf32>
      %mul3A_1244 = arith.mulf %get3A_1242, %get3A_1242 : vector<16xf32>
      %add3A_1245 = arith.addf %add3A_1169, %mul3A_1244 : vector<16xf32>
      %get3A_1246 = arith.constant 3 : i32
      %get3A_1247 = arith.index_cast %get3A_1246 : i32 to index
      %get3A_1248 = arith.index_cast %add3A_1227 : i32 to index
      %get3A_1249 = arith.constant 160 : index
      %get3A_1250 = tpu.vector_load %arg16[%get3A_1247, %get3A_1248, %get3A_1249] {strides = array<i32>} : memref<4x104x256xf32, #tpu.memory_space<vmem>>, vector<1x1x16xf32>,
      %get3A_1251 = vector.shape_cast %get3A_1250 : vector<1x1x16xf32> to vector<16xf32>
      %add3A_1252 = arith.addf %add3A_1176, %get3A_1251 : vector<16xf32>
      %mul3A_1253 = arith.mulf %get3A_1251, %get3A_1251 : vector<16xf32>
      %add3A_1254 = arith.addf %add3A_1178, %mul3A_1253 : vector<16xf32>
      %get3A_1255 = arith.constant 3 : i32
      %get3A_1256 = arith.index_cast %get3A_1255 : i32 to index
      %get3A_1257 = arith.index_cast %add3A_1227 : i32 to index
      %get3A_1258 = arith.constant 176 : index
      %get3A_1259 = tpu.vector_load %arg16[%get3A_1256, %get3A_1257, %get3A_1258] {strides = array<i32>} : memref<4x104x256xf32, #tpu.memory_space<vmem>>, vector<1x1x16xf32>,
      %get3A_1260 = vector.shape_cast %get3A_1259 : vector<1x1x16xf32> to vector<16xf32>
      %add3A_1261 = arith.addf %add3A_1185, %get3A_1260 : vector<16xf32>
      %mul3A_1262 = arith.mulf %get3A_1260, %get3A_1260 : vector<16xf32>
      %add3A_1263 = arith.addf %add3A_1187, %mul3A_1262 : vector<16xf32>
      %get3A_1264 = arith.constant 3 : i32
      %get3A_1265 = arith.index_cast %get3A_1264 : i32 to index
      %get3A_1266 = arith.index_cast %add3A_1227 : i32 to index
      %get3A_1267 = arith.constant 192 : index
      %get3A_1268 = tpu.vector_load %arg16[%get3A_1265, %get3A_1266, %get3A_1267] {strides = array<i32>} : memref<4x104x256xf32, #tpu.memory_space<vmem>>, vector<1x1x16xf32>,
      %get3A_1269 = vector.shape_cast %get3A_1268 : vector<1x1x16xf32> to vector<16xf32>
      %add3A_1270 = arith.addf %add3A_1194, %get3A_1269 : vector<16xf32>
      %mul3A_1271 = arith.mulf %get3A_1269, %get3A_1269 : vector<16xf32>
      %add3A_1272 = arith.addf %add3A_1196, %mul3A_1271 : vector<16xf32>
      %get3A_1273 = arith.constant 3 : i32
      %get3A_1274 = arith.index_cast %get3A_1273 : i32 to index
      %get3A_1275 = arith.index_cast %add3A_1227 : i32 to index
      %get3A_1276 = arith.constant 208 : index
      %get3A_1277 = tpu.vector_load %arg16[%get3A_1274, %get3A_1275, %get3A_1276] {strides = array<i32>} : memref<4x104x256xf32, #tpu.memory_space<vmem>>, vector<1x1x16xf32>,
      %get3A_1278 = vector.shape_cast %get3A_1277 : vector<1x1x16xf32> to vector<16xf32>
      %add3A_1279 = arith.addf %add3A_1203, %get3A_1278 : vector<16xf32>
      %mul3A_1280 = arith.mulf %get3A_1278, %get3A_1278 : vector<16xf32>
      %add3A_1281 = arith.addf %add3A_1205, %mul3A_1280 : vector<16xf32>
      %get3A_1282 = arith.constant 3 : i32
      %get3A_1283 = arith.index_cast %get3A_1282 : i32 to index
      %get3A_1284 = arith.index_cast %add3A_1227 : i32 to index
      %get3A_1285 = arith.constant 224 : index
      %get3A_1286 = tpu.vector_load %arg16[%get3A_1283, %get3A_1284, %get3A_1285] {strides = array<i32>} : memref<4x104x256xf32, #tpu.memory_space<vmem>>, vector<1x1x16xf32>,
      %get3A_1287 = vector.shape_cast %get3A_1286 : vector<1x1x16xf32> to vector<16xf32>
      %add3A_1288 = arith.addf %add3A_1212, %get3A_1287 : vector<16xf32>
      %mul3A_1289 = arith.mulf %get3A_1287, %get3A_1287 : vector<16xf32>
      %add3A_1290 = arith.addf %add3A_1214, %mul3A_1289 : vector<16xf32>
      %get3A_1291 = arith.constant 3 : i32
      %get3A_1292 = arith.index_cast %get3A_1291 : i32 to index
      %get3A_1293 = arith.index_cast %add3A_1227 : i32 to index
      %get3A_1294 = arith.constant 240 : index
      %get3A_1295 = tpu.vector_load %arg16[%get3A_1292, %get3A_1293, %get3A_1294] {strides = array<i32>} : memref<4x104x256xf32, #tpu.memory_space<vmem>>, vector<1x1x16xf32>,
      %get3A_1296 = vector.shape_cast %get3A_1295 : vector<1x1x16xf32> to vector<16xf32>
      %add3A_1297 = arith.addf %add3A_1221, %get3A_1296 : vector<16xf32>
      %mul3A_1298 = arith.mulf %get3A_1296, %get3A_1296 : vector<16xf32>
      %add3A_1299 = arith.addf %add3A_1223, %mul3A_1298 : vector<16xf32>
      %mul3A_1300 = arith.constant 4 : i32
      %mul3A_1301 = arith.muli %scan3A_1056, %mul3A_1300 : i32
      %add3A_1302 = arith.constant 3 : i32
      %add3A_1303 = arith.addi %mul3A_1301, %add3A_1302 : i32
      %get3A_1304 = arith.constant 3 : i32
      %get3A_1305 = arith.index_cast %get3A_1304 : i32 to index
      %get3A_1306 = arith.index_cast %add3A_1303 : i32 to index
      %get3A_1307 = arith.constant 128 : index
      %get3A_1308 = tpu.vector_load %arg16[%get3A_1305, %get3A_1306, %get3A_1307] {strides = array<i32>} : memref<4x104x256xf32, #tpu.memory_space<vmem>>, vector<1x1x16xf32>,
      %get3A_1309 = vector.shape_cast %get3A_1308 : vector<1x1x16xf32> to vector<16xf32>
      %add3A_1310 = arith.addf %add3A_1234, %get3A_1309 : vector<16xf32>
      %mul3A_1311 = arith.mulf %get3A_1309, %get3A_1309 : vector<16xf32>
      %add3A_1312 = arith.addf %add3A_1236, %mul3A_1311 : vector<16xf32>
      %get3A_1313 = arith.constant 3 : i32
      %get3A_1314 = arith.index_cast %get3A_1313 : i32 to index
      %get3A_1315 = arith.index_cast %add3A_1303 : i32 to index
      %get3A_1316 = arith.constant 144 : index
      %get3A_1317 = tpu.vector_load %arg16[%get3A_1314, %get3A_1315, %get3A_1316] {strides = array<i32>} : memref<4x104x256xf32, #tpu.memory_space<vmem>>, vector<1x1x16xf32>,
      %get3A_1318 = vector.shape_cast %get3A_1317 : vector<1x1x16xf32> to vector<16xf32>
      %add3A_1319 = arith.addf %add3A_1243, %get3A_1318 : vector<16xf32>
      %mul3A_1320 = arith.mulf %get3A_1318, %get3A_1318 : vector<16xf32>
      %add3A_1321 = arith.addf %add3A_1245, %mul3A_1320 : vector<16xf32>
      %get3A_1322 = arith.constant 3 : i32
      %get3A_1323 = arith.index_cast %get3A_1322 : i32 to index
      %get3A_1324 = arith.index_cast %add3A_1303 : i32 to index
      %get3A_1325 = arith.constant 160 : index
      %get3A_1326 = tpu.vector_load %arg16[%get3A_1323, %get3A_1324, %get3A_1325] {strides = array<i32>} : memref<4x104x256xf32, #tpu.memory_space<vmem>>, vector<1x1x16xf32>,
      %get3A_1327 = vector.shape_cast %get3A_1326 : vector<1x1x16xf32> to vector<16xf32>
      %add3A_1328 = arith.addf %add3A_1252, %get3A_1327 : vector<16xf32>
      %mul3A_1329 = arith.mulf %get3A_1327, %get3A_1327 : vector<16xf32>
      %add3A_1330 = arith.addf %add3A_1254, %mul3A_1329 : vector<16xf32>
      %get3A_1331 = arith.constant 3 : i32
      %get3A_1332 = arith.index_cast %get3A_1331 : i32 to index
      %get3A_1333 = arith.index_cast %add3A_1303 : i32 to index
      %get3A_1334 = arith.constant 176 : index
      %get3A_1335 = tpu.vector_load %arg16[%get3A_1332, %get3A_1333, %get3A_1334] {strides = array<i32>} : memref<4x104x256xf32, #tpu.memory_space<vmem>>, vector<1x1x16xf32>,
      %get3A_1336 = vector.shape_cast %get3A_1335 : vector<1x1x16xf32> to vector<16xf32>
      %add3A_1337 = arith.addf %add3A_1261, %get3A_1336 : vector<16xf32>
      %mul3A_1338 = arith.mulf %get3A_1336, %get3A_1336 : vector<16xf32>
      %add3A_1339 = arith.addf %add3A_1263, %mul3A_1338 : vector<16xf32>
      %get3A_1340 = arith.constant 3 : i32
      %get3A_1341 = arith.index_cast %get3A_1340 : i32 to index
      %get3A_1342 = arith.index_cast %add3A_1303 : i32 to index
      %get3A_1343 = arith.constant 192 : index
      %get3A_1344 = tpu.vector_load %arg16[%get3A_1341, %get3A_1342, %get3A_1343] {strides = array<i32>} : memref<4x104x256xf32, #tpu.memory_space<vmem>>, vector<1x1x16xf32>,
      %get3A_1345 = vector.shape_cast %get3A_1344 : vector<1x1x16xf32> to vector<16xf32>
      %add3A_1346 = arith.addf %add3A_1270, %get3A_1345 : vector<16xf32>
      %mul3A_1347 = arith.mulf %get3A_1345, %get3A_1345 : vector<16xf32>
      %add3A_1348 = arith.addf %add3A_1272, %mul3A_1347 : vector<16xf32>
      %get3A_1349 = arith.constant 3 : i32
      %get3A_1350 = arith.index_cast %get3A_1349 : i32 to index
      %get3A_1351 = arith.index_cast %add3A_1303 : i32 to index
      %get3A_1352 = arith.constant 208 : index
      %get3A_1353 = tpu.vector_load %arg16[%get3A_1350, %get3A_1351, %get3A_1352] {strides = array<i32>} : memref<4x104x256xf32, #tpu.memory_space<vmem>>, vector<1x1x16xf32>,
      %get3A_1354 = vector.shape_cast %get3A_1353 : vector<1x1x16xf32> to vector<16xf32>
      %add3A_1355 = arith.addf %add3A_1279, %get3A_1354 : vector<16xf32>
      %mul3A_1356 = arith.mulf %get3A_1354, %get3A_1354 : vector<16xf32>
      %add3A_1357 = arith.addf %add3A_1281, %mul3A_1356 : vector<16xf32>
      %get3A_1358 = arith.constant 3 : i32
      %get3A_1359 = arith.index_cast %get3A_1358 : i32 to index
      %get3A_1360 = arith.index_cast %add3A_1303 : i32 to index
      %get3A_1361 = arith.constant 224 : index
      %get3A_1362 = tpu.vector_load %arg16[%get3A_1359, %get3A_1360, %get3A_1361] {strides = array<i32>} : memref<4x104x256xf32, #tpu.memory_space<vmem>>, vector<1x1x16xf32>,
      %get3A_1363 = vector.shape_cast %get3A_1362 : vector<1x1x16xf32> to vector<16xf32>
      %add3A_1364 = arith.addf %add3A_1288, %get3A_1363 : vector<16xf32>
      %mul3A_1365 = arith.mulf %get3A_1363, %get3A_1363 : vector<16xf32>
      %add3A_1366 = arith.addf %add3A_1290, %mul3A_1365 : vector<16xf32>
      %get3A_1367 = arith.constant 3 : i32
      %get3A_1368 = arith.index_cast %get3A_1367 : i32 to index
      %get3A_1369 = arith.index_cast %add3A_1303 : i32 to index
      %get3A_1370 = arith.constant 240 : index
      %get3A_1371 = tpu.vector_load %arg16[%get3A_1368, %get3A_1369, %get3A_1370] {strides = array<i32>} : memref<4x104x256xf32, #tpu.memory_space<vmem>>, vector<1x1x16xf32>,
      %get3A_1372 = vector.shape_cast %get3A_1371 : vector<1x1x16xf32> to vector<16xf32>
      %add3A_1373 = arith.addf %add3A_1297, %get3A_1372 : vector<16xf32>
      %mul3A_1374 = arith.mulf %get3A_1372, %get3A_1372 : vector<16xf32>
      %add3A_1375 = arith.addf %add3A_1299, %mul3A_1374 : vector<16xf32>
      scf.yield %add3A_1310, %add3A_1319, %add3A_1328, %add3A_1337, %add3A_1346, %add3A_1355, %add3A_1364, %add3A_1373, %add3A_1312, %add3A_1321, %add3A_1330, %add3A_1339, %add3A_1348, %add3A_1357, %add3A_1366, %add3A_1375 : vector<16xf32>, vector<16xf32>, vector<16xf32>, vector<16xf32>, vector<16xf32>, vector<16xf32>, vector<16xf32>, vector<16xf32>, vector<16xf32>, vector<16xf32>, vector<16xf32>, vector<16xf32>, vector<16xf32>, vector<16xf32>, vector<16xf32>, vector<16xf32>
    }
    %scan3A_867 = arith.constant 25 : i32
    %swap3A_868 = arith.constant 3 : i32
    %swap3A_869 = arith.index_cast %swap3A_868 : i32 to index
    %swap3A_870 = arith.constant 128 : index
    %swap3A_871 = tpu.vector_load %arg17[%swap3A_869, %swap3A_870] {strides = array<i32>} : memref<4x256xf32, #tpu.memory_space<vmem>>, vector<1x16xf32>,
    %swap3A_872 = vector.shape_cast %swap3A_871 : vector<1x16xf32> to vector<16xf32>
    %swap3A_873 = vector.shape_cast %scan3A_866#0 : vector<16xf32> to vector<1x16xf32>
    tpu.vector_store %arg17[%swap3A_869, %swap3A_870], %swap3A_873 {strides = array<i32>} : memref<4x256xf32, #tpu.memory_space<vmem>>, vector<1x16xf32>,
    %swap3A_874 = arith.constant 3 : i32
    %swap3A_875 = arith.index_cast %swap3A_874 : i32 to index
    %swap3A_876 = arith.constant 128 : index
    %swap3A_877 = tpu.vector_load %arg18[%swap3A_875, %swap3A_876] {strides = array<i32>} : memref<4x256xf32, #tpu.memory_space<vmem>>, vector<1x16xf32>,
    %swap3A_878 = vector.shape_cast %swap3A_877 : vector<1x16xf32> to vector<16xf32>
    %swap3A_879 = vector.shape_cast %scan3A_866#8 : vector<16xf32> to vector<1x16xf32>
    tpu.vector_store %arg18[%swap3A_875, %swap3A_876], %swap3A_879 {strides = array<i32>} : memref<4x256xf32, #tpu.memory_space<vmem>>, vector<1x16xf32>,
    %swap3A_880 = arith.constant 3 : i32
    %swap3A_881 = arith.index_cast %swap3A_880 : i32 to index
    %swap3A_882 = arith.constant 144 : index
    %swap3A_883 = tpu.vector_load %arg17[%swap3A_881, %swap3A_882] {strides = array<i32>} : memref<4x256xf32, #tpu.memory_space<vmem>>, vector<1x16xf32>,
    %swap3A_884 = vector.shape_cast %swap3A_883 : vector<1x16xf32> to vector<16xf32>
    %swap3A_885 = vector.shape_cast %scan3A_866#1 : vector<16xf32> to vector<1x16xf32>
    tpu.vector_store %arg17[%swap3A_881, %swap3A_882], %swap3A_885 {strides = array<i32>} : memref<4x256xf32, #tpu.memory_space<vmem>>, vector<1x16xf32>,
    %swap3A_886 = arith.constant 3 : i32
    %swap3A_887 = arith.index_cast %swap3A_886 : i32 to index
    %swap3A_888 = arith.constant 144 : index
    %swap3A_889 = tpu.vector_load %arg18[%swap3A_887, %swap3A_888] {strides = array<i32>} : memref<4x256xf32, #tpu.memory_space<vmem>>, vector<1x16xf32>,
    %swap3A_890 = vector.shape_cast %swap3A_889 : vector<1x16xf32> to vector<16xf32>
    %swap3A_891 = vector.shape_cast %scan3A_866#9 : vector<16xf32> to vector<1x16xf32>
    tpu.vector_store %arg18[%swap3A_887, %swap3A_888], %swap3A_891 {strides = array<i32>} : memref<4x256xf32, #tpu.memory_space<vmem>>, vector<1x16xf32>,
    %swap3A_892 = arith.constant 3 : i32
    %swap3A_893 = arith.index_cast %swap3A_892 : i32 to index
    %swap3A_894 = arith.constant 160 : index
    %swap3A_895 = tpu.vector_load %arg17[%swap3A_893, %swap3A_894] {strides = array<i32>} : memref<4x256xf32, #tpu.memory_space<vmem>>, vector<1x16xf32>,
    %swap3A_896 = vector.shape_cast %swap3A_895 : vector<1x16xf32> to vector<16xf32>
    %swap3A_897 = vector.shape_cast %scan3A_866#2 : vector<16xf32> to vector<1x16xf32>
    tpu.vector_store %arg17[%swap3A_893, %swap3A_894], %swap3A_897 {strides = array<i32>} : memref<4x256xf32, #tpu.memory_space<vmem>>, vector<1x16xf32>,
    %swap3A_898 = arith.constant 3 : i32
    %swap3A_899 = arith.index_cast %swap3A_898 : i32 to index
    %swap3A_900 = arith.constant 160 : index
    %swap3A_901 = tpu.vector_load %arg18[%swap3A_899, %swap3A_900] {strides = array<i32>} : memref<4x256xf32, #tpu.memory_space<vmem>>, vector<1x16xf32>,
    %swap3A_902 = vector.shape_cast %swap3A_901 : vector<1x16xf32> to vector<16xf32>
    %swap3A_903 = vector.shape_cast %scan3A_866#10 : vector<16xf32> to vector<1x16xf32>
    tpu.vector_store %arg18[%swap3A_899, %swap3A_900], %swap3A_903 {strides = array<i32>} : memref<4x256xf32, #tpu.memory_space<vmem>>, vector<1x16xf32>,
    %swap3A_904 = arith.constant 3 : i32
    %swap3A_905 = arith.index_cast %swap3A_904 : i32 to index
    %swap3A_906 = arith.constant 176 : index
    %swap3A_907 = tpu.vector_load %arg17[%swap3A_905, %swap3A_906] {strides = array<i32>} : memref<4x256xf32, #tpu.memory_space<vmem>>, vector<1x16xf32>,
    %swap3A_908 = vector.shape_cast %swap3A_907 : vector<1x16xf32> to vector<16xf32>
    %swap3A_909 = vector.shape_cast %scan3A_866#3 : vector<16xf32> to vector<1x16xf32>
    tpu.vector_store %arg17[%swap3A_905, %swap3A_906], %swap3A_909 {strides = array<i32>} : memref<4x256xf32, #tpu.memory_space<vmem>>, vector<1x16xf32>,
    %swap3A_910 = arith.constant 3 : i32
    %swap3A_911 = arith.index_cast %swap3A_910 : i32 to index
    %swap3A_912 = arith.constant 176 : index
    %swap3A_913 = tpu.vector_load %arg18[%swap3A_911, %swap3A_912] {strides = array<i32>} : memref<4x256xf32, #tpu.memory_space<vmem>>, vector<1x16xf32>,
    %swap3A_914 = vector.shape_cast %swap3A_913 : vector<1x16xf32> to vector<16xf32>
    %swap3A_915 = vector.shape_cast %scan3A_866#11 : vector<16xf32> to vector<1x16xf32>
    tpu.vector_store %arg18[%swap3A_911, %swap3A_912], %swap3A_915 {strides = array<i32>} : memref<4x256xf32, #tpu.memory_space<vmem>>, vector<1x16xf32>,
    %swap3A_916 = arith.constant 3 : i32
    %swap3A_917 = arith.index_cast %swap3A_916 : i32 to index
    %swap3A_918 = arith.constant 192 : index
    %swap3A_919 = tpu.vector_load %arg17[%swap3A_917, %swap3A_918] {strides = array<i32>} : memref<4x256xf32, #tpu.memory_space<vmem>>, vector<1x16xf32>,
    %swap3A_920 = vector.shape_cast %swap3A_919 : vector<1x16xf32> to vector<16xf32>
    %swap3A_921 = vector.shape_cast %scan3A_866#4 : vector<16xf32> to vector<1x16xf32>
    tpu.vector_store %arg17[%swap3A_917, %swap3A_918], %swap3A_921 {strides = array<i32>} : memref<4x256xf32, #tpu.memory_space<vmem>>, vector<1x16xf32>,
    %swap3A_922 = arith.constant 3 : i32
    %swap3A_923 = arith.index_cast %swap3A_922 : i32 to index
    %swap3A_924 = arith.constant 192 : index
    %swap3A_925 = tpu.vector_load %arg18[%swap3A_923, %swap3A_924] {strides = array<i32>} : memref<4x256xf32, #tpu.memory_space<vmem>>, vector<1x16xf32>,
    %swap3A_926 = vector.shape_cast %swap3A_925 : vector<1x16xf32> to vector<16xf32>
    %swap3A_927 = vector.shape_cast %scan3A_866#12 : vector<16xf32> to vector<1x16xf32>
    tpu.vector_store %arg18[%swap3A_923, %swap3A_924], %swap3A_927 {strides = array<i32>} : memref<4x256xf32, #tpu.memory_space<vmem>>, vector<1x16xf32>,
    %swap3A_928 = arith.constant 3 : i32
    %swap3A_929 = arith.index_cast %swap3A_928 : i32 to index
    %swap3A_930 = arith.constant 208 : index
    %swap3A_931 = tpu.vector_load %arg17[%swap3A_929, %swap3A_930] {strides = array<i32>} : memref<4x256xf32, #tpu.memory_space<vmem>>, vector<1x16xf32>,
    %swap3A_932 = vector.shape_cast %swap3A_931 : vector<1x16xf32> to vector<16xf32>
    %swap3A_933 = vector.shape_cast %scan3A_866#5 : vector<16xf32> to vector<1x16xf32>
    tpu.vector_store %arg17[%swap3A_929, %swap3A_930], %swap3A_933 {strides = array<i32>} : memref<4x256xf32, #tpu.memory_space<vmem>>, vector<1x16xf32>,
    %swap3A_934 = arith.constant 3 : i32
    %swap3A_935 = arith.index_cast %swap3A_934 : i32 to index
    %swap3A_936 = arith.constant 208 : index
    %swap3A_937 = tpu.vector_load %arg18[%swap3A_935, %swap3A_936] {strides = array<i32>} : memref<4x256xf32, #tpu.memory_space<vmem>>, vector<1x16xf32>,
    %swap3A_938 = vector.shape_cast %swap3A_937 : vector<1x16xf32> to vector<16xf32>
    %swap3A_939 = vector.shape_cast %scan3A_866#13 : vector<16xf32> to vector<1x16xf32>
    tpu.vector_store %arg18[%swap3A_935, %swap3A_936], %swap3A_939 {strides = array<i32>} : memref<4x256xf32, #tpu.memory_space<vmem>>, vector<1x16xf32>,
    %swap3A_940 = arith.constant 3 : i32
    %swap3A_941 = arith.index_cast %swap3A_940 : i32 to index
    %swap3A_942 = arith.constant 224 : index
    %swap3A_943 = tpu.vector_load %arg17[%swap3A_941, %swap3A_942] {strides = array<i32>} : memref<4x256xf32, #tpu.memory_space<vmem>>, vector<1x16xf32>,
    %swap3A_944 = vector.shape_cast %swap3A_943 : vector<1x16xf32> to vector<16xf32>
    %swap3A_945 = vector.shape_cast %scan3A_866#6 : vector<16xf32> to vector<1x16xf32>
    tpu.vector_store %arg17[%swap3A_941, %swap3A_942], %swap3A_945 {strides = array<i32>} : memref<4x256xf32, #tpu.memory_space<vmem>>, vector<1x16xf32>,
    %swap3A_946 = arith.constant 3 : i32
    %swap3A_947 = arith.index_cast %swap3A_946 : i32 to index
    %swap3A_948 = arith.constant 224 : index
    %swap3A_949 = tpu.vector_load %arg18[%swap3A_947, %swap3A_948] {strides = array<i32>} : memref<4x256xf32, #tpu.memory_space<vmem>>, vector<1x16xf32>,
    %swap3A_950 = vector.shape_cast %swap3A_949 : vector<1x16xf32> to vector<16xf32>
    %swap3A_951 = vector.shape_cast %scan3A_866#14 : vector<16xf32> to vector<1x16xf32>
    tpu.vector_store %arg18[%swap3A_947, %swap3A_948], %swap3A_951 {strides = array<i32>} : memref<4x256xf32, #tpu.memory_space<vmem>>, vector<1x16xf32>,
    %swap3A_952 = arith.constant 3 : i32
    %swap3A_953 = arith.index_cast %swap3A_952 : i32 to index
    %swap3A_954 = arith.constant 240 : index
    %swap3A_955 = tpu.vector_load %arg17[%swap3A_953, %swap3A_954] {strides = array<i32>} : memref<4x256xf32, #tpu.memory_space<vmem>>, vector<1x16xf32>,
    %swap3A_956 = vector.shape_cast %swap3A_955 : vector<1x16xf32> to vector<16xf32>
    %swap3A_957 = vector.shape_cast %scan3A_866#7 : vector<16xf32> to vector<1x16xf32>
    tpu.vector_store %arg17[%swap3A_953, %swap3A_954], %swap3A_957 {strides = array<i32>} : memref<4x256xf32, #tpu.memory_space<vmem>>, vector<1x16xf32>,
    %swap3A_958 = arith.constant 3 : i32
    %swap3A_959 = arith.index_cast %swap3A_958 : i32 to index
    %swap3A_960 = arith.constant 240 : index
    %swap3A_961 = tpu.vector_load %arg18[%swap3A_959, %swap3A_960] {strides = array<i32>} : memref<4x256xf32, #tpu.memory_space<vmem>>, vector<1x16xf32>,
    %swap3A_962 = vector.shape_cast %swap3A_961 : vector<1x16xf32> to vector<16xf32>
    %swap3A_963 = vector.shape_cast %scan3A_866#15 : vector<16xf32> to vector<1x16xf32>
    tpu.vector_store %arg18[%swap3A_959, %swap3A_960], %swap3A_963 {strides = array<i32>} : memref<4x256xf32, #tpu.memory_space<vmem>>, vector<1x16xf32>,
    %dma_wait3A_964 = arith.constant 0 : i32
    %dma_wait3A_965 = tpu.memref_slice %arg4[%dma_wait3A_964] : memref<10000xf32, #tpu.memory_space<hbm>> -> memref<10000xf32, #tpu.memory_space<hbm>>
    tpu.wait_indirect_dma semaphore(%arg23 : memref<!tpu.dma_semaphore, #tpu.memory_space<semaphore_mem>>) src(%dma_wait3A_965 : memref<10000xf32, #tpu.memory_space<hbm>>) dst(%arg12 : memref<104xf32, #tpu.memory_space<vmem>>)
    %dma_wait3A_966 = arith.constant 0 : i32
    %dma_wait3A_967 = tpu.memref_slice %arg4[%dma_wait3A_966] : memref<10000xf32, #tpu.memory_space<hbm>> -> memref<10000xf32, #tpu.memory_space<hbm>>
    tpu.wait_indirect_dma semaphore(%arg23 : memref<!tpu.dma_semaphore, #tpu.memory_space<semaphore_mem>>) src(%dma_wait3A_967 : memref<10000xf32, #tpu.memory_space<hbm>>) dst(%arg13 : memref<104xf32, #tpu.memory_space<vmem>>)
    %dma_wait3A_968 = arith.constant 0 : i32
    %dma_wait3A_969 = tpu.memref_slice %arg4[%dma_wait3A_968] : memref<10000xf32, #tpu.memory_space<hbm>> -> memref<10000xf32, #tpu.memory_space<hbm>>
    tpu.wait_indirect_dma semaphore(%arg23 : memref<!tpu.dma_semaphore, #tpu.memory_space<semaphore_mem>>) src(%dma_wait3A_969 : memref<10000xf32, #tpu.memory_space<hbm>>) dst(%arg14 : memref<104xf32, #tpu.memory_space<vmem>>)
    %dma_wait3A_970 = arith.constant 0 : i32
    %dma_wait3A_971 = tpu.memref_slice %arg4[%dma_wait3A_970] : memref<10000xf32, #tpu.memory_space<hbm>> -> memref<10000xf32, #tpu.memory_space<hbm>>
    tpu.wait_indirect_dma semaphore(%arg23 : memref<!tpu.dma_semaphore, #tpu.memory_space<semaphore_mem>>) src(%dma_wait3A_971 : memref<10000xf32, #tpu.memory_space<hbm>>) dst(%arg15 : memref<104xf32, #tpu.memory_space<vmem>>)
    %mul3A_972 = arith.constant 4 : i32
    %mul3A_973 = arith.muli %add3A, %mul3A_972 : i32
    %dma_start3A_974 = arith.constant 0 : i32
    %dma_start3A_975 = tpu.memref_slice %arg5[%mul3A_973, %dma_start3A_974] : memref<128x256xf32, #tpu.memory_space<hbm>> -> memref<4x256xf32, #tpu.memory_space<hbm>>
    %dma_start3A_976 = arith.constant 0 : i32
    %dma_start3A_977 = tpu.memref_slice %arg5[%mul3A_973, %dma_start3A_976] : memref<128x256xf32, #tpu.memory_space<hbm>> -> memref<4x256xf32, #tpu.memory_space<hbm>>
    tpu.enqueue_dma source(%arg17 : memref<4x256xf32, #tpu.memory_space<vmem>>) target(%dma_start3A_977 : memref<4x256xf32, #tpu.memory_space<hbm>>) target_semaphore(%arg24 : memref<!tpu.dma_semaphore, #tpu.memory_space<semaphore_mem>>)
    %mul3A_978 = arith.constant 4 : i32
    %mul3A_979 = arith.muli %add3A, %mul3A_978 : i32
    %dma_start3A_980 = arith.constant 0 : i32
    %dma_start3A_981 = tpu.memref_slice %arg6[%mul3A_979, %dma_start3A_980] : memref<128x256xf32, #tpu.memory_space<hbm>> -> memref<4x256xf32, #tpu.memory_space<hbm>>
    %dma_start3A_982 = arith.constant 0 : i32
    %dma_start3A_983 = tpu.memref_slice %arg6[%mul3A_979, %dma_start3A_982] : memref<128x256xf32, #tpu.memory_space<hbm>> -> memref<4x256xf32, #tpu.memory_space<hbm>>
    tpu.enqueue_dma source(%arg18 : memref<4x256xf32, #tpu.memory_space<vmem>>) target(%dma_start3A_983 : memref<4x256xf32, #tpu.memory_space<hbm>>) target_semaphore(%arg24 : memref<!tpu.dma_semaphore, #tpu.memory_space<semaphore_mem>>)
    %mul3A_984 = arith.constant 4 : i32
    %mul3A_985 = arith.muli %add3A, %mul3A_984 : i32
    %add3A_986 = arith.constant 0 : i32
    %add3A_987 = arith.addi %mul3A_985, %add3A_986 : i32
    %dma_start3A_988 = arith.constant 0 : i32
    %dma_start3A_989 = tpu.memref_slice %arg7[%add3A_987, %dma_start3A_988] : memref<128x104xf32, #tpu.memory_space<hbm>> -> memref<1x104xf32, #tpu.memory_space<hbm>>
    %dma_start3A_990 = tpu.memref_squeeze %dma_start3A_989 : memref<1x104xf32, #tpu.memory_space<hbm>> -> memref<104xf32, #tpu.memory_space<hbm>>
    %dma_start3A_991 = arith.constant 0 : i32
    %dma_start3A_992 = tpu.memref_slice %arg7[%add3A_987, %dma_start3A_991] : memref<128x104xf32, #tpu.memory_space<hbm>> -> memref<1x104xf32, #tpu.memory_space<hbm>>
    %dma_start3A_993 = tpu.memref_squeeze %dma_start3A_992 : memref<1x104xf32, #tpu.memory_space<hbm>> -> memref<104xf32, #tpu.memory_space<hbm>>
    tpu.enqueue_dma source(%arg12 : memref<104xf32, #tpu.memory_space<vmem>>) target(%dma_start3A_993 : memref<104xf32, #tpu.memory_space<hbm>>) target_semaphore(%arg24 : memref<!tpu.dma_semaphore, #tpu.memory_space<semaphore_mem>>)
    %mul3A_994 = arith.constant 4 : i32
    %mul3A_995 = arith.muli %add3A, %mul3A_994 : i32
    %add3A_996 = arith.constant 1 : i32
    %add3A_997 = arith.addi %mul3A_995, %add3A_996 : i32
    %dma_start3A_998 = arith.constant 0 : i32
    %dma_start3A_999 = tpu.memref_slice %arg7[%add3A_997, %dma_start3A_998] : memref<128x104xf32, #tpu.memory_space<hbm>> -> memref<1x104xf32, #tpu.memory_space<hbm>>
    %dma_start3A_1000 = tpu.memref_squeeze %dma_start3A_999 : memref<1x104xf32, #tpu.memory_space<hbm>> -> memref<104xf32, #tpu.memory_space<hbm>>
    %dma_start3A_1001 = arith.constant 0 : i32
    %dma_start3A_1002 = tpu.memref_slice %arg7[%add3A_997, %dma_start3A_1001] : memref<128x104xf32, #tpu.memory_space<hbm>> -> memref<1x104xf32, #tpu.memory_space<hbm>>
    %dma_start3A_1003 = tpu.memref_squeeze %dma_start3A_1002 : memref<1x104xf32, #tpu.memory_space<hbm>> -> memref<104xf32, #tpu.memory_space<hbm>>
    tpu.enqueue_dma source(%arg13 : memref<104xf32, #tpu.memory_space<vmem>>) target(%dma_start3A_1003 : memref<104xf32, #tpu.memory_space<hbm>>) target_semaphore(%arg24 : memref<!tpu.dma_semaphore, #tpu.memory_space<semaphore_mem>>)
    %mul3A_1004 = arith.constant 4 : i32
    %mul3A_1005 = arith.muli %add3A, %mul3A_1004 : i32
    %add3A_1006 = arith.constant 2 : i32
    %add3A_1007 = arith.addi %mul3A_1005, %add3A_1006 : i32
    %dma_start3A_1008 = arith.constant 0 : i32
    %dma_start3A_1009 = tpu.memref_slice %arg7[%add3A_1007, %dma_start3A_1008] : memref<128x104xf32, #tpu.memory_space<hbm>> -> memref<1x104xf32, #tpu.memory_space<hbm>>
    %dma_start3A_1010 = tpu.memref_squeeze %dma_start3A_1009 : memref<1x104xf32, #tpu.memory_space<hbm>> -> memref<104xf32, #tpu.memory_space<hbm>>
    %dma_start3A_1011 = arith.constant 0 : i32
    %dma_start3A_1012 = tpu.memref_slice %arg7[%add3A_1007, %dma_start3A_1011] : memref<128x104xf32, #tpu.memory_space<hbm>> -> memref<1x104xf32, #tpu.memory_space<hbm>>
    %dma_start3A_1013 = tpu.memref_squeeze %dma_start3A_1012 : memref<1x104xf32, #tpu.memory_space<hbm>> -> memref<104xf32, #tpu.memory_space<hbm>>
    tpu.enqueue_dma source(%arg14 : memref<104xf32, #tpu.memory_space<vmem>>) target(%dma_start3A_1013 : memref<104xf32, #tpu.memory_space<hbm>>) target_semaphore(%arg24 : memref<!tpu.dma_semaphore, #tpu.memory_space<semaphore_mem>>)
    %mul3A_1014 = arith.constant 4 : i32
    %mul3A_1015 = arith.muli %add3A, %mul3A_1014 : i32
    %add3A_1016 = arith.constant 3 : i32
    %add3A_1017 = arith.addi %mul3A_1015, %add3A_1016 : i32
    %dma_start3A_1018 = arith.constant 0 : i32
    %dma_start3A_1019 = tpu.memref_slice %arg7[%add3A_1017, %dma_start3A_1018] : memref<128x104xf32, #tpu.memory_space<hbm>> -> memref<1x104xf32, #tpu.memory_space<hbm>>
    %dma_start3A_1020 = tpu.memref_squeeze %dma_start3A_1019 : memref<1x104xf32, #tpu.memory_space<hbm>> -> memref<104xf32, #tpu.memory_space<hbm>>
    %dma_start3A_1021 = arith.constant 0 : i32
    %dma_start3A_1022 = tpu.memref_slice %arg7[%add3A_1017, %dma_start3A_1021] : memref<128x104xf32, #tpu.memory_space<hbm>> -> memref<1x104xf32, #tpu.memory_space<hbm>>
    %dma_start3A_1023 = tpu.memref_squeeze %dma_start3A_1022 : memref<1x104xf32, #tpu.memory_space<hbm>> -> memref<104xf32, #tpu.memory_space<hbm>>
    tpu.enqueue_dma source(%arg15 : memref<104xf32, #tpu.memory_space<vmem>>) target(%dma_start3A_1023 : memref<104xf32, #tpu.memory_space<hbm>>) target_semaphore(%arg24 : memref<!tpu.dma_semaphore, #tpu.memory_space<semaphore_mem>>)
    %dma_wait3A_1024 = arith.constant 0 : i32
    %dma_wait3A_1025 = tpu.memref_slice %arg5[%mul3A_973, %dma_wait3A_1024] : memref<128x256xf32, #tpu.memory_space<hbm>> -> memref<4x256xf32, #tpu.memory_space<hbm>>
    %dma_wait3A_1026 = arith.constant 0 : i32
    %dma_wait3A_1027 = tpu.memref_slice %arg5[%mul3A_973, %dma_wait3A_1026] : memref<128x256xf32, #tpu.memory_space<hbm>> -> memref<4x256xf32, #tpu.memory_space<hbm>>
    tpu.wait_dma2 semaphore(%arg24 : memref<!tpu.dma_semaphore, #tpu.memory_space<semaphore_mem>>) src(%arg17 : memref<4x256xf32, #tpu.memory_space<vmem>>) dst(%dma_wait3A_1027 : memref<4x256xf32, #tpu.memory_space<hbm>>)
    %dma_wait3A_1028 = arith.constant 0 : i32
    %dma_wait3A_1029 = tpu.memref_slice %arg6[%mul3A_979, %dma_wait3A_1028] : memref<128x256xf32, #tpu.memory_space<hbm>> -> memref<4x256xf32, #tpu.memory_space<hbm>>
    %dma_wait3A_1030 = arith.constant 0 : i32
    %dma_wait3A_1031 = tpu.memref_slice %arg6[%mul3A_979, %dma_wait3A_1030] : memref<128x256xf32, #tpu.memory_space<hbm>> -> memref<4x256xf32, #tpu.memory_space<hbm>>
    tpu.wait_dma2 semaphore(%arg24 : memref<!tpu.dma_semaphore, #tpu.memory_space<semaphore_mem>>) src(%arg18 : memref<4x256xf32, #tpu.memory_space<vmem>>) dst(%dma_wait3A_1031 : memref<4x256xf32, #tpu.memory_space<hbm>>)
    %dma_wait3A_1032 = arith.constant 0 : i32
    %dma_wait3A_1033 = tpu.memref_slice %arg7[%add3A_987, %dma_wait3A_1032] : memref<128x104xf32, #tpu.memory_space<hbm>> -> memref<1x104xf32, #tpu.memory_space<hbm>>
    %dma_wait3A_1034 = tpu.memref_squeeze %dma_wait3A_1033 : memref<1x104xf32, #tpu.memory_space<hbm>> -> memref<104xf32, #tpu.memory_space<hbm>>
    %dma_wait3A_1035 = arith.constant 0 : i32
    %dma_wait3A_1036 = tpu.memref_slice %arg7[%add3A_987, %dma_wait3A_1035] : memref<128x104xf32, #tpu.memory_space<hbm>> -> memref<1x104xf32, #tpu.memory_space<hbm>>
    %dma_wait3A_1037 = tpu.memref_squeeze %dma_wait3A_1036 : memref<1x104xf32, #tpu.memory_space<hbm>> -> memref<104xf32, #tpu.memory_space<hbm>>
    tpu.wait_dma2 semaphore(%arg24 : memref<!tpu.dma_semaphore, #tpu.memory_space<semaphore_mem>>) src(%arg12 : memref<104xf32, #tpu.memory_space<vmem>>) dst(%dma_wait3A_1037 : memref<104xf32, #tpu.memory_space<hbm>>)
    %dma_wait3A_1038 = arith.constant 0 : i32
    %dma_wait3A_1039 = tpu.memref_slice %arg7[%add3A_997, %dma_wait3A_1038] : memref<128x104xf32, #tpu.memory_space<hbm>> -> memref<1x104xf32, #tpu.memory_space<hbm>>
    %dma_wait3A_1040 = tpu.memref_squeeze %dma_wait3A_1039 : memref<1x104xf32, #tpu.memory_space<hbm>> -> memref<104xf32, #tpu.memory_space<hbm>>
    %dma_wait3A_1041 = arith.constant 0 : i32
    %dma_wait3A_1042 = tpu.memref_slice %arg7[%add3A_997, %dma_wait3A_1041] : memref<128x104xf32, #tpu.memory_space<hbm>> -> memref<1x104xf32, #tpu.memory_space<hbm>>
    %dma_wait3A_1043 = tpu.memref_squeeze %dma_wait3A_1042 : memref<1x104xf32, #tpu.memory_space<hbm>> -> memref<104xf32, #tpu.memory_space<hbm>>
    tpu.wait_dma2 semaphore(%arg24 : memref<!tpu.dma_semaphore, #tpu.memory_space<semaphore_mem>>) src(%arg13 : memref<104xf32, #tpu.memory_space<vmem>>) dst(%dma_wait3A_1043 : memref<104xf32, #tpu.memory_space<hbm>>)
    %dma_wait3A_1044 = arith.constant 0 : i32
    %dma_wait3A_1045 = tpu.memref_slice %arg7[%add3A_1007, %dma_wait3A_1044] : memref<128x104xf32, #tpu.memory_space<hbm>> -> memref<1x104xf32, #tpu.memory_space<hbm>>
    %dma_wait3A_1046 = tpu.memref_squeeze %dma_wait3A_1045 : memref<1x104xf32, #tpu.memory_space<hbm>> -> memref<104xf32, #tpu.memory_space<hbm>>
    %dma_wait3A_1047 = arith.constant 0 : i32
    %dma_wait3A_1048 = tpu.memref_slice %arg7[%add3A_1007, %dma_wait3A_1047] : memref<128x104xf32, #tpu.memory_space<hbm>> -> memref<1x104xf32, #tpu.memory_space<hbm>>
    %dma_wait3A_1049 = tpu.memref_squeeze %dma_wait3A_1048 : memref<1x104xf32, #tpu.memory_space<hbm>> -> memref<104xf32, #tpu.memory_space<hbm>>
    tpu.wait_dma2 semaphore(%arg24 : memref<!tpu.dma_semaphore, #tpu.memory_space<semaphore_mem>>) src(%arg14 : memref<104xf32, #tpu.memory_space<vmem>>) dst(%dma_wait3A_1049 : memref<104xf32, #tpu.memory_space<hbm>>)
    %dma_wait3A_1050 = arith.constant 0 : i32
    %dma_wait3A_1051 = tpu.memref_slice %arg7[%add3A_1017, %dma_wait3A_1050] : memref<128x104xf32, #tpu.memory_space<hbm>> -> memref<1x104xf32, #tpu.memory_space<hbm>>
    %dma_wait3A_1052 = tpu.memref_squeeze %dma_wait3A_1051 : memref<1x104xf32, #tpu.memory_space<hbm>> -> memref<104xf32, #tpu.memory_space<hbm>>
    %dma_wait3A_1053 = arith.constant 0 : i32
    %dma_wait3A_1054 = tpu.memref_slice %arg7[%add3A_1017, %dma_wait3A_1053] : memref<128x104xf32, #tpu.memory_space<hbm>> -> memref<1x104xf32, #tpu.memory_space<hbm>>
    %dma_wait3A_1055 = tpu.memref_squeeze %dma_wait3A_1054 : memref<1x104xf32, #tpu.memory_space<hbm>> -> memref<104xf32, #tpu.memory_space<hbm>>
    tpu.wait_dma2 semaphore(%arg24 : memref<!tpu.dma_semaphore, #tpu.memory_space<semaphore_mem>>) src(%arg15 : memref<104xf32, #tpu.memory_space<vmem>>) dst(%dma_wait3A_1055 : memref<104xf32, #tpu.memory_space<hbm>>)
    return
  }
}

module attributes {stable_mosaic.version = 14 : i64} {
  func.func @_rowsum_body(%arg0: i32, %arg1: memref<200x10000xf32, #tpu.memory_space<vmem>>, %arg2: memref<200x1xf32, #tpu.memory_space<vmem>>) attributes {dimension_semantics = [#tpu.dimension_semantics<arbitrary>], iteration_bounds = array<i64: 50>, scalar_prefetch = 0 : i64, scratch_operands = 0 : i64, tpu.core_type = #tpu.core_type<tc>, window_params = [{transform_indices = @transform_0, window_bounds = array<i64: 200, 10000>}, {transform_indices = @transform_1, window_bounds = array<i64: 200, 1>}]} {
    %get3A = arith.constant 0 : index
    %get3A_0 = arith.constant 0 : index
    %get3A_1 = vector.load %arg1[%get3A, %get3A_0] : memref<200x10000xf32, #tpu.memory_space<vmem>>, vector<200x10000xf32>
    %reduce_sum3A = arith.constant dense<0.000000e+00> : vector<200xf32>
    %reduce_sum3A_2 = vector.multi_reduction <add>, %get3A_1, %reduce_sum3A [1] : vector<200x10000xf32> to vector<200xf32>
    %broadcast_in_dim3A = vector.shape_cast %reduce_sum3A_2 : vector<200xf32> to vector<200x1xf32>
    %swap3A = arith.constant 0 : index
    %swap3A_3 = arith.constant 0 : index
    %swap3A_4 = vector.load %arg2[%swap3A, %swap3A_3] : memref<200x1xf32, #tpu.memory_space<vmem>>, vector<200x1xf32>
    tpu.vector_store %arg2[%swap3A, %swap3A_3], %broadcast_in_dim3A {strides = array<i32>} : memref<200x1xf32, #tpu.memory_space<vmem>>, vector<200x1xf32>,
    return
  }
  func.func @transform_0(%arg0: i32) -> (i32, i32) {
    %c0_i32 = arith.constant 0 : i32
    %c0_i32_0 = arith.constant 0 : i32
    return %arg0, %c0_i32 : i32, i32
  }
  func.func @transform_1(%arg0: i32) -> (i32, i32) {
    %c0_i32 = arith.constant 0 : i32
    %c0_i32_0 = arith.constant 0 : i32
    return %arg0, %c0_i32 : i32, i32
  }
}

module attributes {stable_mosaic.version = 14 : i64} {
  func.func @_final_body(%arg0: memref<128x256xf32, #tpu.memory_space<vmem>>, %arg1: memref<128x256xf32, #tpu.memory_space<vmem>>, %arg2: memref<128x104xf32, #tpu.memory_space<vmem>>, %arg3: memref<128x100xf32, #tpu.memory_space<vmem>>, %arg4: memref<128x100xf32, #tpu.memory_space<vmem>>, %arg5: memref<128xf32, #tpu.memory_space<vmem>>, %arg6: memref<128xf32, #tpu.memory_space<vmem>>, %arg7: memref<128x32xf32, #tpu.memory_space<vmem>>, %arg8: memref<128x32xf32, #tpu.memory_space<vmem>>, %arg9: memref<1x756xf32, #tpu.memory_space<vmem>>, %arg10: memref<1x1xf32, #tpu.memory_space<vmem>>, %arg11: memref<1x1xf32, #tpu.memory_space<vmem>>) attributes {dimension_semantics = [], scalar_prefetch = 0 : i64, scratch_operands = 0 : i64, tpu.core_type = #tpu.core_type<tc>} {
    %get3A = arith.constant 0 : index
    %get3A_0 = arith.constant 0 : index
    %get3A_1 = vector.load %arg0[%get3A, %get3A_0] : memref<128x256xf32, #tpu.memory_space<vmem>>, vector<128x256xf32>
    %get3A_2 = arith.constant 0 : index
    %get3A_3 = arith.constant 0 : index
    %get3A_4 = vector.load %arg1[%get3A_2, %get3A_3] : memref<128x256xf32, #tpu.memory_space<vmem>>, vector<128x256xf32>
    %mul3A = arith.mulf %get3A_1, %get3A_1 : vector<128x256xf32>
    %mul3A_5 = arith.constant 0.00999999977 : f32
    %mul3A_6 = vector.broadcast %mul3A_5 : f32 to vector<128x256xf32>
    %mul3A_7 = arith.mulf %mul3A, %mul3A_6 : vector<128x256xf32>
    %sub3A = arith.subf %get3A_4, %mul3A_7 : vector<128x256xf32>
    %mul3A_8 = arith.constant 0.0101010101 : f32
    %mul3A_9 = vector.broadcast %mul3A_8 : f32 to vector<128x256xf32>
    %mul3A_10 = arith.mulf %sub3A, %mul3A_9 : vector<128x256xf32>
    %max3A = arith.constant 0.000000e+00 : f32
    %max3A_11 = vector.broadcast %max3A : f32 to vector<128x256xf32>
    %max3A_12 = arith.maximumf %mul3A_10, %max3A_11 : vector<128x256xf32>
    %sqrt3A = math.sqrt %max3A_12 : vector<128x256xf32>
    %get3A_13 = arith.constant 0 : index
    %get3A_14 = arith.constant 0 : index
    %get3A_15 = vector.load %arg3[%get3A_13, %get3A_14] : memref<128x100xf32, #tpu.memory_space<vmem>>, vector<128x100xf32>
    %get3A_16 = arith.constant 0 : index
    %get3A_17 = arith.constant 0 : index
    %get3A_18 = vector.load %arg4[%get3A_16, %get3A_17] : memref<128x100xf32, #tpu.memory_space<vmem>>, vector<128x100xf32>
    %get3A_19 = arith.constant 0 : index
    %get3A_20 = arith.constant 0 : index
    %get3A_21 = vector.load %arg2[%get3A_19, %get3A_20] : memref<128x104xf32, #tpu.memory_space<vmem>>, vector<128x104xf32>
    %slice3A = vector.extract_strided_slice %get3A_21 {offsets = [0, 0], sizes = [128, 100], strides = [1, 1]} : vector<128x104xf32> to vector<128x100xf32>
    %mul3A_22 = arith.constant 9.99999974E-5 : f32
    %mul3A_23 = vector.broadcast %mul3A_22 : f32 to vector<128x100xf32>
    %mul3A_24 = arith.mulf %slice3A, %mul3A_23 : vector<128x100xf32>
    %get3A_25 = arith.constant 0 : index
    %get3A_26 = arith.constant 0 : index
    %get3A_27 = vector.load %arg9[%get3A_25, %get3A_26] : memref<1x756xf32, #tpu.memory_space<vmem>>, vector<1x756xf32>
    %slice3A_28 = vector.extract_strided_slice %get3A_27 {offsets = [0, 0], sizes = [1, 256], strides = [1, 1]} : vector<1x756xf32> to vector<1x256xf32>
    %mul3A_29 = vector.broadcast %slice3A_28 : vector<1x256xf32> to vector<128x256xf32>
    %mul3A_30 = arith.mulf %sqrt3A, %mul3A_29 : vector<128x256xf32>
    %reduce_sum3A = arith.constant dense<0.000000e+00> : vector<128xf32>
    %reduce_sum3A_31 = vector.multi_reduction <add>, %mul3A_30, %reduce_sum3A [1] : vector<128x256xf32> to vector<128xf32>
    %broadcast_in_dim3A = vector.shape_cast %reduce_sum3A_31 : vector<128xf32> to vector<128x1xf32>
    %slice3A_32 = vector.extract_strided_slice %get3A_27 {offsets = [0, 256], sizes = [1, 100], strides = [1, 1]} : vector<1x756xf32> to vector<1x100xf32>
    %mul3A_33 = vector.broadcast %slice3A_32 : vector<1x100xf32> to vector<128x100xf32>
    %mul3A_34 = arith.mulf %mul3A_24, %mul3A_33 : vector<128x100xf32>
    %reduce_sum3A_35 = arith.constant dense<0.000000e+00> : vector<128xf32>
    %reduce_sum3A_36 = vector.multi_reduction <add>, %mul3A_34, %reduce_sum3A_35 [1] : vector<128x100xf32> to vector<128xf32>
    %broadcast_in_dim3A_37 = vector.shape_cast %reduce_sum3A_36 : vector<128xf32> to vector<128x1xf32>
    %add3A = arith.addf %broadcast_in_dim3A, %broadcast_in_dim3A_37 : vector<128x1xf32>
    %sub3A_38 = arith.subf %get3A_18, %get3A_15 : vector<128x100xf32>
    %abs3A = math.absf %sub3A_38 : vector<128x100xf32>
    %slice3A_39 = vector.extract_strided_slice %get3A_27 {offsets = [0, 356], sizes = [1, 100], strides = [1, 1]} : vector<1x756xf32> to vector<1x100xf32>
    %mul3A_40 = vector.broadcast %slice3A_39 : vector<1x100xf32> to vector<128x100xf32>
    %mul3A_41 = arith.mulf %abs3A, %mul3A_40 : vector<128x100xf32>
    %reduce_sum3A_42 = arith.constant dense<0.000000e+00> : vector<128xf32>
    %reduce_sum3A_43 = vector.multi_reduction <add>, %mul3A_41, %reduce_sum3A_42 [1] : vector<128x100xf32> to vector<128xf32>
    %broadcast_in_dim3A_44 = vector.shape_cast %reduce_sum3A_43 : vector<128xf32> to vector<128x1xf32>
    %add3A_45 = arith.addf %add3A, %broadcast_in_dim3A_44 : vector<128x1xf32>
    %add3A_46 = arith.addf %get3A_15, %get3A_18 : vector<128x100xf32>
    %slice3A_47 = vector.extract_strided_slice %get3A_27 {offsets = [0, 456], sizes = [1, 100], strides = [1, 1]} : vector<1x756xf32> to vector<1x100xf32>
    %mul3A_48 = vector.broadcast %slice3A_47 : vector<1x100xf32> to vector<128x100xf32>
    %mul3A_49 = arith.mulf %add3A_46, %mul3A_48 : vector<128x100xf32>
    %reduce_sum3A_50 = arith.constant dense<0.000000e+00> : vector<128xf32>
    %reduce_sum3A_51 = vector.multi_reduction <add>, %mul3A_49, %reduce_sum3A_50 [1] : vector<128x100xf32> to vector<128xf32>
    %broadcast_in_dim3A_52 = vector.shape_cast %reduce_sum3A_51 : vector<128xf32> to vector<128x1xf32>
    %add3A_53 = arith.addf %add3A_45, %broadcast_in_dim3A_52 : vector<128x1xf32>
    %slice3A_54 = vector.extract_strided_slice %get3A_27 {offsets = [0, 556], sizes = [1, 100], strides = [1, 1]} : vector<1x756xf32> to vector<1x100xf32>
    %mul3A_55 = vector.broadcast %slice3A_54 : vector<1x100xf32> to vector<128x100xf32>
    %mul3A_56 = arith.mulf %get3A_15, %mul3A_55 : vector<128x100xf32>
    %reduce_sum3A_57 = arith.constant dense<0.000000e+00> : vector<128xf32>
    %reduce_sum3A_58 = vector.multi_reduction <add>, %mul3A_56, %reduce_sum3A_57 [1] : vector<128x100xf32> to vector<128xf32>
    %broadcast_in_dim3A_59 = vector.shape_cast %reduce_sum3A_58 : vector<128xf32> to vector<128x1xf32>
    %add3A_60 = arith.addf %add3A_53, %broadcast_in_dim3A_59 : vector<128x1xf32>
    %slice3A_61 = vector.extract_strided_slice %get3A_27 {offsets = [0, 656], sizes = [1, 100], strides = [1, 1]} : vector<1x756xf32> to vector<1x100xf32>
    %mul3A_62 = vector.broadcast %slice3A_61 : vector<1x100xf32> to vector<128x100xf32>
    %mul3A_63 = arith.mulf %get3A_18, %mul3A_62 : vector<128x100xf32>
    %reduce_sum3A_64 = arith.constant dense<0.000000e+00> : vector<128xf32>
    %reduce_sum3A_65 = vector.multi_reduction <add>, %mul3A_63, %reduce_sum3A_64 [1] : vector<128x100xf32> to vector<128xf32>
    %broadcast_in_dim3A_66 = vector.shape_cast %reduce_sum3A_65 : vector<128xf32> to vector<128x1xf32>
    %add3A_67 = arith.addf %add3A_60, %broadcast_in_dim3A_66 : vector<128x1xf32>
    %get3A_68 = arith.constant 0 : index
    %get3A_69 = arith.constant 0 : index
    %get3A_70 = vector.load %arg10[%get3A_68, %get3A_69] : memref<1x1xf32, #tpu.memory_space<vmem>>, vector<1x1xf32>
    %add3A_71 = vector.broadcast %get3A_70 : vector<1x1xf32> to vector<128x1xf32>
    %add3A_72 = arith.addf %add3A_67, %add3A_71 : vector<128x1xf32>
    %logistic3A = arith.negf %add3A_72 : vector<128x1xf32>
    %logistic3A_73 = math.exp %logistic3A : vector<128x1xf32>
    %logistic3A_74 = arith.constant 1.000000e+00 : f32
    %logistic3A_75 = vector.broadcast %logistic3A_74 : f32 to vector<128x1xf32>
    %logistic3A_76 = arith.addf %logistic3A_75, %logistic3A_73 : vector<128x1xf32>
    %logistic3A_77 = arith.divf %logistic3A_75, %logistic3A_76 : vector<128x1xf32>
    %get3A_78 = arith.constant 0 : index
    %get3A_79 = vector.load %arg5[%get3A_78] : memref<128xf32, #tpu.memory_space<vmem>>, vector<128xf32>
    %reshape3A = vector.shape_cast %get3A_79 : vector<128xf32> to vector<128x1xf32>
    %get3A_80 = arith.constant 0 : index
    %get3A_81 = vector.load %arg6[%get3A_80] : memref<128xf32, #tpu.memory_space<vmem>>, vector<128xf32>
    %reshape3A_82 = vector.shape_cast %get3A_81 : vector<128xf32> to vector<128x1xf32>
    %mul3A_83 = arith.mulf %logistic3A_77, %reshape3A : vector<128x1xf32>
    %sub3A_84 = arith.constant 1.000000e+00 : f32
    %sub3A_85 = vector.broadcast %sub3A_84 : f32 to vector<128x1xf32>
    %sub3A_86 = arith.subf %sub3A_85, %logistic3A_77 : vector<128x1xf32>
    %mul3A_87 = arith.mulf %sub3A_86, %reshape3A_82 : vector<128x1xf32>
    %add3A_88 = arith.addf %mul3A_83, %mul3A_87 : vector<128x1xf32>
    %get3A_89 = arith.constant 0 : index
    %get3A_90 = arith.constant 0 : index
    %get3A_91 = vector.load %arg7[%get3A_89, %get3A_90] : memref<128x32xf32, #tpu.memory_space<vmem>>, vector<128x32xf32>
    %mul3A_92 = vector.broadcast %logistic3A_77 : vector<128x1xf32> to vector<128x32xf32>
    %mul3A_93 = arith.mulf %mul3A_92, %get3A_91 : vector<128x32xf32>
    %sub3A_94 = arith.constant 1.000000e+00 : f32
    %sub3A_95 = vector.broadcast %sub3A_94 : f32 to vector<128x1xf32>
    %sub3A_96 = arith.subf %sub3A_95, %logistic3A_77 : vector<128x1xf32>
    %get3A_97 = arith.constant 0 : index
    %get3A_98 = arith.constant 0 : index
    %get3A_99 = vector.load %arg8[%get3A_97, %get3A_98] : memref<128x32xf32, #tpu.memory_space<vmem>>, vector<128x32xf32>
    %mul3A_100 = vector.broadcast %sub3A_96 : vector<128x1xf32> to vector<128x32xf32>
    %mul3A_101 = arith.mulf %mul3A_100, %get3A_99 : vector<128x32xf32>
    %add3A_102 = arith.addf %mul3A_93, %mul3A_101 : vector<128x32xf32>
    %sub3A_103 = arith.constant 1.000000e+00 : f32
    %sub3A_104 = vector.broadcast %sub3A_103 : f32 to vector<128x1xf32>
    %sub3A_105 = arith.subf %sub3A_104, %add3A_88 : vector<128x1xf32>
    %add3A_106 = vector.broadcast %sub3A_105 : vector<128x1xf32> to vector<128x32xf32>
    %add3A_107 = arith.addf %add3A_106, %add3A_102 : vector<128x32xf32>
    %max3A_108 = arith.constant 0.000000e+00 : f32
    %max3A_109 = vector.broadcast %max3A_108 : f32 to vector<128x32xf32>
    %max3A_110 = arith.maximumf %add3A_107, %max3A_109 : vector<128x32xf32>
    %reduce_sum3A_111 = vector.shape_cast %max3A_110 : vector<128x32xf32> to vector<1x128x32xf32>
    %reduce_sum3A_112 = arith.constant dense<0.000000e+00> : vector<1xf32>
    %reduce_sum3A_113 = vector.multi_reduction <add>, %reduce_sum3A_111, %reduce_sum3A_112 [1, 2] : vector<1x128x32xf32> to vector<1xf32>
    %reduce_sum3A_114 = vector.shape_cast %reduce_sum3A_113 : vector<1xf32> to vector<1x1x1xf32>
    %reduce_sum3A_115 = vector.extract %reduce_sum3A_114[0, 0, 0] : f32 from vector<1x1x1xf32>
    %mul3A_116 = arith.constant 2.44140625E-4 : f32
    %mul3A_117 = arith.mulf %reduce_sum3A_115, %mul3A_116 : f32
    %reshape3A_118 = vector.broadcast %mul3A_117 : f32 to vector<1x1xf32>
    %swap3A = arith.constant 0 : index
    %swap3A_119 = arith.constant 0 : index
    %swap3A_120 = vector.load %arg11[%swap3A, %swap3A_119] : memref<1x1xf32, #tpu.memory_space<vmem>>, vector<1x1xf32>
    tpu.vector_store %arg11[%swap3A, %swap3A_119], %reshape3A_118 {strides = array<i32>} : memref<1x1xf32, #tpu.memory_space<vmem>>, vector<1x1xf32>,
    return
  }
}

</mosaic_0001>

<sc_bundles>
// kernel: kernel.5.cloned.1.call-start
scs
__scs_entry_jumppad:
0x0: {  	(pc) =	sbr.rel $0x88, $3  }
0x1: {  	(tag) =	ssettag $0x0;
	lr =	simm.s32 $0x1  }
0x2: {  	[smem:$0x3F96] =	sst lr;
	_ =	strace $0xD0000000  }
0x3: {  	_ = 	snop  }
0x4: {  	_ = 	snop  }
0x5: {  	_ = 	snop  }
0x6: {  	_ = 	snop  }
0x7: {  	_ = 	snop  }
__scs_overlays_trampoline_lowered:
0x8: {  	[smem:$0x3FA5] =	sst s0  }
0x9: {  	[smem:$0x3FA6] =	sst s1  }
0xa: {  	[smem:$0x3FA7] =	sst s2  }
0xb: {  	[smem:$0x3FA8] =	sst s3  }
0xc: {  	[smem:$0x3FA9] =	sst s4  }
0xd: {  	[smem:$0x3FAA] =	sst s5  }
0xe: {  	[smem:$0x3FAB] =	sst s6  }
0xf: {  	[smem:$0x3FAC] =	sst s7  }
0x10: {  	[smem:$0x3FAD] =	sst s8  }
0x11: {  	[smem:$0x3FAE] =	sst s9;
	s0 =	simm.s32 @!p0 $0x0  }
0x12: {  	s1 =	sld [smem:$0x3F94];
	s0 =	simm.s32 @p0 $0x1  }
0x13: {  	[smem:$0x3FAF] =	sst s0;
	s0 =	simm.s32 @!p1 $0x0  }
0x14: {  	s2 =	sld [smem:$0x3F93];
	s0 =	simm.s32 @p1 $0x1  }
0x15: {  	[smem:$0x3FB0] =	sst s0;
	s0 =	simm.s32 @!p2 $0x0  }
0x16: {  	s3 =	sld [smem:$0x3FDB];
	s0 =	simm.s32 @p2 $0x1  }
0x17: {  	s4 =	simm.s32 $0x1BF5;
	[smem:$0x3FB2] =	sst s0  }
0x18: {  	s0 =	sld [smem:$0x3F95];
	_ =	swait.ge [sflag:s4], $0x0  }
0x19: {  	s7 =	sld [smem:$0x3F96]  }
0x1a: {  	s8 =	sadd.s32 $0xFFFFE003, lr  }
0x1b: {  	s9 =	sadd.s32 $0xFFFFFEF7, lr;
	s5 =	simm.s32 $0xFFFFFFFF;
	p2 =	slt.u32 s8, $0xFFFFF086  }
0x1c: {  	p1 =	slt.u32 s9, $0xF7A;
	s5 =	simm.s32 @!p2 $0x0  }
0x1d: {  	s5 =	simm.s32 @p1 $0x1;
	p0 =	seq.s32 s7, s2  }
0x1e: {  	s7 =	smul.u32 @!p0 $0xF7A, s2;
	p2 =	seq.s32 @!p0 s5, $0x0  }
0x1f: {  	s9 =	smul.u32 $0xF7A, s1;
	s8 =	simm.s32 @!p0 $0x1BF5;
	p2 =	por !p2, p0  }
0x20: {  	[sflag:s8] =	ssyncset.s32 @!p0 $0xFFFFF086;
	s6 =	sadd.s32 @!p0 s3, s7;
	s7 =	simm.s32 @!p0 $0x108  }
0x21: {  	s3 =	sadd.s32 s3, s9;
	s6 =	sadd.s32 @!p0 $0x88, s6;
	s7 =	simm.s32 @p2 $0x1082  }
0x22: {  	[simem:s7], [sflag:s8] =	dma.local @!p0 [hbm:s6], $0xF7A  }
0x23: {  	s9 =	sor.u32 $0xD0000000, s2;
	s6 =	simm.s32 $0x108;
	_ =	swait.ge @!p0 [sflag:s8], $0x0  }
0x24: {  	s3 =	sadd.s32 $0x88, s3;
	s6 =	simm.s32 @!p1 $0x1082;
	[sflag:s4] =	ssyncset.s32 $0xFFFFF086  }
0x25: {  	[simem:s6], [sflag:s4] =	dma.local [hbm:s3], $0xF7A  }
0x26: {  	[smem:$0x3F96] =	sst s1;
	(tag) =	ssettag s2;
	_ =	strace s9  }
0x27: {  	s1 =	sld [smem:$0x3FA6]  }
0x28: {  	s2 =	sld [smem:$0x3FA7]  }
0x29: {  	s4 =	sld [smem:$0x3FA9]  }
0x2a: {  	p0 =	seq.s32 s5, $0x0;
	s5 =	sld [smem:$0x3FAA]  }
0x2b: {  	s6 =	sld [smem:$0x3FAB]  }
0x2c: {  	s7 =	sld [smem:$0x3FAC]  }
0x2d: {  	s3 =	simm.s32 $0x108;
	s8 =	sld [smem:$0x3FAD]  }
0x2e: {  	s3 =	simm.s32 @!p0 $0x1082;
	s9 =	sld [smem:$0x3FAE]  }
0x2f: {  	lr =	sadd.s32 s0, s3;
	s0 =	sld [smem:$0x3FA5]  }
0x30: {  	s3 =	sld [smem:$0x3FA8]  }
0x31: {  	[smem:$0x3FB1] =	sst s10  }
0x32: {  	s10 =	sld [smem:$0x3FAF];
	_ =	sdelay $0x3  }
0x33: {  	p0 =	seq.s32 s10, $0x1;
	s10 =	sld [smem:$0x3FB1];
	_ =	sdelay $0x3  }
0x34: {  	[smem:$0x3FB1] =	sst s10  }
0x35: {  	s10 =	sld [smem:$0x3FB0];
	_ =	sdelay $0x3  }
0x36: {  	p1 =	seq.s32 s10, $0x1;
	s10 =	sld [smem:$0x3FB1];
	_ =	sdelay $0x3  }
0x37: {  	[smem:$0x3FB1] =	sst s10  }
0x38: {  	s10 =	sld [smem:$0x3FB2]  }
0x39: {  	_ = 	snop;
	(pc) =	sbr.ind lr, $3  }
0x3a: {  	_ = 	snop  }
0x3b: {  	_ = 	snop  }
0x3c: {  	p2 =	seq.s32 s10, $0x1;
	s10 =	sld [smem:$0x3FB1]  }
0x3d: {  	_ =	shalt  }
0x3e: {  	_ =	shalt  }
0x3f: {  	_ =	shalt  }
0x40: {  	_ =	shalt  }
0x41: {  	_ =	shalt  }
0x42: {  	_ =	shalt  }
0x43: {  	_ =	shalt  }
0x44: {  	_ =	shalt  }
0x45: {  	_ =	shalt  }
0x46: {  	_ =	shalt  }
0x47: {  	_ =	shalt  }
0x48: {  	_ =	shalt  }
0x49: {  	_ =	shalt  }
0x4a: {  	_ =	shalt  }
0x4b: {  	_ =	shalt  }
0x4c: {  	_ =	shalt  }
0x4d: {  	_ =	shalt  }
0x4e: {  	_ =	shalt  }
0x4f: {  	_ =	shalt  }
0x50: {  	_ =	shalt  }
0x51: {  	_ =	shalt  }
0x52: {  	_ =	shalt  }
0x53: {  	_ =	shalt  }
0x54: {  	_ =	shalt  }
0x55: {  	_ =	shalt  }
0x56: {  	_ =	shalt  }
0x57: {  	_ =	shalt  }
0x58: {  	_ =	shalt  }
0x59: {  	_ =	shalt  }
0x5a: {  	_ =	shalt  }
0x5b: {  	_ =	shalt  }
0x5c: {  	_ =	shalt  }
0x5d: {  	_ =	shalt  }
0x5e: {  	_ =	shalt  }
0x5f: {  	_ =	shalt  }
0x60: {  	_ =	shalt  }
0x61: {  	_ =	shalt  }
0x62: {  	_ =	shalt  }
0x63: {  	_ =	shalt  }
0x64: {  	_ =	shalt  }
0x65: {  	_ =	shalt  }
0x66: {  	_ =	shalt  }
0x67: {  	_ =	shalt  }
0x68: {  	_ =	shalt  }
0x69: {  	_ =	shalt  }
0x6a: {  	_ =	shalt  }
0x6b: {  	_ =	shalt  }
0x6c: {  	_ =	shalt  }
0x6d: {  	_ =	shalt  }
0x6e: {  	_ =	shalt  }
0x6f: {  	_ =	shalt  }
0x70: {  	_ =	shalt  }
0x71: {  	_ =	shalt  }
0x72: {  	_ =	shalt  }
0x73: {  	_ =	shalt  }
0x74: {  	_ =	shalt  }
0x75: {  	_ =	shalt  }
0x76: {  	_ =	shalt  }
0x77: {  	_ =	shalt  }
0x78: {  	_ =	shalt  }
0x79: {  	_ =	shalt  }
0x7a: {  	_ =	shalt  }
0x7b: {  	_ =	shalt  }
0x7c: {  	_ =	shalt  }
0x7d: {  	_ =	shalt  }
0x7e: {  	_ =	shalt  }
0x7f: {  	_ =	shalt  }
0x80: {  	_ =	shalt  }
0x81: {  	_ =	shalt  }
0x82: {  	_ =	shalt  }
0x83: {  	_ =	shalt  }
0x84: {  	_ =	shalt  }
0x85: {  	_ =	shalt  }
0x86: {  	_ =	shalt  }
0x87: {  	_ =	shalt  }
.Lfunc_end0:
.L_simem_size_0:
called_computation_lowered:
.L_overlay_start_0:
0x88: {  	s2 =	sld [smem:$0x3FD9]  }
0x89: {  	s3 =	sld [smem:$0x3FFE];
	_ =	sdelay $0x1  }
0x8a: {  	s1 =	srdreg.scid  }
0x8b: {  	s0 =	sand.u32 $0x1, s1  }
0x8c: {  	s17 =	sshll.u32 s0, $0xA;
	s2 =	sadd.s32 s3, s2  }
0x8d: {  	s2 =	sadd.s32 s2, s17  }
0x8e: {  	[smem:$0x3FBD] =	sst s2  }
0x8f: {  	_ = 	snop  }
0x90: {  	s2 =	sld [smem:$0x3FC2];
	(tm) =	ssettm $0x1  }
0x91: {  	s18 =	sld [smem:$0x3FFB];
	_ =	sdelay $0x3  }
0x92: {  	_ =	strace s18  }
0x93: {  	s3 =	sld [smem:$0x3FFC];
	_ =	sdelay $0x3  }
0x94: {  	_ =	strace s3  }
0x95: {  	s3 =	sld [smem:$0x3FFD];
	_ =	sdelay $0x3  }
0x96: {  	_ =	strace s3  }
0x97: {  	_ =	strace $0x8FFFFFFF  }
0x98: {  	s19 =	sld [smem:$0x3FDB];
	_ =	sdelay $0x1  }
0x99: {  	s4 =	simm.s32 $_scs_section_size  }
0x9a: {  	s5 =	simm.s32 $_size__tile_overlayer_lowered;
	s6 =	simm.s32 $_tile_overlayer_lowered  }
0x9b: {  	s22 =	simm.s32 $0x1BFF;
	s21 =	sshll.u32 s6, $0x1;
	s3 =	sadd.s32 s4, s19  }
0x9c: {  	s7 =	simm.s32 $0x0;
	s20 =	sshll.u32 s5, $0x1;
	s5 =	sadd.s32 s21, s3  }
0x9d: {  	[timem:s7], [sflag:s22] =	dma.local [hbm:s5], s20  }
0x9e: {  	_ =	swait.ge [sflag:s22], s20  }
0x9f: {  	s4 =	ssub.s32 $0x0, s20;
	[sflag:s22] =	ssyncset.done $0x0  }
0xa0: {  	[sflag:s22] =	ssyncadd.s32 s4;
	_ =	sdelay $0x1  }
0xa1: {  	s23 =	simm.s32 $0x1B8B  }
0xa2: {  	_ =	swait.ge [sflag:s23], $0x1  }
0xa3: {  	[sflag:s23] =	ssyncset.done $0x0  }
0xa4: {  	s25 =	simm.s32 $0x1B8E;
	s24 =	sld [smem:$0x3FFE];
	[sflag:s23] =	ssyncadd.s32 $0xFFFFFFFF  }
0xa5: {  	s26 =	simm.s32 $execute0_lowered;
	[smem:$0x3FD2] =	sst s25  }
0xa6: {  	s5 =	sshll.u32 s26, $0x1;
	_ =	strace $0x80000046;
	[dreg:$0x1] =	wrdreg $0xFFFFFFFF  }
0xa7: {  	s28 =	simm.s32 $_size_execute0_lowered;
	s3 =	sadd.s32 s3, s5;
	[dreg:$0x0] =	wrdreg $0x0  }
0xa8: {  	s5 =	sshll.u32 s28, $0x1;
	[dreg:$0x2] =	wrdreg s3  }
0xa9: {  	[dreg:$0x3] =	wrdreg s5  }
0xaa: {  	[dreg:$0x4] =	wrdreg $0xC0  }
0xab: {  	_ =	task [dreg:s7], $0x5FFFF  }
0xac: {  	[dreg:$0x1] =	wrdreg $0xFFFFFFFF  }
0xad: {  	[dreg:$0x0] =	wrdreg $0x60  }
0xae: {  	[dreg:$0x2] =	wrdreg s2  }
0xaf: {  	[dreg:$0x3] =	wrdreg s24  }
0xb0: {  	[dreg:$0x4] =	wrdreg $0x9  }
0xb1: {  	_ =	task.clear_ibuf [dreg:s7], $0x5FFFF;
	_ =	strace $0x90000046  }
0xb2: {  	s29 =	simm.s32 $0x9;
	_ =	strace $0x80000048  }
0xb3: {  	_ =	swait.ge [sflag:s29], $0x1  }
0xb4: {  	[sflag:s29] =	ssyncadd.s32 $0xFFFFFFFF  }
0xb5: {  	_ =	strace $0x90000048  }
0xb6: {  	_ =	sfence  }
0xb7: {  	s30 =	sld [smem:$0x0];
	_ =	sdelay $0x2  }
0xb8: {  	s31 =	sshll.u32 s1, $0xD;
	s1 =	sshrl.u32 s1, $0x2  }
0xb9: {  	s3 =	sand.u32 $0x4000, s31;
	s1 =	sadd.s32 s1, s30  }
0xba: {  	s0 =	sor.u32 s3, s0;
	s1 =	sshll.u32 s1, $0x11  }
0xbb: {  	s0 =	sor.u32 s1, s0  }
0xbc: {  	s0 =	sadd.s32 $0x8F2B, s0  }
0xbd: {  	[sflag:s0] =	ssyncadd.remote.s32 $0x1  }
0xbe: {  	_ =	sfence.sel $0xFFFF  }
0xbf: {  	[dreg:$0x0] =	wrdreg $0xFFFFFFFF;
	(pc) =	sbr.abs _section_cstart, $3  }
0xc0: {  	[dreg:$0x1] =	wrdreg $0xFFFFFFFF  }
0xc1: {  	_ =	task.clear_ibuf [dreg:s7], $0x2FFFF;
	_ =	strace $0x9FFFFFFF  }
0xc2: {  	(tm) =	ssettm $0x7FFFFFFF  }
0xc3: {  	_ =	shalt  }
tec
execute0_lowered:
.L_overlay_start_1:
0x0: {  	(tag) =	ssettag $0x1  }
0x1: {  	s1 =	rddreg [dreg:$0x0]  }
0x2: {  	s0 =	rddreg [dreg:$0x1]  }
0x3: {  	s2 =	srdreg.scid;
	s3 =	simm.s32 $0x0;
	s7 =	stileid.u32  }
0x4: {  	s19 =	simm.s32 $0x6;
	s20 =	simm.s32 $0x400;
	s24 =	simm.s32 $0x68  }
0x5: {  	s25 =	simm.s32 $0x200;
	s28 =	simm.s32 $0x300;
	s29 =	simm.s32 $0x380  }
0x6: {  	s30 =	simm.s32 $0x1;
	s31 =	simm.s32 $0x2;
	s21 =	simm.s32 $0x5  }
0x7: {  	s22 =	simm.s32 $0x0;
	s2 =	sand.u32 $0x1, s2;
	[smem:$0x7FF] =	sst s3  }
0x8: {  	s4 =	sshll.u32 s7, $0xB;
	s8 =	sadd.s32 $0x2200, s0;
	s7 =	sshll.u32 s7, $0xA  }
0x9: {  	s5 =	sshll.u32 s2, $0x9;
	_ =	strace $0x80000047;
	s2 =	ssub.s32 $0x2, s2  }
0xa: {  	s6 =	sor.u32 s5, s4;
	s4 =	sadd.s32 $0x1C00, s0;
	s5 =	sor.u32 s5, s7  }
0xb: {  	s26 =	sshrl.u32 s2, $0x1;
	s6 =	sshrl.u32 s6, $0x3;
	s11 =	sshrl.u32 s5, $0x3  }
0xc: {  	s2 =	ssub.s32 s2, s26;
	s26 =	simm.s32 $0x280;
	s10 =	sadd.s32 s6, s0  }
0xd: {  	s0 =	sadd.s32 $0x4A00, s0;
	s5 =	sadd.s32 s8, s11;
	s12 =	sor.u32 $0x10, s11  }
0xe: {  	s13 =	sor.u32 $0x20, s11;
	s14 =	sor.u32 $0x30, s11;
	s15 =	smax.u32 s2, $0x1  }
0xf: {  	s2 =	simm.s32 $0x4;
	[dreg:$0x3] =	wrdreg s5;
	s6 =	sadd.s32 s8, s12  }
0x10: {  	v2 =	vlaneseq.u32;
	s7 =	sadd.s32 s8, s13;
	s8 =	sadd.s32 s8, s14;
	s9 =	sadd.s32 $0x2A00, s10  }
0x11: {  	vm0 =	vmmov $0xffff;
	v1 =	vshrl.u32 v2, $0x3;
	s10 =	sadd.s32 $0x3A00, s10;
	s11 =	sadd.s32 s0, s11;
	s12 =	sadd.s32 s0, s12  }
0x12: {  	v0 =	vand.u32 $0x7, v2;
	v2 =	vor.u32 $0x8, v2;
	v1 =	vmul.u32 $0x8, v1;
	s13 =	sadd.s32 s0, s13;
	s14 =	sadd.s32 s0, s14;
	s0 =	simm.s32 $0x3  }
.LBB2_1:
0x13: {  	s5 =	rddreg [dreg:$0x3]  }
0x14: {  	[tilespmem:s3], [sflag:$0x6] =	stream.linear.gather [hbm4b:s5+s3], $0x80, $0x38;
	[tilespmem:$0x1AC00] =	vst v63  }
0x15: {  	s5 =	simm.s32 $0x80  }
0x16: {  	[tilespmem:s5], [sflag:$0x6] =	stream.linear.gather [hbm4b:s6+s3], $0x80, $0x38;
	[tilespmem:$0x1AC00] =	vst v63  }
0x17: {  	s16 =	simm.s32 $0x100  }
0x18: {  	[tilespmem:s16], [sflag:$0x6] =	stream.linear.gather [hbm4b:s7+s3], $0x80, $0x38;
	[tilespmem:$0x1AC00] =	vst v63  }
0x19: {  	s17 =	simm.s32 $0x180  }
0x1a: {  	[tilespmem:s17], [sflag:$0x6] =	stream.linear.gather [hbm4b:s8+s3], $0x80, $0x38;
	[tilespmem:$0x1AC00] =	vst v63  }
0x1b: {  	_ =	swait.ge [sflag:s19], $0x80  }
0x1c: {  	[sflag:s19] =	ssyncset.done $0x0  }
0x1d: {  	[sflag:s19] =	ssyncadd.s32 $0xFFFFFF80  }
0x1e: {  	_ =	swait.ge [sflag:s19], $0x80  }
0x1f: {  	[sflag:s19] =	ssyncset.done $0x0  }
0x20: {  	[sflag:s19] =	ssyncadd.s32 $0xFFFFFF80  }
0x21: {  	_ =	swait.ge [sflag:s19], $0x80  }
0x22: {  	[sflag:s19] =	ssyncset.done $0x0  }
0x23: {  	[sflag:s19] =	ssyncadd.s32 $0xFFFFFF80  }
0x24: {  	_ =	swait.ge [sflag:s19], $0x80  }
0x25: {  	[sflag:s19] =	ssyncset.done $0x0  }
0x26: {  	[sflag:s19] =	ssyncadd.s32 $0xFFFFFF80  }
0x27: {  	v3 =	vld [tilespmem:$0x0];
	_ =	sdelay $0x4  }
0x28: {  	v4 =	vshll.u32 v3, $0x1  }
0x29: {  	v3 =	vand.u32 $0x7, v3;
	v4 =	vand.u32 $0xFFFFFFF0, v4  }
0x2a: {  	v3 =	vor.u32 v3, v4  }
0x2b: {  	v4 =	vperm.xlane v3, v0;
	_ =	sdelay $0x1  }
0x2c: {  	v3 =	vperm.xlane v3, v2;
	v4 =	vadd.s32 v1, v4;
	_ =	sdelay $0x1  }
0x2d: {  	v3 =	vadd.s32 v1, v3;
	_ =	sdelay $0x2  }
0x2e: {  	[tilespmem:s20], [sflag:$0x1] =	stream.indirect_vreg.gather [hbm4b:s1+s3], $0x80, v4, vm0, $0xb8;
	[tilespmem:$0x1AC00] =	vst v63  }
0x2f: {  	s18 =	simm.s32 $0xC00  }
0x30: {  	[tilespmem:s18], [sflag:$0x1] =	stream.indirect_vreg.gather [hbm4b:s1+s3], $0x80, v3, vm0, $0xb8;
	[tilespmem:$0x1AC00] =	vst v63  }
0x31: {  	v3 =	vld [tilespmem:$0x10];
	_ =	sdelay $0x4  }
0x32: {  	v4 =	vshll.u32 v3, $0x1  }
0x33: {  	v3 =	vand.u32 $0x7, v3;
	v4 =	vand.u32 $0xFFFFFFF0, v4  }
0x34: {  	v3 =	vor.u32 v3, v4  }
0x35: {  	v4 =	vperm.xlane v3, v0;
	_ =	sdelay $0x1  }
0x36: {  	v3 =	vperm.xlane v3, v2;
	v4 =	vadd.s32 v1, v4;
	_ =	sdelay $0x1  }
0x37: {  	v3 =	vadd.s32 v1, v3;
	_ =	sdelay $0x1  }
0x38: {  	s23 =	simm.s32 $0x1400  }
0x39: {  	[tilespmem:s23], [sflag:$0x1] =	stream.indirect_vreg.gather [hbm4b:s1+s3], $0x80, v4, vm0, $0xb8;
	[tilespmem:$0x1AC00] =	vst v63  }
0x3a: {  	s23 =	simm.s32 $0x1C00  }
0x3b: {  	[tilespmem:s23], [sflag:$0x1] =	stream.indirect_vreg.gather [hbm4b:s1+s3], $0x80, v3, vm0, $0xb8;
	[tilespmem:$0x1AC00] =	vst v63  }
0x3c: {  	v3 =	vld [tilespmem:$0x20];
	_ =	sdelay $0x4  }
0x3d: {  	v4 =	vshll.u32 v3, $0x1  }
0x3e: {  	v3 =	vand.u32 $0x7, v3;
	v4 =	vand.u32 $0xFFFFFFF0, v4  }
0x3f: {  	v3 =	vor.u32 v3, v4  }
0x40: {  	v4 =	vperm.xlane v3, v0;
	_ =	sdelay $0x1  }
0x41: {  	v3 =	vperm.xlane v3, v2;
	v4 =	vadd.s32 v1, v4;
	_ =	sdelay $0x1  }
0x42: {  	v3 =	vadd.s32 v1, v3;
	_ =	sdelay $0x1  }
0x43: {  	s23 =	simm.s32 $0x2400  }
0x44: {  	[tilespmem:s23], [sflag:$0x1] =	stream.indirect_vreg.gather [hbm4b:s1+s3], $0x80, v4, vm0, $0xb8;
	[tilespmem:$0x1AC00] =	vst v63  }
0x45: {  	s23 =	simm.s32 $0x2C00  }
0x46: {  	[tilespmem:s23], [sflag:$0x1] =	stream.indirect_vreg.gather [hbm4b:s1+s3], $0x80, v3, vm0, $0xb8;
	[tilespmem:$0x1AC00] =	vst v63  }
0x47: {  	v3 =	vld [tilespmem:$0x30];
	_ =	sdelay $0x4  }
0x48: {  	v4 =	vshll.u32 v3, $0x1  }
0x49: {  	v3 =	vand.u32 $0x7, v3;
	v4 =	vand.u32 $0xFFFFFFF0, v4  }
0x4a: {  	v3 =	vor.u32 v3, v4  }
0x4b: {  	v4 =	vperm.xlane v3, v0;
	_ =	sdelay $0x1  }
0x4c: {  	v3 =	vperm.xlane v3, v2;
	v4 =	vadd.s32 v1, v4;
	_ =	sdelay $0x1  }
0x4d: {  	v3 =	vadd.s32 v1, v3;
	_ =	sdelay $0x1  }
0x4e: {  	s23 =	simm.s32 $0x3400  }
0x4f: {  	[tilespmem:s23], [sflag:$0x1] =	stream.indirect_vreg.gather [hbm4b:s1+s3], $0x80, v4, vm0, $0xb8;
	[tilespmem:$0x1AC00] =	vst v63  }
0x50: {  	s23 =	simm.s32 $0x3C00  }
0x51: {  	[tilespmem:s23], [sflag:$0x1] =	stream.indirect_vreg.gather [hbm4b:s1+s3], $0x80, v3, vm0, $0xb8;
	[tilespmem:$0x1AC00] =	vst v63  }
0x52: {  	v3 =	vld [tilespmem:$0x40];
	_ =	sdelay $0x4  }
0x53: {  	v4 =	vshll.u32 v3, $0x1  }
0x54: {  	v3 =	vand.u32 $0x7, v3;
	v4 =	vand.u32 $0xFFFFFFF0, v4  }
0x55: {  	v3 =	vor.u32 v3, v4  }
0x56: {  	v4 =	vperm.xlane v3, v0;
	_ =	sdelay $0x1  }
0x57: {  	v3 =	vperm.xlane v3, v2;
	v4 =	vadd.s32 v1, v4;
	_ =	sdelay $0x1  }
0x58: {  	v3 =	vadd.s32 v1, v3;
	_ =	sdelay $0x1  }
0x59: {  	s23 =	simm.s32 $0x4400  }
0x5a: {  	[tilespmem:s23], [sflag:$0x1] =	stream.indirect_vreg.gather [hbm4b:s1+s3], $0x80, v4, vm0, $0xb8;
	[tilespmem:$0x1AC00] =	vst v63  }
0x5b: {  	s23 =	simm.s32 $0x4C00  }
0x5c: {  	[tilespmem:s23], [sflag:$0x1] =	stream.indirect_vreg.gather [hbm4b:s1+s3], $0x80, v3, vm0, $0xb8;
	[tilespmem:$0x1AC00] =	vst v63  }
0x5d: {  	v3 =	vld [tilespmem:$0x50];
	_ =	sdelay $0x4  }
0x5e: {  	v4 =	vshll.u32 v3, $0x1  }
0x5f: {  	v3 =	vand.u32 $0x7, v3;
	v4 =	vand.u32 $0xFFFFFFF0, v4  }
0x60: {  	v3 =	vor.u32 v3, v4  }
0x61: {  	v4 =	vperm.xlane v3, v0;
	_ =	sdelay $0x1  }
0x62: {  	v3 =	vperm.xlane v3, v2;
	v4 =	vadd.s32 v1, v4;
	_ =	sdelay $0x1  }
0x63: {  	v3 =	vadd.s32 v1, v3;
	_ =	sdelay $0x1  }
0x64: {  	s23 =	simm.s32 $0x5400  }
0x65: {  	[tilespmem:s23], [sflag:$0x1] =	stream.indirect_vreg.gather [hbm4b:s1+s3], $0x80, v4, vm0, $0xb8;
	[tilespmem:$0x1AC00] =	vst v63  }
0x66: {  	s23 =	simm.s32 $0x5C00  }
0x67: {  	[tilespmem:s23], [sflag:$0x1] =	stream.indirect_vreg.gather [hbm4b:s1+s3], $0x80, v3, vm0, $0xb8;
	[tilespmem:$0x1AC00] =	vst v63  }
0x68: {  	v3 =	vld.msk [tilespmem:$0x60], $0xff;
	_ =	sdelay $0x4  }
0x69: {  	v4 =	vshll.u32 v3, $0x1  }
0x6a: {  	v3 =	vand.u32 $0x7, v3;
	v4 =	vand.u32 $0xFFFFFFF0, v4  }
0x6b: {  	v3 =	vor.u32 v3, v4  }
0x6c: {  	v3 =	vperm.xlane v3, v0;
	_ =	sdelay $0x1  }
0x6d: {  	v3 =	vadd.s32 v1, v3;
	_ =	sdelay $0x3  }
0x6e: {  	s23 =	simm.s32 $0x6400  }
0x6f: {  	[tilespmem:s23], [sflag:$0x1] =	stream.indirect_vreg.gather [hbm4b:s1+s3], $0x80, v3, vm0, $0xb8;
	[tilespmem:$0x1AC00] =	vst v63  }
0x70: {  	v3 =	vld [tilespmem:$0x80];
	_ =	sdelay $0x4  }
0x71: {  	v4 =	vshll.u32 v3, $0x1  }
0x72: {  	v3 =	vand.u32 $0x7, v3;
	v4 =	vand.u32 $0xFFFFFFF0, v4  }
0x73: {  	v3 =	vor.u32 v3, v4  }
0x74: {  	v4 =	vperm.xlane v3, v0;
	_ =	sdelay $0x1  }
0x75: {  	v3 =	vperm.xlane v3, v2;
	v4 =	vadd.s32 v1, v4;
	_ =	sdelay $0x1  }
0x76: {  	v3 =	vadd.s32 v1, v3;
	_ =	sdelay $0x1  }
0x77: {  	s23 =	simm.s32 $0x6C00  }
0x78: {  	[tilespmem:s23], [sflag:$0x2] =	stream.indirect_vreg.gather [hbm4b:s1+s3], $0x80, v4, vm0, $0xb8;
	[tilespmem:$0x1AC00] =	vst v63  }
0x79: {  	s23 =	simm.s32 $0x7400  }
0x7a: {  	[tilespmem:s23], [sflag:$0x2] =	stream.indirect_vreg.gather [hbm4b:s1+s3], $0x80, v3, vm0, $0xb8;
	[tilespmem:$0x1AC00] =	vst v63  }
0x7b: {  	v3 =	vld [tilespmem:$0x90];
	_ =	sdelay $0x4  }
0x7c: {  	v4 =	vshll.u32 v3, $0x1  }
0x7d: {  	v3 =	vand.u32 $0x7, v3;
	v4 =	vand.u32 $0xFFFFFFF0, v4  }
0x7e: {  	v3 =	vor.u32 v3, v4  }
0x7f: {  	v4 =	vperm.xlane v3, v0;
	_ =	sdelay $0x1  }
0x80: {  	v3 =	vperm.xlane v3, v2;
	v4 =	vadd.s32 v1, v4;
	_ =	sdelay $0x1  }
0x81: {  	v3 =	vadd.s32 v1, v3;
	_ =	sdelay $0x1  }
0x82: {  	s23 =	simm.s32 $0x7C00  }
0x83: {  	[tilespmem:s23], [sflag:$0x2] =	stream.indirect_vreg.gather [hbm4b:s1+s3], $0x80, v4, vm0, $0xb8;
	[tilespmem:$0x1AC00] =	vst v63  }
0x84: {  	s23 =	simm.s32 $0x8400  }
0x85: {  	[tilespmem:s23], [sflag:$0x2] =	stream.indirect_vreg.gather [hbm4b:s1+s3], $0x80, v3, vm0, $0xb8;
	[tilespmem:$0x1AC00] =	vst v63  }
0x86: {  	v3 =	vld [tilespmem:$0xA0];
	_ =	sdelay $0x4  }
0x87: {  	v4 =	vshll.u32 v3, $0x1  }
0x88: {  	v3 =	vand.u32 $0x7, v3;
	v4 =	vand.u32 $0xFFFFFFF0, v4  }
0x89: {  	v3 =	vor.u32 v3, v4  }
0x8a: {  	v4 =	vperm.xlane v3, v0;
	_ =	sdelay $0x1  }
0x8b: {  	v3 =	vperm.xlane v3, v2;
	v4 =	vadd.s32 v1, v4;
	_ =	sdelay $0x1  }
0x8c: {  	v3 =	vadd.s32 v1, v3;
	_ =	sdelay $0x1  }
0x8d: {  	s23 =	simm.s32 $0x8C00  }
0x8e: {  	[tilespmem:s23], [sflag:$0x2] =	stream.indirect_vreg.gather [hbm4b:s1+s3], $0x80, v4, vm0, $0xb8;
	[tilespmem:$0x1AC00] =	vst v63  }
0x8f: {  	s23 =	simm.s32 $0x9400  }
0x90: {  	[tilespmem:s23], [sflag:$0x2] =	stream.indirect_vreg.gather [hbm4b:s1+s3], $0x80, v3, vm0, $0xb8;
	[tilespmem:$0x1AC00] =	vst v63  }
0x91: {  	v3 =	vld [tilespmem:$0xB0];
	_ =	sdelay $0x4  }
0x92: {  	v4 =	vshll.u32 v3, $0x1  }
0x93: {  	v3 =	vand.u32 $0x7, v3;
	v4 =	vand.u32 $0xFFFFFFF0, v4  }
0x94: {  	v3 =	vor.u32 v3, v4  }
0x95: {  	v4 =	vperm.xlane v3, v0;
	_ =	sdelay $0x1  }
0x96: {  	v3 =	vperm.xlane v3, v2;
	v4 =	vadd.s32 v1, v4;
	_ =	sdelay $0x1  }
0x97: {  	v3 =	vadd.s32 v1, v3;
	_ =	sdelay $0x1  }
0x98: {  	s23 =	simm.s32 $0x9C00  }
0x99: {  	[tilespmem:s23], [sflag:$0x2] =	stream.indirect_vreg.gather [hbm4b:s1+s3], $0x80, v4, vm0, $0xb8;
	[tilespmem:$0x1AC00] =	vst v63  }
0x9a: {  	s23 =	simm.s32 $0xA400  }
0x9b: {  	[tilespmem:s23], [sflag:$0x2] =	stream.indirect_vreg.gather [hbm4b:s1+s3], $0x80, v3, vm0, $0xb8;
	[tilespmem:$0x1AC00] =	vst v63  }
0x9c: {  	v3 =	vld [tilespmem:$0xC0];
	_ =	sdelay $0x4  }
0x9d: {  	v4 =	vshll.u32 v3, $0x1  }
0x9e: {  	v3 =	vand.u32 $0x7, v3;
	v4 =	vand.u32 $0xFFFFFFF0, v4  }
0x9f: {  	v3 =	vor.u32 v3, v4  }
0xa0: {  	v4 =	vperm.xlane v3, v0;
	_ =	sdelay $0x1  }
0xa1: {  	v3 =	vperm.xlane v3, v2;
	v4 =	vadd.s32 v1, v4;
	_ =	sdelay $0x1  }
0xa2: {  	v3 =	vadd.s32 v1, v3;
	_ =	sdelay $0x1  }
0xa3: {  	s23 =	simm.s32 $0xAC00  }
0xa4: {  	[tilespmem:s23], [sflag:$0x2] =	stream.indirect_vreg.gather [hbm4b:s1+s3], $0x80, v4, vm0, $0xb8;
	[tilespmem:$0x1AC00] =	vst v63  }
0xa5: {  	s23 =	simm.s32 $0xB400  }
0xa6: {  	[tilespmem:s23], [sflag:$0x2] =	stream.indirect_vreg.gather [hbm4b:s1+s3], $0x80, v3, vm0, $0xb8;
	[tilespmem:$0x1AC00] =	vst v63  }
0xa7: {  	v3 =	vld [tilespmem:$0xD0];
	_ =	sdelay $0x4  }
0xa8: {  	v4 =	vshll.u32 v3, $0x1  }
0xa9: {  	v3 =	vand.u32 $0x7, v3;
	v4 =	vand.u32 $0xFFFFFFF0, v4  }
0xaa: {  	v3 =	vor.u32 v3, v4  }
0xab: {  	v4 =	vperm.xlane v3, v0;
	_ =	sdelay $0x1  }
0xac: {  	v3 =	vperm.xlane v3, v2;
	v4 =	vadd.s32 v1, v4;
	_ =	sdelay $0x1  }
0xad: {  	v3 =	vadd.s32 v1, v3;
	_ =	sdelay $0x1  }
0xae: {  	s23 =	simm.s32 $0xBC00  }
0xaf: {  	[tilespmem:s23], [sflag:$0x2] =	stream.indirect_vreg.gather [hbm4b:s1+s3], $0x80, v4, vm0, $0xb8;
	[tilespmem:$0x1AC00] =	vst v63  }
0xb0: {  	s23 =	simm.s32 $0xC400  }
0xb1: {  	[tilespmem:s23], [sflag:$0x2] =	stream.indirect_vreg.gather [hbm4b:s1+s3], $0x80, v3, vm0, $0xb8;
	[tilespmem:$0x1AC00] =	vst v63  }
0xb2: {  	v3 =	vld.msk [tilespmem:$0xE0], $0xff;
	_ =	sdelay $0x4  }
0xb3: {  	v4 =	vshll.u32 v3, $0x1  }
0xb4: {  	v3 =	vand.u32 $0x7, v3;
	v4 =	vand.u32 $0xFFFFFFF0, v4  }
0xb5: {  	v3 =	vor.u32 v3, v4  }
0xb6: {  	v3 =	vperm.xlane v3, v0;
	_ =	sdelay $0x1  }
0xb7: {  	v3 =	vadd.s32 v1, v3;
	_ =	sdelay $0x3  }
0xb8: {  	s23 =	simm.s32 $0xCC00  }
0xb9: {  	[tilespmem:s23], [sflag:$0x2] =	stream.indirect_vreg.gather [hbm4b:s1+s3], $0x80, v3, vm0, $0xb8;
	[tilespmem:$0x1AC00] =	vst v63  }
0xba: {  	v3 =	vld [tilespmem:$0x100];
	_ =	sdelay $0x4  }
0xbb: {  	v4 =	vshll.u32 v3, $0x1  }
0xbc: {  	v3 =	vand.u32 $0x7, v3;
	v4 =	vand.u32 $0xFFFFFFF0, v4  }
0xbd: {  	v3 =	vor.u32 v3, v4  }
0xbe: {  	v4 =	vperm.xlane v3, v0;
	_ =	sdelay $0x1  }
0xbf: {  	v3 =	vperm.xlane v3, v2;
	v4 =	vadd.s32 v1, v4;
	_ =	sdelay $0x1  }
0xc0: {  	v3 =	vadd.s32 v1, v3;
	_ =	sdelay $0x1  }
0xc1: {  	s23 =	simm.s32 $0xD400  }
0xc2: {  	[tilespmem:s23], [sflag:$0x3] =	stream.indirect_vreg.gather [hbm4b:s1+s3], $0x80, v4, vm0, $0xb8;
	[tilespmem:$0x1AC00] =	vst v63  }
0xc3: {  	s23 =	simm.s32 $0xDC00  }
0xc4: {  	[tilespmem:s23], [sflag:$0x3] =	stream.indirect_vreg.gather [hbm4b:s1+s3], $0x80, v3, vm0, $0xb8;
	[tilespmem:$0x1AC00] =	vst v63  }
0xc5: {  	v3 =	vld [tilespmem:$0x110];
	_ =	sdelay $0x4  }
0xc6: {  	v4 =	vshll.u32 v3, $0x1  }
0xc7: {  	v3 =	vand.u32 $0x7, v3;
	v4 =	vand.u32 $0xFFFFFFF0, v4  }
0xc8: {  	v3 =	vor.u32 v3, v4  }
0xc9: {  	v4 =	vperm.xlane v3, v0;
	_ =	sdelay $0x1  }
0xca: {  	v3 =	vperm.xlane v3, v2;
	v4 =	vadd.s32 v1, v4;
	_ =	sdelay $0x1  }
0xcb: {  	v3 =	vadd.s32 v1, v3;
	_ =	sdelay $0x1  }
0xcc: {  	s23 =	simm.s32 $0xE400  }
0xcd: {  	[tilespmem:s23], [sflag:$0x3] =	stream.indirect_vreg.gather [hbm4b:s1+s3], $0x80, v4, vm0, $0xb8;
	[tilespmem:$0x1AC00] =	vst v63  }
0xce: {  	s23 =	simm.s32 $0xEC00  }
0xcf: {  	[tilespmem:s23], [sflag:$0x3] =	stream.indirect_vreg.gather [hbm4b:s1+s3], $0x80, v3, vm0, $0xb8;
	[tilespmem:$0x1AC00] =	vst v63  }
0xd0: {  	v3 =	vld [tilespmem:$0x120];
	_ =	sdelay $0x4  }
0xd1: {  	v4 =	vshll.u32 v3, $0x1  }
0xd2: {  	v3 =	vand.u32 $0x7, v3;
	v4 =	vand.u32 $0xFFFFFFF0, v4  }
0xd3: {  	v3 =	vor.u32 v3, v4  }
0xd4: {  	v4 =	vperm.xlane v3, v0;
	_ =	sdelay $0x1  }
0xd5: {  	v3 =	vperm.xlane v3, v2;
	v4 =	vadd.s32 v1, v4;
	_ =	sdelay $0x1  }
0xd6: {  	v3 =	vadd.s32 v1, v3;
	_ =	sdelay $0x1  }
0xd7: {  	s23 =	simm.s32 $0xF400  }
0xd8: {  	[tilespmem:s23], [sflag:$0x3] =	stream.indirect_vreg.gather [hbm4b:s1+s3], $0x80, v4, vm0, $0xb8;
	[tilespmem:$0x1AC00] =	vst v63  }
0xd9: {  	s23 =	simm.s32 $0xFC00  }
0xda: {  	[tilespmem:s23], [sflag:$0x3] =	stream.indirect_vreg.gather [hbm4b:s1+s3], $0x80, v3, vm0, $0xb8;
	[tilespmem:$0x1AC00] =	vst v63  }
0xdb: {  	v3 =	vld [tilespmem:$0x130];
	_ =	sdelay $0x4  }
0xdc: {  	v4 =	vshll.u32 v3, $0x1  }
0xdd: {  	v3 =	vand.u32 $0x7, v3;
	v4 =	vand.u32 $0xFFFFFFF0, v4  }
0xde: {  	v3 =	vor.u32 v3, v4  }
0xdf: {  	v4 =	vperm.xlane v3, v0;
	_ =	sdelay $0x1  }
0xe0: {  	v3 =	vperm.xlane v3, v2;
	v4 =	vadd.s32 v1, v4;
	_ =	sdelay $0x1  }
0xe1: {  	v3 =	vadd.s32 v1, v3;
	_ =	sdelay $0x1  }
0xe2: {  	s23 =	simm.s32 $0x10400  }
0xe3: {  	[tilespmem:s23], [sflag:$0x3] =	stream.indirect_vreg.gather [hbm4b:s1+s3], $0x80, v4, vm0, $0xb8;
	[tilespmem:$0x1AC00] =	vst v63  }
0xe4: {  	s23 =	simm.s32 $0x10C00  }
0xe5: {  	[tilespmem:s23], [sflag:$0x3] =	stream.indirect_vreg.gather [hbm4b:s1+s3], $0x80, v3, vm0, $0xb8;
	[tilespmem:$0x1AC00] =	vst v63  }
0xe6: {  	v3 =	vld [tilespmem:$0x140];
	_ =	sdelay $0x4  }
0xe7: {  	v4 =	vshll.u32 v3, $0x1  }
0xe8: {  	v3 =	vand.u32 $0x7, v3;
	v4 =	vand.u32 $0xFFFFFFF0, v4  }
0xe9: {  	v3 =	vor.u32 v3, v4  }
0xea: {  	v4 =	vperm.xlane v3, v0;
	_ =	sdelay $0x1  }
0xeb: {  	v3 =	vperm.xlane v3, v2;
	v4 =	vadd.s32 v1, v4;
	_ =	sdelay $0x1  }
0xec: {  	v3 =	vadd.s32 v1, v3;
	_ =	sdelay $0x1  }
0xed: {  	s23 =	simm.s32 $0x11400  }
0xee: {  	[tilespmem:s23], [sflag:$0x3] =	stream.indirect_vreg.gather [hbm4b:s1+s3], $0x80, v4, vm0, $0xb8;
	[tilespmem:$0x1AC00] =	vst v63  }
0xef: {  	s23 =	simm.s32 $0x11C00  }
0xf0: {  	[tilespmem:s23], [sflag:$0x3] =	stream.indirect_vreg.gather [hbm4b:s1+s3], $0x80, v3, vm0, $0xb8;
	[tilespmem:$0x1AC00] =	vst v63  }
0xf1: {  	v3 =	vld [tilespmem:$0x150];
	_ =	sdelay $0x4  }
0xf2: {  	v4 =	vshll.u32 v3, $0x1  }
0xf3: {  	v3 =	vand.u32 $0x7, v3;
	v4 =	vand.u32 $0xFFFFFFF0, v4  }
0xf4: {  	v3 =	vor.u32 v3, v4  }
0xf5: {  	v4 =	vperm.xlane v3, v0;
	_ =	sdelay $0x1  }
0xf6: {  	v3 =	vperm.xlane v3, v2;
	v4 =	vadd.s32 v1, v4;
	_ =	sdelay $0x1  }
0xf7: {  	v3 =	vadd.s32 v1, v3;
	_ =	sdelay $0x1  }
0xf8: {  	s23 =	simm.s32 $0x12400  }
0xf9: {  	[tilespmem:s23], [sflag:$0x3] =	stream.indirect_vreg.gather [hbm4b:s1+s3], $0x80, v4, vm0, $0xb8;
	[tilespmem:$0x1AC00] =	vst v63  }
0xfa: {  	s23 =	simm.s32 $0x12C00  }
0xfb: {  	[tilespmem:s23], [sflag:$0x3] =	stream.indirect_vreg.gather [hbm4b:s1+s3], $0x80, v3, vm0, $0xb8;
	[tilespmem:$0x1AC00] =	vst v63  }
0xfc: {  	v3 =	vld.msk [tilespmem:$0x160], $0xff;
	_ =	sdelay $0x4  }
0xfd: {  	v4 =	vshll.u32 v3, $0x1  }
0xfe: {  	v3 =	vand.u32 $0x7, v3;
	v4 =	vand.u32 $0xFFFFFFF0, v4  }
0xff: {  	v3 =	vor.u32 v3, v4  }
0x100: {  	v3 =	vperm.xlane v3, v0;
	_ =	sdelay $0x1  }
0x101: {  	v3 =	vadd.s32 v1, v3;
	_ =	sdelay $0x3  }
0x102: {  	s23 =	simm.s32 $0x13400  }
0x103: {  	[tilespmem:s23], [sflag:$0x3] =	stream.indirect_vreg.gather [hbm4b:s1+s3], $0x80, v3, vm0, $0xb8;
	[tilespmem:$0x1AC00] =	vst v63  }
0x104: {  	v3 =	vld [tilespmem:$0x180];
	_ =	sdelay $0x4  }
0x105: {  	v4 =	vshll.u32 v3, $0x1  }
0x106: {  	v3 =	vand.u32 $0x7, v3;
	v4 =	vand.u32 $0xFFFFFFF0, v4  }
0x107: {  	v3 =	vor.u32 v3, v4  }
0x108: {  	v4 =	vperm.xlane v3, v0;
	_ =	sdelay $0x1  }
0x109: {  	v3 =	vperm.xlane v3, v2;
	v4 =	vadd.s32 v1, v4;
	_ =	sdelay $0x1  }
0x10a: {  	v3 =	vadd.s32 v1, v3;
	_ =	sdelay $0x1  }
0x10b: {  	s23 =	simm.s32 $0x13C00  }
0x10c: {  	[tilespmem:s23], [sflag:$0x4] =	stream.indirect_vreg.gather [hbm4b:s1+s3], $0x80, v4, vm0, $0xb8;
	[tilespmem:$0x1AC00] =	vst v63  }
0x10d: {  	s23 =	simm.s32 $0x14400  }
0x10e: {  	[tilespmem:s23], [sflag:$0x4] =	stream.indirect_vreg.gather [hbm4b:s1+s3], $0x80, v3, vm0, $0xb8;
	[tilespmem:$0x1AC00] =	vst v63  }
0x10f: {  	v3 =	vld [tilespmem:$0x190];
	_ =	sdelay $0x4  }
0x110: {  	v4 =	vshll.u32 v3, $0x1  }
0x111: {  	v3 =	vand.u32 $0x7, v3;
	v4 =	vand.u32 $0xFFFFFFF0, v4  }
0x112: {  	v3 =	vor.u32 v3, v4  }
0x113: {  	v4 =	vperm.xlane v3, v0;
	_ =	sdelay $0x1  }
0x114: {  	v3 =	vperm.xlane v3, v2;
	v4 =	vadd.s32 v1, v4;
	_ =	sdelay $0x1  }
0x115: {  	v3 =	vadd.s32 v1, v3;
	_ =	sdelay $0x1  }
0x116: {  	s23 =	simm.s32 $0x14C00  }
0x117: {  	[tilespmem:s23], [sflag:$0x4] =	stream.indirect_vreg.gather [hbm4b:s1+s3], $0x80, v4, vm0, $0xb8;
	[tilespmem:$0x1AC00] =	vst v63  }
0x118: {  	s23 =	simm.s32 $0x15400  }
0x119: {  	[tilespmem:s23], [sflag:$0x4] =	stream.indirect_vreg.gather [hbm4b:s1+s3], $0x80, v3, vm0, $0xb8;
	[tilespmem:$0x1AC00] =	vst v63  }
0x11a: {  	v3 =	vld [tilespmem:$0x1A0];
	_ =	sdelay $0x4  }
0x11b: {  	v4 =	vshll.u32 v3, $0x1  }
0x11c: {  	v3 =	vand.u32 $0x7, v3;
	v4 =	vand.u32 $0xFFFFFFF0, v4  }
0x11d: {  	v3 =	vor.u32 v3, v4  }
0x11e: {  	v4 =	vperm.xlane v3, v0;
	_ =	sdelay $0x1  }
0x11f: {  	v3 =	vperm.xlane v3, v2;
	v4 =	vadd.s32 v1, v4;
	_ =	sdelay $0x1  }
0x120: {  	v3 =	vadd.s32 v1, v3;
	_ =	sdelay $0x1  }
0x121: {  	s23 =	simm.s32 $0x15C00  }
0x122: {  	[tilespmem:s23], [sflag:$0x4] =	stream.indirect_vreg.gather [hbm4b:s1+s3], $0x80, v4, vm0, $0xb8;
	[tilespmem:$0x1AC00] =	vst v63  }
0x123: {  	s23 =	simm.s32 $0x16400  }
0x124: {  	[tilespmem:s23], [sflag:$0x4] =	stream.indirect_vreg.gather [hbm4b:s1+s3], $0x80, v3, vm0, $0xb8;
	[tilespmem:$0x1AC00] =	vst v63  }
0x125: {  	v3 =	vld [tilespmem:$0x1B0];
	_ =	sdelay $0x4  }
0x126: {  	v4 =	vshll.u32 v3, $0x1  }
0x127: {  	v3 =	vand.u32 $0x7, v3;
	v4 =	vand.u32 $0xFFFFFFF0, v4  }
0x128: {  	v3 =	vor.u32 v3, v4  }
0x129: {  	v4 =	vperm.xlane v3, v0;
	_ =	sdelay $0x1  }
0x12a: {  	v3 =	vperm.xlane v3, v2;
	v4 =	vadd.s32 v1, v4;
	_ =	sdelay $0x1  }
0x12b: {  	v3 =	vadd.s32 v1, v3;
	_ =	sdelay $0x1  }
0x12c: {  	s23 =	simm.s32 $0x16C00  }
0x12d: {  	[tilespmem:s23], [sflag:$0x4] =	stream.indirect_vreg.gather [hbm4b:s1+s3], $0x80, v4, vm0, $0xb8;
	[tilespmem:$0x1AC00] =	vst v63  }
0x12e: {  	s23 =	simm.s32 $0x17400  }
0x12f: {  	[tilespmem:s23], [sflag:$0x4] =	stream.indirect_vreg.gather [hbm4b:s1+s3], $0x80, v3, vm0, $0xb8;
	[tilespmem:$0x1AC00] =	vst v63  }
0x130: {  	v3 =	vld [tilespmem:$0x1C0];
	_ =	sdelay $0x4  }
0x131: {  	v4 =	vshll.u32 v3, $0x1  }
0x132: {  	v3 =	vand.u32 $0x7, v3;
	v4 =	vand.u32 $0xFFFFFFF0, v4  }
0x133: {  	v3 =	vor.u32 v3, v4  }
0x134: {  	v4 =	vperm.xlane v3, v0;
	_ =	sdelay $0x1  }
0x135: {  	v3 =	vperm.xlane v3, v2;
	v4 =	vadd.s32 v1, v4;
	_ =	sdelay $0x1  }
0x136: {  	v3 =	vadd.s32 v1, v3;
	_ =	sdelay $0x1  }
0x137: {  	s23 =	simm.s32 $0x17C00  }
0x138: {  	[tilespmem:s23], [sflag:$0x4] =	stream.indirect_vreg.gather [hbm4b:s1+s3], $0x80, v4, vm0, $0xb8;
	[tilespmem:$0x1AC00] =	vst v63  }
0x139: {  	s23 =	simm.s32 $0x18400  }
0x13a: {  	[tilespmem:s23], [sflag:$0x4] =	stream.indirect_vreg.gather [hbm4b:s1+s3], $0x80, v3, vm0, $0xb8;
	[tilespmem:$0x1AC00] =	vst v63  }
0x13b: {  	v3 =	vld [tilespmem:$0x1D0];
	_ =	sdelay $0x4  }
0x13c: {  	v4 =	vshll.u32 v3, $0x1  }
0x13d: {  	v3 =	vand.u32 $0x7, v3;
	v4 =	vand.u32 $0xFFFFFFF0, v4  }
0x13e: {  	v3 =	vor.u32 v3, v4  }
0x13f: {  	v4 =	vperm.xlane v3, v0;
	_ =	sdelay $0x1  }
0x140: {  	v3 =	vperm.xlane v3, v2;
	v4 =	vadd.s32 v1, v4;
	_ =	sdelay $0x1  }
0x141: {  	v3 =	vadd.s32 v1, v3;
	_ =	sdelay $0x1  }
0x142: {  	s23 =	simm.s32 $0x18C00  }
0x143: {  	[tilespmem:s23], [sflag:$0x4] =	stream.indirect_vreg.gather [hbm4b:s1+s3], $0x80, v4, vm0, $0xb8;
	[tilespmem:$0x1AC00] =	vst v63  }
0x144: {  	s23 =	simm.s32 $0x19400  }
0x145: {  	[tilespmem:s23], [sflag:$0x4] =	stream.indirect_vreg.gather [hbm4b:s1+s3], $0x80, v3, vm0, $0xb8;
	[tilespmem:$0x1AC00] =	vst v63  }
0x146: {  	v3 =	vld.msk [tilespmem:$0x1E0], $0xff;
	_ =	sdelay $0x4  }
0x147: {  	v4 =	vshll.u32 v3, $0x1  }
0x148: {  	v3 =	vand.u32 $0x7, v3;
	v4 =	vand.u32 $0xFFFFFFF0, v4  }
0x149: {  	v3 =	vor.u32 v3, v4  }
0x14a: {  	v3 =	vperm.xlane v3, v0;
	_ =	sdelay $0x1  }
0x14b: {  	v3 =	vadd.s32 v1, v3;
	_ =	sdelay $0x3  }
0x14c: {  	s23 =	simm.s32 $0x19C00  }
0x14d: {  	[tilespmem:s23], [sflag:$0x4] =	stream.indirect_vreg.gather [hbm4b:s1+s3], $0x80, v3, vm0, $0xb8;
	[tilespmem:$0x1AC00] =	vst v63  }
0x14e: {  	_ = 	snop  }
0x14f: {  	[tilespmem:s25], [sflag:$0x5] =	stream.indirect.gather [hbm4b:s4+s24], $0x1, s3, s24, $0xb8;
	[tilespmem:$0x1AC00] =	vst v63  }
0x150: {  	_ = 	snop  }
0x151: {  	[tilespmem:s26], [sflag:$0x5] =	stream.indirect.gather [hbm4b:s4+s24], $0x1, s5, s24, $0xb8;
	[tilespmem:$0x1AC00] =	vst v63  }
0x152: {  	_ = 	snop  }
0x153: {  	[tilespmem:s28], [sflag:$0x5] =	stream.indirect.gather [hbm4b:s4+s24], $0x1, s16, s24, $0xb8;
	[tilespmem:$0x1AC00] =	vst v63  }
0x154: {  	_ = 	snop  }
0x155: {  	[tilespmem:s29], [sflag:$0x5] =	stream.indirect.gather [hbm4b:s4+s24], $0x1, s17, s24, $0xb8;
	[tilespmem:$0x1AC00] =	vst v63  }
0x156: {  	_ =	swait.ge [sflag:s30], $0x6800  }
0x157: {  	s18 =	sand.u32 $0x7800, s3;
	s23 =	sand.u32 $0x200, s3;
	[sflag:s30] =	ssyncset.done $0x0  }
0x158: {  	s23 =	sor.u32 s23, s18;
	[sflag:s30] =	ssyncadd.s32 $0xFFFF9800  }
0x159: {  	v4 =	vld [tilespmem:s23+$0x400]  }
0x15a: {  	v5 =	vld [tilespmem:s23+$0x410]  }
0x15b: {  	v6 =	vld [tilespmem:s23+$0x480]  }
0x15c: {  	v7 =	vld [tilespmem:s23+$0x490]  }
0x15d: {  	v15 =	vld [tilespmem:s23+$0x420]  }
0x15e: {  	v8 =	vld [tilespmem:s23+$0x500]  }
0x15f: {  	v3 =	vimm.f32 $0.0e+00;
	v10 =	vld [tilespmem:s23+$0x510];
	v9 =	vmul.f32 v4, v4  }
0x160: {  	v12 =	vld [tilespmem:s23+$0x580];
	v11 =	vmul.f32 v5, v5;
	v4 =	vadd.f32 v4, v3;
	v13 =	vmul.f32 v6, v6  }
0x161: {  	v14 =	vld [tilespmem:s23+$0x590];
	v5 =	vadd.f32 v5, v3;
	v16 =	vmul.f32 v7, v7;
	v9 =	vadd.f32 v9, v3  }
0x162: {  	v19 =	vld [tilespmem:s23+$0x450];
	v18 =	vmul.f32 v15, v15;
	v11 =	vadd.f32 v11, v3;
	v4 =	vadd.f32 v6, v4  }
0x163: {  	v17 =	vld [tilespmem:s23+$0x430];
	v5 =	vadd.f32 v7, v5;
	v6 =	vadd.f32 v13, v9;
	v9 =	vmul.f32 v8, v8  }
0x164: {  	v7 =	vadd.f32 v16, v11;
	v11 =	vld [tilespmem:s23+$0x4A0];
	v13 =	vmul.f32 v10, v10;
	v4 =	vadd.f32 v8, v4  }
0x165: {  	v16 =	vld [tilespmem:s23+$0x4B0];
	v8 =	vmul.f32 v12, v12;
	v5 =	vadd.f32 v10, v5;
	v6 =	vadd.f32 v9, v6  }
0x166: {  	v10 =	vld [tilespmem:s23+$0x520];
	v9 =	vadd.f32 v13, v7;
	v13 =	vmul.f32 v14, v14;
	v7 =	vadd.f32 v12, v4  }
0x167: {  	v21 =	vld [tilespmem:s23+$0x530];
	v27 =	vmul.f32 v19, v19;
	v5 =	vadd.f32 v14, v5;
	v12 =	vadd.f32 v15, v3  }
0x168: {  	v6 =	vadd.f32 v8, v6;
	v8 =	vmul.f32 v17, v17;
	v4 =	vadd.f32 v13, v9;
	v9 =	vld [tilespmem:s23+$0x5A0]  }
0x169: {  	v13 =	vadd.f32 v18, v3;
	v17 =	vadd.f32 v17, v3;
	v18 =	vld [tilespmem:s23+$0x440];
	v14 =	vmul.f32 v11, v11  }
0x16a: {  	v15 =	vld [tilespmem:s23+$0x5B0];
	v20 =	vmul.f32 v16, v16;
	v11 =	vadd.f32 v11, v12;
	v8 =	vadd.f32 v8, v3  }
0x16b: {  	v12 =	vadd.f32 v14, v13;
	v13 =	vmul.f32 v10, v10;
	v14 =	vadd.f32 v16, v17  }
0x16c: {  	v16 =	vmul.f32 v21, v21;
	v10 =	vadd.f32 v10, v11;
	v8 =	vadd.f32 v20, v8  }
0x16d: {  	v20 =	vld [tilespmem:s23+$0x4C0];
	v12 =	vadd.f32 v13, v12;
	v13 =	vmul.f32 v9, v9;
	v14 =	vadd.f32 v21, v14  }
0x16e: {  	v22 =	vld [tilespmem:s23+$0x4D0];
	v17 =	vmul.f32 v18, v18;
	v11 =	vadd.f32 v9, v10;
	v26 =	vadd.f32 v18, v3  }
0x16f: {  	v25 =	vld [tilespmem:s23+$0x540];
	v8 =	vadd.f32 v16, v8;
	v16 =	vmul.f32 v15, v15;
	v10 =	vadd.f32 v13, v12  }
0x170: {  	v24 =	vld [tilespmem:s23+$0x550];
	v9 =	vadd.f32 v15, v14;
	v17 =	vadd.f32 v17, v3;
	v14 =	vimm.f32 $0.0e+00  }
0x171: {  	v23 =	vld [tilespmem:s23+$0x5C0];
	v15 =	vimm.f32 $0.0e+00;
	v13 =	vimm.f32 $0.0e+00;
	v12 =	vimm.f32 $0.0e+00  }
0x172: {  	s16 =	simm.s32 $0x200;
	s17 =	simm.s32 $0x0;
	v21 =	vld [tilespmem:s23+$0x5D0];
	v8 =	vadd.f32 v16, v8;
	v16 =	vimm.f32 $0.0e+00;
	v18 =	vmul.f32 v20, v20  }
.LBB2_2:
0x173: {  	p0 =	sne.s32 s16, $0x3000;
	v3 =	vadd.f32 v19, v3;
	v16 =	vadd.f32 v27, v16;
	v19 =	vld [tilespmem:s23+$0x460];
	v27 =	vmul.f32 v22, v22  }
0x174: {  	v28 =	vld [tilespmem:s23+$0x470];
	v20 =	vadd.f32 v20, v26;
	v17 =	vadd.f32 v18, v17;
	v18 =	vmul.f32 v25, v25  }
0x175: {  	v3 =	vadd.f32 v22, v3;
	v16 =	vadd.f32 v27, v16;
	v22 =	vld [tilespmem:s23+$0x4E0];
	v26 =	vmul.f32 v24, v24  }
0x176: {  	v27 =	vld [tilespmem:s23+$0x4F0];
	v20 =	vadd.f32 v25, v20;
	v18 =	vadd.f32 v18, v17;
	v25 =	vmul.f32 v23, v23  }
0x177: {  	v3 =	vadd.f32 v24, v3;
	v16 =	vadd.f32 v26, v16;
	v24 =	vld [tilespmem:s23+$0x560];
	v26 =	vmul.f32 v21, v21  }
0x178: {  	s17 =	sadd.s32 $0x400, s17;
	v29 =	vmul.f32 v19, v19;
	v30 =	vld [tilespmem:s23+$0x570];
	v17 =	vadd.f32 v23, v20;
	v18 =	vadd.f32 v25, v18  }
0x179: {  	s5 =	sand.u32 $0x200, s16;
	s18 =	sand.u32 $0x7800, s17;
	v20 =	vmul.f32 v28, v28;
	v3 =	vadd.f32 v21, v3;
	v16 =	vadd.f32 v26, v16;
	v21 =	vld [tilespmem:s23+$0x5E0]  }
0x17a: {  	v14 =	vadd.f32 v19, v14;
	v15 =	vadd.f32 v29, v15;
	v19 =	vmul.f32 v22, v22;
	v23 =	vld [tilespmem:s23+$0x5F0];
	s23 =	sor.u32 s5, s18  }
0x17b: {  	v13 =	vadd.f32 v28, v13;
	v25 =	vld [tilespmem:s23+$0x400];
	v12 =	vadd.f32 v20, v12;
	v20 =	vmul.f32 v27, v27  }
0x17c: {  	v14 =	vadd.f32 v22, v14;
	v26 =	vld [tilespmem:s23+$0x410];
	v15 =	vadd.f32 v19, v15;
	v19 =	vmul.f32 v24, v24  }
0x17d: {  	v13 =	vadd.f32 v27, v13;
	v22 =	vld [tilespmem:s23+$0x480];
	v12 =	vadd.f32 v20, v12;
	v20 =	vmul.f32 v30, v30  }
0x17e: {  	v14 =	vadd.f32 v24, v14;
	v27 =	vld [tilespmem:s23+$0x490];
	v15 =	vadd.f32 v19, v15;
	v19 =	vmul.f32 v21, v21  }
0x17f: {  	v13 =	vadd.f32 v30, v13;
	v24 =	vld [tilespmem:s23+$0x500];
	v12 =	vadd.f32 v20, v12;
	v20 =	vmul.f32 v23, v23  }
0x180: {  	v14 =	vadd.f32 v21, v14;
	v28 =	vmul.f32 v25, v25;
	v29 =	vld [tilespmem:s23+$0x510];
	v15 =	vadd.f32 v19, v15  }
0x181: {  	v13 =	vadd.f32 v23, v13;
	v19 =	vmul.f32 v26, v26;
	v21 =	vld [tilespmem:s23+$0x580];
	v12 =	vadd.f32 v20, v12  }
0x182: {  	v7 =	vadd.f32 v25, v7;
	v6 =	vadd.f32 v28, v6;
	v20 =	vmul.f32 v22, v22;
	v23 =	vld [tilespmem:s23+$0x590]  }
0x183: {  	v5 =	vadd.f32 v26, v5;
	v4 =	vadd.f32 v19, v4;
	v19 =	vld [tilespmem:s23+$0x420];
	v25 =	vmul.f32 v27, v27  }
0x184: {  	v7 =	vadd.f32 v22, v7;
	v26 =	vld [tilespmem:s23+$0x430];
	v6 =	vadd.f32 v20, v6;
	v20 =	vmul.f32 v24, v24  }
0x185: {  	v5 =	vadd.f32 v27, v5;
	v4 =	vadd.f32 v25, v4;
	v22 =	vld [tilespmem:s23+$0x4A0];
	v25 =	vmul.f32 v29, v29  }
0x186: {  	v7 =	vadd.f32 v24, v7;
	v27 =	vld [tilespmem:s23+$0x4B0];
	v6 =	vadd.f32 v20, v6;
	v20 =	vmul.f32 v21, v21  }
0x187: {  	v5 =	vadd.f32 v29, v5;
	v4 =	vadd.f32 v25, v4;
	v24 =	vld [tilespmem:s23+$0x520];
	v25 =	vmul.f32 v23, v23  }
0x188: {  	v7 =	vadd.f32 v21, v7;
	v28 =	vmul.f32 v19, v19;
	v29 =	vld [tilespmem:s23+$0x530];
	v6 =	vadd.f32 v20, v6  }
0x189: {  	v5 =	vadd.f32 v23, v5;
	v20 =	vmul.f32 v26, v26;
	v4 =	vadd.f32 v25, v4;
	v21 =	vld [tilespmem:s23+$0x5A0]  }
0x18a: {  	v11 =	vadd.f32 v19, v11;
	v10 =	vadd.f32 v28, v10;
	v23 =	vmul.f32 v22, v22;
	v28 =	vld [tilespmem:s23+$0x5B0]  }
0x18b: {  	v9 =	vadd.f32 v26, v9;
	v8 =	vadd.f32 v20, v8;
	v26 =	vld [tilespmem:s23+$0x440];
	v20 =	vmul.f32 v27, v27  }
0x18c: {  	v11 =	vadd.f32 v22, v11;
	v19 =	vld [tilespmem:s23+$0x450];
	v10 =	vadd.f32 v23, v10;
	v23 =	vmul.f32 v24, v24  }
0x18d: {  	v9 =	vadd.f32 v27, v9;
	v8 =	vadd.f32 v20, v8;
	v20 =	vld [tilespmem:s23+$0x4C0];
	v25 =	vmul.f32 v29, v29  }
.Ltmp0:
0x18e: {  	v11 =	vadd.f32 v24, v11;
	v22 =	vld [tilespmem:s23+$0x4D0];
	v10 =	vadd.f32 v23, v10;
	v23 =	vmul.f32 v21, v21;
	(pc) =	sbr.rel @p0 .LBB2_2-.Ltmp0, $4  }
0x18f: {  	v9 =	vadd.f32 v29, v9;
	v8 =	vadd.f32 v25, v8;
	v25 =	vld [tilespmem:s23+$0x540];
	v29 =	vmul.f32 v28, v28  }
0x190: {  	v11 =	vadd.f32 v21, v11;
	v30 =	vmul.f32 v26, v26;
	v24 =	vld [tilespmem:s23+$0x550];
	v10 =	vadd.f32 v23, v10  }
0x191: {  	v9 =	vadd.f32 v28, v9;
	v27 =	vmul.f32 v19, v19;
	v8 =	vadd.f32 v29, v8;
	v23 =	vld [tilespmem:s23+$0x5C0]  }
0x192: {  	s16 =	sadd.s32 $0x200, s16;
	v26 =	vadd.f32 v26, v17;
	v17 =	vadd.f32 v30, v18;
	v18 =	vmul.f32 v20, v20;
	v21 =	vld [tilespmem:s23+$0x5D0]  }
0x193: {  	v28 =	vld [tilespmem:s23+$0x460]  }
0x194: {  	v29 =	vld [tilespmem:s23+$0x470]  }
0x195: {  	v30 =	vld [tilespmem:s23+$0x4E0]  }
0x196: {  	v31 =	vld [tilespmem:s23+$0x4F0]  }
0x197: {  	v32 =	vld [tilespmem:s23+$0x560]  }
0x198: {  	v3 =	vadd.f32 v19, v3;
	v19 =	vld [tilespmem:s23+$0x570];
	v16 =	vadd.f32 v27, v16;
	v27 =	vmul.f32 v22, v22  }
0x199: {  	v20 =	vadd.f32 v20, v26;
	v26 =	vld [tilespmem:s23+$0x5E0];
	v17 =	vadd.f32 v18, v17;
	v18 =	vmul.f32 v25, v25  }
0x19a: {  	v3 =	vadd.f32 v22, v3;
	v22 =	vld [tilespmem:s23+$0x5F0];
	v16 =	vadd.f32 v27, v16;
	[tilespmem:$0x1A400] =	vst v7;
	v7 =	vmul.f32 v24, v24  }
0x19b: {  	[tilespmem:$0x1A800] =	vst v6;
	v20 =	vadd.f32 v25, v20;
	v17 =	vadd.f32 v18, v17;
	v18 =	vmul.f32 v23, v23  }
0x19c: {  	[tilespmem:$0x1A410] =	vst v5;
	v3 =	vadd.f32 v24, v3;
	v6 =	vadd.f32 v7, v16;
	v7 =	vmul.f32 v21, v21  }
0x19d: {  	[tilespmem:$0x1A810] =	vst v4;
	v16 =	vadd.f32 v23, v20;
	v5 =	vmul.f32 v28, v28;
	v17 =	vadd.f32 v18, v17  }
0x19e: {  	[tilespmem:$0x1A420] =	vst v11;
	v4 =	vmul.f32 v29, v29;
	v6 =	vadd.f32 v7, v6;
	v7 =	vadd.f32 v28, v14  }
0x19f: {  	[tilespmem:$0x1A820] =	vst v10;
	v11 =	vmul.f32 v30, v30;
	v13 =	vadd.f32 v29, v13;
	v5 =	vadd.f32 v5, v15  }
0x1a0: {  	[tilespmem:$0x1A430] =	vst v9;
	v10 =	vmul.f32 v31, v31;
	v3 =	vadd.f32 v21, v3;
	v7 =	vadd.f32 v30, v7  }
0x1a1: {  	[tilespmem:$0x1A830] =	vst v8;
	v9 =	vmul.f32 v32, v32;
	v4 =	vadd.f32 v4, v12;
	v5 =	vadd.f32 v11, v5  }
0x1a2: {  	v8 =	vmul.f32 v19, v19;
	[tilespmem:$0x1A440] =	vst v16;
	v11 =	vadd.f32 v31, v13;
	v7 =	vadd.f32 v32, v7  }
0x1a3: {  	[tilespmem:$0x1A840] =	vst v17;
	v4 =	vadd.f32 v10, v4;
	v5 =	vadd.f32 v9, v5;
	v9 =	vmul.f32 v26, v26  }
0x1a4: {  	[tilespmem:$0x1A450] =	vst v3;
	v10 =	vadd.f32 v19, v11;
	v7 =	vadd.f32 v26, v7  }
0x1a5: {  	p0 =	por $0x0, $0x0;
	s5 =	simm.s32 $0x1;
	[tilespmem:$0x1A850] =	vst v6;
	v3 =	vadd.f32 v8, v4;
	v4 =	vmul.f32 v22, v22;
	v5 =	vadd.f32 v9, v5  }
0x1a6: {  	s5 =	simm.s32 @!p0 $0x0;
	v6 =	vadd.f32 v22, v10;
	[tilespmem:$0x1A460] =	vst v7  }
0x1a7: {  	s5 =	sshll.u32 s5, $0x9;
	v3 =	vadd.f32 v4, v3;
	[tilespmem:$0x1A860] =	vst v5  }
0x1a8: {  	s23 =	sadd.s32 $0x0, s5;
	[tilespmem:$0x1A470] =	vst v6  }
0x1a9: {  	s5 =	sor.u32 $0x400, s23;
	[tilespmem:$0x1A870] =	vst v3  }
0x1aa: {  	s18 =	sor.u32 $0x410, s23;
	v4 =	vld [tilespmem:s5+$0x400]  }
0x1ab: {  	s16 =	sor.u32 $0x480, s23;
	v5 =	vld [tilespmem:s18+$0x400]  }
0x1ac: {  	s17 =	sor.u32 $0x490, s23;
	v6 =	vld [tilespmem:s16+$0x400]  }
0x1ad: {  	v7 =	vld [tilespmem:s17+$0x400];
	s18 =	sor.u32 $0x500, s23  }
0x1ae: {  	s16 =	sor.u32 $0x510, s23;
	v8 =	vld [tilespmem:s18+$0x400]  }
0x1af: {  	s17 =	sor.u32 $0x580, s23;
	v9 =	vld [tilespmem:s16+$0x400]  }
0x1b0: {  	v3 =	vimm.f32 $0.0e+00;
	v11 =	vld [tilespmem:s17+$0x400];
	s18 =	sor.u32 $0x590, s23;
	v10 =	vmul.f32 v4, v4  }
0x1b1: {  	s16 =	sor.u32 $0x420, s23;
	v13 =	vld [tilespmem:s18+$0x400];
	v12 =	vmul.f32 v5, v5;
	v4 =	vadd.f32 v4, v3  }
0x1b2: {  	s17 =	sor.u32 $0x430, s23;
	v15 =	vld [tilespmem:s16+$0x400];
	v14 =	vmul.f32 v6, v6;
	v5 =	vadd.f32 v5, v3;
	v10 =	vadd.f32 v10, v3  }
0x1b3: {  	v17 =	vld [tilespmem:s17+$0x400];
	s18 =	sor.u32 $0x4A0, s23;
	v16 =	vmul.f32 v7, v7;
	v12 =	vadd.f32 v12, v3;
	v4 =	vadd.f32 v6, v4  }
0x1b4: {  	s16 =	sor.u32 $0x4B0, s23;
	v5 =	vadd.f32 v7, v5;
	v6 =	vadd.f32 v14, v10;
	v14 =	vld [tilespmem:s18+$0x400]  }
0x1b5: {  	s17 =	sor.u32 $0x520, s23;
	v10 =	vmul.f32 v8, v8;
	v7 =	vadd.f32 v16, v12;
	v12 =	vmul.f32 v9, v9;
	v16 =	vld [tilespmem:s16+$0x400]  }
0x1b6: {  	v4 =	vadd.f32 v8, v4;
	v8 =	vmul.f32 v11, v11;
	v5 =	vadd.f32 v9, v5;
	v9 =	vld [tilespmem:s17+$0x400];
	s18 =	sor.u32 $0x530, s23  }
0x1b7: {  	s17 =	sor.u32 $0x5B0, s23;
	v18 =	vld [tilespmem:s18+$0x400];
	v6 =	vadd.f32 v10, v6;
	v10 =	vadd.f32 v12, v7;
	v12 =	vmul.f32 v13, v13  }
0x1b8: {  	v20 =	vld [tilespmem:s17+$0x400];
	v7 =	vadd.f32 v11, v4;
	v11 =	vmul.f32 v15, v15;
	v4 =	vadd.f32 v13, v5  }
0x1b9: {  	s18 =	sor.u32 $0x440, s23;
	v13 =	vmul.f32 v17, v17;
	v6 =	vadd.f32 v8, v6;
	v5 =	vadd.f32 v12, v10  }
0x1ba: {  	v19 =	vld [tilespmem:s18+$0x400];
	v10 =	vadd.f32 v15, v3;
	v11 =	vadd.f32 v11, v3  }
0x1bb: {  	s16 =	sor.u32 $0x5A0, s23;
	v15 =	vadd.f32 v17, v3;
	v13 =	vadd.f32 v13, v3  }
0x1bc: {  	v8 =	vld [tilespmem:s16+$0x400];
	v12 =	vmul.f32 v14, v14;
	v17 =	vmul.f32 v16, v16;
	v10 =	vadd.f32 v14, v10  }
0x1bd: {  	v14 =	vadd.f32 v16, v15;
	v15 =	vmul.f32 v18, v18;
	v27 =	vmul.f32 v20, v20  }
0x1be: {  	s17 =	sor.u32 $0x450, s23;
	v16 =	vimm.f32 $0.0e+00;
	v11 =	vadd.f32 v12, v11;
	v12 =	vmul.f32 v9, v9  }
0x1bf: {  	v21 =	vld [tilespmem:s17+$0x400];
	s18 =	sor.u32 $0x4C0, s23;
	v13 =	vadd.f32 v17, v13;
	v26 =	vmul.f32 v19, v19;
	v9 =	vadd.f32 v9, v10  }
0x1c0: {  	v23 =	vld [tilespmem:s18+$0x400];
	s16 =	sor.u32 $0x4D0, s23;
	v17 =	vadd.f32 v18, v14;
	v14 =	vimm.f32 $0.0e+00;
	v10 =	vadd.f32 v12, v11  }
0x1c1: {  	s17 =	sor.u32 $0x540, s23;
	v22 =	vld [tilespmem:s16+$0x400];
	v11 =	vmul.f32 v8, v8;
	v18 =	vadd.f32 v15, v13;
	v15 =	vimm.f32 $0.0e+00  }
0x1c2: {  	v25 =	vld [tilespmem:s17+$0x400];
	s18 =	sor.u32 $0x550, s23;
	v13 =	vimm.f32 $0.0e+00;
	v12 =	vimm.f32 $0.0e+00;
	v9 =	vadd.f32 v8, v9  }
0x1c3: {  	s17 =	simm.s32 $0x200;
	v24 =	vld [tilespmem:s18+$0x400];
	s18 =	sor.u32 $0x5C0, s23;
	s16 =	simm.s32 $0x0;
	v8 =	vadd.f32 v11, v10;
	v10 =	vimm.f32 $0.0e+00;
	v11 =	vimm.f32 $0.0e+00  }
.LBB2_4:
0x1c4: {  	p1 =	sne.s32 s17, $0x3000;
	v28 =	vmul.f32 v21, v21;
	v17 =	vadd.f32 v20, v17;
	v18 =	vadd.f32 v27, v18;
	v20 =	vld [tilespmem:s18+$0x400];
	s5 =	sor.u32 $0x5D0, s23  }
0x1c5: {  	v3 =	vadd.f32 v19, v3;
	s18 =	sor.u32 $0x460, s23;
	v15 =	vadd.f32 v26, v15;
	v19 =	vmul.f32 v23, v23;
	v26 =	vld [tilespmem:s5+$0x400]  }
0x1c6: {  	v16 =	vadd.f32 v21, v16;
	s5 =	sor.u32 $0x470, s23;
	v14 =	vadd.f32 v28, v14;
	v21 =	vld [tilespmem:s18+$0x400];
	v27 =	vmul.f32 v22, v22  }
0x1c7: {  	v3 =	vadd.f32 v23, v3;
	v28 =	vld [tilespmem:s5+$0x400];
	v15 =	vadd.f32 v19, v15;
	s5 =	sor.u32 $0x4E0, s23;
	v19 =	vmul.f32 v25, v25  }
0x1c8: {  	v16 =	vadd.f32 v22, v16;
	v14 =	vadd.f32 v27, v14;
	v22 =	vld [tilespmem:s5+$0x400];
	s5 =	sor.u32 $0x4F0, s23;
	v23 =	vmul.f32 v24, v24  }
0x1c9: {  	p0 =	por !p0, !p0;
	s18 =	simm.s32 $0x1;
	v3 =	vadd.f32 v25, v3;
	v27 =	vld [tilespmem:s5+$0x400];
	v15 =	vadd.f32 v19, v15;
	s5 =	sor.u32 $0x560, s23;
	v19 =	vmul.f32 v20, v20  }
0x1ca: {  	s18 =	simm.s32 @!p0 $0x0;
	v16 =	vadd.f32 v24, v16;
	v14 =	vadd.f32 v23, v14;
	v23 =	vld [tilespmem:s5+$0x400];
	s5 =	sor.u32 $0x570, s23;
	v24 =	vmul.f32 v26, v26  }
0x1cb: {  	s16 =	sadd.s32 $0x400, s16;
	s18 =	sshll.u32 s18, $0x9;
	v3 =	vadd.f32 v20, v3;
	v25 =	vmul.f32 v21, v21;
	v29 =	vld [tilespmem:s5+$0x400];
	v15 =	vadd.f32 v19, v15;
	s5 =	sor.u32 $0x5E0, s23  }
0x1cc: {  	v16 =	vadd.f32 v26, v16;
	v19 =	vmul.f32 v28, v28;
	v14 =	vadd.f32 v24, v14;
	v20 =	vld [tilespmem:s5+$0x400];
	s5 =	sor.u32 $0x5F0, s23;
	s23 =	sadd.s32 s18, s16  }
0x1cd: {  	v10 =	vadd.f32 v21, v10;
	s18 =	sor.u32 $0x400, s23;
	v13 =	vadd.f32 v25, v13;
	v21 =	vmul.f32 v22, v22;
	v24 =	vld [tilespmem:s5+$0x400]  }
0x1ce: {  	v12 =	vadd.f32 v28, v12;
	s5 =	sor.u32 $0x410, s23;
	v25 =	vld [tilespmem:s18+$0x400];
	v11 =	vadd.f32 v19, v11;
	v19 =	vmul.f32 v27, v27  }
0x1cf: {  	v10 =	vadd.f32 v22, v10;
	v26 =	vld [tilespmem:s5+$0x400];
	s5 =	sor.u32 $0x480, s23;
	v13 =	vadd.f32 v21, v13;
	v21 =	vmul.f32 v23, v23  }
0x1d0: {  	v12 =	vadd.f32 v27, v12;
	v22 =	vld [tilespmem:s5+$0x400];
	s5 =	sor.u32 $0x490, s23;
	v11 =	vadd.f32 v19, v11;
	v19 =	vmul.f32 v29, v29  }
0x1d1: {  	v10 =	vadd.f32 v23, v10;
	v27 =	vld [tilespmem:s5+$0x400];
	s5 =	sor.u32 $0x500, s23;
	v13 =	vadd.f32 v21, v13;
	v21 =	vmul.f32 v20, v20  }
0x1d2: {  	v12 =	vadd.f32 v29, v12;
	v23 =	vld [tilespmem:s5+$0x400];
	s5 =	sor.u32 $0x510, s23;
	v11 =	vadd.f32 v19, v11;
	v19 =	vmul.f32 v24, v24  }
0x1d3: {  	v10 =	vadd.f32 v20, v10;
	v28 =	vmul.f32 v25, v25;
	v29 =	vld [tilespmem:s5+$0x400];
	s5 =	sor.u32 $0x580, s23;
	v13 =	vadd.f32 v21, v13  }
0x1d4: {  	v12 =	vadd.f32 v24, v12;
	v20 =	vmul.f32 v26, v26;
	v21 =	vld [tilespmem:s5+$0x400];
	s5 =	sor.u32 $0x590, s23;
	v11 =	vadd.f32 v19, v11  }
0x1d5: {  	s18 =	sor.u32 $0x420, s23;
	v7 =	vadd.f32 v25, v7;
	v6 =	vadd.f32 v28, v6;
	v19 =	vmul.f32 v22, v22;
	v24 =	vld [tilespmem:s5+$0x400]  }
0x1d6: {  	v4 =	vadd.f32 v26, v4;
	s5 =	sor.u32 $0x430, s23;
	v5 =	vadd.f32 v20, v5;
	v20 =	vld [tilespmem:s18+$0x400];
	v25 =	vmul.f32 v27, v27  }
0x1d7: {  	v7 =	vadd.f32 v22, v7;
	v26 =	vld [tilespmem:s5+$0x400];
	v6 =	vadd.f32 v19, v6;
	s5 =	sor.u32 $0x4A0, s23;
	v19 =	vmul.f32 v23, v23  }
0x1d8: {  	v4 =	vadd.f32 v27, v4;
	v5 =	vadd.f32 v25, v5;
	v22 =	vld [tilespmem:s5+$0x400];
	s5 =	sor.u32 $0x4B0, s23;
	v25 =	vmul.f32 v29, v29  }
0x1d9: {  	v7 =	vadd.f32 v23, v7;
	v27 =	vld [tilespmem:s5+$0x400];
	v6 =	vadd.f32 v19, v6;
	s5 =	sor.u32 $0x520, s23;
	v19 =	vmul.f32 v21, v21  }
0x1da: {  	v4 =	vadd.f32 v29, v4;
	v5 =	vadd.f32 v25, v5;
	v25 =	vld [tilespmem:s5+$0x400];
	s5 =	sor.u32 $0x530, s23;
	v23 =	vmul.f32 v24, v24  }
0x1db: {  	v7 =	vadd.f32 v21, v7;
	v28 =	vmul.f32 v20, v20;
	v29 =	vld [tilespmem:s5+$0x400];
	v6 =	vadd.f32 v19, v6;
	s5 =	sor.u32 $0x5A0, s23  }
0x1dc: {  	v4 =	vadd.f32 v24, v4;
	v19 =	vmul.f32 v26, v26;
	v5 =	vadd.f32 v23, v5;
	v30 =	vld [tilespmem:s5+$0x400];
	s5 =	sor.u32 $0x5B0, s23  }
0x1dd: {  	s18 =	sor.u32 $0x440, s23;
	v9 =	vadd.f32 v20, v9;
	v8 =	vadd.f32 v28, v8;
	v23 =	vmul.f32 v22, v22;
	v20 =	vld [tilespmem:s5+$0x400]  }
0x1de: {  	v17 =	vadd.f32 v26, v17;
	s5 =	sor.u32 $0x450, s23;
	v18 =	vadd.f32 v19, v18;
	v19 =	vld [tilespmem:s18+$0x400];
	v24 =	vmul.f32 v27, v27  }
.Ltmp1:
0x1df: {  	v9 =	vadd.f32 v22, v9;
	v21 =	vld [tilespmem:s5+$0x400];
	v8 =	vadd.f32 v23, v8;
	s5 =	sor.u32 $0x4C0, s23;
	v26 =	vmul.f32 v25, v25;
	(pc) =	sbr.rel @p1 .LBB2_4-.Ltmp1, $4  }
0x1e0: {  	v17 =	vadd.f32 v27, v17;
	v18 =	vadd.f32 v24, v18;
	v23 =	vld [tilespmem:s5+$0x400];
	s5 =	sor.u32 $0x4D0, s23;
	v24 =	vmul.f32 v29, v29  }
0x1e1: {  	v9 =	vadd.f32 v25, v9;
	v22 =	vld [tilespmem:s5+$0x400];
	v8 =	vadd.f32 v26, v8;
	s5 =	sor.u32 $0x540, s23;
	v28 =	vmul.f32 v30, v30  }
0x1e2: {  	v17 =	vadd.f32 v29, v17;
	v18 =	vadd.f32 v24, v18;
	v25 =	vld [tilespmem:s5+$0x400];
	s5 =	sor.u32 $0x550, s23;
	v27 =	vmul.f32 v20, v20  }
0x1e3: {  	s17 =	sadd.s32 $0x200, s17;
	s18 =	sor.u32 $0x5C0, s23;
	v9 =	vadd.f32 v30, v9;
	v26 =	vmul.f32 v19, v19;
	v24 =	vld [tilespmem:s5+$0x400];
	v8 =	vadd.f32 v28, v8  }
0x1e4: {  	v28 =	vld [tilespmem:s18+$0x400];
	s5 =	sor.u32 $0x5D0, s23  }
0x1e5: {  	s16 =	sor.u32 $0x460, s23;
	v29 =	vld [tilespmem:s5+$0x400]  }
0x1e6: {  	s18 =	sor.u32 $0x470, s23;
	v30 =	vld [tilespmem:s16+$0x400]  }
0x1e7: {  	s17 =	sor.u32 $0x4F0, s23;
	v31 =	vld [tilespmem:s18+$0x400]  }
0x1e8: {  	v17 =	vadd.f32 v20, v17;
	s16 =	sor.u32 $0x4E0, s23;
	v20 =	vld [tilespmem:s17+$0x400]  }
0x1e9: {  	v18 =	vadd.f32 v27, v18;
	v27 =	vmul.f32 v21, v21;
	v3 =	vadd.f32 v19, v3;
	s18 =	sor.u32 $0x560, s23;
	v32 =	vld [tilespmem:s16+$0x400]  }
0x1ea: {  	v16 =	vadd.f32 v21, v16;
	v15 =	vadd.f32 v26, v15;
	v26 =	vmul.f32 v23, v23;
	s17 =	sor.u32 $0x5E0, s23;
	v19 =	vld [tilespmem:s18+$0x400]  }
0x1eb: {  	s16 =	sor.u32 $0x570, s23;
	v14 =	vadd.f32 v27, v14;
	v27 =	vmul.f32 v22, v22;
	v3 =	vadd.f32 v23, v3;
	v23 =	vld [tilespmem:s17+$0x400]  }
0x1ec: {  	s18 =	sor.u32 $0x5F0, s23;
	v16 =	vadd.f32 v22, v16;
	v21 =	vld [tilespmem:s16+$0x400];
	v15 =	vadd.f32 v26, v15;
	v26 =	vmul.f32 v25, v25  }
0x1ed: {  	v22 =	vld [tilespmem:s18+$0x400];
	[tilespmem:$0x1A600] =	vst v7;
	v14 =	vadd.f32 v27, v14;
	v3 =	vadd.f32 v25, v3;
	v7 =	vmul.f32 v24, v24  }
0x1ee: {  	[tilespmem:$0x1AA00] =	vst v6;
	v16 =	vadd.f32 v24, v16;
	v15 =	vadd.f32 v26, v15;
	v24 =	vmul.f32 v28, v28  }
0x1ef: {  	[tilespmem:$0x1A610] =	vst v4;
	v6 =	vadd.f32 v7, v14;
	v7 =	vmul.f32 v29, v29  }
0x1f0: {  	[tilespmem:$0x1AA10] =	vst v5;
	v3 =	vadd.f32 v28, v3;
	v4 =	vmul.f32 v30, v30;
	v14 =	vadd.f32 v24, v15  }
0x1f1: {  	[tilespmem:$0x1A620] =	vst v9;
	v5 =	vmul.f32 v31, v31;
	v6 =	vadd.f32 v7, v6;
	v7 =	vadd.f32 v30, v10  }
0x1f2: {  	[tilespmem:$0x1AA20] =	vst v8;
	v15 =	vadd.f32 v29, v16;
	v9 =	vmul.f32 v32, v32;
	v4 =	vadd.f32 v4, v13  }
0x1f3: {  	[tilespmem:$0x1A630] =	vst v17;
	v8 =	vmul.f32 v20, v20;
	v10 =	vadd.f32 v31, v12;
	v7 =	vadd.f32 v32, v7  }
0x1f4: {  	[tilespmem:$0x1AA30] =	vst v18;
	v5 =	vadd.f32 v5, v11;
	v4 =	vadd.f32 v9, v4;
	v9 =	vmul.f32 v19, v19  }
0x1f5: {  	[tilespmem:$0x1A640] =	vst v3;
	v3 =	vmul.f32 v21, v21;
	v10 =	vadd.f32 v20, v10;
	v7 =	vadd.f32 v19, v7  }
0x1f6: {  	[tilespmem:$0x1AA40] =	vst v14;
	v5 =	vadd.f32 v8, v5;
	v8 =	vmul.f32 v23, v23;
	v4 =	vadd.f32 v9, v4  }
0x1f7: {  	[tilespmem:$0x1A650] =	vst v15;
	v9 =	vadd.f32 v21, v10;
	v7 =	vadd.f32 v23, v7  }
0x1f8: {  	[tilespmem:$0x1AA50] =	vst v6;
	v3 =	vadd.f32 v3, v5;
	v5 =	vmul.f32 v22, v22;
	v4 =	vadd.f32 v8, v4  }
0x1f9: {  	v6 =	vadd.f32 v22, v9;
	[tilespmem:$0x1A660] =	vst v7  }
0x1fa: {  	v3 =	vadd.f32 v5, v3;
	[tilespmem:$0x1AA60] =	vst v4  }
0x1fb: {  	[tilespmem:$0x1A670] =	vst v6  }
0x1fc: {  	[tilespmem:$0x1AA70] =	vst v3  }
0x1fd: {  	s16 =	simm.s32 $0x0;
	_ =	swait.ge [sflag:s31], $0x6800  }
0x1fe: {  	s23 =	sand.u32 $0x7800, s16;
	s17 =	sand.u32 $0x200, s16;
	[sflag:s31] =	ssyncset.done $0x0  }
0x1ff: {  	s23 =	sor.u32 s17, s23;
	[sflag:s31] =	ssyncadd.s32 $0xFFFF9800  }
0x200: {  	v4 =	vld [tilespmem:s23+$0x6C00]  }
0x201: {  	v5 =	vld [tilespmem:s23+$0x6C10]  }
0x202: {  	v6 =	vld [tilespmem:s23+$0x6C80]  }
0x203: {  	v7 =	vld [tilespmem:s23+$0x6C90]  }
0x204: {  	v15 =	vld [tilespmem:s23+$0x6C20]  }
0x205: {  	v8 =	vld [tilespmem:s23+$0x6D00]  }
0x206: {  	v3 =	vimm.f32 $0.0e+00;
	v10 =	vld [tilespmem:s23+$0x6D10];
	v9 =	vmul.f32 v4, v4  }
0x207: {  	v12 =	vld [tilespmem:s23+$0x6D80];
	v11 =	vmul.f32 v5, v5;
	v4 =	vadd.f32 v4, v3;
	v13 =	vmul.f32 v6, v6  }
0x208: {  	v14 =	vld [tilespmem:s23+$0x6D90];
	v5 =	vadd.f32 v5, v3;
	v16 =	vmul.f32 v7, v7;
	v9 =	vadd.f32 v9, v3  }
0x209: {  	v19 =	vld [tilespmem:s23+$0x6C50];
	v18 =	vmul.f32 v15, v15;
	v11 =	vadd.f32 v11, v3;
	v4 =	vadd.f32 v6, v4  }
0x20a: {  	v17 =	vld [tilespmem:s23+$0x6C30];
	v5 =	vadd.f32 v7, v5;
	v6 =	vadd.f32 v13, v9;
	v9 =	vmul.f32 v8, v8  }
0x20b: {  	v7 =	vadd.f32 v16, v11;
	v11 =	vld [tilespmem:s23+$0x6CA0];
	v13 =	vmul.f32 v10, v10;
	v4 =	vadd.f32 v8, v4  }
0x20c: {  	v16 =	vld [tilespmem:s23+$0x6CB0];
	v8 =	vmul.f32 v12, v12;
	v5 =	vadd.f32 v10, v5;
	v6 =	vadd.f32 v9, v6  }
0x20d: {  	v10 =	vld [tilespmem:s23+$0x6D20];
	v9 =	vadd.f32 v13, v7;
	v13 =	vmul.f32 v14, v14;
	v7 =	vadd.f32 v12, v4  }
0x20e: {  	v21 =	vld [tilespmem:s23+$0x6D30];
	v27 =	vmul.f32 v19, v19;
	v5 =	vadd.f32 v14, v5;
	v12 =	vadd.f32 v15, v3  }
0x20f: {  	v6 =	vadd.f32 v8, v6;
	v8 =	vmul.f32 v17, v17;
	v4 =	vadd.f32 v13, v9;
	v9 =	vld [tilespmem:s23+$0x6DA0]  }
0x210: {  	v13 =	vadd.f32 v18, v3;
	v17 =	vadd.f32 v17, v3;
	v18 =	vld [tilespmem:s23+$0x6C40];
	v14 =	vmul.f32 v11, v11  }
0x211: {  	v15 =	vld [tilespmem:s23+$0x6DB0];
	v20 =	vmul.f32 v16, v16;
	v11 =	vadd.f32 v11, v12;
	v8 =	vadd.f32 v8, v3  }
0x212: {  	v12 =	vadd.f32 v14, v13;
	v13 =	vmul.f32 v10, v10;
	v14 =	vadd.f32 v16, v17  }
0x213: {  	v16 =	vmul.f32 v21, v21;
	v10 =	vadd.f32 v10, v11;
	v8 =	vadd.f32 v20, v8  }
0x214: {  	v20 =	vld [tilespmem:s23+$0x6CC0];
	v12 =	vadd.f32 v13, v12;
	v13 =	vmul.f32 v9, v9;
	v14 =	vadd.f32 v21, v14  }
0x215: {  	v22 =	vld [tilespmem:s23+$0x6CD0];
	v17 =	vmul.f32 v18, v18;
	v11 =	vadd.f32 v9, v10;
	v26 =	vadd.f32 v18, v3  }
0x216: {  	v25 =	vld [tilespmem:s23+$0x6D40];
	v8 =	vadd.f32 v16, v8;
	v16 =	vmul.f32 v15, v15;
	v10 =	vadd.f32 v13, v12  }
0x217: {  	v24 =	vld [tilespmem:s23+$0x6D50];
	v9 =	vadd.f32 v15, v14;
	v17 =	vadd.f32 v17, v3;
	v14 =	vimm.f32 $0.0e+00  }
0x218: {  	v23 =	vld [tilespmem:s23+$0x6DC0];
	v15 =	vimm.f32 $0.0e+00;
	v13 =	vimm.f32 $0.0e+00;
	v12 =	vimm.f32 $0.0e+00  }
0x219: {  	s17 =	simm.s32 $0x200;
	v21 =	vld [tilespmem:s23+$0x6DD0];
	v8 =	vadd.f32 v16, v8;
	v16 =	vimm.f32 $0.0e+00;
	v18 =	vmul.f32 v20, v20  }
.LBB2_6:
0x21a: {  	p0 =	sne.s32 s17, $0x3000;
	v3 =	vadd.f32 v19, v3;
	v16 =	vadd.f32 v27, v16;
	v19 =	vld [tilespmem:s23+$0x6C60];
	v27 =	vmul.f32 v22, v22  }
0x21b: {  	v28 =	vld [tilespmem:s23+$0x6C70];
	v20 =	vadd.f32 v20, v26;
	v17 =	vadd.f32 v18, v17;
	v18 =	vmul.f32 v25, v25  }
0x21c: {  	v3 =	vadd.f32 v22, v3;
	v16 =	vadd.f32 v27, v16;
	v22 =	vld [tilespmem:s23+$0x6CE0];
	v26 =	vmul.f32 v24, v24  }
0x21d: {  	v27 =	vld [tilespmem:s23+$0x6CF0];
	v20 =	vadd.f32 v25, v20;
	v18 =	vadd.f32 v18, v17;
	v25 =	vmul.f32 v23, v23  }
0x21e: {  	v3 =	vadd.f32 v24, v3;
	v16 =	vadd.f32 v26, v16;
	v24 =	vld [tilespmem:s23+$0x6D60];
	v26 =	vmul.f32 v21, v21  }
0x21f: {  	s16 =	sadd.s32 $0x400, s16;
	v29 =	vmul.f32 v19, v19;
	v30 =	vld [tilespmem:s23+$0x6D70];
	v17 =	vadd.f32 v23, v20;
	v18 =	vadd.f32 v25, v18  }
0x220: {  	s18 =	sand.u32 $0x200, s17;
	s5 =	sand.u32 $0x7800, s16;
	v20 =	vmul.f32 v28, v28;
	v3 =	vadd.f32 v21, v3;
	v16 =	vadd.f32 v26, v16;
	v21 =	vld [tilespmem:s23+$0x6DE0]  }
0x221: {  	v14 =	vadd.f32 v19, v14;
	v15 =	vadd.f32 v29, v15;
	v19 =	vmul.f32 v22, v22;
	v23 =	vld [tilespmem:s23+$0x6DF0];
	s23 =	sor.u32 s18, s5  }
0x222: {  	v13 =	vadd.f32 v28, v13;
	v25 =	vld [tilespmem:s23+$0x6C00];
	v12 =	vadd.f32 v20, v12;
	v20 =	vmul.f32 v27, v27  }
0x223: {  	v14 =	vadd.f32 v22, v14;
	v26 =	vld [tilespmem:s23+$0x6C10];
	v15 =	vadd.f32 v19, v15;
	v19 =	vmul.f32 v24, v24  }
0x224: {  	v13 =	vadd.f32 v27, v13;
	v22 =	vld [tilespmem:s23+$0x6C80];
	v12 =	vadd.f32 v20, v12;
	v20 =	vmul.f32 v30, v30  }
0x225: {  	v14 =	vadd.f32 v24, v14;
	v27 =	vld [tilespmem:s23+$0x6C90];
	v15 =	vadd.f32 v19, v15;
	v19 =	vmul.f32 v21, v21  }
0x226: {  	v13 =	vadd.f32 v30, v13;
	v24 =	vld [tilespmem:s23+$0x6D00];
	v12 =	vadd.f32 v20, v12;
	v20 =	vmul.f32 v23, v23  }
0x227: {  	v14 =	vadd.f32 v21, v14;
	v28 =	vmul.f32 v25, v25;
	v29 =	vld [tilespmem:s23+$0x6D10];
	v15 =	vadd.f32 v19, v15  }
0x228: {  	v13 =	vadd.f32 v23, v13;
	v19 =	vmul.f32 v26, v26;
	v21 =	vld [tilespmem:s23+$0x6D80];
	v12 =	vadd.f32 v20, v12  }
0x229: {  	v7 =	vadd.f32 v25, v7;
	v6 =	vadd.f32 v28, v6;
	v20 =	vmul.f32 v22, v22;
	v23 =	vld [tilespmem:s23+$0x6D90]  }
0x22a: {  	v5 =	vadd.f32 v26, v5;
	v4 =	vadd.f32 v19, v4;
	v19 =	vld [tilespmem:s23+$0x6C20];
	v25 =	vmul.f32 v27, v27  }
0x22b: {  	v7 =	vadd.f32 v22, v7;
	v26 =	vld [tilespmem:s23+$0x6C30];
	v6 =	vadd.f32 v20, v6;
	v20 =	vmul.f32 v24, v24  }
0x22c: {  	v5 =	vadd.f32 v27, v5;
	v4 =	vadd.f32 v25, v4;
	v22 =	vld [tilespmem:s23+$0x6CA0];
	v25 =	vmul.f32 v29, v29  }
0x22d: {  	v7 =	vadd.f32 v24, v7;
	v27 =	vld [tilespmem:s23+$0x6CB0];
	v6 =	vadd.f32 v20, v6;
	v20 =	vmul.f32 v21, v21  }
0x22e: {  	v5 =	vadd.f32 v29, v5;
	v4 =	vadd.f32 v25, v4;
	v24 =	vld [tilespmem:s23+$0x6D20];
	v25 =	vmul.f32 v23, v23  }
0x22f: {  	v7 =	vadd.f32 v21, v7;
	v28 =	vmul.f32 v19, v19;
	v29 =	vld [tilespmem:s23+$0x6D30];
	v6 =	vadd.f32 v20, v6  }
0x230: {  	v5 =	vadd.f32 v23, v5;
	v20 =	vmul.f32 v26, v26;
	v4 =	vadd.f32 v25, v4;
	v21 =	vld [tilespmem:s23+$0x6DA0]  }
0x231: {  	v11 =	vadd.f32 v19, v11;
	v10 =	vadd.f32 v28, v10;
	v23 =	vmul.f32 v22, v22;
	v28 =	vld [tilespmem:s23+$0x6DB0]  }
0x232: {  	v9 =	vadd.f32 v26, v9;
	v8 =	vadd.f32 v20, v8;
	v26 =	vld [tilespmem:s23+$0x6C40];
	v20 =	vmul.f32 v27, v27  }
0x233: {  	v11 =	vadd.f32 v22, v11;
	v19 =	vld [tilespmem:s23+$0x6C50];
	v10 =	vadd.f32 v23, v10;
	v23 =	vmul.f32 v24, v24  }
0x234: {  	v9 =	vadd.f32 v27, v9;
	v8 =	vadd.f32 v20, v8;
	v20 =	vld [tilespmem:s23+$0x6CC0];
	v25 =	vmul.f32 v29, v29  }
.Ltmp2:
0x235: {  	v11 =	vadd.f32 v24, v11;
	v22 =	vld [tilespmem:s23+$0x6CD0];
	v10 =	vadd.f32 v23, v10;
	v23 =	vmul.f32 v21, v21;
	(pc) =	sbr.rel @p0 .LBB2_6-.Ltmp2, $4  }
0x236: {  	v9 =	vadd.f32 v29, v9;
	v8 =	vadd.f32 v25, v8;
	v25 =	vld [tilespmem:s23+$0x6D40];
	v29 =	vmul.f32 v28, v28  }
0x237: {  	v11 =	vadd.f32 v21, v11;
	v30 =	vmul.f32 v26, v26;
	v24 =	vld [tilespmem:s23+$0x6D50];
	v10 =	vadd.f32 v23, v10  }
0x238: {  	v9 =	vadd.f32 v28, v9;
	v27 =	vmul.f32 v19, v19;
	v8 =	vadd.f32 v29, v8;
	v23 =	vld [tilespmem:s23+$0x6DC0]  }
0x239: {  	s17 =	sadd.s32 $0x200, s17;
	v26 =	vadd.f32 v26, v17;
	v17 =	vadd.f32 v30, v18;
	v18 =	vmul.f32 v20, v20;
	v21 =	vld [tilespmem:s23+$0x6DD0]  }
0x23a: {  	v28 =	vld [tilespmem:s23+$0x6C60]  }
0x23b: {  	v29 =	vld [tilespmem:s23+$0x6C70]  }
0x23c: {  	v30 =	vld [tilespmem:s23+$0x6CE0]  }
0x23d: {  	v31 =	vld [tilespmem:s23+$0x6CF0]  }
0x23e: {  	v32 =	vld [tilespmem:s23+$0x6D60]  }
0x23f: {  	v3 =	vadd.f32 v19, v3;
	v19 =	vld [tilespmem:s23+$0x6D70];
	v16 =	vadd.f32 v27, v16;
	v27 =	vmul.f32 v22, v22  }
0x240: {  	v20 =	vadd.f32 v20, v26;
	v26 =	vld [tilespmem:s23+$0x6DE0];
	v17 =	vadd.f32 v18, v17;
	v18 =	vmul.f32 v25, v25  }
0x241: {  	v3 =	vadd.f32 v22, v3;
	v22 =	vld [tilespmem:s23+$0x6DF0];
	v16 =	vadd.f32 v27, v16;
	[tilespmem:$0x1A480] =	vst v7;
	v7 =	vmul.f32 v24, v24  }
0x242: {  	[tilespmem:$0x1A880] =	vst v6;
	v20 =	vadd.f32 v25, v20;
	v17 =	vadd.f32 v18, v17;
	v18 =	vmul.f32 v23, v23  }
0x243: {  	[tilespmem:$0x1A490] =	vst v5;
	v3 =	vadd.f32 v24, v3;
	v6 =	vadd.f32 v7, v16;
	v7 =	vmul.f32 v21, v21  }
0x244: {  	[tilespmem:$0x1A890] =	vst v4;
	v16 =	vadd.f32 v23, v20;
	v5 =	vmul.f32 v28, v28;
	v17 =	vadd.f32 v18, v17  }
0x245: {  	[tilespmem:$0x1A4A0] =	vst v11;
	v4 =	vmul.f32 v29, v29;
	v6 =	vadd.f32 v7, v6;
	v7 =	vadd.f32 v28, v14  }
0x246: {  	[tilespmem:$0x1A8A0] =	vst v10;
	v11 =	vmul.f32 v30, v30;
	v13 =	vadd.f32 v29, v13;
	v5 =	vadd.f32 v5, v15  }
0x247: {  	[tilespmem:$0x1A4B0] =	vst v9;
	v10 =	vmul.f32 v31, v31;
	v3 =	vadd.f32 v21, v3;
	v7 =	vadd.f32 v30, v7  }
0x248: {  	[tilespmem:$0x1A8B0] =	vst v8;
	v9 =	vmul.f32 v32, v32;
	v4 =	vadd.f32 v4, v12;
	v5 =	vadd.f32 v11, v5  }
0x249: {  	v8 =	vmul.f32 v19, v19;
	[tilespmem:$0x1A4C0] =	vst v16;
	v11 =	vadd.f32 v31, v13;
	v7 =	vadd.f32 v32, v7  }
0x24a: {  	[tilespmem:$0x1A8C0] =	vst v17;
	v4 =	vadd.f32 v10, v4;
	v5 =	vadd.f32 v9, v5;
	v9 =	vmul.f32 v26, v26  }
0x24b: {  	[tilespmem:$0x1A4D0] =	vst v3;
	v10 =	vadd.f32 v19, v11;
	v7 =	vadd.f32 v26, v7  }
0x24c: {  	[tilespmem:$0x1A8D0] =	vst v6;
	v3 =	vadd.f32 v8, v4;
	v4 =	vmul.f32 v22, v22;
	v5 =	vadd.f32 v9, v5  }
0x24d: {  	v6 =	vadd.f32 v22, v10;
	[tilespmem:$0x1A4E0] =	vst v7  }
0x24e: {  	s16 =	simm.s32 $0x0;
	v3 =	vadd.f32 v4, v3;
	[tilespmem:$0x1A8E0] =	vst v5  }
0x24f: {  	s5 =	sand.u32 $0x7800, s16;
	s17 =	sand.u32 $0x200, s16;
	[tilespmem:$0x1A4F0] =	vst v6  }
0x250: {  	s23 =	sor.u32 s17, s5;
	[tilespmem:$0x1A8F0] =	vst v3  }
0x251: {  	v4 =	vld [tilespmem:s23+$0x7000]  }
0x252: {  	v5 =	vld [tilespmem:s23+$0x7010]  }
0x253: {  	v6 =	vld [tilespmem:s23+$0x7080]  }
0x254: {  	v7 =	vld [tilespmem:s23+$0x7090]  }
0x255: {  	v15 =	vld [tilespmem:s23+$0x7020]  }
0x256: {  	v8 =	vld [tilespmem:s23+$0x7100]  }
0x257: {  	v3 =	vimm.f32 $0.0e+00;
	v10 =	vld [tilespmem:s23+$0x7110];
	v9 =	vmul.f32 v4, v4  }
0x258: {  	v12 =	vld [tilespmem:s23+$0x7180];
	v11 =	vmul.f32 v5, v5;
	v4 =	vadd.f32 v4, v3;
	v13 =	vmul.f32 v6, v6  }
0x259: {  	v14 =	vld [tilespmem:s23+$0x7190];
	v5 =	vadd.f32 v5, v3;
	v16 =	vmul.f32 v7, v7;
	v9 =	vadd.f32 v9, v3  }
0x25a: {  	v19 =	vld [tilespmem:s23+$0x7050];
	v18 =	vmul.f32 v15, v15;
	v11 =	vadd.f32 v11, v3;
	v4 =	vadd.f32 v6, v4  }
0x25b: {  	v17 =	vld [tilespmem:s23+$0x7030];
	v5 =	vadd.f32 v7, v5;
	v6 =	vadd.f32 v13, v9;
	v9 =	vmul.f32 v8, v8  }
0x25c: {  	v7 =	vadd.f32 v16, v11;
	v11 =	vld [tilespmem:s23+$0x70A0];
	v13 =	vmul.f32 v10, v10;
	v4 =	vadd.f32 v8, v4  }
0x25d: {  	v16 =	vld [tilespmem:s23+$0x70B0];
	v8 =	vmul.f32 v12, v12;
	v5 =	vadd.f32 v10, v5;
	v6 =	vadd.f32 v9, v6  }
0x25e: {  	v10 =	vld [tilespmem:s23+$0x7120];
	v9 =	vadd.f32 v13, v7;
	v13 =	vmul.f32 v14, v14;
	v7 =	vadd.f32 v12, v4  }
0x25f: {  	v21 =	vld [tilespmem:s23+$0x7130];
	v27 =	vmul.f32 v19, v19;
	v5 =	vadd.f32 v14, v5;
	v12 =	vadd.f32 v15, v3  }
0x260: {  	v6 =	vadd.f32 v8, v6;
	v8 =	vmul.f32 v17, v17;
	v4 =	vadd.f32 v13, v9;
	v9 =	vld [tilespmem:s23+$0x71A0]  }
0x261: {  	v13 =	vadd.f32 v18, v3;
	v17 =	vadd.f32 v17, v3;
	v18 =	vld [tilespmem:s23+$0x7040];
	v14 =	vmul.f32 v11, v11  }
0x262: {  	v15 =	vld [tilespmem:s23+$0x71B0];
	v20 =	vmul.f32 v16, v16;
	v11 =	vadd.f32 v11, v12;
	v8 =	vadd.f32 v8, v3  }
0x263: {  	v12 =	vadd.f32 v14, v13;
	v13 =	vmul.f32 v10, v10;
	v14 =	vadd.f32 v16, v17  }
0x264: {  	v16 =	vmul.f32 v21, v21;
	v10 =	vadd.f32 v10, v11;
	v8 =	vadd.f32 v20, v8  }
0x265: {  	v20 =	vld [tilespmem:s23+$0x70C0];
	v12 =	vadd.f32 v13, v12;
	v13 =	vmul.f32 v9, v9;
	v14 =	vadd.f32 v21, v14  }
0x266: {  	v22 =	vld [tilespmem:s23+$0x70D0];
	v17 =	vmul.f32 v18, v18;
	v11 =	vadd.f32 v9, v10;
	v26 =	vadd.f32 v18, v3  }
0x267: {  	v25 =	vld [tilespmem:s23+$0x7140];
	v8 =	vadd.f32 v16, v8;
	v16 =	vmul.f32 v15, v15;
	v10 =	vadd.f32 v13, v12  }
0x268: {  	v24 =	vld [tilespmem:s23+$0x7150];
	v9 =	vadd.f32 v15, v14;
	v17 =	vadd.f32 v17, v3;
	v14 =	vimm.f32 $0.0e+00  }
0x269: {  	v23 =	vld [tilespmem:s23+$0x71C0];
	v15 =	vimm.f32 $0.0e+00;
	v13 =	vimm.f32 $0.0e+00;
	v12 =	vimm.f32 $0.0e+00  }
0x26a: {  	s17 =	simm.s32 $0x200;
	v21 =	vld [tilespmem:s23+$0x71D0];
	v8 =	vadd.f32 v16, v8;
	v16 =	vimm.f32 $0.0e+00;
	v18 =	vmul.f32 v20, v20  }
.LBB2_8:
0x26b: {  	p0 =	sne.s32 s17, $0x3000;
	v3 =	vadd.f32 v19, v3;
	v16 =	vadd.f32 v27, v16;
	v19 =	vld [tilespmem:s23+$0x7060];
	v27 =	vmul.f32 v22, v22  }
0x26c: {  	v28 =	vld [tilespmem:s23+$0x7070];
	v20 =	vadd.f32 v20, v26;
	v17 =	vadd.f32 v18, v17;
	v18 =	vmul.f32 v25, v25  }
0x26d: {  	v3 =	vadd.f32 v22, v3;
	v16 =	vadd.f32 v27, v16;
	v22 =	vld [tilespmem:s23+$0x70E0];
	v26 =	vmul.f32 v24, v24  }
0x26e: {  	v27 =	vld [tilespmem:s23+$0x70F0];
	v20 =	vadd.f32 v25, v20;
	v18 =	vadd.f32 v18, v17;
	v25 =	vmul.f32 v23, v23  }
0x26f: {  	v3 =	vadd.f32 v24, v3;
	v16 =	vadd.f32 v26, v16;
	v24 =	vld [tilespmem:s23+$0x7160];
	v26 =	vmul.f32 v21, v21  }
0x270: {  	s16 =	sadd.s32 $0x400, s16;
	v29 =	vmul.f32 v19, v19;
	v30 =	vld [tilespmem:s23+$0x7170];
	v17 =	vadd.f32 v23, v20;
	v18 =	vadd.f32 v25, v18  }
0x271: {  	s18 =	sand.u32 $0x200, s17;
	s5 =	sand.u32 $0x7800, s16;
	v20 =	vmul.f32 v28, v28;
	v3 =	vadd.f32 v21, v3;
	v16 =	vadd.f32 v26, v16;
	v21 =	vld [tilespmem:s23+$0x71E0]  }
0x272: {  	v14 =	vadd.f32 v19, v14;
	v15 =	vadd.f32 v29, v15;
	v19 =	vmul.f32 v22, v22;
	v23 =	vld [tilespmem:s23+$0x71F0];
	s23 =	sor.u32 s18, s5  }
0x273: {  	v13 =	vadd.f32 v28, v13;
	v25 =	vld [tilespmem:s23+$0x7000];
	v12 =	vadd.f32 v20, v12;
	v20 =	vmul.f32 v27, v27  }
0x274: {  	v14 =	vadd.f32 v22, v14;
	v26 =	vld [tilespmem:s23+$0x7010];
	v15 =	vadd.f32 v19, v15;
	v19 =	vmul.f32 v24, v24  }
0x275: {  	v13 =	vadd.f32 v27, v13;
	v22 =	vld [tilespmem:s23+$0x7080];
	v12 =	vadd.f32 v20, v12;
	v20 =	vmul.f32 v30, v30  }
0x276: {  	v14 =	vadd.f32 v24, v14;
	v27 =	vld [tilespmem:s23+$0x7090];
	v15 =	vadd.f32 v19, v15;
	v19 =	vmul.f32 v21, v21  }
0x277: {  	v13 =	vadd.f32 v30, v13;
	v24 =	vld [tilespmem:s23+$0x7100];
	v12 =	vadd.f32 v20, v12;
	v20 =	vmul.f32 v23, v23  }
0x278: {  	v14 =	vadd.f32 v21, v14;
	v28 =	vmul.f32 v25, v25;
	v29 =	vld [tilespmem:s23+$0x7110];
	v15 =	vadd.f32 v19, v15  }
0x279: {  	v13 =	vadd.f32 v23, v13;
	v19 =	vmul.f32 v26, v26;
	v21 =	vld [tilespmem:s23+$0x7180];
	v12 =	vadd.f32 v20, v12  }
0x27a: {  	v7 =	vadd.f32 v25, v7;
	v6 =	vadd.f32 v28, v6;
	v20 =	vmul.f32 v22, v22;
	v23 =	vld [tilespmem:s23+$0x7190]  }
0x27b: {  	v5 =	vadd.f32 v26, v5;
	v4 =	vadd.f32 v19, v4;
	v19 =	vld [tilespmem:s23+$0x7020];
	v25 =	vmul.f32 v27, v27  }
0x27c: {  	v7 =	vadd.f32 v22, v7;
	v26 =	vld [tilespmem:s23+$0x7030];
	v6 =	vadd.f32 v20, v6;
	v20 =	vmul.f32 v24, v24  }
0x27d: {  	v5 =	vadd.f32 v27, v5;
	v4 =	vadd.f32 v25, v4;
	v22 =	vld [tilespmem:s23+$0x70A0];
	v25 =	vmul.f32 v29, v29  }
0x27e: {  	v7 =	vadd.f32 v24, v7;
	v27 =	vld [tilespmem:s23+$0x70B0];
	v6 =	vadd.f32 v20, v6;
	v20 =	vmul.f32 v21, v21  }
0x27f: {  	v5 =	vadd.f32 v29, v5;
	v4 =	vadd.f32 v25, v4;
	v24 =	vld [tilespmem:s23+$0x7120];
	v25 =	vmul.f32 v23, v23  }
0x280: {  	v7 =	vadd.f32 v21, v7;
	v28 =	vmul.f32 v19, v19;
	v29 =	vld [tilespmem:s23+$0x7130];
	v6 =	vadd.f32 v20, v6  }
0x281: {  	v5 =	vadd.f32 v23, v5;
	v20 =	vmul.f32 v26, v26;
	v4 =	vadd.f32 v25, v4;
	v21 =	vld [tilespmem:s23+$0x71A0]  }
0x282: {  	v11 =	vadd.f32 v19, v11;
	v10 =	vadd.f32 v28, v10;
	v23 =	vmul.f32 v22, v22;
	v28 =	vld [tilespmem:s23+$0x71B0]  }
0x283: {  	v9 =	vadd.f32 v26, v9;
	v8 =	vadd.f32 v20, v8;
	v26 =	vld [tilespmem:s23+$0x7040];
	v20 =	vmul.f32 v27, v27  }
0x284: {  	v11 =	vadd.f32 v22, v11;
	v19 =	vld [tilespmem:s23+$0x7050];
	v10 =	vadd.f32 v23, v10;
	v23 =	vmul.f32 v24, v24  }
0x285: {  	v9 =	vadd.f32 v27, v9;
	v8 =	vadd.f32 v20, v8;
	v20 =	vld [tilespmem:s23+$0x70C0];
	v25 =	vmul.f32 v29, v29  }
.Ltmp3:
0x286: {  	v11 =	vadd.f32 v24, v11;
	v22 =	vld [tilespmem:s23+$0x70D0];
	v10 =	vadd.f32 v23, v10;
	v23 =	vmul.f32 v21, v21;
	(pc) =	sbr.rel @p0 .LBB2_8-.Ltmp3, $4  }
0x287: {  	v9 =	vadd.f32 v29, v9;
	v8 =	vadd.f32 v25, v8;
	v25 =	vld [tilespmem:s23+$0x7140];
	v29 =	vmul.f32 v28, v28  }
0x288: {  	v11 =	vadd.f32 v21, v11;
	v30 =	vmul.f32 v26, v26;
	v24 =	vld [tilespmem:s23+$0x7150];
	v10 =	vadd.f32 v23, v10  }
0x289: {  	v9 =	vadd.f32 v28, v9;
	v27 =	vmul.f32 v19, v19;
	v8 =	vadd.f32 v29, v8;
	v23 =	vld [tilespmem:s23+$0x71C0]  }
0x28a: {  	s17 =	sadd.s32 $0x200, s17;
	v26 =	vadd.f32 v26, v17;
	v17 =	vadd.f32 v30, v18;
	v18 =	vmul.f32 v20, v20;
	v21 =	vld [tilespmem:s23+$0x71D0]  }
0x28b: {  	v28 =	vld [tilespmem:s23+$0x7060]  }
0x28c: {  	v29 =	vld [tilespmem:s23+$0x7070]  }
0x28d: {  	v30 =	vld [tilespmem:s23+$0x70E0]  }
0x28e: {  	v31 =	vld [tilespmem:s23+$0x70F0]  }
0x28f: {  	v32 =	vld [tilespmem:s23+$0x7160]  }
0x290: {  	v3 =	vadd.f32 v19, v3;
	v19 =	vld [tilespmem:s23+$0x7170];
	v16 =	vadd.f32 v27, v16;
	v27 =	vmul.f32 v22, v22  }
0x291: {  	v20 =	vadd.f32 v20, v26;
	v26 =	vld [tilespmem:s23+$0x71E0];
	v17 =	vadd.f32 v18, v17;
	v18 =	vmul.f32 v25, v25  }
0x292: {  	v3 =	vadd.f32 v22, v3;
	v22 =	vld [tilespmem:s23+$0x71F0];
	v16 =	vadd.f32 v27, v16;
	[tilespmem:$0x1A680] =	vst v7;
	v7 =	vmul.f32 v24, v24  }
0x293: {  	[tilespmem:$0x1AA80] =	vst v6;
	v20 =	vadd.f32 v25, v20;
	v17 =	vadd.f32 v18, v17;
	v18 =	vmul.f32 v23, v23  }
0x294: {  	[tilespmem:$0x1A690] =	vst v5;
	v3 =	vadd.f32 v24, v3;
	v6 =	vadd.f32 v7, v16;
	v7 =	vmul.f32 v21, v21  }
0x295: {  	[tilespmem:$0x1AA90] =	vst v4;
	v16 =	vadd.f32 v23, v20;
	v5 =	vmul.f32 v28, v28;
	v17 =	vadd.f32 v18, v17  }
0x296: {  	[tilespmem:$0x1A6A0] =	vst v11;
	v4 =	vmul.f32 v29, v29;
	v6 =	vadd.f32 v7, v6;
	v7 =	vadd.f32 v28, v14  }
0x297: {  	[tilespmem:$0x1AAA0] =	vst v10;
	v11 =	vmul.f32 v30, v30;
	v13 =	vadd.f32 v29, v13;
	v5 =	vadd.f32 v5, v15  }
0x298: {  	[tilespmem:$0x1A6B0] =	vst v9;
	v10 =	vmul.f32 v31, v31;
	v3 =	vadd.f32 v21, v3;
	v7 =	vadd.f32 v30, v7  }
0x299: {  	[tilespmem:$0x1AAB0] =	vst v8;
	v9 =	vmul.f32 v32, v32;
	v4 =	vadd.f32 v4, v12;
	v5 =	vadd.f32 v11, v5  }
0x29a: {  	v8 =	vmul.f32 v19, v19;
	[tilespmem:$0x1A6C0] =	vst v16;
	v11 =	vadd.f32 v31, v13;
	v7 =	vadd.f32 v32, v7  }
0x29b: {  	[tilespmem:$0x1AAC0] =	vst v17;
	v4 =	vadd.f32 v10, v4;
	v5 =	vadd.f32 v9, v5;
	v9 =	vmul.f32 v26, v26  }
0x29c: {  	[tilespmem:$0x1A6D0] =	vst v3;
	v10 =	vadd.f32 v19, v11;
	v7 =	vadd.f32 v26, v7  }
0x29d: {  	[tilespmem:$0x1AAD0] =	vst v6;
	v3 =	vadd.f32 v8, v4;
	v4 =	vmul.f32 v22, v22;
	v5 =	vadd.f32 v9, v5  }
0x29e: {  	v6 =	vadd.f32 v22, v10;
	[tilespmem:$0x1A6E0] =	vst v7  }
0x29f: {  	v3 =	vadd.f32 v4, v3;
	[tilespmem:$0x1AAE0] =	vst v5  }
0x2a0: {  	[tilespmem:$0x1A6F0] =	vst v6  }
0x2a1: {  	[tilespmem:$0x1AAF0] =	vst v3  }
0x2a2: {  	s16 =	simm.s32 $0x0;
	_ =	swait.ge [sflag:s0], $0x6800  }
0x2a3: {  	s5 =	sand.u32 $0x7800, s16;
	s17 =	sand.u32 $0x200, s16;
	[sflag:s0] =	ssyncset.done $0x0  }
0x2a4: {  	s23 =	sor.u32 s17, s5;
	[sflag:s0] =	ssyncadd.s32 $0xFFFF9800  }
0x2a5: {  	v4 =	vld [tilespmem:s23+$0xD400]  }
0x2a6: {  	v5 =	vld [tilespmem:s23+$0xD410]  }
0x2a7: {  	v6 =	vld [tilespmem:s23+$0xD480]  }
0x2a8: {  	v7 =	vld [tilespmem:s23+$0xD490]  }
0x2a9: {  	v15 =	vld [tilespmem:s23+$0xD420]  }
0x2aa: {  	v8 =	vld [tilespmem:s23+$0xD500]  }
0x2ab: {  	v3 =	vimm.f32 $0.0e+00;
	v10 =	vld [tilespmem:s23+$0xD510];
	v9 =	vmul.f32 v4, v4  }
0x2ac: {  	v12 =	vld [tilespmem:s23+$0xD580];
	v11 =	vmul.f32 v5, v5;
	v4 =	vadd.f32 v4, v3;
	v13 =	vmul.f32 v6, v6  }
0x2ad: {  	v14 =	vld [tilespmem:s23+$0xD590];
	v5 =	vadd.f32 v5, v3;
	v16 =	vmul.f32 v7, v7;
	v9 =	vadd.f32 v9, v3  }
0x2ae: {  	v19 =	vld [tilespmem:s23+$0xD450];
	v18 =	vmul.f32 v15, v15;
	v11 =	vadd.f32 v11, v3;
	v4 =	vadd.f32 v6, v4  }
0x2af: {  	v17 =	vld [tilespmem:s23+$0xD430];
	v5 =	vadd.f32 v7, v5;
	v6 =	vadd.f32 v13, v9;
	v9 =	vmul.f32 v8, v8  }
0x2b0: {  	v7 =	vadd.f32 v16, v11;
	v11 =	vld [tilespmem:s23+$0xD4A0];
	v13 =	vmul.f32 v10, v10;
	v4 =	vadd.f32 v8, v4  }
0x2b1: {  	v16 =	vld [tilespmem:s23+$0xD4B0];
	v8 =	vmul.f32 v12, v12;
	v5 =	vadd.f32 v10, v5;
	v6 =	vadd.f32 v9, v6  }
0x2b2: {  	v10 =	vld [tilespmem:s23+$0xD520];
	v9 =	vadd.f32 v13, v7;
	v13 =	vmul.f32 v14, v14;
	v7 =	vadd.f32 v12, v4  }
0x2b3: {  	v21 =	vld [tilespmem:s23+$0xD530];
	v27 =	vmul.f32 v19, v19;
	v5 =	vadd.f32 v14, v5;
	v12 =	vadd.f32 v15, v3  }
0x2b4: {  	v6 =	vadd.f32 v8, v6;
	v8 =	vmul.f32 v17, v17;
	v4 =	vadd.f32 v13, v9;
	v9 =	vld [tilespmem:s23+$0xD5A0]  }
0x2b5: {  	v13 =	vadd.f32 v18, v3;
	v17 =	vadd.f32 v17, v3;
	v18 =	vld [tilespmem:s23+$0xD440];
	v14 =	vmul.f32 v11, v11  }
0x2b6: {  	v15 =	vld [tilespmem:s23+$0xD5B0];
	v20 =	vmul.f32 v16, v16;
	v11 =	vadd.f32 v11, v12;
	v8 =	vadd.f32 v8, v3  }
0x2b7: {  	v12 =	vadd.f32 v14, v13;
	v13 =	vmul.f32 v10, v10;
	v14 =	vadd.f32 v16, v17  }
0x2b8: {  	v16 =	vmul.f32 v21, v21;
	v10 =	vadd.f32 v10, v11;
	v8 =	vadd.f32 v20, v8  }
0x2b9: {  	v20 =	vld [tilespmem:s23+$0xD4C0];
	v12 =	vadd.f32 v13, v12;
	v13 =	vmul.f32 v9, v9;
	v14 =	vadd.f32 v21, v14  }
0x2ba: {  	v22 =	vld [tilespmem:s23+$0xD4D0];
	v17 =	vmul.f32 v18, v18;
	v11 =	vadd.f32 v9, v10;
	v26 =	vadd.f32 v18, v3  }
0x2bb: {  	v25 =	vld [tilespmem:s23+$0xD540];
	v8 =	vadd.f32 v16, v8;
	v16 =	vmul.f32 v15, v15;
	v10 =	vadd.f32 v13, v12  }
0x2bc: {  	v24 =	vld [tilespmem:s23+$0xD550];
	v9 =	vadd.f32 v15, v14;
	v17 =	vadd.f32 v17, v3;
	v14 =	vimm.f32 $0.0e+00  }
0x2bd: {  	v23 =	vld [tilespmem:s23+$0xD5C0];
	v15 =	vimm.f32 $0.0e+00;
	v13 =	vimm.f32 $0.0e+00;
	v12 =	vimm.f32 $0.0e+00  }
0x2be: {  	s17 =	simm.s32 $0x200;
	v21 =	vld [tilespmem:s23+$0xD5D0];
	v8 =	vadd.f32 v16, v8;
	v16 =	vimm.f32 $0.0e+00;
	v18 =	vmul.f32 v20, v20  }
.LBB2_10:
0x2bf: {  	p0 =	sne.s32 s17, $0x3000;
	v3 =	vadd.f32 v19, v3;
	v16 =	vadd.f32 v27, v16;
	v19 =	vld [tilespmem:s23+$0xD460];
	v27 =	vmul.f32 v22, v22  }
0x2c0: {  	v28 =	vld [tilespmem:s23+$0xD470];
	v20 =	vadd.f32 v20, v26;
	v17 =	vadd.f32 v18, v17;
	v18 =	vmul.f32 v25, v25  }
0x2c1: {  	v3 =	vadd.f32 v22, v3;
	v16 =	vadd.f32 v27, v16;
	v22 =	vld [tilespmem:s23+$0xD4E0];
	v26 =	vmul.f32 v24, v24  }
0x2c2: {  	v27 =	vld [tilespmem:s23+$0xD4F0];
	v20 =	vadd.f32 v25, v20;
	v18 =	vadd.f32 v18, v17;
	v25 =	vmul.f32 v23, v23  }
0x2c3: {  	v3 =	vadd.f32 v24, v3;
	v16 =	vadd.f32 v26, v16;
	v24 =	vld [tilespmem:s23+$0xD560];
	v26 =	vmul.f32 v21, v21  }
0x2c4: {  	s16 =	sadd.s32 $0x400, s16;
	v29 =	vmul.f32 v19, v19;
	v30 =	vld [tilespmem:s23+$0xD570];
	v17 =	vadd.f32 v23, v20;
	v18 =	vadd.f32 v25, v18  }
0x2c5: {  	s18 =	sand.u32 $0x200, s17;
	s5 =	sand.u32 $0x7800, s16;
	v20 =	vmul.f32 v28, v28;
	v3 =	vadd.f32 v21, v3;
	v16 =	vadd.f32 v26, v16;
	v21 =	vld [tilespmem:s23+$0xD5E0]  }
0x2c6: {  	v14 =	vadd.f32 v19, v14;
	v15 =	vadd.f32 v29, v15;
	v19 =	vmul.f32 v22, v22;
	v23 =	vld [tilespmem:s23+$0xD5F0];
	s23 =	sor.u32 s18, s5  }
0x2c7: {  	v13 =	vadd.f32 v28, v13;
	v25 =	vld [tilespmem:s23+$0xD400];
	v12 =	vadd.f32 v20, v12;
	v20 =	vmul.f32 v27, v27  }
0x2c8: {  	v14 =	vadd.f32 v22, v14;
	v26 =	vld [tilespmem:s23+$0xD410];
	v15 =	vadd.f32 v19, v15;
	v19 =	vmul.f32 v24, v24  }
0x2c9: {  	v13 =	vadd.f32 v27, v13;
	v22 =	vld [tilespmem:s23+$0xD480];
	v12 =	vadd.f32 v20, v12;
	v20 =	vmul.f32 v30, v30  }
0x2ca: {  	v14 =	vadd.f32 v24, v14;
	v27 =	vld [tilespmem:s23+$0xD490];
	v15 =	vadd.f32 v19, v15;
	v19 =	vmul.f32 v21, v21  }
0x2cb: {  	v13 =	vadd.f32 v30, v13;
	v24 =	vld [tilespmem:s23+$0xD500];
	v12 =	vadd.f32 v20, v12;
	v20 =	vmul.f32 v23, v23  }
0x2cc: {  	v14 =	vadd.f32 v21, v14;
	v28 =	vmul.f32 v25, v25;
	v29 =	vld [tilespmem:s23+$0xD510];
	v15 =	vadd.f32 v19, v15  }
0x2cd: {  	v13 =	vadd.f32 v23, v13;
	v19 =	vmul.f32 v26, v26;
	v21 =	vld [tilespmem:s23+$0xD580];
	v12 =	vadd.f32 v20, v12  }
0x2ce: {  	v7 =	vadd.f32 v25, v7;
	v6 =	vadd.f32 v28, v6;
	v20 =	vmul.f32 v22, v22;
	v23 =	vld [tilespmem:s23+$0xD590]  }
0x2cf: {  	v5 =	vadd.f32 v26, v5;
	v4 =	vadd.f32 v19, v4;
	v19 =	vld [tilespmem:s23+$0xD420];
	v25 =	vmul.f32 v27, v27  }
0x2d0: {  	v7 =	vadd.f32 v22, v7;
	v26 =	vld [tilespmem:s23+$0xD430];
	v6 =	vadd.f32 v20, v6;
	v20 =	vmul.f32 v24, v24  }
0x2d1: {  	v5 =	vadd.f32 v27, v5;
	v4 =	vadd.f32 v25, v4;
	v22 =	vld [tilespmem:s23+$0xD4A0];
	v25 =	vmul.f32 v29, v29  }
0x2d2: {  	v7 =	vadd.f32 v24, v7;
	v27 =	vld [tilespmem:s23+$0xD4B0];
	v6 =	vadd.f32 v20, v6;
	v20 =	vmul.f32 v21, v21  }
0x2d3: {  	v5 =	vadd.f32 v29, v5;
	v4 =	vadd.f32 v25, v4;
	v24 =	vld [tilespmem:s23+$0xD520];
	v25 =	vmul.f32 v23, v23  }
0x2d4: {  	v7 =	vadd.f32 v21, v7;
	v28 =	vmul.f32 v19, v19;
	v29 =	vld [tilespmem:s23+$0xD530];
	v6 =	vadd.f32 v20, v6  }
0x2d5: {  	v5 =	vadd.f32 v23, v5;
	v20 =	vmul.f32 v26, v26;
	v4 =	vadd.f32 v25, v4;
	v21 =	vld [tilespmem:s23+$0xD5A0]  }
0x2d6: {  	v11 =	vadd.f32 v19, v11;
	v10 =	vadd.f32 v28, v10;
	v23 =	vmul.f32 v22, v22;
	v28 =	vld [tilespmem:s23+$0xD5B0]  }
0x2d7: {  	v9 =	vadd.f32 v26, v9;
	v8 =	vadd.f32 v20, v8;
	v26 =	vld [tilespmem:s23+$0xD440];
	v20 =	vmul.f32 v27, v27  }
0x2d8: {  	v11 =	vadd.f32 v22, v11;
	v19 =	vld [tilespmem:s23+$0xD450];
	v10 =	vadd.f32 v23, v10;
	v23 =	vmul.f32 v24, v24  }
0x2d9: {  	v9 =	vadd.f32 v27, v9;
	v8 =	vadd.f32 v20, v8;
	v20 =	vld [tilespmem:s23+$0xD4C0];
	v25 =	vmul.f32 v29, v29  }
.Ltmp4:
0x2da: {  	v11 =	vadd.f32 v24, v11;
	v22 =	vld [tilespmem:s23+$0xD4D0];
	v10 =	vadd.f32 v23, v10;
	v23 =	vmul.f32 v21, v21;
	(pc) =	sbr.rel @p0 .LBB2_10-.Ltmp4, $4  }
0x2db: {  	v9 =	vadd.f32 v29, v9;
	v8 =	vadd.f32 v25, v8;
	v25 =	vld [tilespmem:s23+$0xD540];
	v29 =	vmul.f32 v28, v28  }
0x2dc: {  	v11 =	vadd.f32 v21, v11;
	v30 =	vmul.f32 v26, v26;
	v24 =	vld [tilespmem:s23+$0xD550];
	v10 =	vadd.f32 v23, v10  }
0x2dd: {  	v9 =	vadd.f32 v28, v9;
	v27 =	vmul.f32 v19, v19;
	v8 =	vadd.f32 v29, v8;
	v23 =	vld [tilespmem:s23+$0xD5C0]  }
0x2de: {  	s17 =	sadd.s32 $0x200, s17;
	v26 =	vadd.f32 v26, v17;
	v17 =	vadd.f32 v30, v18;
	v18 =	vmul.f32 v20, v20;
	v21 =	vld [tilespmem:s23+$0xD5D0]  }
0x2df: {  	v28 =	vld [tilespmem:s23+$0xD460]  }
0x2e0: {  	v29 =	vld [tilespmem:s23+$0xD470]  }
0x2e1: {  	v30 =	vld [tilespmem:s23+$0xD4E0]  }
0x2e2: {  	v31 =	vld [tilespmem:s23+$0xD4F0]  }
0x2e3: {  	v32 =	vld [tilespmem:s23+$0xD560]  }
0x2e4: {  	v3 =	vadd.f32 v19, v3;
	v19 =	vld [tilespmem:s23+$0xD570];
	v16 =	vadd.f32 v27, v16;
	v27 =	vmul.f32 v22, v22  }
0x2e5: {  	v20 =	vadd.f32 v20, v26;
	v26 =	vld [tilespmem:s23+$0xD5E0];
	v17 =	vadd.f32 v18, v17;
	v18 =	vmul.f32 v25, v25  }
0x2e6: {  	v3 =	vadd.f32 v22, v3;
	v22 =	vld [tilespmem:s23+$0xD5F0];
	v16 =	vadd.f32 v27, v16;
	[tilespmem:$0x1A500] =	vst v7;
	v7 =	vmul.f32 v24, v24  }
0x2e7: {  	[tilespmem:$0x1A900] =	vst v6;
	v20 =	vadd.f32 v25, v20;
	v17 =	vadd.f32 v18, v17;
	v18 =	vmul.f32 v23, v23  }
0x2e8: {  	[tilespmem:$0x1A510] =	vst v5;
	v3 =	vadd.f32 v24, v3;
	v6 =	vadd.f32 v7, v16;
	v7 =	vmul.f32 v21, v21  }
0x2e9: {  	[tilespmem:$0x1A910] =	vst v4;
	v16 =	vadd.f32 v23, v20;
	v5 =	vmul.f32 v28, v28;
	v17 =	vadd.f32 v18, v17  }
0x2ea: {  	[tilespmem:$0x1A520] =	vst v11;
	v4 =	vmul.f32 v29, v29;
	v6 =	vadd.f32 v7, v6;
	v7 =	vadd.f32 v28, v14  }
0x2eb: {  	[tilespmem:$0x1A920] =	vst v10;
	v11 =	vmul.f32 v30, v30;
	v13 =	vadd.f32 v29, v13;
	v5 =	vadd.f32 v5, v15  }
0x2ec: {  	[tilespmem:$0x1A530] =	vst v9;
	v10 =	vmul.f32 v31, v31;
	v3 =	vadd.f32 v21, v3;
	v7 =	vadd.f32 v30, v7  }
0x2ed: {  	[tilespmem:$0x1A930] =	vst v8;
	v9 =	vmul.f32 v32, v32;
	v4 =	vadd.f32 v4, v12;
	v5 =	vadd.f32 v11, v5  }
0x2ee: {  	v8 =	vmul.f32 v19, v19;
	[tilespmem:$0x1A540] =	vst v16;
	v11 =	vadd.f32 v31, v13;
	v7 =	vadd.f32 v32, v7  }
0x2ef: {  	[tilespmem:$0x1A940] =	vst v17;
	v4 =	vadd.f32 v10, v4;
	v5 =	vadd.f32 v9, v5;
	v9 =	vmul.f32 v26, v26  }
0x2f0: {  	[tilespmem:$0x1A550] =	vst v3;
	v10 =	vadd.f32 v19, v11;
	v7 =	vadd.f32 v26, v7  }
0x2f1: {  	[tilespmem:$0x1A950] =	vst v6;
	v3 =	vadd.f32 v8, v4;
	v4 =	vmul.f32 v22, v22;
	v5 =	vadd.f32 v9, v5  }
0x2f2: {  	v6 =	vadd.f32 v22, v10;
	[tilespmem:$0x1A560] =	vst v7  }
0x2f3: {  	s16 =	simm.s32 $0x0;
	v3 =	vadd.f32 v4, v3;
	[tilespmem:$0x1A960] =	vst v5  }
0x2f4: {  	s5 =	sand.u32 $0x7800, s16;
	s17 =	sand.u32 $0x200, s16;
	[tilespmem:$0x1A570] =	vst v6  }
0x2f5: {  	s23 =	sor.u32 s17, s5;
	[tilespmem:$0x1A970] =	vst v3  }
0x2f6: {  	v4 =	vld [tilespmem:s23+$0xD800]  }
0x2f7: {  	v5 =	vld [tilespmem:s23+$0xD810]  }
0x2f8: {  	v6 =	vld [tilespmem:s23+$0xD880]  }
0x2f9: {  	v7 =	vld [tilespmem:s23+$0xD890]  }
0x2fa: {  	v15 =	vld [tilespmem:s23+$0xD820]  }
0x2fb: {  	v8 =	vld [tilespmem:s23+$0xD900]  }
0x2fc: {  	v3 =	vimm.f32 $0.0e+00;
	v10 =	vld [tilespmem:s23+$0xD910];
	v9 =	vmul.f32 v4, v4  }
0x2fd: {  	v12 =	vld [tilespmem:s23+$0xD980];
	v11 =	vmul.f32 v5, v5;
	v4 =	vadd.f32 v4, v3;
	v13 =	vmul.f32 v6, v6  }
0x2fe: {  	v14 =	vld [tilespmem:s23+$0xD990];
	v5 =	vadd.f32 v5, v3;
	v16 =	vmul.f32 v7, v7;
	v9 =	vadd.f32 v9, v3  }
0x2ff: {  	v19 =	vld [tilespmem:s23+$0xD850];
	v18 =	vmul.f32 v15, v15;
	v11 =	vadd.f32 v11, v3;
	v4 =	vadd.f32 v6, v4  }
0x300: {  	v17 =	vld [tilespmem:s23+$0xD830];
	v5 =	vadd.f32 v7, v5;
	v6 =	vadd.f32 v13, v9;
	v9 =	vmul.f32 v8, v8  }
0x301: {  	v7 =	vadd.f32 v16, v11;
	v11 =	vld [tilespmem:s23+$0xD8A0];
	v13 =	vmul.f32 v10, v10;
	v4 =	vadd.f32 v8, v4  }
0x302: {  	v16 =	vld [tilespmem:s23+$0xD8B0];
	v8 =	vmul.f32 v12, v12;
	v5 =	vadd.f32 v10, v5;
	v6 =	vadd.f32 v9, v6  }
0x303: {  	v10 =	vld [tilespmem:s23+$0xD920];
	v9 =	vadd.f32 v13, v7;
	v13 =	vmul.f32 v14, v14;
	v7 =	vadd.f32 v12, v4  }
0x304: {  	v21 =	vld [tilespmem:s23+$0xD930];
	v27 =	vmul.f32 v19, v19;
	v5 =	vadd.f32 v14, v5;
	v12 =	vadd.f32 v15, v3  }
0x305: {  	v6 =	vadd.f32 v8, v6;
	v8 =	vmul.f32 v17, v17;
	v4 =	vadd.f32 v13, v9;
	v9 =	vld [tilespmem:s23+$0xD9A0]  }
0x306: {  	v13 =	vadd.f32 v18, v3;
	v17 =	vadd.f32 v17, v3;
	v18 =	vld [tilespmem:s23+$0xD840];
	v14 =	vmul.f32 v11, v11  }
0x307: {  	v15 =	vld [tilespmem:s23+$0xD9B0];
	v20 =	vmul.f32 v16, v16;
	v11 =	vadd.f32 v11, v12;
	v8 =	vadd.f32 v8, v3  }
0x308: {  	v12 =	vadd.f32 v14, v13;
	v13 =	vmul.f32 v10, v10;
	v14 =	vadd.f32 v16, v17  }
0x309: {  	v16 =	vmul.f32 v21, v21;
	v10 =	vadd.f32 v10, v11;
	v8 =	vadd.f32 v20, v8  }
0x30a: {  	v20 =	vld [tilespmem:s23+$0xD8C0];
	v12 =	vadd.f32 v13, v12;
	v13 =	vmul.f32 v9, v9;
	v14 =	vadd.f32 v21, v14  }
0x30b: {  	v22 =	vld [tilespmem:s23+$0xD8D0];
	v17 =	vmul.f32 v18, v18;
	v11 =	vadd.f32 v9, v10;
	v26 =	vadd.f32 v18, v3  }
0x30c: {  	v25 =	vld [tilespmem:s23+$0xD940];
	v8 =	vadd.f32 v16, v8;
	v16 =	vmul.f32 v15, v15;
	v10 =	vadd.f32 v13, v12  }
0x30d: {  	v24 =	vld [tilespmem:s23+$0xD950];
	v9 =	vadd.f32 v15, v14;
	v17 =	vadd.f32 v17, v3;
	v14 =	vimm.f32 $0.0e+00  }
0x30e: {  	v23 =	vld [tilespmem:s23+$0xD9C0];
	v15 =	vimm.f32 $0.0e+00;
	v13 =	vimm.f32 $0.0e+00;
	v12 =	vimm.f32 $0.0e+00  }
0x30f: {  	s17 =	simm.s32 $0x200;
	v21 =	vld [tilespmem:s23+$0xD9D0];
	v8 =	vadd.f32 v16, v8;
	v16 =	vimm.f32 $0.0e+00;
	v18 =	vmul.f32 v20, v20  }
.LBB2_12:
0x310: {  	p0 =	sne.s32 s17, $0x3000;
	v3 =	vadd.f32 v19, v3;
	v16 =	vadd.f32 v27, v16;
	v19 =	vld [tilespmem:s23+$0xD860];
	v27 =	vmul.f32 v22, v22  }
0x311: {  	v28 =	vld [tilespmem:s23+$0xD870];
	v20 =	vadd.f32 v20, v26;
	v17 =	vadd.f32 v18, v17;
	v18 =	vmul.f32 v25, v25  }
0x312: {  	v3 =	vadd.f32 v22, v3;
	v16 =	vadd.f32 v27, v16;
	v22 =	vld [tilespmem:s23+$0xD8E0];
	v26 =	vmul.f32 v24, v24  }
0x313: {  	v27 =	vld [tilespmem:s23+$0xD8F0];
	v20 =	vadd.f32 v25, v20;
	v18 =	vadd.f32 v18, v17;
	v25 =	vmul.f32 v23, v23  }
0x314: {  	v3 =	vadd.f32 v24, v3;
	v16 =	vadd.f32 v26, v16;
	v24 =	vld [tilespmem:s23+$0xD960];
	v26 =	vmul.f32 v21, v21  }
0x315: {  	s16 =	sadd.s32 $0x400, s16;
	v29 =	vmul.f32 v19, v19;
	v30 =	vld [tilespmem:s23+$0xD970];
	v17 =	vadd.f32 v23, v20;
	v18 =	vadd.f32 v25, v18  }
0x316: {  	s18 =	sand.u32 $0x200, s17;
	s5 =	sand.u32 $0x7800, s16;
	v20 =	vmul.f32 v28, v28;
	v3 =	vadd.f32 v21, v3;
	v16 =	vadd.f32 v26, v16;
	v21 =	vld [tilespmem:s23+$0xD9E0]  }
0x317: {  	v14 =	vadd.f32 v19, v14;
	v15 =	vadd.f32 v29, v15;
	v19 =	vmul.f32 v22, v22;
	v23 =	vld [tilespmem:s23+$0xD9F0];
	s23 =	sor.u32 s18, s5  }
0x318: {  	v13 =	vadd.f32 v28, v13;
	v25 =	vld [tilespmem:s23+$0xD800];
	v12 =	vadd.f32 v20, v12;
	v20 =	vmul.f32 v27, v27  }
0x319: {  	v14 =	vadd.f32 v22, v14;
	v26 =	vld [tilespmem:s23+$0xD810];
	v15 =	vadd.f32 v19, v15;
	v19 =	vmul.f32 v24, v24  }
0x31a: {  	v13 =	vadd.f32 v27, v13;
	v22 =	vld [tilespmem:s23+$0xD880];
	v12 =	vadd.f32 v20, v12;
	v20 =	vmul.f32 v30, v30  }
0x31b: {  	v14 =	vadd.f32 v24, v14;
	v27 =	vld [tilespmem:s23+$0xD890];
	v15 =	vadd.f32 v19, v15;
	v19 =	vmul.f32 v21, v21  }
0x31c: {  	v13 =	vadd.f32 v30, v13;
	v24 =	vld [tilespmem:s23+$0xD900];
	v12 =	vadd.f32 v20, v12;
	v20 =	vmul.f32 v23, v23  }
0x31d: {  	v14 =	vadd.f32 v21, v14;
	v28 =	vmul.f32 v25, v25;
	v29 =	vld [tilespmem:s23+$0xD910];
	v15 =	vadd.f32 v19, v15  }
0x31e: {  	v13 =	vadd.f32 v23, v13;
	v19 =	vmul.f32 v26, v26;
	v21 =	vld [tilespmem:s23+$0xD980];
	v12 =	vadd.f32 v20, v12  }
0x31f: {  	v7 =	vadd.f32 v25, v7;
	v6 =	vadd.f32 v28, v6;
	v20 =	vmul.f32 v22, v22;
	v23 =	vld [tilespmem:s23+$0xD990]  }
0x320: {  	v5 =	vadd.f32 v26, v5;
	v4 =	vadd.f32 v19, v4;
	v19 =	vld [tilespmem:s23+$0xD820];
	v25 =	vmul.f32 v27, v27  }
0x321: {  	v7 =	vadd.f32 v22, v7;
	v26 =	vld [tilespmem:s23+$0xD830];
	v6 =	vadd.f32 v20, v6;
	v20 =	vmul.f32 v24, v24  }
0x322: {  	v5 =	vadd.f32 v27, v5;
	v4 =	vadd.f32 v25, v4;
	v22 =	vld [tilespmem:s23+$0xD8A0];
	v25 =	vmul.f32 v29, v29  }
0x323: {  	v7 =	vadd.f32 v24, v7;
	v27 =	vld [tilespmem:s23+$0xD8B0];
	v6 =	vadd.f32 v20, v6;
	v20 =	vmul.f32 v21, v21  }
0x324: {  	v5 =	vadd.f32 v29, v5;
	v4 =	vadd.f32 v25, v4;
	v24 =	vld [tilespmem:s23+$0xD920];
	v25 =	vmul.f32 v23, v23  }
0x325: {  	v7 =	vadd.f32 v21, v7;
	v28 =	vmul.f32 v19, v19;
	v29 =	vld [tilespmem:s23+$0xD930];
	v6 =	vadd.f32 v20, v6  }
0x326: {  	v5 =	vadd.f32 v23, v5;
	v20 =	vmul.f32 v26, v26;
	v4 =	vadd.f32 v25, v4;
	v21 =	vld [tilespmem:s23+$0xD9A0]  }
0x327: {  	v11 =	vadd.f32 v19, v11;
	v10 =	vadd.f32 v28, v10;
	v23 =	vmul.f32 v22, v22;
	v28 =	vld [tilespmem:s23+$0xD9B0]  }
0x328: {  	v9 =	vadd.f32 v26, v9;
	v8 =	vadd.f32 v20, v8;
	v26 =	vld [tilespmem:s23+$0xD840];
	v20 =	vmul.f32 v27, v27  }
0x329: {  	v11 =	vadd.f32 v22, v11;
	v19 =	vld [tilespmem:s23+$0xD850];
	v10 =	vadd.f32 v23, v10;
	v23 =	vmul.f32 v24, v24  }
0x32a: {  	v9 =	vadd.f32 v27, v9;
	v8 =	vadd.f32 v20, v8;
	v20 =	vld [tilespmem:s23+$0xD8C0];
	v25 =	vmul.f32 v29, v29  }
.Ltmp5:
0x32b: {  	v11 =	vadd.f32 v24, v11;
	v22 =	vld [tilespmem:s23+$0xD8D0];
	v10 =	vadd.f32 v23, v10;
	v23 =	vmul.f32 v21, v21;
	(pc) =	sbr.rel @p0 .LBB2_12-.Ltmp5, $4  }
0x32c: {  	v9 =	vadd.f32 v29, v9;
	v8 =	vadd.f32 v25, v8;
	v25 =	vld [tilespmem:s23+$0xD940];
	v29 =	vmul.f32 v28, v28  }
0x32d: {  	v11 =	vadd.f32 v21, v11;
	v30 =	vmul.f32 v26, v26;
	v24 =	vld [tilespmem:s23+$0xD950];
	v10 =	vadd.f32 v23, v10  }
0x32e: {  	v9 =	vadd.f32 v28, v9;
	v27 =	vmul.f32 v19, v19;
	v8 =	vadd.f32 v29, v8;
	v23 =	vld [tilespmem:s23+$0xD9C0]  }
0x32f: {  	s17 =	sadd.s32 $0x200, s17;
	v26 =	vadd.f32 v26, v17;
	v17 =	vadd.f32 v30, v18;
	v18 =	vmul.f32 v20, v20;
	v21 =	vld [tilespmem:s23+$0xD9D0]  }
0x330: {  	v28 =	vld [tilespmem:s23+$0xD860]  }
0x331: {  	v29 =	vld [tilespmem:s23+$0xD870]  }
0x332: {  	v30 =	vld [tilespmem:s23+$0xD8E0]  }
0x333: {  	v31 =	vld [tilespmem:s23+$0xD8F0]  }
0x334: {  	v32 =	vld [tilespmem:s23+$0xD960]  }
0x335: {  	v3 =	vadd.f32 v19, v3;
	v19 =	vld [tilespmem:s23+$0xD970];
	v16 =	vadd.f32 v27, v16;
	v27 =	vmul.f32 v22, v22  }
0x336: {  	v20 =	vadd.f32 v20, v26;
	v26 =	vld [tilespmem:s23+$0xD9E0];
	v17 =	vadd.f32 v18, v17;
	v18 =	vmul.f32 v25, v25  }
0x337: {  	v3 =	vadd.f32 v22, v3;
	v22 =	vld [tilespmem:s23+$0xD9F0];
	v16 =	vadd.f32 v27, v16;
	[tilespmem:$0x1A700] =	vst v7;
	v7 =	vmul.f32 v24, v24  }
0x338: {  	[tilespmem:$0x1AB00] =	vst v6;
	v20 =	vadd.f32 v25, v20;
	v17 =	vadd.f32 v18, v17;
	v18 =	vmul.f32 v23, v23  }
0x339: {  	[tilespmem:$0x1A710] =	vst v5;
	v3 =	vadd.f32 v24, v3;
	v6 =	vadd.f32 v7, v16;
	v7 =	vmul.f32 v21, v21  }
0x33a: {  	[tilespmem:$0x1AB10] =	vst v4;
	v16 =	vadd.f32 v23, v20;
	v5 =	vmul.f32 v28, v28;
	v17 =	vadd.f32 v18, v17  }
0x33b: {  	[tilespmem:$0x1A720] =	vst v11;
	v4 =	vmul.f32 v29, v29;
	v6 =	vadd.f32 v7, v6;
	v7 =	vadd.f32 v28, v14  }
0x33c: {  	[tilespmem:$0x1AB20] =	vst v10;
	v11 =	vmul.f32 v30, v30;
	v13 =	vadd.f32 v29, v13;
	v5 =	vadd.f32 v5, v15  }
0x33d: {  	[tilespmem:$0x1A730] =	vst v9;
	v10 =	vmul.f32 v31, v31;
	v3 =	vadd.f32 v21, v3;
	v7 =	vadd.f32 v30, v7  }
0x33e: {  	[tilespmem:$0x1AB30] =	vst v8;
	v9 =	vmul.f32 v32, v32;
	v4 =	vadd.f32 v4, v12;
	v5 =	vadd.f32 v11, v5  }
0x33f: {  	v8 =	vmul.f32 v19, v19;
	[tilespmem:$0x1A740] =	vst v16;
	v11 =	vadd.f32 v31, v13;
	v7 =	vadd.f32 v32, v7  }
0x340: {  	[tilespmem:$0x1AB40] =	vst v17;
	v4 =	vadd.f32 v10, v4;
	v5 =	vadd.f32 v9, v5;
	v9 =	vmul.f32 v26, v26  }
0x341: {  	[tilespmem:$0x1A750] =	vst v3;
	v10 =	vadd.f32 v19, v11;
	v7 =	vadd.f32 v26, v7  }
0x342: {  	[tilespmem:$0x1AB50] =	vst v6;
	v3 =	vadd.f32 v8, v4;
	v4 =	vmul.f32 v22, v22;
	v5 =	vadd.f32 v9, v5  }
0x343: {  	v6 =	vadd.f32 v22, v10;
	[tilespmem:$0x1A760] =	vst v7  }
0x344: {  	v3 =	vadd.f32 v4, v3;
	[tilespmem:$0x1AB60] =	vst v5  }
0x345: {  	[tilespmem:$0x1A770] =	vst v6  }
0x346: {  	[tilespmem:$0x1AB70] =	vst v3  }
0x347: {  	s16 =	simm.s32 $0x0;
	_ =	swait.ge [sflag:s2], $0x6800  }
0x348: {  	s5 =	sand.u32 $0x7800, s16;
	s17 =	sand.u32 $0x200, s16;
	[sflag:s2] =	ssyncset.done $0x0  }
0x349: {  	s5 =	sor.u32 s17, s5;
	[sflag:s2] =	ssyncadd.s32 $0xFFFF9800  }
0x34a: {  	s23 =	sadd.s32 $0x13C00, s5;
	v4 =	vld [tilespmem:s5+$0x13C00]  }
0x34b: {  	v5 =	vld [tilespmem:s23+$0x10]  }
0x34c: {  	v6 =	vld [tilespmem:s23+$0x80]  }
0x34d: {  	v7 =	vld [tilespmem:s23+$0x90]  }
0x34e: {  	v8 =	vld [tilespmem:s23+$0x100]  }
0x34f: {  	v20 =	vld [tilespmem:s23+$0x40]  }
0x350: {  	v3 =	vimm.f32 $0.0e+00;
	v9 =	vld [tilespmem:s23+$0x110];
	v10 =	vmul.f32 v4, v4  }
0x351: {  	v11 =	vld [tilespmem:s23+$0x180];
	v12 =	vmul.f32 v5, v5;
	v4 =	vadd.f32 v4, v3  }
0x352: {  	v13 =	vld [tilespmem:s23+$0x190];
	v14 =	vmul.f32 v6, v6;
	v5 =	vadd.f32 v5, v3;
	v10 =	vadd.f32 v10, v3  }
0x353: {  	v15 =	vld [tilespmem:s23+$0x20];
	v16 =	vmul.f32 v7, v7;
	v12 =	vadd.f32 v12, v3;
	v4 =	vadd.f32 v6, v4  }
0x354: {  	v17 =	vld [tilespmem:s23+$0x30];
	v26 =	vmul.f32 v20, v20;
	v5 =	vadd.f32 v7, v5;
	v6 =	vadd.f32 v14, v10  }
0x355: {  	v10 =	vmul.f32 v8, v8;
	v14 =	vld [tilespmem:s23+$0xA0];
	v7 =	vadd.f32 v16, v12;
	v12 =	vmul.f32 v9, v9  }
0x356: {  	v16 =	vld [tilespmem:s23+$0xB0];
	v4 =	vadd.f32 v8, v4;
	v8 =	vmul.f32 v11, v11;
	v5 =	vadd.f32 v9, v5  }
0x357: {  	v19 =	vld [tilespmem:s23+$0x50];
	v6 =	vadd.f32 v10, v6;
	v10 =	vadd.f32 v12, v7;
	v12 =	vmul.f32 v13, v13  }
0x358: {  	v9 =	vld [tilespmem:s23+$0x120];
	v7 =	vadd.f32 v11, v4;
	v11 =	vmul.f32 v15, v15;
	v5 =	vadd.f32 v13, v5  }
0x359: {  	v18 =	vld [tilespmem:s23+$0x130];
	v13 =	vmul.f32 v17, v17;
	v6 =	vadd.f32 v8, v6;
	v4 =	vadd.f32 v12, v10  }
0x35a: {  	v8 =	vld [tilespmem:s23+$0x1A0];
	v10 =	vadd.f32 v15, v3;
	v11 =	vadd.f32 v11, v3;
	v15 =	vmul.f32 v14, v14  }
0x35b: {  	v17 =	vadd.f32 v17, v3;
	v12 =	vld [tilespmem:s23+$0x1B0];
	v13 =	vadd.f32 v13, v3;
	v21 =	vmul.f32 v16, v16  }
0x35c: {  	v27 =	vmul.f32 v19, v19;
	v10 =	vadd.f32 v14, v10;
	v11 =	vadd.f32 v15, v11  }
0x35d: {  	v14 =	vmul.f32 v9, v9;
	v15 =	vadd.f32 v16, v17;
	v13 =	vadd.f32 v21, v13  }
0x35e: {  	v16 =	vmul.f32 v18, v18;
	v17 =	vimm.f32 $0.0e+00;
	v9 =	vadd.f32 v9, v10  }
0x35f: {  	v22 =	vld [tilespmem:s23+$0xC0];
	v10 =	vadd.f32 v14, v11;
	v14 =	vmul.f32 v8, v8;
	v15 =	vadd.f32 v18, v15  }
0x360: {  	v21 =	vld [tilespmem:s23+$0xD0];
	v13 =	vadd.f32 v16, v13;
	v16 =	vmul.f32 v12, v12;
	v11 =	vadd.f32 v8, v9  }
0x361: {  	v24 =	vld [tilespmem:s23+$0x140];
	v18 =	vimm.f32 $0.0e+00;
	v10 =	vadd.f32 v14, v10;
	v9 =	vadd.f32 v12, v15  }
0x362: {  	v25 =	vld [tilespmem:s23+$0x150];
	v8 =	vadd.f32 v16, v13;
	v16 =	vimm.f32 $0.0e+00;
	v14 =	vimm.f32 $0.0e+00  }
0x363: {  	s17 =	simm.s32 $0x200;
	v23 =	vld [tilespmem:s23+$0x1C0];
	v15 =	vimm.f32 $0.0e+00;
	v13 =	vimm.f32 $0.0e+00;
	v12 =	vimm.f32 $0.0e+00  }
.LBB2_14:
0x364: {  	p0 =	sne.s32 s17, $0x3000;
	v3 =	vadd.f32 v20, v3;
	v16 =	vadd.f32 v26, v16;
	v20 =	vmul.f32 v22, v22;
	v26 =	vld [tilespmem:s23+$0x1D0]  }
0x365: {  	v18 =	vadd.f32 v19, v18;
	v17 =	vadd.f32 v27, v17;
	v19 =	vld [tilespmem:s23+$0x60];
	v27 =	vmul.f32 v21, v21  }
0x366: {  	v28 =	vld [tilespmem:s23+$0x70];
	v3 =	vadd.f32 v22, v3;
	v16 =	vadd.f32 v20, v16;
	v20 =	vmul.f32 v24, v24  }
0x367: {  	v18 =	vadd.f32 v21, v18;
	v17 =	vadd.f32 v27, v17;
	v21 =	vld [tilespmem:s23+$0xE0];
	v22 =	vmul.f32 v25, v25  }
0x368: {  	v27 =	vld [tilespmem:s23+$0xF0];
	v3 =	vadd.f32 v24, v3;
	v16 =	vadd.f32 v20, v16;
	v20 =	vmul.f32 v23, v23  }
0x369: {  	v18 =	vadd.f32 v25, v18;
	v17 =	vadd.f32 v22, v17;
	v22 =	vld [tilespmem:s23+$0x160];
	v24 =	vmul.f32 v26, v26  }
0x36a: {  	s16 =	sadd.s32 $0x400, s16;
	v25 =	vmul.f32 v19, v19;
	v29 =	vld [tilespmem:s23+$0x170];
	v3 =	vadd.f32 v23, v3;
	v16 =	vadd.f32 v20, v16  }
0x36b: {  	s18 =	sand.u32 $0x200, s17;
	s5 =	sand.u32 $0x7800, s16;
	v18 =	vadd.f32 v26, v18;
	v20 =	vmul.f32 v28, v28;
	v17 =	vadd.f32 v24, v17;
	v23 =	vld [tilespmem:s23+$0x1E0]  }
0x36c: {  	s5 =	sor.u32 s18, s5;
	v14 =	vadd.f32 v19, v14;
	v15 =	vadd.f32 v25, v15;
	v19 =	vmul.f32 v21, v21;
	v24 =	vld [tilespmem:s23+$0x1F0]  }
0x36d: {  	v13 =	vadd.f32 v28, v13;
	s23 =	sadd.s32 $0x13C00, s5;
	v25 =	vld [tilespmem:s5+$0x13C00];
	v12 =	vadd.f32 v20, v12;
	v20 =	vmul.f32 v27, v27  }
0x36e: {  	v14 =	vadd.f32 v21, v14;
	v26 =	vld [tilespmem:s23+$0x10];
	v15 =	vadd.f32 v19, v15;
	v19 =	vmul.f32 v22, v22  }
0x36f: {  	v13 =	vadd.f32 v27, v13;
	v21 =	vld [tilespmem:s23+$0x80];
	v12 =	vadd.f32 v20, v12;
	v20 =	vmul.f32 v29, v29  }
0x370: {  	v14 =	vadd.f32 v22, v14;
	v27 =	vld [tilespmem:s23+$0x90];
	v15 =	vadd.f32 v19, v15;
	v19 =	vmul.f32 v23, v23  }
0x371: {  	v13 =	vadd.f32 v29, v13;
	v22 =	vld [tilespmem:s23+$0x100];
	v12 =	vadd.f32 v20, v12;
	v20 =	vmul.f32 v24, v24  }
0x372: {  	v14 =	vadd.f32 v23, v14;
	v28 =	vmul.f32 v25, v25;
	v29 =	vld [tilespmem:s23+$0x110];
	v15 =	vadd.f32 v19, v15  }
0x373: {  	v13 =	vadd.f32 v24, v13;
	v19 =	vmul.f32 v26, v26;
	v23 =	vld [tilespmem:s23+$0x180];
	v12 =	vadd.f32 v20, v12  }
0x374: {  	v7 =	vadd.f32 v25, v7;
	v6 =	vadd.f32 v28, v6;
	v20 =	vmul.f32 v21, v21;
	v24 =	vld [tilespmem:s23+$0x190]  }
0x375: {  	v5 =	vadd.f32 v26, v5;
	v4 =	vadd.f32 v19, v4;
	v19 =	vld [tilespmem:s23+$0x20];
	v25 =	vmul.f32 v27, v27  }
0x376: {  	v7 =	vadd.f32 v21, v7;
	v26 =	vld [tilespmem:s23+$0x30];
	v6 =	vadd.f32 v20, v6;
	v20 =	vmul.f32 v22, v22  }
0x377: {  	v5 =	vadd.f32 v27, v5;
	v4 =	vadd.f32 v25, v4;
	v21 =	vld [tilespmem:s23+$0xA0];
	v25 =	vmul.f32 v29, v29  }
0x378: {  	v7 =	vadd.f32 v22, v7;
	v27 =	vld [tilespmem:s23+$0xB0];
	v6 =	vadd.f32 v20, v6;
	v20 =	vmul.f32 v23, v23  }
0x379: {  	v5 =	vadd.f32 v29, v5;
	v4 =	vadd.f32 v25, v4;
	v25 =	vld [tilespmem:s23+$0x120];
	v22 =	vmul.f32 v24, v24  }
0x37a: {  	v7 =	vadd.f32 v23, v7;
	v28 =	vmul.f32 v19, v19;
	v29 =	vld [tilespmem:s23+$0x130];
	v6 =	vadd.f32 v20, v6  }
0x37b: {  	v5 =	vadd.f32 v24, v5;
	v20 =	vmul.f32 v26, v26;
	v4 =	vadd.f32 v22, v4;
	v23 =	vld [tilespmem:s23+$0x1A0]  }
0x37c: {  	v11 =	vadd.f32 v19, v11;
	v10 =	vadd.f32 v28, v10;
	v22 =	vmul.f32 v21, v21;
	v28 =	vld [tilespmem:s23+$0x1B0]  }
0x37d: {  	v9 =	vadd.f32 v26, v9;
	v8 =	vadd.f32 v20, v8;
	v20 =	vld [tilespmem:s23+$0x40];
	v24 =	vmul.f32 v27, v27  }
0x37e: {  	v11 =	vadd.f32 v21, v11;
	v19 =	vld [tilespmem:s23+$0x50];
	v10 =	vadd.f32 v22, v10;
	v26 =	vmul.f32 v25, v25  }
.Ltmp6:
0x37f: {  	v9 =	vadd.f32 v27, v9;
	v8 =	vadd.f32 v24, v8;
	v22 =	vld [tilespmem:s23+$0xC0];
	v24 =	vmul.f32 v29, v29;
	(pc) =	sbr.rel @p0 .LBB2_14-.Ltmp6, $4  }
0x380: {  	v11 =	vadd.f32 v25, v11;
	v21 =	vld [tilespmem:s23+$0xD0];
	v10 =	vadd.f32 v26, v10;
	v27 =	vmul.f32 v23, v23  }
0x381: {  	v9 =	vadd.f32 v29, v9;
	v8 =	vadd.f32 v24, v8;
	v24 =	vld [tilespmem:s23+$0x140];
	v29 =	vmul.f32 v28, v28  }
0x382: {  	v11 =	vadd.f32 v23, v11;
	v26 =	vmul.f32 v20, v20;
	v25 =	vld [tilespmem:s23+$0x150];
	v10 =	vadd.f32 v27, v10  }
0x383: {  	s17 =	sadd.s32 $0x200, s17;
	v9 =	vadd.f32 v28, v9;
	v27 =	vmul.f32 v19, v19;
	v8 =	vadd.f32 v29, v8;
	v23 =	vld [tilespmem:s23+$0x1C0]  }
0x384: {  	v28 =	vld [tilespmem:s23+$0x1D0]  }
0x385: {  	v29 =	vld [tilespmem:s23+$0x60]  }
0x386: {  	v30 =	vld [tilespmem:s23+$0x70]  }
0x387: {  	v31 =	vld [tilespmem:s23+$0xE0]  }
0x388: {  	v32 =	vld [tilespmem:s23+$0xF0];
	v3 =	vadd.f32 v20, v3  }
0x389: {  	v20 =	vld [tilespmem:s23+$0x160];
	v16 =	vadd.f32 v26, v16;
	v26 =	vmul.f32 v22, v22;
	v18 =	vadd.f32 v19, v18  }
0x38a: {  	v19 =	vld [tilespmem:s23+$0x170];
	v17 =	vadd.f32 v27, v17;
	v27 =	vmul.f32 v21, v21;
	v3 =	vadd.f32 v22, v3  }
0x38b: {  	v22 =	vld [tilespmem:s23+$0x1E0];
	v16 =	vadd.f32 v26, v16;
	v26 =	vmul.f32 v24, v24;
	v18 =	vadd.f32 v21, v18  }
0x38c: {  	v21 =	vld [tilespmem:s23+$0x1F0];
	[tilespmem:$0x1A580] =	vst v7;
	v17 =	vadd.f32 v27, v17;
	v7 =	vmul.f32 v25, v25;
	v3 =	vadd.f32 v24, v3  }
0x38d: {  	[tilespmem:$0x1A980] =	vst v6;
	v16 =	vadd.f32 v26, v16;
	v18 =	vadd.f32 v25, v18  }
0x38e: {  	[tilespmem:$0x1A590] =	vst v5;
	v24 =	vmul.f32 v23, v23;
	v6 =	vadd.f32 v7, v17;
	v7 =	vmul.f32 v28, v28  }
0x38f: {  	[tilespmem:$0x1A990] =	vst v4;
	v5 =	vmul.f32 v29, v29;
	v13 =	vadd.f32 v30, v13;
	v3 =	vadd.f32 v23, v3  }
0x390: {  	[tilespmem:$0x1A5A0] =	vst v11;
	v4 =	vmul.f32 v30, v30;
	v6 =	vadd.f32 v7, v6;
	v7 =	vadd.f32 v29, v14  }
0x391: {  	[tilespmem:$0x1A9A0] =	vst v10;
	v11 =	vmul.f32 v31, v31;
	v16 =	vadd.f32 v24, v16;
	v5 =	vadd.f32 v5, v15  }
0x392: {  	[tilespmem:$0x1A5B0] =	vst v9;
	v10 =	vmul.f32 v32, v32;
	v17 =	vadd.f32 v28, v18;
	v7 =	vadd.f32 v31, v7  }
0x393: {  	[tilespmem:$0x1A9B0] =	vst v8;
	v9 =	vmul.f32 v20, v20;
	v4 =	vadd.f32 v4, v12;
	v5 =	vadd.f32 v11, v5  }
0x394: {  	v8 =	vmul.f32 v22, v22;
	[tilespmem:$0x1A5C0] =	vst v3;
	v11 =	vadd.f32 v32, v13;
	v7 =	vadd.f32 v20, v7  }
0x395: {  	v3 =	vmul.f32 v19, v19;
	[tilespmem:$0x1A9C0] =	vst v16;
	v4 =	vadd.f32 v10, v4;
	v5 =	vadd.f32 v9, v5  }
0x396: {  	[tilespmem:$0x1A5D0] =	vst v17;
	v9 =	vadd.f32 v19, v11;
	v7 =	vadd.f32 v22, v7  }
0x397: {  	[tilespmem:$0x1A9D0] =	vst v6;
	v3 =	vadd.f32 v3, v4;
	v4 =	vmul.f32 v21, v21;
	v5 =	vadd.f32 v8, v5  }
0x398: {  	v6 =	vadd.f32 v21, v9;
	[tilespmem:$0x1A5E0] =	vst v7  }
0x399: {  	s16 =	simm.s32 $0x0;
	v3 =	vadd.f32 v4, v3;
	[tilespmem:$0x1A9E0] =	vst v5  }
0x39a: {  	s5 =	sand.u32 $0x7800, s16;
	s17 =	sand.u32 $0x200, s16;
	[tilespmem:$0x1A5F0] =	vst v6  }
0x39b: {  	s5 =	sor.u32 s17, s5;
	[tilespmem:$0x1A9F0] =	vst v3  }
0x39c: {  	s23 =	sadd.s32 $0x14000, s5;
	v4 =	vld [tilespmem:s5+$0x14000]  }
0x39d: {  	v5 =	vld [tilespmem:s23+$0x10]  }
0x39e: {  	v6 =	vld [tilespmem:s23+$0x80]  }
0x39f: {  	v7 =	vld [tilespmem:s23+$0x90]  }
0x3a0: {  	v8 =	vld [tilespmem:s23+$0x100]  }
0x3a1: {  	v20 =	vld [tilespmem:s23+$0x40]  }
0x3a2: {  	v3 =	vimm.f32 $0.0e+00;
	v9 =	vld [tilespmem:s23+$0x110];
	v10 =	vmul.f32 v4, v4  }
0x3a3: {  	v11 =	vld [tilespmem:s23+$0x180];
	v12 =	vmul.f32 v5, v5;
	v4 =	vadd.f32 v4, v3  }
0x3a4: {  	v13 =	vld [tilespmem:s23+$0x190];
	v14 =	vmul.f32 v6, v6;
	v5 =	vadd.f32 v5, v3;
	v10 =	vadd.f32 v10, v3  }
0x3a5: {  	v15 =	vld [tilespmem:s23+$0x20];
	v16 =	vmul.f32 v7, v7;
	v12 =	vadd.f32 v12, v3;
	v4 =	vadd.f32 v6, v4  }
0x3a6: {  	v17 =	vld [tilespmem:s23+$0x30];
	v26 =	vmul.f32 v20, v20;
	v5 =	vadd.f32 v7, v5;
	v6 =	vadd.f32 v14, v10  }
0x3a7: {  	v10 =	vmul.f32 v8, v8;
	v14 =	vld [tilespmem:s23+$0xA0];
	v7 =	vadd.f32 v16, v12;
	v12 =	vmul.f32 v9, v9  }
0x3a8: {  	v16 =	vld [tilespmem:s23+$0xB0];
	v4 =	vadd.f32 v8, v4;
	v8 =	vmul.f32 v11, v11;
	v5 =	vadd.f32 v9, v5  }
0x3a9: {  	v19 =	vld [tilespmem:s23+$0x50];
	v6 =	vadd.f32 v10, v6;
	v10 =	vadd.f32 v12, v7;
	v12 =	vmul.f32 v13, v13  }
0x3aa: {  	v9 =	vld [tilespmem:s23+$0x120];
	v7 =	vadd.f32 v11, v4;
	v11 =	vmul.f32 v15, v15;
	v5 =	vadd.f32 v13, v5  }
0x3ab: {  	v18 =	vld [tilespmem:s23+$0x130];
	v13 =	vmul.f32 v17, v17;
	v6 =	vadd.f32 v8, v6;
	v4 =	vadd.f32 v12, v10  }
0x3ac: {  	v8 =	vld [tilespmem:s23+$0x1A0];
	v10 =	vadd.f32 v15, v3;
	v11 =	vadd.f32 v11, v3;
	v15 =	vmul.f32 v14, v14  }
0x3ad: {  	v17 =	vadd.f32 v17, v3;
	v12 =	vld [tilespmem:s23+$0x1B0];
	v13 =	vadd.f32 v13, v3;
	v21 =	vmul.f32 v16, v16  }
0x3ae: {  	v27 =	vmul.f32 v19, v19;
	v10 =	vadd.f32 v14, v10;
	v11 =	vadd.f32 v15, v11  }
0x3af: {  	v14 =	vmul.f32 v9, v9;
	v15 =	vadd.f32 v16, v17;
	v13 =	vadd.f32 v21, v13  }
0x3b0: {  	v16 =	vmul.f32 v18, v18;
	v17 =	vimm.f32 $0.0e+00;
	v9 =	vadd.f32 v9, v10  }
0x3b1: {  	v22 =	vld [tilespmem:s23+$0xC0];
	v10 =	vadd.f32 v14, v11;
	v14 =	vmul.f32 v8, v8;
	v15 =	vadd.f32 v18, v15  }
0x3b2: {  	v21 =	vld [tilespmem:s23+$0xD0];
	v13 =	vadd.f32 v16, v13;
	v16 =	vmul.f32 v12, v12;
	v11 =	vadd.f32 v8, v9  }
0x3b3: {  	v24 =	vld [tilespmem:s23+$0x140];
	v18 =	vimm.f32 $0.0e+00;
	v10 =	vadd.f32 v14, v10;
	v9 =	vadd.f32 v12, v15  }
0x3b4: {  	v25 =	vld [tilespmem:s23+$0x150];
	v8 =	vadd.f32 v16, v13;
	v16 =	vimm.f32 $0.0e+00;
	v14 =	vimm.f32 $0.0e+00  }
0x3b5: {  	s17 =	simm.s32 $0x200;
	v23 =	vld [tilespmem:s23+$0x1C0];
	v15 =	vimm.f32 $0.0e+00;
	v13 =	vimm.f32 $0.0e+00;
	v12 =	vimm.f32 $0.0e+00  }
.LBB2_16:
0x3b6: {  	p0 =	sne.s32 s17, $0x3000;
	v3 =	vadd.f32 v20, v3;
	v16 =	vadd.f32 v26, v16;
	v20 =	vmul.f32 v22, v22;
	v26 =	vld [tilespmem:s23+$0x1D0]  }
0x3b7: {  	v18 =	vadd.f32 v19, v18;
	v17 =	vadd.f32 v27, v17;
	v19 =	vld [tilespmem:s23+$0x60];
	v27 =	vmul.f32 v21, v21  }
0x3b8: {  	v28 =	vld [tilespmem:s23+$0x70];
	v3 =	vadd.f32 v22, v3;
	v16 =	vadd.f32 v20, v16;
	v20 =	vmul.f32 v24, v24  }
0x3b9: {  	v18 =	vadd.f32 v21, v18;
	v17 =	vadd.f32 v27, v17;
	v21 =	vld [tilespmem:s23+$0xE0];
	v22 =	vmul.f32 v25, v25  }
0x3ba: {  	v27 =	vld [tilespmem:s23+$0xF0];
	v3 =	vadd.f32 v24, v3;
	v16 =	vadd.f32 v20, v16;
	v20 =	vmul.f32 v23, v23  }
0x3bb: {  	v18 =	vadd.f32 v25, v18;
	v17 =	vadd.f32 v22, v17;
	v22 =	vld [tilespmem:s23+$0x160];
	v24 =	vmul.f32 v26, v26  }
0x3bc: {  	s16 =	sadd.s32 $0x400, s16;
	v25 =	vmul.f32 v19, v19;
	v29 =	vld [tilespmem:s23+$0x170];
	v3 =	vadd.f32 v23, v3;
	v16 =	vadd.f32 v20, v16  }
0x3bd: {  	s18 =	sand.u32 $0x200, s17;
	s5 =	sand.u32 $0x7800, s16;
	v18 =	vadd.f32 v26, v18;
	v20 =	vmul.f32 v28, v28;
	v17 =	vadd.f32 v24, v17;
	v23 =	vld [tilespmem:s23+$0x1E0]  }
0x3be: {  	s5 =	sor.u32 s18, s5;
	v14 =	vadd.f32 v19, v14;
	v15 =	vadd.f32 v25, v15;
	v19 =	vmul.f32 v21, v21;
	v24 =	vld [tilespmem:s23+$0x1F0]  }
0x3bf: {  	v13 =	vadd.f32 v28, v13;
	s23 =	sadd.s32 $0x14000, s5;
	v25 =	vld [tilespmem:s5+$0x14000];
	v12 =	vadd.f32 v20, v12;
	v20 =	vmul.f32 v27, v27  }
0x3c0: {  	v14 =	vadd.f32 v21, v14;
	v26 =	vld [tilespmem:s23+$0x10];
	v15 =	vadd.f32 v19, v15;
	v19 =	vmul.f32 v22, v22  }
0x3c1: {  	v13 =	vadd.f32 v27, v13;
	v21 =	vld [tilespmem:s23+$0x80];
	v12 =	vadd.f32 v20, v12;
	v20 =	vmul.f32 v29, v29  }
0x3c2: {  	v14 =	vadd.f32 v22, v14;
	v27 =	vld [tilespmem:s23+$0x90];
	v15 =	vadd.f32 v19, v15;
	v19 =	vmul.f32 v23, v23  }
0x3c3: {  	v13 =	vadd.f32 v29, v13;
	v22 =	vld [tilespmem:s23+$0x100];
	v12 =	vadd.f32 v20, v12;
	v20 =	vmul.f32 v24, v24  }
0x3c4: {  	v14 =	vadd.f32 v23, v14;
	v28 =	vmul.f32 v25, v25;
	v29 =	vld [tilespmem:s23+$0x110];
	v15 =	vadd.f32 v19, v15  }
0x3c5: {  	v13 =	vadd.f32 v24, v13;
	v19 =	vmul.f32 v26, v26;
	v23 =	vld [tilespmem:s23+$0x180];
	v12 =	vadd.f32 v20, v12  }
0x3c6: {  	v7 =	vadd.f32 v25, v7;
	v6 =	vadd.f32 v28, v6;
	v20 =	vmul.f32 v21, v21;
	v24 =	vld [tilespmem:s23+$0x190]  }
0x3c7: {  	v5 =	vadd.f32 v26, v5;
	v4 =	vadd.f32 v19, v4;
	v19 =	vld [tilespmem:s23+$0x20];
	v25 =	vmul.f32 v27, v27  }
0x3c8: {  	v7 =	vadd.f32 v21, v7;
	v26 =	vld [tilespmem:s23+$0x30];
	v6 =	vadd.f32 v20, v6;
	v20 =	vmul.f32 v22, v22  }
0x3c9: {  	v5 =	vadd.f32 v27, v5;
	v4 =	vadd.f32 v25, v4;
	v21 =	vld [tilespmem:s23+$0xA0];
	v25 =	vmul.f32 v29, v29  }
0x3ca: {  	v7 =	vadd.f32 v22, v7;
	v27 =	vld [tilespmem:s23+$0xB0];
	v6 =	vadd.f32 v20, v6;
	v20 =	vmul.f32 v23, v23  }
0x3cb: {  	v5 =	vadd.f32 v29, v5;
	v4 =	vadd.f32 v25, v4;
	v25 =	vld [tilespmem:s23+$0x120];
	v22 =	vmul.f32 v24, v24  }
0x3cc: {  	v7 =	vadd.f32 v23, v7;
	v28 =	vmul.f32 v19, v19;
	v29 =	vld [tilespmem:s23+$0x130];
	v6 =	vadd.f32 v20, v6  }
0x3cd: {  	v5 =	vadd.f32 v24, v5;
	v20 =	vmul.f32 v26, v26;
	v4 =	vadd.f32 v22, v4;
	v23 =	vld [tilespmem:s23+$0x1A0]  }
0x3ce: {  	v11 =	vadd.f32 v19, v11;
	v10 =	vadd.f32 v28, v10;
	v22 =	vmul.f32 v21, v21;
	v28 =	vld [tilespmem:s23+$0x1B0]  }
0x3cf: {  	v9 =	vadd.f32 v26, v9;
	v8 =	vadd.f32 v20, v8;
	v20 =	vld [tilespmem:s23+$0x40];
	v24 =	vmul.f32 v27, v27  }
0x3d0: {  	v11 =	vadd.f32 v21, v11;
	v19 =	vld [tilespmem:s23+$0x50];
	v10 =	vadd.f32 v22, v10;
	v26 =	vmul.f32 v25, v25  }
.Ltmp7:
0x3d1: {  	v9 =	vadd.f32 v27, v9;
	v8 =	vadd.f32 v24, v8;
	v22 =	vld [tilespmem:s23+$0xC0];
	v24 =	vmul.f32 v29, v29;
	(pc) =	sbr.rel @p0 .LBB2_16-.Ltmp7, $4  }
0x3d2: {  	v11 =	vadd.f32 v25, v11;
	v21 =	vld [tilespmem:s23+$0xD0];
	v10 =	vadd.f32 v26, v10;
	v27 =	vmul.f32 v23, v23  }
0x3d3: {  	v9 =	vadd.f32 v29, v9;
	v8 =	vadd.f32 v24, v8;
	v24 =	vld [tilespmem:s23+$0x140];
	v29 =	vmul.f32 v28, v28  }
0x3d4: {  	v11 =	vadd.f32 v23, v11;
	v26 =	vmul.f32 v20, v20;
	v25 =	vld [tilespmem:s23+$0x150];
	v10 =	vadd.f32 v27, v10  }
0x3d5: {  	s17 =	sadd.s32 $0x200, s17;
	v9 =	vadd.f32 v28, v9;
	v27 =	vmul.f32 v19, v19;
	v8 =	vadd.f32 v29, v8;
	v23 =	vld [tilespmem:s23+$0x1C0]  }
0x3d6: {  	v28 =	vld [tilespmem:s23+$0x1D0]  }
0x3d7: {  	v29 =	vld [tilespmem:s23+$0x60]  }
0x3d8: {  	v30 =	vld [tilespmem:s23+$0x70]  }
0x3d9: {  	v31 =	vld [tilespmem:s23+$0xE0]  }
0x3da: {  	v32 =	vld [tilespmem:s23+$0xF0]  }
0x3db: {  	v3 =	vadd.f32 v20, v3;
	v41 =	vld [tilespmem:s23+$0x160];
	v16 =	vadd.f32 v26, v16;
	v42 =	vmul.f32 v22, v22  }
0x3dc: {  	v18 =	vadd.f32 v19, v18;
	v43 =	vld [tilespmem:s23+$0x170];
	v17 =	vadd.f32 v27, v17;
	v44 =	vmul.f32 v21, v21  }
0x3dd: {  	v45 =	vld [tilespmem:s23+$0x1E0];
	v3 =	vadd.f32 v22, v3;
	v16 =	vadd.f32 v42, v16;
	v46 =	vmul.f32 v24, v24  }
0x3de: {  	v47 =	vld [tilespmem:s23+$0x1F0];
	[tilespmem:$0x1A780] =	vst v7;
	v18 =	vadd.f32 v21, v18;
	v17 =	vadd.f32 v44, v17;
	v48 =	vmul.f32 v25, v25  }
0x3df: {  	[tilespmem:$0x1AB80] =	vst v6;
	v3 =	vadd.f32 v24, v3;
	v16 =	vadd.f32 v46, v16  }
0x3e0: {  	[tilespmem:$0x1A790] =	vst v5;
	v18 =	vadd.f32 v25, v18;
	v49 =	vmul.f32 v23, v23;
	v50 =	vadd.f32 v48, v17  }
0x3e1: {  	[tilespmem:$0x1AB90] =	vst v4;
	v51 =	vmul.f32 v28, v28;
	v55 =	vadd.f32 v29, v14;
	v13 =	vadd.f32 v30, v13  }
0x3e2: {  	[tilespmem:$0x1A7A0] =	vst v11;
	v52 =	vmul.f32 v29, v29;
	v3 =	vadd.f32 v23, v3;
	v16 =	vadd.f32 v49, v16  }
0x3e3: {  	[tilespmem:$0x1ABA0] =	vst v10;
	v54 =	vmul.f32 v30, v30;
	v53 =	vadd.f32 v28, v18;
	v6 =	vadd.f32 v51, v50  }
0x3e4: {  	[tilespmem:$0x1A7B0] =	vst v9;
	v56 =	vmul.f32 v31, v31;
	v5 =	vadd.f32 v52, v15;
	v7 =	vadd.f32 v31, v55  }
0x3e5: {  	[tilespmem:$0x1ABB0] =	vst v8;
	v57 =	vmul.f32 v32, v32;
	v4 =	vadd.f32 v54, v12;
	v59 =	vadd.f32 v32, v13  }
0x3e6: {  	v58 =	vmul.f32 v41, v41;
	[tilespmem:$0x1A7C0] =	vst v3;
	v5 =	vadd.f32 v56, v5;
	v7 =	vadd.f32 v41, v7  }
0x3e7: {  	v3 =	vmul.f32 v43, v43;
	[tilespmem:$0x1ABC0] =	vst v16;
	v4 =	vadd.f32 v57, v4;
	v61 =	vadd.f32 v43, v59  }
0x3e8: {  	v60 =	vmul.f32 v45, v45;
	[tilespmem:$0x1A7D0] =	vst v53;
	v5 =	vadd.f32 v58, v5;
	v7 =	vadd.f32 v45, v7  }
0x3e9: {  	v62 =	vmul.f32 v47, v47;
	[tilespmem:$0x1ABD0] =	vst v6;
	v3 =	vadd.f32 v3, v4;
	v63 =	vadd.f32 v47, v61  }
0x3ea: {  	v5 =	vadd.f32 v60, v5;
	[tilespmem:$0x1A7E0] =	vst v7  }
0x3eb: {  	v3 =	vadd.f32 v62, v3;
	[tilespmem:$0x1A7F0] =	vst v63  }
0x3ec: {  	[tilespmem:$0x1ABE0] =	vst v5  }
0x3ed: {  	[tilespmem:$0x1ABF0] =	vst v3  }
0x3ee: {  	_ =	swait.ge [sflag:s21], $0x68  }
0x3ef: {  	[sflag:s21] =	ssyncset.done $0x0  }
0x3f0: {  	[sflag:s21] =	ssyncadd.s32 $0xFFFFFF98  }
0x3f1: {  	_ =	swait.ge [sflag:s21], $0x68  }
0x3f2: {  	[sflag:s21] =	ssyncset.done $0x0  }
0x3f3: {  	[sflag:s21] =	ssyncadd.s32 $0xFFFFFF98  }
0x3f4: {  	_ =	swait.ge [sflag:s21], $0x68  }
0x3f5: {  	[sflag:s21] =	ssyncset.done $0x0  }
0x3f6: {  	[sflag:s21] =	ssyncadd.s32 $0xFFFFFF98  }
0x3f7: {  	_ =	swait.ge [sflag:s21], $0x68  }
0x3f8: {  	[sflag:s21] =	ssyncset.done $0x0  }
0x3f9: {  	s5 =	simm.s32 $0x1A400;
	[sflag:s21] =	ssyncadd.s32 $0xFFFFFF98  }
0x3fa: {  	[hbm4b:s9+s25] =	stream.strided.scatter [tilespmem:s5], [sflag:$0x6], $0x400, s20, s25, $0x38;
	[tilespmem:$0x1AC00] =	vst v63  }
0x3fb: {  	s23 =	simm.s32 $0x1A800  }
0x3fc: {  	[hbm4b:s10+s25] =	stream.strided.scatter [tilespmem:s23], [sflag:$0x6], $0x400, s20, s25, $0x38;
	[tilespmem:$0x1AC00] =	vst v63  }
0x3fd: {  	_ = 	snop  }
0x3fe: {  	[hbm4b:s11+s3] =	stream.linear.scatter [tilespmem:s25], [sflag:$0x6], $0x80, $0x38;
	[tilespmem:$0x1AC00] =	vst v63  }
0x3ff: {  	_ = 	snop  }
0x400: {  	[hbm4b:s12+s3] =	stream.linear.scatter [tilespmem:s26], [sflag:$0x6], $0x80, $0x38;
	[tilespmem:$0x1AC00] =	vst v63  }
0x401: {  	_ = 	snop  }
0x402: {  	[hbm4b:s13+s3] =	stream.linear.scatter [tilespmem:s28], [sflag:$0x6], $0x80, $0x38;
	[tilespmem:$0x1AC00] =	vst v63  }
0x403: {  	_ = 	snop  }
0x404: {  	[hbm4b:s14+s3] =	stream.linear.scatter [tilespmem:s29], [sflag:$0x6], $0x80, $0x38;
	[tilespmem:$0x1AC00] =	vst v63  }
0x405: {  	_ =	swait.ge [sflag:s19], $0x400  }
0x406: {  	[sflag:s19] =	ssyncset.done $0x0  }
0x407: {  	[sflag:s19] =	ssyncadd.s32 $0xFFFFFC00  }
0x408: {  	_ =	swait.ge [sflag:s19], $0x400  }
0x409: {  	[sflag:s19] =	ssyncset.done $0x0  }
0x40a: {  	[sflag:s19] =	ssyncadd.s32 $0xFFFFFC00  }
0x40b: {  	_ =	swait.ge [sflag:s19], $0x80  }
0x40c: {  	[sflag:s19] =	ssyncset.done $0x0  }
0x40d: {  	[sflag:s19] =	ssyncadd.s32 $0xFFFFFF80  }
0x40e: {  	_ =	swait.ge [sflag:s19], $0x80  }
0x40f: {  	[sflag:s19] =	ssyncset.done $0x0  }
0x410: {  	s22 =	sadd.s32 $0x1, s22;
	[sflag:s19] =	ssyncadd.s32 $0xFFFFFF80  }
0x411: {  	p0 =	sne.s32 s22, s15;
	_ =	swait.ge [sflag:s19], $0x80  }
.Ltmp8:
0x412: {  	[sflag:s19] =	ssyncset.done $0x0;
	(pc) =	sbr.rel @p0 .LBB2_1-.Ltmp8, $4  }
0x413: {  	[sflag:s19] =	ssyncadd.s32 $0xFFFFFF80  }
0x414: {  	_ =	swait.ge [sflag:s19], $0x80  }
0x415: {  	[sflag:s19] =	ssyncset.done $0x0  }
0x416: {  	[sflag:s19] =	ssyncadd.s32 $0xFFFFFF80  }
0x417: {  	_ =	sfence.sel $0x180000  }
0x418: {  	[bflag:$0x0] =	sbarrier.arrive $0xFFFF  }
0x419: {  	_ =	strace $0x90000047  }
0x41a: {  	s0 =	stileid.u32;
	[bflag:$0x2] =	sbarrier.arrive $0xFFFF  }
0x41b: {  	p0 =	sne.s32 s0, $0x0;
	s0 =	rddreg [dreg:$0x2]  }
0x41c: {  	s0 =	sadd.s32 @!p0 $0x100000, s0  }
0x41d: {  	[sflag:s0] =	ssyncadd.tile.s32 @!p0 $0x1;
	_ =	shalt  }
.Lfunc_end2:
_tile_overlayer_lowered:
.L_overlay_start_2:
0x41e: {  	(tag) =	ssettag $0x2  }
0x41f: {  	s0 =	rddreg [dreg:$0x0];
	s2 =	stileid.u32  }
0x420: {  	s1 =	rddreg [dreg:$0x1];
	p0 =	sne.s32 s2, $0x0  }
0x421: {  	s3 =	rddreg [dreg:$0x2];
	[bflag:$0x3] =	sbarrier.arrive $0xFFFF;
	s2 =	simm.s32 @!p0 $0x1C07  }
0x422: {  	[timem:s3], [sflag:s2] =	dma.local @!p0 [hbm:s0], s1  }
0x423: {  	s0 =	simm.s32 @!p0 $0x7  }
0x424: {  	_ =	swait.ge @!p0 [sflag:s0], s1  }
0x425: {  	s1 =	ssub.s32 @!p0 $0x0, s1;
	[sflag:s0] =	ssyncset.done @!p0 $0x0  }
0x426: {  	[sflag:s0] =	ssyncadd.s32 @!p0 s1  }
0x427: {  	[bflag:$0x3] =	sbarrier.arrive $0xFFFF  }
0x428: {  	_ =	shalt  }

</sc_bundles>
